<compile_context>
chip_gen: v7x
topology: tpu7x:2x2x1
jax: 0.10.2.dev20260603
libtpu: 0.0.44.dev20260713+nightly
codegen_flags: <defaults>
</compile_context>

<pallas_src>
import functools

import jax
import jax.numpy as jnp
from jax import lax
from jax.experimental import pallas as pl
from jax.experimental.pallas import tpu as pltpu
from jax.experimental.pallas import tpu_sc as plsc

OH = 224
OW = 224
H = 224
W = 224
C = 192
B = 8
P = B * OH * OW
NW = 32
PT = P // NW
K = 64
NB = PT // K
L = 16
CAP = 4 * K
CH = 32

assert K % L == 0 and CAP % CH == 0 and PT % K == 0 and NB % 2 == 0


def _body(xd_hbm, yd_hbm, tab_hbm, out_hbm,
          xd_v, yd_v, id_v, wa_v, wb_v, wc_v, wd_v,
          pa_v, pb_v, pc_v, pd_v,
          cidx_v, crows_v, out_v, gsem0, gsem1, wsem0, wsem1):
    wid = lax.axis_index("s") * 2 + lax.axis_index("c")
    tile_base = wid * PT
    batch_off = (wid // 4) * (H * W)
    iota = lax.iota(jnp.int32, L)
    gsems = (gsem0, gsem1)
    wsems = (wsem0, wsem1)

    for p in range(2):
        for q in range(CAP // L):
            cidx_v[p, pl.ds(q * L, L)] = jnp.zeros((L,), jnp.int32)

    def stage_compute_fire(blk, p):
        base = tile_base + blk * K
        pltpu.sync_copy(xd_hbm.at[pl.ds(base, K)], xd_v.at[p])
        pltpu.sync_copy(yd_hbm.at[pl.ds(base, K)], yd_v.at[p])
        running = jnp.int32(0)
        for g in range(K // L):
            s16 = pl.ds(g * L, L)
            x = 0.5 * (xd_v[p, s16] + 1.0) * 224.0
            y = 0.5 * (yd_v[p, s16] + 1.0) * 224.0
            x0 = x.astype(jnp.int32)
            y0 = y.astype(jnp.int32)
            x0c = jnp.clip(x0, 0, W - 1)
            x1c = jnp.clip(x0 + 1, 0, W - 1)
            y0c = jnp.clip(y0, 0, H - 1)
            y1c = jnp.clip(y0 + 1, 0, H - 1)
            x0f = x0c.astype(jnp.float32)
            x1f = x1c.astype(jnp.float32)
            y0f = y0c.astype(jnp.float32)
            y1f = y1c.astype(jnp.float32)
            wa_v[p, s16] = (x1f - x) * (y1f - y)
            wb_v[p, s16] = (x1f - x) * (y - y0f)
            wc_v[p, s16] = (x - x0f) * (y1f - y)
            wd_v[p, s16] = (x - x0f) * (y - y0f)
            row0 = batch_off + y0c * W
            row1 = batch_off + y1c * W
            ia = row0 + x0c
            ib = row1 + x0c
            ic = row0 + x1c
            idd = row1 + x1c
            id_v[p, s16] = idd
            pd_prev = plsc.load_gather(
                id_v.at[p], [jnp.maximum(iota + (g * L - 1), 0)])
            mxb = x1c != x0c
            myb = y1c != y0c
            mxyb = jnp.logical_and(mxb, myb)
            eab = ia != pd_prev
            if g == 0:
                eab = jnp.logical_or(eab, iota == 0)
            ea = eab.astype(jnp.int32)
            mx = mxb.astype(jnp.int32)
            my = myb.astype(jnp.int32)
            mxy = mx * my
            cnt = ea + mx + my + mxy
            incl = plsc.cumsum(cnt)
            s = (running + incl) - cnt
            wherea = (s + ea) - 1
            wherec = wherea + mx
            whereb = wherec + my
            whered = whereb + mxy
            plsc.store_scatter(cidx_v.at[p], [wherea], ia, mask=eab)
            plsc.store_scatter(cidx_v.at[p], [wherec], ic, mask=mxb)
            plsc.store_scatter(cidx_v.at[p], [whereb], ib, mask=myb)
            plsc.store_scatter(cidx_v.at[p], [whered], idd, mask=mxyb)
            pa_v[p, s16] = wherea
            pc_v[p, s16] = wherec
            pb_v[p, s16] = jnp.where(myb, whereb, wherea)
            pd_v[p, s16] = jnp.where(mxyb, whered,
                                     jnp.where(myb, whereb, wherec))
            running = running + jnp.max(incl)

        nch = (running + (CH - 1)) // CH

        def fire(j, c2):
            pltpu.async_copy(
                tab_hbm.at[cidx_v.at[p, pl.ds(j * CH, CH)]],
                crows_v.at[p, pl.ds(j * CH, CH)], gsems[p])
            return c2

        lax.fori_loop(0, nch, fire, 0)
        return nch

    def stage_drain(p, nch):
        def drain(j, c2):
            pltpu.make_async_copy(
                tab_hbm.at[cidx_v.at[p, pl.ds(j * CH, CH)]],
                crows_v.at[p, pl.ds(j * CH, CH)], gsems[p]).wait()
            return c2

        lax.fori_loop(0, nch, drain, 0)

    def stage_combine_write(blk, p):
        base = tile_base + blk * K

        @pl.when(blk >= 2)
        def _():
            pltpu.make_async_copy(
                out_v.at[p],
                out_hbm.at[pl.ds((base - 2 * K) * C, K * C)], wsems[p]).wait()

        def px(i, c2):
            iv = jnp.full((L,), i, jnp.int32)
            wa = plsc.load_gather(wa_v.at[p], [iv])
            wb = plsc.load_gather(wb_v.at[p], [iv])
            wc = plsc.load_gather(wc_v.at[p], [iv])
            wd = plsc.load_gather(wd_v.at[p], [iv])
            pa = plsc.load_gather(pa_v.at[p], [iv])
            pb = plsc.load_gather(pb_v.at[p], [iv])
            pc = plsc.load_gather(pc_v.at[p], [iv])
            pd = plsc.load_gather(pd_v.at[p], [iv])
            ob = i * C
            for hh in range(2):
                hv = jnp.full((L,), hh, jnp.int32)
                for ch in range(6):
                    cv = iota + (ch * L)
                    va = plsc.load_gather(crows_v.at[p], [pa, hv, cv])
                    vb = plsc.load_gather(crows_v.at[p], [pb, hv, cv])
                    vc = plsc.load_gather(crows_v.at[p], [pc, hv, cv])
                    vd = plsc.load_gather(crows_v.at[p], [pd, hv, cv])
                    out_v[p, pl.ds(ob + hh * 96 + ch * L, L)] = (
                        (wa * va + wb * vb) + wc * vc) + wd * vd
            return c2

        lax.fori_loop(0, K, px, 0)
        pltpu.async_copy(out_v.at[p],
                         out_hbm.at[pl.ds(base * C, K * C)], wsems[p])

    nch0 = stage_compute_fire(0, 0)

    def pair(q, carry):
        nch_cur = carry
        blk0 = q * 2
        nch_nxt = stage_compute_fire(blk0 + 1, 1)
        stage_drain(0, nch_cur)
        stage_combine_write(blk0, 0)
        nch_cur2 = stage_compute_fire(blk0 + 2, 0)
        stage_drain(1, nch_nxt)
        stage_combine_write(blk0 + 1, 1)
        return nch_cur2

    nch_last = lax.fori_loop(0, NB // 2, pair, nch0)
    stage_drain(0, nch_last)
    last_base = tile_base + (NB - 2) * K
    pltpu.make_async_copy(
        out_v.at[0], out_hbm.at[pl.ds(last_base * C, K * C)], wsem0).wait()
    pltpu.make_async_copy(
        out_v.at[1], out_hbm.at[pl.ds((last_base + K) * C, K * C)],
        wsem1).wait()


@functools.partial(jax.jit, static_argnames=())
def _sc_sample(xd, yd, tab):
    mesh = plsc.VectorSubcoreMesh(core_axis_name="c", subcore_axis_name="s")
    f = pl.kernel(
        _body,
        out_type=jax.ShapeDtypeStruct((P * C,), jnp.float32),
        mesh=mesh,
        compiler_params=pltpu.CompilerParams(
            needs_layout_passes=False, use_tc_tiling_on_sc=False),
        scratch_types=[
            pltpu.VMEM((2, K), jnp.float32),
            pltpu.VMEM((2, K), jnp.float32),
            pltpu.VMEM((2, K), jnp.int32),
            pltpu.VMEM((2, K), jnp.float32),
            pltpu.VMEM((2, K), jnp.float32),
            pltpu.VMEM((2, K), jnp.float32),
            pltpu.VMEM((2, K), jnp.float32),
            pltpu.VMEM((2, K), jnp.int32),
            pltpu.VMEM((2, K), jnp.int32),
            pltpu.VMEM((2, K), jnp.int32),
            pltpu.VMEM((2, K), jnp.int32),
            pltpu.VMEM((2, CAP), jnp.int32),
            pltpu.VMEM((2, CAP, 2, 96), jnp.float32),
            pltpu.VMEM((2, K * C), jnp.float32),
            pltpu.SemaphoreType.DMA,
            pltpu.SemaphoreType.DMA,
            pltpu.SemaphoreType.DMA,
            pltpu.SemaphoreType.DMA,
        ],
    )
    return f(xd, yd, tab)


def kernel(X, transformation):
    x_lin = jnp.linspace(-1.0, 1.0, OW)
    y_lin = jnp.linspace(-1.0, 1.0, OH)
    xc, yc = jnp.meshgrid(x_lin, y_lin)
    xf = xc.reshape(-1)
    yf = yc.reshape(-1)
    ones = jnp.ones_like(xf)
    grid = jnp.concatenate([xf, yf, ones], axis=0)
    grids = jnp.tile(grid, (B,)).reshape(B, 3, OH * OW)
    theta = transformation.reshape(B, 3, 3)
    sampled = jnp.matmul(theta, grids)
    x = sampled[:, 0, :].reshape(-1)
    y = sampled[:, 1, :].reshape(-1)
    z = sampled[:, 2, :].reshape(-1) + 1e-06
    xd = (x / z).astype(jnp.float32)
    yd = (y / z).astype(jnp.float32)
    pad = jnp.zeros((2 * K,), jnp.float32)
    xdp = jnp.concatenate([xd, pad])
    ydp = jnp.concatenate([yd, pad])
    tab = X.reshape(P, 2, 96).astype(jnp.float32)
    out = _sc_sample(xdp, ydp, tab)
    return out.reshape(B, OH, OW, C)

# --- scband reference (transcript-rebuilt; emitter-appended) ---
"""Pipeline reference for scband-bilinear-interpolation-1829656068636 (READ-ONLY COPY).

The authoritative reference and input builder live on the scoring server;
editing this copy changes nothing except your own understanding.
"""

import jax, jax.numpy as jnp
import numpy as np

OUT_H, OUT_W = 224, 224


def setup_inputs(seed: int = 0) -> dict:
    key = jax.random.key(seed)
    k1, k2 = jax.random.split(key)
    X = jax.random.normal(k1, (8, 224, 224, 192), dtype=jnp.float32)
    transformation = jax.random.normal(k2, (8, 9), dtype=jnp.float32)
    return {"X": X, "transformation": transformation}


def reference(X, transformation):
    B, H, W, C = X.shape
    # regular grid in normalized coords, homogeneous
    x_lin = jnp.linspace(-1.0, 1.0, OUT_W)
    y_lin = jnp.linspace(-1.0, 1.0, OUT_H)
    xc, yc = jnp.meshgrid(x_lin, y_lin)  # 'xy' indexing like tf.meshgrid
    xf = xc.reshape(-1)
    yf = yc.reshape(-1)
    ones = jnp.ones_like(xf)
    grid = jnp.concatenate([xf, yf, ones], axis=0)  # (3*OUT_H*OUT_W,)
    grids = jnp.tile(grid, (B,)).reshape(B, 3, OUT_H * OUT_W)
    theta = transformation.reshape(B, 3, 3)
    sampled = jnp.matmul(theta, grids)  # (B, 3, OUT_H*OUT_W)
    x = sampled[:, 0, :].reshape(-1)
    y = sampled[:, 1, :].reshape(-1)
    z = sampled[:, 2, :].reshape(-1) + 1e-06
    x = (x / z).astype(jnp.float32)
    y = (y / z).astype(jnp.float32)
    x = 0.5 * (x + 1.0) * jnp.float32(W)
    y = 0.5 * (y + 1.0) * jnp.float32(H)
    x0 = x.astype(jnp.int32)
    x1 = x0 + 1
    y0 = y.astype(jnp.int32)
    y1 = y0 + 1
    max_x = W - 1
    max_y = H - 1
    x0 = jnp.clip(x0, 0, max_x)
    x1 = jnp.clip(x1, 0, max_x)
    y0 = jnp.clip(y0, 0, max_y)
    y1 = jnp.clip(y1, 0, max_y)
    flat_output_size = OUT_H * OUT_W
    base = jnp.repeat(jnp.arange(B, dtype=jnp.int32) * (H * W), flat_output_size)
    base_y0 = base + y0 * W
    base_y1 = base + y1 * W
    indices_a = base_y0 + x0
    indices_b = base_y1 + x0
    indices_c = base_y0 + x1
    indices_d = base_y1 + x1
    flat_image = X.reshape(-1, C).astype(jnp.float32)
    pixel_values_a = jnp.take(flat_image, indices_a, axis=0)
    pixel_values_b = jnp.take(flat_image, indices_b, axis=0)
    pixel_values_c = jnp.take(flat_image, indices_c, axis=0)
    pixel_values_d = jnp.take(flat_image, indices_d, axis=0)
    x0f = x0.astype(jnp.float32)
    x1f = x1.astype(jnp.float32)
    y0f = y0.astype(jnp.float32)
    y1f = y1.astype(jnp.float32)
    area_a = ((x1f - x) * (y1f - y))[:, None]
    area_b = ((x1f - x) * (y - y0f))[:, None]
    area_c = ((x - x0f) * (y1f - y))[:, None]
    area_d = ((x - x0f) * (y - y0f))[:, None]
    out = (area_a * pixel_values_a + area_b * pixel_values_b
           + area_c * pixel_values_c + area_d * pixel_values_d)
    return out.reshape(B, OUT_H, OUT_W, C)

if __name__ == "__main__":
    import jax
    _d = setup_inputs()
    print(jax.jit(kernel)(*tuple(_d.values())))

</pallas_src>

<mosaic_0001>
#map = affine_map<(d0, d1) -> (0)>
#map1 = affine_map<(d0, d1) -> (0, 0, 0)>
module attributes {stable_mosaic.version = 14 : i64} {
  func.func @_body(%arg0: i32, %arg1: i32, %arg2: memref<401536xf32, #tpu.memory_space<hbm>>, %arg3: memref<401536xf32, #tpu.memory_space<hbm>>, %arg4: memref<401408x2x96xf32, #tpu.memory_space<hbm>>, %arg5: memref<77070336xf32, #tpu.memory_space<hbm>>, %arg6: memref<2x64xf32, #tpu.memory_space<vmem>>, %arg7: memref<2x64xf32, #tpu.memory_space<vmem>>, %arg8: memref<2x64xi32, #tpu.memory_space<vmem>>, %arg9: memref<2x64xf32, #tpu.memory_space<vmem>>, %arg10: memref<2x64xf32, #tpu.memory_space<vmem>>, %arg11: memref<2x64xf32, #tpu.memory_space<vmem>>, %arg12: memref<2x64xf32, #tpu.memory_space<vmem>>, %arg13: memref<2x64xi32, #tpu.memory_space<vmem>>, %arg14: memref<2x64xi32, #tpu.memory_space<vmem>>, %arg15: memref<2x64xi32, #tpu.memory_space<vmem>>, %arg16: memref<2x64xi32, #tpu.memory_space<vmem>>, %arg17: memref<2x256xi32, #tpu.memory_space<vmem>>, %arg18: memref<2x256x2x96xf32, #tpu.memory_space<vmem>>, %arg19: memref<2x12288xf32, #tpu.memory_space<vmem>>, %arg20: memref<!tpu.dma_semaphore, #tpu.memory_space<semaphore_mem>>, %arg21: memref<!tpu.dma_semaphore, #tpu.memory_space<semaphore_mem>>, %arg22: memref<!tpu.dma_semaphore, #tpu.memory_space<semaphore_mem>>, %arg23: memref<!tpu.dma_semaphore, #tpu.memory_space<semaphore_mem>>) attributes {dimension_semantics = [#tpu.dimension_semantics<core_parallel>, #tpu.dimension_semantics<subcore_parallel>], iteration_bounds = array<i64: 2, 16>, scalar_prefetch = 0 : i64, scratch_operands = 18 : i64, tpu.core_type = #tpu.core_type<sc_vector_subcore>, window_params = [{transform_indices = #map}, {transform_indices = #map}, {transform_indices = #map1}, {transform_indices = #map}]} {
    %mul3A = arith.constant 2 : i32
    %mul3A_0 = arith.muli %arg1, %mul3A : i32
    %add3A = arith.addi %mul3A_0, %arg0 : i32
    %mul3A_1 = arith.constant 12544 : i32
    %mul3A_2 = arith.muli %add3A, %mul3A_1 : i32
    %jit3A = arith.constant 4 : i32
    %div3A = arith.divsi %add3A, %jit3A : i32
    %sign3A = arith.constant 0 : i32
    %sign3A_3 = arith.cmpi sgt, %add3A, %sign3A : i32
    %sign3A_4 = arith.extui %sign3A_3 : i1 to i32
    %sign3A_5 = arith.constant 0 : i32
    %sign3A_6 = arith.cmpi slt, %add3A, %sign3A_5 : i32
    %sign3A_7 = arith.extui %sign3A_6 : i1 to i32
    %sign3A_8 = arith.subi %sign3A_4, %sign3A_7 : i32
    %sign3A_9 = arith.constant 0 : i32
    %sign3A_10 = arith.cmpi sgt, %jit3A, %sign3A_9 : i32
    %sign3A_11 = arith.extui %sign3A_10 : i1 to i32
    %sign3A_12 = arith.constant 0 : i32
    %sign3A_13 = arith.cmpi slt, %jit3A, %sign3A_12 : i32
    %sign3A_14 = arith.extui %sign3A_13 : i1 to i32
    %sign3A_15 = arith.subi %sign3A_11, %sign3A_14 : i32
    %ne3A = arith.cmpi ne, %sign3A_8, %sign3A_15 : i32
    %rem3A = arith.remsi %add3A, %jit3A : i32
    %ne3A_16 = arith.constant 0 : i32
    %ne3A_17 = arith.cmpi ne, %rem3A, %ne3A_16 : i32
    %and3A = arith.andi %ne3A, %ne3A_17 : i1
    %sub3A = arith.constant 1 : i32
    %sub3A_18 = arith.subi %div3A, %sub3A : i32
    %select_n3A = arith.select %and3A, %sub3A_18, %div3A : i32
    %mul3A_19 = arith.constant 50176 : i32
    %mul3A_20 = arith.muli %select_n3A, %mul3A_19 : i32
    %iota3A = tpu.iota {dimensions = array<i32: 0>} : vector<16xi32>
    %broadcast_in_dim3A = arith.constant 0 : i32
    %broadcast_in_dim3A_21 = vector.broadcast %broadcast_in_dim3A : i32 to vector<16xi32>
    %swap3A = arith.constant 0 : i32
    %swap3A_22 = arith.index_cast %swap3A : i32 to index
    %swap3A_23 = arith.constant 0 : index
    %swap3A_24 = tpu.vector_load %arg17[%swap3A_22, %swap3A_23] {strides = array<i32>} : memref<2x256xi32, #tpu.memory_space<vmem>>, vector<16xi32>,
    tpu.vector_store %arg17[%swap3A_22, %swap3A_23], %broadcast_in_dim3A_21 {strides = array<i32>} : memref<2x256xi32, #tpu.memory_space<vmem>>, vector<16xi32>,
    %broadcast_in_dim3A_25 = arith.constant 0 : i32
    %broadcast_in_dim3A_26 = vector.broadcast %broadcast_in_dim3A_25 : i32 to vector<16xi32>
    %swap3A_27 = arith.constant 0 : i32
    %swap3A_28 = arith.index_cast %swap3A_27 : i32 to index
    %swap3A_29 = arith.constant 16 : index
    %swap3A_30 = tpu.vector_load %arg17[%swap3A_28, %swap3A_29] {strides = array<i32>} : memref<2x256xi32, #tpu.memory_space<vmem>>, vector<16xi32>,
    tpu.vector_store %arg17[%swap3A_28, %swap3A_29], %broadcast_in_dim3A_26 {strides = array<i32>} : memref<2x256xi32, #tpu.memory_space<vmem>>, vector<16xi32>,
    %broadcast_in_dim3A_31 = arith.constant 0 : i32
    %broadcast_in_dim3A_32 = vector.broadcast %broadcast_in_dim3A_31 : i32 to vector<16xi32>
    %swap3A_33 = arith.constant 0 : i32
    %swap3A_34 = arith.index_cast %swap3A_33 : i32 to index
    %swap3A_35 = arith.constant 32 : index
    %swap3A_36 = tpu.vector_load %arg17[%swap3A_34, %swap3A_35] {strides = array<i32>} : memref<2x256xi32, #tpu.memory_space<vmem>>, vector<16xi32>,
    tpu.vector_store %arg17[%swap3A_34, %swap3A_35], %broadcast_in_dim3A_32 {strides = array<i32>} : memref<2x256xi32, #tpu.memory_space<vmem>>, vector<16xi32>,
    %broadcast_in_dim3A_37 = arith.constant 0 : i32
    %broadcast_in_dim3A_38 = vector.broadcast %broadcast_in_dim3A_37 : i32 to vector<16xi32>
    %swap3A_39 = arith.constant 0 : i32
    %swap3A_40 = arith.index_cast %swap3A_39 : i32 to index
    %swap3A_41 = arith.constant 48 : index
    %swap3A_42 = tpu.vector_load %arg17[%swap3A_40, %swap3A_41] {strides = array<i32>} : memref<2x256xi32, #tpu.memory_space<vmem>>, vector<16xi32>,
    tpu.vector_store %arg17[%swap3A_40, %swap3A_41], %broadcast_in_dim3A_38 {strides = array<i32>} : memref<2x256xi32, #tpu.memory_space<vmem>>, vector<16xi32>,
    %broadcast_in_dim3A_43 = arith.constant 0 : i32
    %broadcast_in_dim3A_44 = vector.broadcast %broadcast_in_dim3A_43 : i32 to vector<16xi32>
    %swap3A_45 = arith.constant 0 : i32
    %swap3A_46 = arith.index_cast %swap3A_45 : i32 to index
    %swap3A_47 = arith.constant 64 : index
    %swap3A_48 = tpu.vector_load %arg17[%swap3A_46, %swap3A_47] {strides = array<i32>} : memref<2x256xi32, #tpu.memory_space<vmem>>, vector<16xi32>,
    tpu.vector_store %arg17[%swap3A_46, %swap3A_47], %broadcast_in_dim3A_44 {strides = array<i32>} : memref<2x256xi32, #tpu.memory_space<vmem>>, vector<16xi32>,
    %broadcast_in_dim3A_49 = arith.constant 0 : i32
    %broadcast_in_dim3A_50 = vector.broadcast %broadcast_in_dim3A_49 : i32 to vector<16xi32>
    %swap3A_51 = arith.constant 0 : i32
    %swap3A_52 = arith.index_cast %swap3A_51 : i32 to index
    %swap3A_53 = arith.constant 80 : index
    %swap3A_54 = tpu.vector_load %arg17[%swap3A_52, %swap3A_53] {strides = array<i32>} : memref<2x256xi32, #tpu.memory_space<vmem>>, vector<16xi32>,
    tpu.vector_store %arg17[%swap3A_52, %swap3A_53], %broadcast_in_dim3A_50 {strides = array<i32>} : memref<2x256xi32, #tpu.memory_space<vmem>>, vector<16xi32>,
    %broadcast_in_dim3A_55 = arith.constant 0 : i32
    %broadcast_in_dim3A_56 = vector.broadcast %broadcast_in_dim3A_55 : i32 to vector<16xi32>
    %swap3A_57 = arith.constant 0 : i32
    %swap3A_58 = arith.index_cast %swap3A_57 : i32 to index
    %swap3A_59 = arith.constant 96 : index
    %swap3A_60 = tpu.vector_load %arg17[%swap3A_58, %swap3A_59] {strides = array<i32>} : memref<2x256xi32, #tpu.memory_space<vmem>>, vector<16xi32>,
    tpu.vector_store %arg17[%swap3A_58, %swap3A_59], %broadcast_in_dim3A_56 {strides = array<i32>} : memref<2x256xi32, #tpu.memory_space<vmem>>, vector<16xi32>,
    %broadcast_in_dim3A_61 = arith.constant 0 : i32
    %broadcast_in_dim3A_62 = vector.broadcast %broadcast_in_dim3A_61 : i32 to vector<16xi32>
    %swap3A_63 = arith.constant 0 : i32
    %swap3A_64 = arith.index_cast %swap3A_63 : i32 to index
    %swap3A_65 = arith.constant 112 : index
    %swap3A_66 = tpu.vector_load %arg17[%swap3A_64, %swap3A_65] {strides = array<i32>} : memref<2x256xi32, #tpu.memory_space<vmem>>, vector<16xi32>,
    tpu.vector_store %arg17[%swap3A_64, %swap3A_65], %broadcast_in_dim3A_62 {strides = array<i32>} : memref<2x256xi32, #tpu.memory_space<vmem>>, vector<16xi32>,
    %broadcast_in_dim3A_67 = arith.constant 0 : i32
    %broadcast_in_dim3A_68 = vector.broadcast %broadcast_in_dim3A_67 : i32 to vector<16xi32>
    %swap3A_69 = arith.constant 0 : i32
    %swap3A_70 = arith.index_cast %swap3A_69 : i32 to index
    %swap3A_71 = arith.constant 128 : index
    %swap3A_72 = tpu.vector_load %arg17[%swap3A_70, %swap3A_71] {strides = array<i32>} : memref<2x256xi32, #tpu.memory_space<vmem>>, vector<16xi32>,
    tpu.vector_store %arg17[%swap3A_70, %swap3A_71], %broadcast_in_dim3A_68 {strides = array<i32>} : memref<2x256xi32, #tpu.memory_space<vmem>>, vector<16xi32>,
    %broadcast_in_dim3A_73 = arith.constant 0 : i32
    %broadcast_in_dim3A_74 = vector.broadcast %broadcast_in_dim3A_73 : i32 to vector<16xi32>
    %swap3A_75 = arith.constant 0 : i32
    %swap3A_76 = arith.index_cast %swap3A_75 : i32 to index
    %swap3A_77 = arith.constant 144 : index
    %swap3A_78 = tpu.vector_load %arg17[%swap3A_76, %swap3A_77] {strides = array<i32>} : memref<2x256xi32, #tpu.memory_space<vmem>>, vector<16xi32>,
    tpu.vector_store %arg17[%swap3A_76, %swap3A_77], %broadcast_in_dim3A_74 {strides = array<i32>} : memref<2x256xi32, #tpu.memory_space<vmem>>, vector<16xi32>,
    %broadcast_in_dim3A_79 = arith.constant 0 : i32
    %broadcast_in_dim3A_80 = vector.broadcast %broadcast_in_dim3A_79 : i32 to vector<16xi32>
    %swap3A_81 = arith.constant 0 : i32
    %swap3A_82 = arith.index_cast %swap3A_81 : i32 to index
    %swap3A_83 = arith.constant 160 : index
    %swap3A_84 = tpu.vector_load %arg17[%swap3A_82, %swap3A_83] {strides = array<i32>} : memref<2x256xi32, #tpu.memory_space<vmem>>, vector<16xi32>,
    tpu.vector_store %arg17[%swap3A_82, %swap3A_83], %broadcast_in_dim3A_80 {strides = array<i32>} : memref<2x256xi32, #tpu.memory_space<vmem>>, vector<16xi32>,
    %broadcast_in_dim3A_85 = arith.constant 0 : i32
    %broadcast_in_dim3A_86 = vector.broadcast %broadcast_in_dim3A_85 : i32 to vector<16xi32>
    %swap3A_87 = arith.constant 0 : i32
    %swap3A_88 = arith.index_cast %swap3A_87 : i32 to index
    %swap3A_89 = arith.constant 176 : index
    %swap3A_90 = tpu.vector_load %arg17[%swap3A_88, %swap3A_89] {strides = array<i32>} : memref<2x256xi32, #tpu.memory_space<vmem>>, vector<16xi32>,
    tpu.vector_store %arg17[%swap3A_88, %swap3A_89], %broadcast_in_dim3A_86 {strides = array<i32>} : memref<2x256xi32, #tpu.memory_space<vmem>>, vector<16xi32>,
    %broadcast_in_dim3A_91 = arith.constant 0 : i32
    %broadcast_in_dim3A_92 = vector.broadcast %broadcast_in_dim3A_91 : i32 to vector<16xi32>
    %swap3A_93 = arith.constant 0 : i32
    %swap3A_94 = arith.index_cast %swap3A_93 : i32 to index
    %swap3A_95 = arith.constant 192 : index
    %swap3A_96 = tpu.vector_load %arg17[%swap3A_94, %swap3A_95] {strides = array<i32>} : memref<2x256xi32, #tpu.memory_space<vmem>>, vector<16xi32>,
    tpu.vector_store %arg17[%swap3A_94, %swap3A_95], %broadcast_in_dim3A_92 {strides = array<i32>} : memref<2x256xi32, #tpu.memory_space<vmem>>, vector<16xi32>,
    %broadcast_in_dim3A_97 = arith.constant 0 : i32
    %broadcast_in_dim3A_98 = vector.broadcast %broadcast_in_dim3A_97 : i32 to vector<16xi32>
    %swap3A_99 = arith.constant 0 : i32
    %swap3A_100 = arith.index_cast %swap3A_99 : i32 to index
    %swap3A_101 = arith.constant 208 : index
    %swap3A_102 = tpu.vector_load %arg17[%swap3A_100, %swap3A_101] {strides = array<i32>} : memref<2x256xi32, #tpu.memory_space<vmem>>, vector<16xi32>,
    tpu.vector_store %arg17[%swap3A_100, %swap3A_101], %broadcast_in_dim3A_98 {strides = array<i32>} : memref<2x256xi32, #tpu.memory_space<vmem>>, vector<16xi32>,
    %broadcast_in_dim3A_103 = arith.constant 0 : i32
    %broadcast_in_dim3A_104 = vector.broadcast %broadcast_in_dim3A_103 : i32 to vector<16xi32>
    %swap3A_105 = arith.constant 0 : i32
    %swap3A_106 = arith.index_cast %swap3A_105 : i32 to index
    %swap3A_107 = arith.constant 224 : index
    %swap3A_108 = tpu.vector_load %arg17[%swap3A_106, %swap3A_107] {strides = array<i32>} : memref<2x256xi32, #tpu.memory_space<vmem>>, vector<16xi32>,
    tpu.vector_store %arg17[%swap3A_106, %swap3A_107], %broadcast_in_dim3A_104 {strides = array<i32>} : memref<2x256xi32, #tpu.memory_space<vmem>>, vector<16xi32>,
    %broadcast_in_dim3A_109 = arith.constant 0 : i32
    %broadcast_in_dim3A_110 = vector.broadcast %broadcast_in_dim3A_109 : i32 to vector<16xi32>
    %swap3A_111 = arith.constant 0 : i32
    %swap3A_112 = arith.index_cast %swap3A_111 : i32 to index
    %swap3A_113 = arith.constant 240 : index
    %swap3A_114 = tpu.vector_load %arg17[%swap3A_112, %swap3A_113] {strides = array<i32>} : memref<2x256xi32, #tpu.memory_space<vmem>>, vector<16xi32>,
    tpu.vector_store %arg17[%swap3A_112, %swap3A_113], %broadcast_in_dim3A_110 {strides = array<i32>} : memref<2x256xi32, #tpu.memory_space<vmem>>, vector<16xi32>,
    %broadcast_in_dim3A_115 = arith.constant 0 : i32
    %broadcast_in_dim3A_116 = vector.broadcast %broadcast_in_dim3A_115 : i32 to vector<16xi32>
    %swap3A_117 = arith.constant 1 : i32
    %swap3A_118 = arith.index_cast %swap3A_117 : i32 to index
    %swap3A_119 = arith.constant 0 : index
    %swap3A_120 = tpu.vector_load %arg17[%swap3A_118, %swap3A_119] {strides = array<i32>} : memref<2x256xi32, #tpu.memory_space<vmem>>, vector<16xi32>,
    tpu.vector_store %arg17[%swap3A_118, %swap3A_119], %broadcast_in_dim3A_116 {strides = array<i32>} : memref<2x256xi32, #tpu.memory_space<vmem>>, vector<16xi32>,
    %broadcast_in_dim3A_121 = arith.constant 0 : i32
    %broadcast_in_dim3A_122 = vector.broadcast %broadcast_in_dim3A_121 : i32 to vector<16xi32>
    %swap3A_123 = arith.constant 1 : i32
    %swap3A_124 = arith.index_cast %swap3A_123 : i32 to index
    %swap3A_125 = arith.constant 16 : index
    %swap3A_126 = tpu.vector_load %arg17[%swap3A_124, %swap3A_125] {strides = array<i32>} : memref<2x256xi32, #tpu.memory_space<vmem>>, vector<16xi32>,
    tpu.vector_store %arg17[%swap3A_124, %swap3A_125], %broadcast_in_dim3A_122 {strides = array<i32>} : memref<2x256xi32, #tpu.memory_space<vmem>>, vector<16xi32>,
    %broadcast_in_dim3A_127 = arith.constant 0 : i32
    %broadcast_in_dim3A_128 = vector.broadcast %broadcast_in_dim3A_127 : i32 to vector<16xi32>
    %swap3A_129 = arith.constant 1 : i32
    %swap3A_130 = arith.index_cast %swap3A_129 : i32 to index
    %swap3A_131 = arith.constant 32 : index
    %swap3A_132 = tpu.vector_load %arg17[%swap3A_130, %swap3A_131] {strides = array<i32>} : memref<2x256xi32, #tpu.memory_space<vmem>>, vector<16xi32>,
    tpu.vector_store %arg17[%swap3A_130, %swap3A_131], %broadcast_in_dim3A_128 {strides = array<i32>} : memref<2x256xi32, #tpu.memory_space<vmem>>, vector<16xi32>,
    %broadcast_in_dim3A_133 = arith.constant 0 : i32
    %broadcast_in_dim3A_134 = vector.broadcast %broadcast_in_dim3A_133 : i32 to vector<16xi32>
    %swap3A_135 = arith.constant 1 : i32
    %swap3A_136 = arith.index_cast %swap3A_135 : i32 to index
    %swap3A_137 = arith.constant 48 : index
    %swap3A_138 = tpu.vector_load %arg17[%swap3A_136, %swap3A_137] {strides = array<i32>} : memref<2x256xi32, #tpu.memory_space<vmem>>, vector<16xi32>,
    tpu.vector_store %arg17[%swap3A_136, %swap3A_137], %broadcast_in_dim3A_134 {strides = array<i32>} : memref<2x256xi32, #tpu.memory_space<vmem>>, vector<16xi32>,
    %broadcast_in_dim3A_139 = arith.constant 0 : i32
    %broadcast_in_dim3A_140 = vector.broadcast %broadcast_in_dim3A_139 : i32 to vector<16xi32>
    %swap3A_141 = arith.constant 1 : i32
    %swap3A_142 = arith.index_cast %swap3A_141 : i32 to index
    %swap3A_143 = arith.constant 64 : index
    %swap3A_144 = tpu.vector_load %arg17[%swap3A_142, %swap3A_143] {strides = array<i32>} : memref<2x256xi32, #tpu.memory_space<vmem>>, vector<16xi32>,
    tpu.vector_store %arg17[%swap3A_142, %swap3A_143], %broadcast_in_dim3A_140 {strides = array<i32>} : memref<2x256xi32, #tpu.memory_space<vmem>>, vector<16xi32>,
    %broadcast_in_dim3A_145 = arith.constant 0 : i32
    %broadcast_in_dim3A_146 = vector.broadcast %broadcast_in_dim3A_145 : i32 to vector<16xi32>
    %swap3A_147 = arith.constant 1 : i32
    %swap3A_148 = arith.index_cast %swap3A_147 : i32 to index
    %swap3A_149 = arith.constant 80 : index
    %swap3A_150 = tpu.vector_load %arg17[%swap3A_148, %swap3A_149] {strides = array<i32>} : memref<2x256xi32, #tpu.memory_space<vmem>>, vector<16xi32>,
    tpu.vector_store %arg17[%swap3A_148, %swap3A_149], %broadcast_in_dim3A_146 {strides = array<i32>} : memref<2x256xi32, #tpu.memory_space<vmem>>, vector<16xi32>,
    %broadcast_in_dim3A_151 = arith.constant 0 : i32
    %broadcast_in_dim3A_152 = vector.broadcast %broadcast_in_dim3A_151 : i32 to vector<16xi32>
    %swap3A_153 = arith.constant 1 : i32
    %swap3A_154 = arith.index_cast %swap3A_153 : i32 to index
    %swap3A_155 = arith.constant 96 : index
    %swap3A_156 = tpu.vector_load %arg17[%swap3A_154, %swap3A_155] {strides = array<i32>} : memref<2x256xi32, #tpu.memory_space<vmem>>, vector<16xi32>,
    tpu.vector_store %arg17[%swap3A_154, %swap3A_155], %broadcast_in_dim3A_152 {strides = array<i32>} : memref<2x256xi32, #tpu.memory_space<vmem>>, vector<16xi32>,
    %broadcast_in_dim3A_157 = arith.constant 0 : i32
    %broadcast_in_dim3A_158 = vector.broadcast %broadcast_in_dim3A_157 : i32 to vector<16xi32>
    %swap3A_159 = arith.constant 1 : i32
    %swap3A_160 = arith.index_cast %swap3A_159 : i32 to index
    %swap3A_161 = arith.constant 112 : index
    %swap3A_162 = tpu.vector_load %arg17[%swap3A_160, %swap3A_161] {strides = array<i32>} : memref<2x256xi32, #tpu.memory_space<vmem>>, vector<16xi32>,
    tpu.vector_store %arg17[%swap3A_160, %swap3A_161], %broadcast_in_dim3A_158 {strides = array<i32>} : memref<2x256xi32, #tpu.memory_space<vmem>>, vector<16xi32>,
    %broadcast_in_dim3A_163 = arith.constant 0 : i32
    %broadcast_in_dim3A_164 = vector.broadcast %broadcast_in_dim3A_163 : i32 to vector<16xi32>
    %swap3A_165 = arith.constant 1 : i32
    %swap3A_166 = arith.index_cast %swap3A_165 : i32 to index
    %swap3A_167 = arith.constant 128 : index
    %swap3A_168 = tpu.vector_load %arg17[%swap3A_166, %swap3A_167] {strides = array<i32>} : memref<2x256xi32, #tpu.memory_space<vmem>>, vector<16xi32>,
    tpu.vector_store %arg17[%swap3A_166, %swap3A_167], %broadcast_in_dim3A_164 {strides = array<i32>} : memref<2x256xi32, #tpu.memory_space<vmem>>, vector<16xi32>,
    %broadcast_in_dim3A_169 = arith.constant 0 : i32
    %broadcast_in_dim3A_170 = vector.broadcast %broadcast_in_dim3A_169 : i32 to vector<16xi32>
    %swap3A_171 = arith.constant 1 : i32
    %swap3A_172 = arith.index_cast %swap3A_171 : i32 to index
    %swap3A_173 = arith.constant 144 : index
    %swap3A_174 = tpu.vector_load %arg17[%swap3A_172, %swap3A_173] {strides = array<i32>} : memref<2x256xi32, #tpu.memory_space<vmem>>, vector<16xi32>,
    tpu.vector_store %arg17[%swap3A_172, %swap3A_173], %broadcast_in_dim3A_170 {strides = array<i32>} : memref<2x256xi32, #tpu.memory_space<vmem>>, vector<16xi32>,
    %broadcast_in_dim3A_175 = arith.constant 0 : i32
    %broadcast_in_dim3A_176 = vector.broadcast %broadcast_in_dim3A_175 : i32 to vector<16xi32>
    %swap3A_177 = arith.constant 1 : i32
    %swap3A_178 = arith.index_cast %swap3A_177 : i32 to index
    %swap3A_179 = arith.constant 160 : index
    %swap3A_180 = tpu.vector_load %arg17[%swap3A_178, %swap3A_179] {strides = array<i32>} : memref<2x256xi32, #tpu.memory_space<vmem>>, vector<16xi32>,
    tpu.vector_store %arg17[%swap3A_178, %swap3A_179], %broadcast_in_dim3A_176 {strides = array<i32>} : memref<2x256xi32, #tpu.memory_space<vmem>>, vector<16xi32>,
    %broadcast_in_dim3A_181 = arith.constant 0 : i32
    %broadcast_in_dim3A_182 = vector.broadcast %broadcast_in_dim3A_181 : i32 to vector<16xi32>
    %swap3A_183 = arith.constant 1 : i32
    %swap3A_184 = arith.index_cast %swap3A_183 : i32 to index
    %swap3A_185 = arith.constant 176 : index
    %swap3A_186 = tpu.vector_load %arg17[%swap3A_184, %swap3A_185] {strides = array<i32>} : memref<2x256xi32, #tpu.memory_space<vmem>>, vector<16xi32>,
    tpu.vector_store %arg17[%swap3A_184, %swap3A_185], %broadcast_in_dim3A_182 {strides = array<i32>} : memref<2x256xi32, #tpu.memory_space<vmem>>, vector<16xi32>,
    %broadcast_in_dim3A_187 = arith.constant 0 : i32
    %broadcast_in_dim3A_188 = vector.broadcast %broadcast_in_dim3A_187 : i32 to vector<16xi32>
    %swap3A_189 = arith.constant 1 : i32
    %swap3A_190 = arith.index_cast %swap3A_189 : i32 to index
    %swap3A_191 = arith.constant 192 : index
    %swap3A_192 = tpu.vector_load %arg17[%swap3A_190, %swap3A_191] {strides = array<i32>} : memref<2x256xi32, #tpu.memory_space<vmem>>, vector<16xi32>,
    tpu.vector_store %arg17[%swap3A_190, %swap3A_191], %broadcast_in_dim3A_188 {strides = array<i32>} : memref<2x256xi32, #tpu.memory_space<vmem>>, vector<16xi32>,
    %broadcast_in_dim3A_193 = arith.constant 0 : i32
    %broadcast_in_dim3A_194 = vector.broadcast %broadcast_in_dim3A_193 : i32 to vector<16xi32>
    %swap3A_195 = arith.constant 1 : i32
    %swap3A_196 = arith.index_cast %swap3A_195 : i32 to index
    %swap3A_197 = arith.constant 208 : index
    %swap3A_198 = tpu.vector_load %arg17[%swap3A_196, %swap3A_197] {strides = array<i32>} : memref<2x256xi32, #tpu.memory_space<vmem>>, vector<16xi32>,
    tpu.vector_store %arg17[%swap3A_196, %swap3A_197], %broadcast_in_dim3A_194 {strides = array<i32>} : memref<2x256xi32, #tpu.memory_space<vmem>>, vector<16xi32>,
    %broadcast_in_dim3A_199 = arith.constant 0 : i32
    %broadcast_in_dim3A_200 = vector.broadcast %broadcast_in_dim3A_199 : i32 to vector<16xi32>
    %swap3A_201 = arith.constant 1 : i32
    %swap3A_202 = arith.index_cast %swap3A_201 : i32 to index
    %swap3A_203 = arith.constant 224 : index
    %swap3A_204 = tpu.vector_load %arg17[%swap3A_202, %swap3A_203] {strides = array<i32>} : memref<2x256xi32, #tpu.memory_space<vmem>>, vector<16xi32>,
    tpu.vector_store %arg17[%swap3A_202, %swap3A_203], %broadcast_in_dim3A_200 {strides = array<i32>} : memref<2x256xi32, #tpu.memory_space<vmem>>, vector<16xi32>,
    %broadcast_in_dim3A_205 = arith.constant 0 : i32
    %broadcast_in_dim3A_206 = vector.broadcast %broadcast_in_dim3A_205 : i32 to vector<16xi32>
    %swap3A_207 = arith.constant 1 : i32
    %swap3A_208 = arith.index_cast %swap3A_207 : i32 to index
    %swap3A_209 = arith.constant 240 : index
    %swap3A_210 = tpu.vector_load %arg17[%swap3A_208, %swap3A_209] {strides = array<i32>} : memref<2x256xi32, #tpu.memory_space<vmem>>, vector<16xi32>,
    tpu.vector_store %arg17[%swap3A_208, %swap3A_209], %broadcast_in_dim3A_206 {strides = array<i32>} : memref<2x256xi32, #tpu.memory_space<vmem>>, vector<16xi32>,
    %add3A_211 = arith.constant 0 : i32
    %add3A_212 = arith.addi %mul3A_2, %add3A_211 : i32
    %run_scoped3A = arith.constant 0 : i32
    "tpu.region"() ({
      %run_scoped3A_1033 = tpu.sem_alloc : memref<!tpu.dma_semaphore, #tpu.memory_space<semaphore_mem>>
      %dma_start3A = arith.constant 0 : i32
      %dma_start3A_1034 = tpu.memref_slice %arg6[%run_scoped3A, %dma_start3A] : memref<2x64xf32, #tpu.memory_space<vmem>> -> memref<1x64xf32, #tpu.memory_space<vmem>>
      %dma_start3A_1035 = tpu.memref_squeeze %dma_start3A_1034 : memref<1x64xf32, #tpu.memory_space<vmem>> -> memref<64xf32, #tpu.memory_space<vmem>>
      %dma_start3A_1036 = tpu.memref_slice %arg2[%add3A_212] : memref<401536xf32, #tpu.memory_space<hbm>> -> memref<64xf32, #tpu.memory_space<hbm>>
      %dma_start3A_1037 = arith.constant 0 : i32
      %dma_start3A_1038 = tpu.memref_slice %arg6[%run_scoped3A, %dma_start3A_1037] : memref<2x64xf32, #tpu.memory_space<vmem>> -> memref<1x64xf32, #tpu.memory_space<vmem>>
      %dma_start3A_1039 = tpu.memref_squeeze %dma_start3A_1038 : memref<1x64xf32, #tpu.memory_space<vmem>> -> memref<64xf32, #tpu.memory_space<vmem>>
      %dma_start3A_1040 = tpu.memref_slice %arg2[%add3A_212] : memref<401536xf32, #tpu.memory_space<hbm>> -> memref<64xf32, #tpu.memory_space<hbm>>
      tpu.enqueue_dma source(%dma_start3A_1040 : memref<64xf32, #tpu.memory_space<hbm>>) target(%dma_start3A_1039 : memref<64xf32, #tpu.memory_space<vmem>>) target_semaphore(%run_scoped3A_1033 : memref<!tpu.dma_semaphore, #tpu.memory_space<semaphore_mem>>)
      %dma_wait3A_1041 = arith.constant 0 : i32
      %dma_wait3A_1042 = tpu.memref_slice %arg6[%run_scoped3A, %dma_wait3A_1041] : memref<2x64xf32, #tpu.memory_space<vmem>> -> memref<1x64xf32, #tpu.memory_space<vmem>>
      %dma_wait3A_1043 = tpu.memref_squeeze %dma_wait3A_1042 : memref<1x64xf32, #tpu.memory_space<vmem>> -> memref<64xf32, #tpu.memory_space<vmem>>
      %dma_wait3A_1044 = tpu.memref_slice %arg2[%add3A_212] : memref<401536xf32, #tpu.memory_space<hbm>> -> memref<64xf32, #tpu.memory_space<hbm>>
      %dma_wait3A_1045 = arith.constant 0 : i32
      %dma_wait3A_1046 = tpu.memref_slice %arg6[%run_scoped3A, %dma_wait3A_1045] : memref<2x64xf32, #tpu.memory_space<vmem>> -> memref<1x64xf32, #tpu.memory_space<vmem>>
      %dma_wait3A_1047 = tpu.memref_squeeze %dma_wait3A_1046 : memref<1x64xf32, #tpu.memory_space<vmem>> -> memref<64xf32, #tpu.memory_space<vmem>>
      %dma_wait3A_1048 = tpu.memref_slice %arg2[%add3A_212] : memref<401536xf32, #tpu.memory_space<hbm>> -> memref<64xf32, #tpu.memory_space<hbm>>
      tpu.wait_dma2 semaphore(%run_scoped3A_1033 : memref<!tpu.dma_semaphore, #tpu.memory_space<semaphore_mem>>) src(%dma_wait3A_1048 : memref<64xf32, #tpu.memory_space<hbm>>) dst(%dma_wait3A_1047 : memref<64xf32, #tpu.memory_space<vmem>>)
      tpu.yield
    }) : () -> ()
    %run_scoped3A_213 = arith.constant 0 : i32
    "tpu.region"() ({
      %run_scoped3A_1033 = tpu.sem_alloc : memref<!tpu.dma_semaphore, #tpu.memory_space<semaphore_mem>>
      %dma_start3A = arith.constant 0 : i32
      %dma_start3A_1034 = tpu.memref_slice %arg7[%run_scoped3A_213, %dma_start3A] : memref<2x64xf32, #tpu.memory_space<vmem>> -> memref<1x64xf32, #tpu.memory_space<vmem>>
      %dma_start3A_1035 = tpu.memref_squeeze %dma_start3A_1034 : memref<1x64xf32, #tpu.memory_space<vmem>> -> memref<64xf32, #tpu.memory_space<vmem>>
      %dma_start3A_1036 = tpu.memref_slice %arg3[%add3A_212] : memref<401536xf32, #tpu.memory_space<hbm>> -> memref<64xf32, #tpu.memory_space<hbm>>
      %dma_start3A_1037 = arith.constant 0 : i32
      %dma_start3A_1038 = tpu.memref_slice %arg7[%run_scoped3A_213, %dma_start3A_1037] : memref<2x64xf32, #tpu.memory_space<vmem>> -> memref<1x64xf32, #tpu.memory_space<vmem>>
      %dma_start3A_1039 = tpu.memref_squeeze %dma_start3A_1038 : memref<1x64xf32, #tpu.memory_space<vmem>> -> memref<64xf32, #tpu.memory_space<vmem>>
      %dma_start3A_1040 = tpu.memref_slice %arg3[%add3A_212] : memref<401536xf32, #tpu.memory_space<hbm>> -> memref<64xf32, #tpu.memory_space<hbm>>
      tpu.enqueue_dma source(%dma_start3A_1040 : memref<64xf32, #tpu.memory_space<hbm>>) target(%dma_start3A_1039 : memref<64xf32, #tpu.memory_space<vmem>>) target_semaphore(%run_scoped3A_1033 : memref<!tpu.dma_semaphore, #tpu.memory_space<semaphore_mem>>)
      %dma_wait3A_1041 = arith.constant 0 : i32
      %dma_wait3A_1042 = tpu.memref_slice %arg7[%run_scoped3A_213, %dma_wait3A_1041] : memref<2x64xf32, #tpu.memory_space<vmem>> -> memref<1x64xf32, #tpu.memory_space<vmem>>
      %dma_wait3A_1043 = tpu.memref_squeeze %dma_wait3A_1042 : memref<1x64xf32, #tpu.memory_space<vmem>> -> memref<64xf32, #tpu.memory_space<vmem>>
      %dma_wait3A_1044 = tpu.memref_slice %arg3[%add3A_212] : memref<401536xf32, #tpu.memory_space<hbm>> -> memref<64xf32, #tpu.memory_space<hbm>>
      %dma_wait3A_1045 = arith.constant 0 : i32
      %dma_wait3A_1046 = tpu.memref_slice %arg7[%run_scoped3A_213, %dma_wait3A_1045] : memref<2x64xf32, #tpu.memory_space<vmem>> -> memref<1x64xf32, #tpu.memory_space<vmem>>
      %dma_wait3A_1047 = tpu.memref_squeeze %dma_wait3A_1046 : memref<1x64xf32, #tpu.memory_space<vmem>> -> memref<64xf32, #tpu.memory_space<vmem>>
      %dma_wait3A_1048 = tpu.memref_slice %arg3[%add3A_212] : memref<401536xf32, #tpu.memory_space<hbm>> -> memref<64xf32, #tpu.memory_space<hbm>>
      tpu.wait_dma2 semaphore(%run_scoped3A_1033 : memref<!tpu.dma_semaphore, #tpu.memory_space<semaphore_mem>>) src(%dma_wait3A_1048 : memref<64xf32, #tpu.memory_space<hbm>>) dst(%dma_wait3A_1047 : memref<64xf32, #tpu.memory_space<vmem>>)
      tpu.yield
    }) : () -> ()
    %get3A = arith.constant 0 : i32
    %get3A_214 = arith.index_cast %get3A : i32 to index
    %get3A_215 = arith.constant 0 : index
    %get3A_216 = tpu.vector_load %arg6[%get3A_214, %get3A_215] {strides = array<i32>} : memref<2x64xf32, #tpu.memory_space<vmem>>, vector<16xf32>,
    %add3A_217 = arith.constant 1.000000e+00 : f32
    %add3A_218 = vector.broadcast %add3A_217 : f32 to vector<16xf32>
    %add3A_219 = arith.addf %get3A_216, %add3A_218 : vector<16xf32>
    %mul3A_220 = arith.constant 5.000000e-01 : f32
    %mul3A_221 = vector.broadcast %mul3A_220 : f32 to vector<16xf32>
    %mul3A_222 = arith.mulf %mul3A_221, %add3A_219 : vector<16xf32>
    %mul3A_223 = arith.constant 2.240000e+02 : f32
    %mul3A_224 = vector.broadcast %mul3A_223 : f32 to vector<16xf32>
    %mul3A_225 = arith.mulf %mul3A_222, %mul3A_224 : vector<16xf32>
    %get3A_226 = arith.constant 0 : i32
    %get3A_227 = arith.index_cast %get3A_226 : i32 to index
    %get3A_228 = arith.constant 0 : index
    %get3A_229 = tpu.vector_load %arg7[%get3A_227, %get3A_228] {strides = array<i32>} : memref<2x64xf32, #tpu.memory_space<vmem>>, vector<16xf32>,
    %add3A_230 = arith.constant 1.000000e+00 : f32
    %add3A_231 = vector.broadcast %add3A_230 : f32 to vector<16xf32>
    %add3A_232 = arith.addf %get3A_229, %add3A_231 : vector<16xf32>
    %mul3A_233 = arith.constant 5.000000e-01 : f32
    %mul3A_234 = vector.broadcast %mul3A_233 : f32 to vector<16xf32>
    %mul3A_235 = arith.mulf %mul3A_234, %add3A_232 : vector<16xf32>
    %mul3A_236 = arith.constant 2.240000e+02 : f32
    %mul3A_237 = vector.broadcast %mul3A_236 : f32 to vector<16xf32>
    %mul3A_238 = arith.mulf %mul3A_235, %mul3A_237 : vector<16xf32>
    %convert_element_type3A = arith.fptosi %mul3A_225 : vector<16xf32> to vector<16xi32>
    %convert_element_type3A_239 = arith.fptosi %mul3A_238 : vector<16xf32> to vector<16xi32>
    %jit3A_240 = arith.constant 0 : i32
    %jit3A_241 = arith.constant 223 : i32
    %max3A = vector.broadcast %jit3A_240 : i32 to vector<16xi32>
    %max3A_242 = arith.maxsi %max3A, %convert_element_type3A : vector<16xi32>
    %min3A = vector.broadcast %jit3A_241 : i32 to vector<16xi32>
    %min3A_243 = arith.minsi %min3A, %max3A_242 : vector<16xi32>
    %add3A_244 = arith.constant 1 : i32
    %add3A_245 = vector.broadcast %add3A_244 : i32 to vector<16xi32>
    %add3A_246 = arith.addi %convert_element_type3A, %add3A_245 : vector<16xi32>
    %jit3A_247 = arith.constant 0 : i32
    %jit3A_248 = arith.constant 223 : i32
    %max3A_249 = vector.broadcast %jit3A_247 : i32 to vector<16xi32>
    %max3A_250 = arith.maxsi %max3A_249, %add3A_246 : vector<16xi32>
    %min3A_251 = vector.broadcast %jit3A_248 : i32 to vector<16xi32>
    %min3A_252 = arith.minsi %min3A_251, %max3A_250 : vector<16xi32>
    %jit3A_253 = arith.constant 0 : i32
    %jit3A_254 = arith.constant 223 : i32
    %max3A_255 = vector.broadcast %jit3A_253 : i32 to vector<16xi32>
    %max3A_256 = arith.maxsi %max3A_255, %convert_element_type3A_239 : vector<16xi32>
    %min3A_257 = vector.broadcast %jit3A_254 : i32 to vector<16xi32>
    %min3A_258 = arith.minsi %min3A_257, %max3A_256 : vector<16xi32>
    %add3A_259 = arith.constant 1 : i32
    %add3A_260 = vector.broadcast %add3A_259 : i32 to vector<16xi32>
    %add3A_261 = arith.addi %convert_element_type3A_239, %add3A_260 : vector<16xi32>
    %jit3A_262 = arith.constant 0 : i32
    %jit3A_263 = arith.constant 223 : i32
    %max3A_264 = vector.broadcast %jit3A_262 : i32 to vector<16xi32>
    %max3A_265 = arith.maxsi %max3A_264, %add3A_261 : vector<16xi32>
    %min3A_266 = vector.broadcast %jit3A_263 : i32 to vector<16xi32>
    %min3A_267 = arith.minsi %min3A_266, %max3A_265 : vector<16xi32>
    %convert_element_type3A_268 = arith.sitofp %min3A_243 : vector<16xi32> to vector<16xf32>
    %convert_element_type3A_269 = arith.sitofp %min3A_252 : vector<16xi32> to vector<16xf32>
    %convert_element_type3A_270 = arith.sitofp %min3A_258 : vector<16xi32> to vector<16xf32>
    %convert_element_type3A_271 = arith.sitofp %min3A_267 : vector<16xi32> to vector<16xf32>
    %sub3A_272 = arith.subf %convert_element_type3A_269, %mul3A_225 : vector<16xf32>
    %sub3A_273 = arith.subf %convert_element_type3A_271, %mul3A_238 : vector<16xf32>
    %mul3A_274 = arith.mulf %sub3A_272, %sub3A_273 : vector<16xf32>
    %swap3A_275 = arith.constant 0 : i32
    %swap3A_276 = arith.index_cast %swap3A_275 : i32 to index
    %swap3A_277 = arith.constant 0 : index
    %swap3A_278 = tpu.vector_load %arg9[%swap3A_276, %swap3A_277] {strides = array<i32>} : memref<2x64xf32, #tpu.memory_space<vmem>>, vector<16xf32>,
    tpu.vector_store %arg9[%swap3A_276, %swap3A_277], %mul3A_274 {strides = array<i32>} : memref<2x64xf32, #tpu.memory_space<vmem>>, vector<16xf32>,
    %sub3A_279 = arith.subf %convert_element_type3A_269, %mul3A_225 : vector<16xf32>
    %sub3A_280 = arith.subf %mul3A_238, %convert_element_type3A_270 : vector<16xf32>
    %mul3A_281 = arith.mulf %sub3A_279, %sub3A_280 : vector<16xf32>
    %swap3A_282 = arith.constant 0 : i32
    %swap3A_283 = arith.index_cast %swap3A_282 : i32 to index
    %swap3A_284 = arith.constant 0 : index
    %swap3A_285 = tpu.vector_load %arg10[%swap3A_283, %swap3A_284] {strides = array<i32>} : memref<2x64xf32, #tpu.memory_space<vmem>>, vector<16xf32>,
    tpu.vector_store %arg10[%swap3A_283, %swap3A_284], %mul3A_281 {strides = array<i32>} : memref<2x64xf32, #tpu.memory_space<vmem>>, vector<16xf32>,
    %sub3A_286 = arith.subf %mul3A_225, %convert_element_type3A_268 : vector<16xf32>
    %sub3A_287 = arith.subf %convert_element_type3A_271, %mul3A_238 : vector<16xf32>
    %mul3A_288 = arith.mulf %sub3A_286, %sub3A_287 : vector<16xf32>
    %swap3A_289 = arith.constant 0 : i32
    %swap3A_290 = arith.index_cast %swap3A_289 : i32 to index
    %swap3A_291 = arith.constant 0 : index
    %swap3A_292 = tpu.vector_load %arg11[%swap3A_290, %swap3A_291] {strides = array<i32>} : memref<2x64xf32, #tpu.memory_space<vmem>>, vector<16xf32>,
    tpu.vector_store %arg11[%swap3A_290, %swap3A_291], %mul3A_288 {strides = array<i32>} : memref<2x64xf32, #tpu.memory_space<vmem>>, vector<16xf32>,
    %sub3A_293 = arith.subf %mul3A_225, %convert_element_type3A_268 : vector<16xf32>
    %sub3A_294 = arith.subf %mul3A_238, %convert_element_type3A_270 : vector<16xf32>
    %mul3A_295 = arith.mulf %sub3A_293, %sub3A_294 : vector<16xf32>
    %swap3A_296 = arith.constant 0 : i32
    %swap3A_297 = arith.index_cast %swap3A_296 : i32 to index
    %swap3A_298 = arith.constant 0 : index
    %swap3A_299 = tpu.vector_load %arg12[%swap3A_297, %swap3A_298] {strides = array<i32>} : memref<2x64xf32, #tpu.memory_space<vmem>>, vector<16xf32>,
    tpu.vector_store %arg12[%swap3A_297, %swap3A_298], %mul3A_295 {strides = array<i32>} : memref<2x64xf32, #tpu.memory_space<vmem>>, vector<16xf32>,
    %mul3A_300 = arith.constant 224 : i32
    %mul3A_301 = vector.broadcast %mul3A_300 : i32 to vector<16xi32>
    %mul3A_302 = arith.muli %min3A_258, %mul3A_301 : vector<16xi32>
    %add3A_303 = vector.broadcast %mul3A_20 : i32 to vector<16xi32>
    %add3A_304 = arith.addi %add3A_303, %mul3A_302 : vector<16xi32>
    %mul3A_305 = arith.constant 224 : i32
    %mul3A_306 = vector.broadcast %mul3A_305 : i32 to vector<16xi32>
    %mul3A_307 = arith.muli %min3A_267, %mul3A_306 : vector<16xi32>
    %add3A_308 = vector.broadcast %mul3A_20 : i32 to vector<16xi32>
    %add3A_309 = arith.addi %add3A_308, %mul3A_307 : vector<16xi32>
    %add3A_310 = arith.addi %add3A_304, %min3A_243 : vector<16xi32>
    %add3A_311 = arith.addi %add3A_309, %min3A_243 : vector<16xi32>
    %add3A_312 = arith.addi %add3A_304, %min3A_252 : vector<16xi32>
    %add3A_313 = arith.addi %add3A_309, %min3A_252 : vector<16xi32>
    %swap3A_314 = arith.constant 0 : i32
    %swap3A_315 = arith.index_cast %swap3A_314 : i32 to index
    %swap3A_316 = arith.constant 0 : index
    %swap3A_317 = tpu.vector_load %arg8[%swap3A_315, %swap3A_316] {strides = array<i32>} : memref<2x64xi32, #tpu.memory_space<vmem>>, vector<16xi32>,
    tpu.vector_store %arg8[%swap3A_315, %swap3A_316], %add3A_313 {strides = array<i32>} : memref<2x64xi32, #tpu.memory_space<vmem>>, vector<16xi32>,
    %add3A_318 = arith.constant -1 : i32
    %add3A_319 = vector.broadcast %add3A_318 : i32 to vector<16xi32>
    %add3A_320 = arith.addi %iota3A, %add3A_319 : vector<16xi32>
    %max3A_321 = arith.constant 0 : i32
    %max3A_322 = vector.broadcast %max3A_321 : i32 to vector<16xi32>
    %max3A_323 = arith.maxsi %add3A_320, %max3A_322 : vector<16xi32>
    %gather3A = arith.constant 0 : i32
    %gather3A_324 = arith.constant 0 : i32
    %gather3A_325 = tpu.memref_slice %arg8[%gather3A, %gather3A_324] : memref<2x64xi32, #tpu.memory_space<vmem>> -> memref<1x64xi32, #tpu.memory_space<vmem>>
    %gather3A_326 = tpu.memref_squeeze %gather3A_325 : memref<1x64xi32, #tpu.memory_space<vmem>> -> memref<64xi32, #tpu.memory_space<vmem>>
    %gather3A_327 = tpu.vector_load_idx %gather3A_326[%max3A_323] : memref<64xi32, #tpu.memory_space<vmem>>[vector<16xi32>], vector<16xi32>,
    %ne3A_328 = arith.cmpi ne, %min3A_252, %min3A_243 : vector<16xi32>
    %ne3A_329 = arith.cmpi ne, %min3A_267, %min3A_258 : vector<16xi32>
    %and3A_330 = arith.andi %ne3A_328, %ne3A_329 : vector<16xi1>
    %ne3A_331 = arith.cmpi ne, %add3A_310, %gather3A_327 : vector<16xi32>
    %eq3A = arith.constant 0 : i32
    %eq3A_332 = vector.broadcast %eq3A : i32 to vector<16xi32>
    %eq3A_333 = arith.cmpi eq, %iota3A, %eq3A_332 : vector<16xi32>
    %or3A = arith.ori %ne3A_331, %eq3A_333 : vector<16xi1>
    %convert_element_type3A_334 = arith.extui %or3A : vector<16xi1> to vector<16xi32>
    %convert_element_type3A_335 = arith.extui %ne3A_328 : vector<16xi1> to vector<16xi32>
    %convert_element_type3A_336 = arith.extui %ne3A_329 : vector<16xi1> to vector<16xi32>
    %mul3A_337 = arith.muli %convert_element_type3A_335, %convert_element_type3A_336 : vector<16xi32>
    %add3A_338 = arith.addi %convert_element_type3A_334, %convert_element_type3A_335 : vector<16xi32>
    %add3A_339 = arith.addi %add3A_338, %convert_element_type3A_336 : vector<16xi32>
    %add3A_340 = arith.addi %add3A_339, %mul3A_337 : vector<16xi32>
    %broadcast_in_dim3A_341 = arith.constant true
    %broadcast_in_dim3A_342 = vector.broadcast %broadcast_in_dim3A_341 : i1 to vector<16xi1>
    %masked_cumsum3A = tpu.scan <sum>, %add3A_340 masked %broadcast_in_dim3A_342 : vector<16xi32>, vector<16xi1> -> vector<16xi32>
    %add3A_343 = arith.constant 0 : i32
    %add3A_344 = vector.broadcast %add3A_343 : i32 to vector<16xi32>
    %add3A_345 = arith.addi %add3A_344, %masked_cumsum3A : vector<16xi32>
    %sub3A_346 = arith.subi %add3A_345, %add3A_340 : vector<16xi32>
    %add3A_347 = arith.addi %sub3A_346, %convert_element_type3A_334 : vector<16xi32>
    %sub3A_348 = arith.constant 1 : i32
    %sub3A_349 = vector.broadcast %sub3A_348 : i32 to vector<16xi32>
    %sub3A_350 = arith.subi %add3A_347, %sub3A_349 : vector<16xi32>
    %add3A_351 = arith.addi %sub3A_350, %convert_element_type3A_335 : vector<16xi32>
    %add3A_352 = arith.addi %add3A_351, %convert_element_type3A_336 : vector<16xi32>
    %add3A_353 = arith.addi %add3A_352, %mul3A_337 : vector<16xi32>
    %scatter3A = arith.constant 0 : i32
    %scatter3A_354 = arith.constant 0 : i32
    %scatter3A_355 = tpu.memref_slice %arg17[%scatter3A, %scatter3A_354] : memref<2x256xi32, #tpu.memory_space<vmem>> -> memref<1x256xi32, #tpu.memory_space<vmem>>
    %scatter3A_356 = tpu.memref_squeeze %scatter3A_355 : memref<1x256xi32, #tpu.memory_space<vmem>> -> memref<256xi32, #tpu.memory_space<vmem>>
    tpu.vector_store_idx %scatter3A_356[%sub3A_350], %add3A_310 masked %or3A : memref<256xi32, #tpu.memory_space<vmem>>[vector<16xi32>], vector<16xi32>, vector<16xi1>
    %scatter3A_357 = arith.constant 0 : i32
    %scatter3A_358 = arith.constant 0 : i32
    %scatter3A_359 = tpu.memref_slice %arg17[%scatter3A_357, %scatter3A_358] : memref<2x256xi32, #tpu.memory_space<vmem>> -> memref<1x256xi32, #tpu.memory_space<vmem>>
    %scatter3A_360 = tpu.memref_squeeze %scatter3A_359 : memref<1x256xi32, #tpu.memory_space<vmem>> -> memref<256xi32, #tpu.memory_space<vmem>>
    tpu.vector_store_idx %scatter3A_360[%add3A_351], %add3A_312 masked %ne3A_328 : memref<256xi32, #tpu.memory_space<vmem>>[vector<16xi32>], vector<16xi32>, vector<16xi1>
    %scatter3A_361 = arith.constant 0 : i32
    %scatter3A_362 = arith.constant 0 : i32
    %scatter3A_363 = tpu.memref_slice %arg17[%scatter3A_361, %scatter3A_362] : memref<2x256xi32, #tpu.memory_space<vmem>> -> memref<1x256xi32, #tpu.memory_space<vmem>>
    %scatter3A_364 = tpu.memref_squeeze %scatter3A_363 : memref<1x256xi32, #tpu.memory_space<vmem>> -> memref<256xi32, #tpu.memory_space<vmem>>
    tpu.vector_store_idx %scatter3A_364[%add3A_352], %add3A_311 masked %ne3A_329 : memref<256xi32, #tpu.memory_space<vmem>>[vector<16xi32>], vector<16xi32>, vector<16xi1>
    %scatter3A_365 = arith.constant 0 : i32
    %scatter3A_366 = arith.constant 0 : i32
    %scatter3A_367 = tpu.memref_slice %arg17[%scatter3A_365, %scatter3A_366] : memref<2x256xi32, #tpu.memory_space<vmem>> -> memref<1x256xi32, #tpu.memory_space<vmem>>
    %scatter3A_368 = tpu.memref_squeeze %scatter3A_367 : memref<1x256xi32, #tpu.memory_space<vmem>> -> memref<256xi32, #tpu.memory_space<vmem>>
    tpu.vector_store_idx %scatter3A_368[%add3A_353], %add3A_313 masked %and3A_330 : memref<256xi32, #tpu.memory_space<vmem>>[vector<16xi32>], vector<16xi32>, vector<16xi1>
    %swap3A_369 = arith.constant 0 : i32
    %swap3A_370 = arith.index_cast %swap3A_369 : i32 to index
    %swap3A_371 = arith.constant 0 : index
    %swap3A_372 = tpu.vector_load %arg13[%swap3A_370, %swap3A_371] {strides = array<i32>} : memref<2x64xi32, #tpu.memory_space<vmem>>, vector<16xi32>,
    tpu.vector_store %arg13[%swap3A_370, %swap3A_371], %sub3A_350 {strides = array<i32>} : memref<2x64xi32, #tpu.memory_space<vmem>>, vector<16xi32>,
    %swap3A_373 = arith.constant 0 : i32
    %swap3A_374 = arith.index_cast %swap3A_373 : i32 to index
    %swap3A_375 = arith.constant 0 : index
    %swap3A_376 = tpu.vector_load %arg15[%swap3A_374, %swap3A_375] {strides = array<i32>} : memref<2x64xi32, #tpu.memory_space<vmem>>, vector<16xi32>,
    tpu.vector_store %arg15[%swap3A_374, %swap3A_375], %add3A_351 {strides = array<i32>} : memref<2x64xi32, #tpu.memory_space<vmem>>, vector<16xi32>,
    %select_n3A_377 = arith.select %ne3A_329, %add3A_352, %sub3A_350 : vector<16xi1>, vector<16xi32>
    %swap3A_378 = arith.constant 0 : i32
    %swap3A_379 = arith.index_cast %swap3A_378 : i32 to index
    %swap3A_380 = arith.constant 0 : index
    %swap3A_381 = tpu.vector_load %arg14[%swap3A_379, %swap3A_380] {strides = array<i32>} : memref<2x64xi32, #tpu.memory_space<vmem>>, vector<16xi32>,
    tpu.vector_store %arg14[%swap3A_379, %swap3A_380], %select_n3A_377 {strides = array<i32>} : memref<2x64xi32, #tpu.memory_space<vmem>>, vector<16xi32>,
    %select_n3A_382 = arith.select %ne3A_329, %add3A_352, %add3A_351 : vector<16xi1>, vector<16xi32>
    %select_n3A_383 = arith.select %and3A_330, %add3A_353, %select_n3A_382 : vector<16xi1>, vector<16xi32>
    %swap3A_384 = arith.constant 0 : i32
    %swap3A_385 = arith.index_cast %swap3A_384 : i32 to index
    %swap3A_386 = arith.constant 0 : index
    %swap3A_387 = tpu.vector_load %arg16[%swap3A_385, %swap3A_386] {strides = array<i32>} : memref<2x64xi32, #tpu.memory_space<vmem>>, vector<16xi32>,
    tpu.vector_store %arg16[%swap3A_385, %swap3A_386], %select_n3A_383 {strides = array<i32>} : memref<2x64xi32, #tpu.memory_space<vmem>>, vector<16xi32>,
    %reduce_max3A = arith.constant true
    %reduce_max3A_388 = vector.broadcast %reduce_max3A : i1 to vector<16xi1>
    %reduce_max3A_389 = arith.constant -2147483648 : i32
    %reduce_max3A_390 = vector.broadcast %reduce_max3A_389 : i32 to vector<16xi32>
    %reduce_max3A_391 = arith.xori %masked_cumsum3A, %reduce_max3A_390 : vector<16xi32>
    %reduce_max3A_392 = tpu.scan <max>, %reduce_max3A_391 masked %reduce_max3A_388 : vector<16xi32>, vector<16xi1> -> vector<16xi32>
    %reduce_max3A_393 = arith.xori %reduce_max3A_392, %reduce_max3A_390 : vector<16xi32>
    %reduce_max3A_394 = vector.extract %reduce_max3A_393[15] : i32 from vector<16xi32>
    %add3A_395 = arith.constant 0 : i32
    %add3A_396 = arith.addi %add3A_395, %reduce_max3A_394 : i32
    %get3A_397 = arith.constant 0 : i32
    %get3A_398 = arith.index_cast %get3A_397 : i32 to index
    %get3A_399 = arith.constant 16 : index
    %get3A_400 = tpu.vector_load %arg6[%get3A_398, %get3A_399] {strides = array<i32>} : memref<2x64xf32, #tpu.memory_space<vmem>>, vector<16xf32>,
    %add3A_401 = arith.constant 1.000000e+00 : f32
    %add3A_402 = vector.broadcast %add3A_401 : f32 to vector<16xf32>
    %add3A_403 = arith.addf %get3A_400, %add3A_402 : vector<16xf32>
    %mul3A_404 = arith.constant 5.000000e-01 : f32
    %mul3A_405 = vector.broadcast %mul3A_404 : f32 to vector<16xf32>
    %mul3A_406 = arith.mulf %mul3A_405, %add3A_403 : vector<16xf32>
    %mul3A_407 = arith.constant 2.240000e+02 : f32
    %mul3A_408 = vector.broadcast %mul3A_407 : f32 to vector<16xf32>
    %mul3A_409 = arith.mulf %mul3A_406, %mul3A_408 : vector<16xf32>
    %get3A_410 = arith.constant 0 : i32
    %get3A_411 = arith.index_cast %get3A_410 : i32 to index
    %get3A_412 = arith.constant 16 : index
    %get3A_413 = tpu.vector_load %arg7[%get3A_411, %get3A_412] {strides = array<i32>} : memref<2x64xf32, #tpu.memory_space<vmem>>, vector<16xf32>,
    %add3A_414 = arith.constant 1.000000e+00 : f32
    %add3A_415 = vector.broadcast %add3A_414 : f32 to vector<16xf32>
    %add3A_416 = arith.addf %get3A_413, %add3A_415 : vector<16xf32>
    %mul3A_417 = arith.constant 5.000000e-01 : f32
    %mul3A_418 = vector.broadcast %mul3A_417 : f32 to vector<16xf32>
    %mul3A_419 = arith.mulf %mul3A_418, %add3A_416 : vector<16xf32>
    %mul3A_420 = arith.constant 2.240000e+02 : f32
    %mul3A_421 = vector.broadcast %mul3A_420 : f32 to vector<16xf32>
    %mul3A_422 = arith.mulf %mul3A_419, %mul3A_421 : vector<16xf32>
    %convert_element_type3A_423 = arith.fptosi %mul3A_409 : vector<16xf32> to vector<16xi32>
    %convert_element_type3A_424 = arith.fptosi %mul3A_422 : vector<16xf32> to vector<16xi32>
    %jit3A_425 = arith.constant 0 : i32
    %jit3A_426 = arith.constant 223 : i32
    %max3A_427 = vector.broadcast %jit3A_425 : i32 to vector<16xi32>
    %max3A_428 = arith.maxsi %max3A_427, %convert_element_type3A_423 : vector<16xi32>
    %min3A_429 = vector.broadcast %jit3A_426 : i32 to vector<16xi32>
    %min3A_430 = arith.minsi %min3A_429, %max3A_428 : vector<16xi32>
    %add3A_431 = arith.constant 1 : i32
    %add3A_432 = vector.broadcast %add3A_431 : i32 to vector<16xi32>
    %add3A_433 = arith.addi %convert_element_type3A_423, %add3A_432 : vector<16xi32>
    %jit3A_434 = arith.constant 0 : i32
    %jit3A_435 = arith.constant 223 : i32
    %max3A_436 = vector.broadcast %jit3A_434 : i32 to vector<16xi32>
    %max3A_437 = arith.maxsi %max3A_436, %add3A_433 : vector<16xi32>
    %min3A_438 = vector.broadcast %jit3A_435 : i32 to vector<16xi32>
    %min3A_439 = arith.minsi %min3A_438, %max3A_437 : vector<16xi32>
    %jit3A_440 = arith.constant 0 : i32
    %jit3A_441 = arith.constant 223 : i32
    %max3A_442 = vector.broadcast %jit3A_440 : i32 to vector<16xi32>
    %max3A_443 = arith.maxsi %max3A_442, %convert_element_type3A_424 : vector<16xi32>
    %min3A_444 = vector.broadcast %jit3A_441 : i32 to vector<16xi32>
    %min3A_445 = arith.minsi %min3A_444, %max3A_443 : vector<16xi32>
    %add3A_446 = arith.constant 1 : i32
    %add3A_447 = vector.broadcast %add3A_446 : i32 to vector<16xi32>
    %add3A_448 = arith.addi %convert_element_type3A_424, %add3A_447 : vector<16xi32>
    %jit3A_449 = arith.constant 0 : i32
    %jit3A_450 = arith.constant 223 : i32
    %max3A_451 = vector.broadcast %jit3A_449 : i32 to vector<16xi32>
    %max3A_452 = arith.maxsi %max3A_451, %add3A_448 : vector<16xi32>
    %min3A_453 = vector.broadcast %jit3A_450 : i32 to vector<16xi32>
    %min3A_454 = arith.minsi %min3A_453, %max3A_452 : vector<16xi32>
    %convert_element_type3A_455 = arith.sitofp %min3A_430 : vector<16xi32> to vector<16xf32>
    %convert_element_type3A_456 = arith.sitofp %min3A_439 : vector<16xi32> to vector<16xf32>
    %convert_element_type3A_457 = arith.sitofp %min3A_445 : vector<16xi32> to vector<16xf32>
    %convert_element_type3A_458 = arith.sitofp %min3A_454 : vector<16xi32> to vector<16xf32>
    %sub3A_459 = arith.subf %convert_element_type3A_456, %mul3A_409 : vector<16xf32>
    %sub3A_460 = arith.subf %convert_element_type3A_458, %mul3A_422 : vector<16xf32>
    %mul3A_461 = arith.mulf %sub3A_459, %sub3A_460 : vector<16xf32>
    %swap3A_462 = arith.constant 0 : i32
    %swap3A_463 = arith.index_cast %swap3A_462 : i32 to index
    %swap3A_464 = arith.constant 16 : index
    %swap3A_465 = tpu.vector_load %arg9[%swap3A_463, %swap3A_464] {strides = array<i32>} : memref<2x64xf32, #tpu.memory_space<vmem>>, vector<16xf32>,
    tpu.vector_store %arg9[%swap3A_463, %swap3A_464], %mul3A_461 {strides = array<i32>} : memref<2x64xf32, #tpu.memory_space<vmem>>, vector<16xf32>,
    %sub3A_466 = arith.subf %convert_element_type3A_456, %mul3A_409 : vector<16xf32>
    %sub3A_467 = arith.subf %mul3A_422, %convert_element_type3A_457 : vector<16xf32>
    %mul3A_468 = arith.mulf %sub3A_466, %sub3A_467 : vector<16xf32>
    %swap3A_469 = arith.constant 0 : i32
    %swap3A_470 = arith.index_cast %swap3A_469 : i32 to index
    %swap3A_471 = arith.constant 16 : index
    %swap3A_472 = tpu.vector_load %arg10[%swap3A_470, %swap3A_471] {strides = array<i32>} : memref<2x64xf32, #tpu.memory_space<vmem>>, vector<16xf32>,
    tpu.vector_store %arg10[%swap3A_470, %swap3A_471], %mul3A_468 {strides = array<i32>} : memref<2x64xf32, #tpu.memory_space<vmem>>, vector<16xf32>,
    %sub3A_473 = arith.subf %mul3A_409, %convert_element_type3A_455 : vector<16xf32>
    %sub3A_474 = arith.subf %convert_element_type3A_458, %mul3A_422 : vector<16xf32>
    %mul3A_475 = arith.mulf %sub3A_473, %sub3A_474 : vector<16xf32>
    %swap3A_476 = arith.constant 0 : i32
    %swap3A_477 = arith.index_cast %swap3A_476 : i32 to index
    %swap3A_478 = arith.constant 16 : index
    %swap3A_479 = tpu.vector_load %arg11[%swap3A_477, %swap3A_478] {strides = array<i32>} : memref<2x64xf32, #tpu.memory_space<vmem>>, vector<16xf32>,
    tpu.vector_store %arg11[%swap3A_477, %swap3A_478], %mul3A_475 {strides = array<i32>} : memref<2x64xf32, #tpu.memory_space<vmem>>, vector<16xf32>,
    %sub3A_480 = arith.subf %mul3A_409, %convert_element_type3A_455 : vector<16xf32>
    %sub3A_481 = arith.subf %mul3A_422, %convert_element_type3A_457 : vector<16xf32>
    %mul3A_482 = arith.mulf %sub3A_480, %sub3A_481 : vector<16xf32>
    %swap3A_483 = arith.constant 0 : i32
    %swap3A_484 = arith.index_cast %swap3A_483 : i32 to index
    %swap3A_485 = arith.constant 16 : index
    %swap3A_486 = tpu.vector_load %arg12[%swap3A_484, %swap3A_485] {strides = array<i32>} : memref<2x64xf32, #tpu.memory_space<vmem>>, vector<16xf32>,
    tpu.vector_store %arg12[%swap3A_484, %swap3A_485], %mul3A_482 {strides = array<i32>} : memref<2x64xf32, #tpu.memory_space<vmem>>, vector<16xf32>,
    %mul3A_487 = arith.constant 224 : i32
    %mul3A_488 = vector.broadcast %mul3A_487 : i32 to vector<16xi32>
    %mul3A_489 = arith.muli %min3A_445, %mul3A_488 : vector<16xi32>
    %add3A_490 = vector.broadcast %mul3A_20 : i32 to vector<16xi32>
    %add3A_491 = arith.addi %add3A_490, %mul3A_489 : vector<16xi32>
    %mul3A_492 = arith.constant 224 : i32
    %mul3A_493 = vector.broadcast %mul3A_492 : i32 to vector<16xi32>
    %mul3A_494 = arith.muli %min3A_454, %mul3A_493 : vector<16xi32>
    %add3A_495 = vector.broadcast %mul3A_20 : i32 to vector<16xi32>
    %add3A_496 = arith.addi %add3A_495, %mul3A_494 : vector<16xi32>
    %add3A_497 = arith.addi %add3A_491, %min3A_430 : vector<16xi32>
    %add3A_498 = arith.addi %add3A_496, %min3A_430 : vector<16xi32>
    %add3A_499 = arith.addi %add3A_491, %min3A_439 : vector<16xi32>
    %add3A_500 = arith.addi %add3A_496, %min3A_439 : vector<16xi32>
    %swap3A_501 = arith.constant 0 : i32
    %swap3A_502 = arith.index_cast %swap3A_501 : i32 to index
    %swap3A_503 = arith.constant 16 : index
    %swap3A_504 = tpu.vector_load %arg8[%swap3A_502, %swap3A_503] {strides = array<i32>} : memref<2x64xi32, #tpu.memory_space<vmem>>, vector<16xi32>,
    tpu.vector_store %arg8[%swap3A_502, %swap3A_503], %add3A_500 {strides = array<i32>} : memref<2x64xi32, #tpu.memory_space<vmem>>, vector<16xi32>,
    %add3A_505 = arith.constant 15 : i32
    %add3A_506 = vector.broadcast %add3A_505 : i32 to vector<16xi32>
    %add3A_507 = arith.addi %iota3A, %add3A_506 : vector<16xi32>
    %max3A_508 = arith.constant 0 : i32
    %max3A_509 = vector.broadcast %max3A_508 : i32 to vector<16xi32>
    %max3A_510 = arith.maxsi %add3A_507, %max3A_509 : vector<16xi32>
    %gather3A_511 = arith.constant 0 : i32
    %gather3A_512 = arith.constant 0 : i32
    %gather3A_513 = tpu.memref_slice %arg8[%gather3A_511, %gather3A_512] : memref<2x64xi32, #tpu.memory_space<vmem>> -> memref<1x64xi32, #tpu.memory_space<vmem>>
    %gather3A_514 = tpu.memref_squeeze %gather3A_513 : memref<1x64xi32, #tpu.memory_space<vmem>> -> memref<64xi32, #tpu.memory_space<vmem>>
    %gather3A_515 = tpu.vector_load_idx %gather3A_514[%max3A_510] : memref<64xi32, #tpu.memory_space<vmem>>[vector<16xi32>], vector<16xi32>,
    %ne3A_516 = arith.cmpi ne, %min3A_439, %min3A_430 : vector<16xi32>
    %ne3A_517 = arith.cmpi ne, %min3A_454, %min3A_445 : vector<16xi32>
    %and3A_518 = arith.andi %ne3A_516, %ne3A_517 : vector<16xi1>
    %ne3A_519 = arith.cmpi ne, %add3A_497, %gather3A_515 : vector<16xi32>
    %convert_element_type3A_520 = arith.extui %ne3A_519 : vector<16xi1> to vector<16xi32>
    %convert_element_type3A_521 = arith.extui %ne3A_516 : vector<16xi1> to vector<16xi32>
    %convert_element_type3A_522 = arith.extui %ne3A_517 : vector<16xi1> to vector<16xi32>
    %mul3A_523 = arith.muli %convert_element_type3A_521, %convert_element_type3A_522 : vector<16xi32>
    %add3A_524 = arith.addi %convert_element_type3A_520, %convert_element_type3A_521 : vector<16xi32>
    %add3A_525 = arith.addi %add3A_524, %convert_element_type3A_522 : vector<16xi32>
    %add3A_526 = arith.addi %add3A_525, %mul3A_523 : vector<16xi32>
    %broadcast_in_dim3A_527 = arith.constant true
    %broadcast_in_dim3A_528 = vector.broadcast %broadcast_in_dim3A_527 : i1 to vector<16xi1>
    %masked_cumsum3A_529 = tpu.scan <sum>, %add3A_526 masked %broadcast_in_dim3A_528 : vector<16xi32>, vector<16xi1> -> vector<16xi32>
    %add3A_530 = vector.broadcast %add3A_396 : i32 to vector<16xi32>
    %add3A_531 = arith.addi %add3A_530, %masked_cumsum3A_529 : vector<16xi32>
    %sub3A_532 = arith.subi %add3A_531, %add3A_526 : vector<16xi32>
    %add3A_533 = arith.addi %sub3A_532, %convert_element_type3A_520 : vector<16xi32>
    %sub3A_534 = arith.constant 1 : i32
    %sub3A_535 = vector.broadcast %sub3A_534 : i32 to vector<16xi32>
    %sub3A_536 = arith.subi %add3A_533, %sub3A_535 : vector<16xi32>
    %add3A_537 = arith.addi %sub3A_536, %convert_element_type3A_521 : vector<16xi32>
    %add3A_538 = arith.addi %add3A_537, %convert_element_type3A_522 : vector<16xi32>
    %add3A_539 = arith.addi %add3A_538, %mul3A_523 : vector<16xi32>
    %scatter3A_540 = arith.constant 0 : i32
    %scatter3A_541 = arith.constant 0 : i32
    %scatter3A_542 = tpu.memref_slice %arg17[%scatter3A_540, %scatter3A_541] : memref<2x256xi32, #tpu.memory_space<vmem>> -> memref<1x256xi32, #tpu.memory_space<vmem>>
    %scatter3A_543 = tpu.memref_squeeze %scatter3A_542 : memref<1x256xi32, #tpu.memory_space<vmem>> -> memref<256xi32, #tpu.memory_space<vmem>>
    tpu.vector_store_idx %scatter3A_543[%sub3A_536], %add3A_497 masked %ne3A_519 : memref<256xi32, #tpu.memory_space<vmem>>[vector<16xi32>], vector<16xi32>, vector<16xi1>
    %scatter3A_544 = arith.constant 0 : i32
    %scatter3A_545 = arith.constant 0 : i32
    %scatter3A_546 = tpu.memref_slice %arg17[%scatter3A_544, %scatter3A_545] : memref<2x256xi32, #tpu.memory_space<vmem>> -> memref<1x256xi32, #tpu.memory_space<vmem>>
    %scatter3A_547 = tpu.memref_squeeze %scatter3A_546 : memref<1x256xi32, #tpu.memory_space<vmem>> -> memref<256xi32, #tpu.memory_space<vmem>>
    tpu.vector_store_idx %scatter3A_547[%add3A_537], %add3A_499 masked %ne3A_516 : memref<256xi32, #tpu.memory_space<vmem>>[vector<16xi32>], vector<16xi32>, vector<16xi1>
    %scatter3A_548 = arith.constant 0 : i32
    %scatter3A_549 = arith.constant 0 : i32
    %scatter3A_550 = tpu.memref_slice %arg17[%scatter3A_548, %scatter3A_549] : memref<2x256xi32, #tpu.memory_space<vmem>> -> memref<1x256xi32, #tpu.memory_space<vmem>>
    %scatter3A_551 = tpu.memref_squeeze %scatter3A_550 : memref<1x256xi32, #tpu.memory_space<vmem>> -> memref<256xi32, #tpu.memory_space<vmem>>
    tpu.vector_store_idx %scatter3A_551[%add3A_538], %add3A_498 masked %ne3A_517 : memref<256xi32, #tpu.memory_space<vmem>>[vector<16xi32>], vector<16xi32>, vector<16xi1>
    %scatter3A_552 = arith.constant 0 : i32
    %scatter3A_553 = arith.constant 0 : i32
    %scatter3A_554 = tpu.memref_slice %arg17[%scatter3A_552, %scatter3A_553] : memref<2x256xi32, #tpu.memory_space<vmem>> -> memref<1x256xi32, #tpu.memory_space<vmem>>
    %scatter3A_555 = tpu.memref_squeeze %scatter3A_554 : memref<1x256xi32, #tpu.memory_space<vmem>> -> memref<256xi32, #tpu.memory_space<vmem>>
    tpu.vector_store_idx %scatter3A_555[%add3A_539], %add3A_500 masked %and3A_518 : memref<256xi32, #tpu.memory_space<vmem>>[vector<16xi32>], vector<16xi32>, vector<16xi1>
    %swap3A_556 = arith.constant 0 : i32
    %swap3A_557 = arith.index_cast %swap3A_556 : i32 to index
    %swap3A_558 = arith.constant 16 : index
    %swap3A_559 = tpu.vector_load %arg13[%swap3A_557, %swap3A_558] {strides = array<i32>} : memref<2x64xi32, #tpu.memory_space<vmem>>, vector<16xi32>,
    tpu.vector_store %arg13[%swap3A_557, %swap3A_558], %sub3A_536 {strides = array<i32>} : memref<2x64xi32, #tpu.memory_space<vmem>>, vector<16xi32>,
    %swap3A_560 = arith.constant 0 : i32
    %swap3A_561 = arith.index_cast %swap3A_560 : i32 to index
    %swap3A_562 = arith.constant 16 : index
    %swap3A_563 = tpu.vector_load %arg15[%swap3A_561, %swap3A_562] {strides = array<i32>} : memref<2x64xi32, #tpu.memory_space<vmem>>, vector<16xi32>,
    tpu.vector_store %arg15[%swap3A_561, %swap3A_562], %add3A_537 {strides = array<i32>} : memref<2x64xi32, #tpu.memory_space<vmem>>, vector<16xi32>,
    %select_n3A_564 = arith.select %ne3A_517, %add3A_538, %sub3A_536 : vector<16xi1>, vector<16xi32>
    %swap3A_565 = arith.constant 0 : i32
    %swap3A_566 = arith.index_cast %swap3A_565 : i32 to index
    %swap3A_567 = arith.constant 16 : index
    %swap3A_568 = tpu.vector_load %arg14[%swap3A_566, %swap3A_567] {strides = array<i32>} : memref<2x64xi32, #tpu.memory_space<vmem>>, vector<16xi32>,
    tpu.vector_store %arg14[%swap3A_566, %swap3A_567], %select_n3A_564 {strides = array<i32>} : memref<2x64xi32, #tpu.memory_space<vmem>>, vector<16xi32>,
    %select_n3A_569 = arith.select %ne3A_517, %add3A_538, %add3A_537 : vector<16xi1>, vector<16xi32>
    %select_n3A_570 = arith.select %and3A_518, %add3A_539, %select_n3A_569 : vector<16xi1>, vector<16xi32>
    %swap3A_571 = arith.constant 0 : i32
    %swap3A_572 = arith.index_cast %swap3A_571 : i32 to index
    %swap3A_573 = arith.constant 16 : index
    %swap3A_574 = tpu.vector_load %arg16[%swap3A_572, %swap3A_573] {strides = array<i32>} : memref<2x64xi32, #tpu.memory_space<vmem>>, vector<16xi32>,
    tpu.vector_store %arg16[%swap3A_572, %swap3A_573], %select_n3A_570 {strides = array<i32>} : memref<2x64xi32, #tpu.memory_space<vmem>>, vector<16xi32>,
    %reduce_max3A_575 = arith.constant true
    %reduce_max3A_576 = vector.broadcast %reduce_max3A_575 : i1 to vector<16xi1>
    %reduce_max3A_577 = arith.constant -2147483648 : i32
    %reduce_max3A_578 = vector.broadcast %reduce_max3A_577 : i32 to vector<16xi32>
    %reduce_max3A_579 = arith.xori %masked_cumsum3A_529, %reduce_max3A_578 : vector<16xi32>
    %reduce_max3A_580 = tpu.scan <max>, %reduce_max3A_579 masked %reduce_max3A_576 : vector<16xi32>, vector<16xi1> -> vector<16xi32>
    %reduce_max3A_581 = arith.xori %reduce_max3A_580, %reduce_max3A_578 : vector<16xi32>
    %reduce_max3A_582 = vector.extract %reduce_max3A_581[15] : i32 from vector<16xi32>
    %add3A_583 = arith.addi %add3A_396, %reduce_max3A_582 : i32
    %get3A_584 = arith.constant 0 : i32
    %get3A_585 = arith.index_cast %get3A_584 : i32 to index
    %get3A_586 = arith.constant 32 : index
    %get3A_587 = tpu.vector_load %arg6[%get3A_585, %get3A_586] {strides = array<i32>} : memref<2x64xf32, #tpu.memory_space<vmem>>, vector<16xf32>,
    %add3A_588 = arith.constant 1.000000e+00 : f32
    %add3A_589 = vector.broadcast %add3A_588 : f32 to vector<16xf32>
    %add3A_590 = arith.addf %get3A_587, %add3A_589 : vector<16xf32>
    %mul3A_591 = arith.constant 5.000000e-01 : f32
    %mul3A_592 = vector.broadcast %mul3A_591 : f32 to vector<16xf32>
    %mul3A_593 = arith.mulf %mul3A_592, %add3A_590 : vector<16xf32>
    %mul3A_594 = arith.constant 2.240000e+02 : f32
    %mul3A_595 = vector.broadcast %mul3A_594 : f32 to vector<16xf32>
    %mul3A_596 = arith.mulf %mul3A_593, %mul3A_595 : vector<16xf32>
    %get3A_597 = arith.constant 0 : i32
    %get3A_598 = arith.index_cast %get3A_597 : i32 to index
    %get3A_599 = arith.constant 32 : index
    %get3A_600 = tpu.vector_load %arg7[%get3A_598, %get3A_599] {strides = array<i32>} : memref<2x64xf32, #tpu.memory_space<vmem>>, vector<16xf32>,
    %add3A_601 = arith.constant 1.000000e+00 : f32
    %add3A_602 = vector.broadcast %add3A_601 : f32 to vector<16xf32>
    %add3A_603 = arith.addf %get3A_600, %add3A_602 : vector<16xf32>
    %mul3A_604 = arith.constant 5.000000e-01 : f32
    %mul3A_605 = vector.broadcast %mul3A_604 : f32 to vector<16xf32>
    %mul3A_606 = arith.mulf %mul3A_605, %add3A_603 : vector<16xf32>
    %mul3A_607 = arith.constant 2.240000e+02 : f32
    %mul3A_608 = vector.broadcast %mul3A_607 : f32 to vector<16xf32>
    %mul3A_609 = arith.mulf %mul3A_606, %mul3A_608 : vector<16xf32>
    %convert_element_type3A_610 = arith.fptosi %mul3A_596 : vector<16xf32> to vector<16xi32>
    %convert_element_type3A_611 = arith.fptosi %mul3A_609 : vector<16xf32> to vector<16xi32>
    %jit3A_612 = arith.constant 0 : i32
    %jit3A_613 = arith.constant 223 : i32
    %max3A_614 = vector.broadcast %jit3A_612 : i32 to vector<16xi32>
    %max3A_615 = arith.maxsi %max3A_614, %convert_element_type3A_610 : vector<16xi32>
    %min3A_616 = vector.broadcast %jit3A_613 : i32 to vector<16xi32>
    %min3A_617 = arith.minsi %min3A_616, %max3A_615 : vector<16xi32>
    %add3A_618 = arith.constant 1 : i32
    %add3A_619 = vector.broadcast %add3A_618 : i32 to vector<16xi32>
    %add3A_620 = arith.addi %convert_element_type3A_610, %add3A_619 : vector<16xi32>
    %jit3A_621 = arith.constant 0 : i32
    %jit3A_622 = arith.constant 223 : i32
    %max3A_623 = vector.broadcast %jit3A_621 : i32 to vector<16xi32>
    %max3A_624 = arith.maxsi %max3A_623, %add3A_620 : vector<16xi32>
    %min3A_625 = vector.broadcast %jit3A_622 : i32 to vector<16xi32>
    %min3A_626 = arith.minsi %min3A_625, %max3A_624 : vector<16xi32>
    %jit3A_627 = arith.constant 0 : i32
    %jit3A_628 = arith.constant 223 : i32
    %max3A_629 = vector.broadcast %jit3A_627 : i32 to vector<16xi32>
    %max3A_630 = arith.maxsi %max3A_629, %convert_element_type3A_611 : vector<16xi32>
    %min3A_631 = vector.broadcast %jit3A_628 : i32 to vector<16xi32>
    %min3A_632 = arith.minsi %min3A_631, %max3A_630 : vector<16xi32>
    %add3A_633 = arith.constant 1 : i32
    %add3A_634 = vector.broadcast %add3A_633 : i32 to vector<16xi32>
    %add3A_635 = arith.addi %convert_element_type3A_611, %add3A_634 : vector<16xi32>
    %jit3A_636 = arith.constant 0 : i32
    %jit3A_637 = arith.constant 223 : i32
    %max3A_638 = vector.broadcast %jit3A_636 : i32 to vector<16xi32>
    %max3A_639 = arith.maxsi %max3A_638, %add3A_635 : vector<16xi32>
    %min3A_640 = vector.broadcast %jit3A_637 : i32 to vector<16xi32>
    %min3A_641 = arith.minsi %min3A_640, %max3A_639 : vector<16xi32>
    %convert_element_type3A_642 = arith.sitofp %min3A_617 : vector<16xi32> to vector<16xf32>
    %convert_element_type3A_643 = arith.sitofp %min3A_626 : vector<16xi32> to vector<16xf32>
    %convert_element_type3A_644 = arith.sitofp %min3A_632 : vector<16xi32> to vector<16xf32>
    %convert_element_type3A_645 = arith.sitofp %min3A_641 : vector<16xi32> to vector<16xf32>
    %sub3A_646 = arith.subf %convert_element_type3A_643, %mul3A_596 : vector<16xf32>
    %sub3A_647 = arith.subf %convert_element_type3A_645, %mul3A_609 : vector<16xf32>
    %mul3A_648 = arith.mulf %sub3A_646, %sub3A_647 : vector<16xf32>
    %swap3A_649 = arith.constant 0 : i32
    %swap3A_650 = arith.index_cast %swap3A_649 : i32 to index
    %swap3A_651 = arith.constant 32 : index
    %swap3A_652 = tpu.vector_load %arg9[%swap3A_650, %swap3A_651] {strides = array<i32>} : memref<2x64xf32, #tpu.memory_space<vmem>>, vector<16xf32>,
    tpu.vector_store %arg9[%swap3A_650, %swap3A_651], %mul3A_648 {strides = array<i32>} : memref<2x64xf32, #tpu.memory_space<vmem>>, vector<16xf32>,
    %sub3A_653 = arith.subf %convert_element_type3A_643, %mul3A_596 : vector<16xf32>
    %sub3A_654 = arith.subf %mul3A_609, %convert_element_type3A_644 : vector<16xf32>
    %mul3A_655 = arith.mulf %sub3A_653, %sub3A_654 : vector<16xf32>
    %swap3A_656 = arith.constant 0 : i32
    %swap3A_657 = arith.index_cast %swap3A_656 : i32 to index
    %swap3A_658 = arith.constant 32 : index
    %swap3A_659 = tpu.vector_load %arg10[%swap3A_657, %swap3A_658] {strides = array<i32>} : memref<2x64xf32, #tpu.memory_space<vmem>>, vector<16xf32>,
    tpu.vector_store %arg10[%swap3A_657, %swap3A_658], %mul3A_655 {strides = array<i32>} : memref<2x64xf32, #tpu.memory_space<vmem>>, vector<16xf32>,
    %sub3A_660 = arith.subf %mul3A_596, %convert_element_type3A_642 : vector<16xf32>
    %sub3A_661 = arith.subf %convert_element_type3A_645, %mul3A_609 : vector<16xf32>
    %mul3A_662 = arith.mulf %sub3A_660, %sub3A_661 : vector<16xf32>
    %swap3A_663 = arith.constant 0 : i32
    %swap3A_664 = arith.index_cast %swap3A_663 : i32 to index
    %swap3A_665 = arith.constant 32 : index
    %swap3A_666 = tpu.vector_load %arg11[%swap3A_664, %swap3A_665] {strides = array<i32>} : memref<2x64xf32, #tpu.memory_space<vmem>>, vector<16xf32>,
    tpu.vector_store %arg11[%swap3A_664, %swap3A_665], %mul3A_662 {strides = array<i32>} : memref<2x64xf32, #tpu.memory_space<vmem>>, vector<16xf32>,
    %sub3A_667 = arith.subf %mul3A_596, %convert_element_type3A_642 : vector<16xf32>
    %sub3A_668 = arith.subf %mul3A_609, %convert_element_type3A_644 : vector<16xf32>
    %mul3A_669 = arith.mulf %sub3A_667, %sub3A_668 : vector<16xf32>
    %swap3A_670 = arith.constant 0 : i32
    %swap3A_671 = arith.index_cast %swap3A_670 : i32 to index
    %swap3A_672 = arith.constant 32 : index
    %swap3A_673 = tpu.vector_load %arg12[%swap3A_671, %swap3A_672] {strides = array<i32>} : memref<2x64xf32, #tpu.memory_space<vmem>>, vector<16xf32>,
    tpu.vector_store %arg12[%swap3A_671, %swap3A_672], %mul3A_669 {strides = array<i32>} : memref<2x64xf32, #tpu.memory_space<vmem>>, vector<16xf32>,
    %mul3A_674 = arith.constant 224 : i32
    %mul3A_675 = vector.broadcast %mul3A_674 : i32 to vector<16xi32>
    %mul3A_676 = arith.muli %min3A_632, %mul3A_675 : vector<16xi32>
    %add3A_677 = vector.broadcast %mul3A_20 : i32 to vector<16xi32>
    %add3A_678 = arith.addi %add3A_677, %mul3A_676 : vector<16xi32>
    %mul3A_679 = arith.constant 224 : i32
    %mul3A_680 = vector.broadcast %mul3A_679 : i32 to vector<16xi32>
    %mul3A_681 = arith.muli %min3A_641, %mul3A_680 : vector<16xi32>
    %add3A_682 = vector.broadcast %mul3A_20 : i32 to vector<16xi32>
    %add3A_683 = arith.addi %add3A_682, %mul3A_681 : vector<16xi32>
    %add3A_684 = arith.addi %add3A_678, %min3A_617 : vector<16xi32>
    %add3A_685 = arith.addi %add3A_683, %min3A_617 : vector<16xi32>
    %add3A_686 = arith.addi %add3A_678, %min3A_626 : vector<16xi32>
    %add3A_687 = arith.addi %add3A_683, %min3A_626 : vector<16xi32>
    %swap3A_688 = arith.constant 0 : i32
    %swap3A_689 = arith.index_cast %swap3A_688 : i32 to index
    %swap3A_690 = arith.constant 32 : index
    %swap3A_691 = tpu.vector_load %arg8[%swap3A_689, %swap3A_690] {strides = array<i32>} : memref<2x64xi32, #tpu.memory_space<vmem>>, vector<16xi32>,
    tpu.vector_store %arg8[%swap3A_689, %swap3A_690], %add3A_687 {strides = array<i32>} : memref<2x64xi32, #tpu.memory_space<vmem>>, vector<16xi32>,
    %add3A_692 = arith.constant 31 : i32
    %add3A_693 = vector.broadcast %add3A_692 : i32 to vector<16xi32>
    %add3A_694 = arith.addi %iota3A, %add3A_693 : vector<16xi32>
    %max3A_695 = arith.constant 0 : i32
    %max3A_696 = vector.broadcast %max3A_695 : i32 to vector<16xi32>
    %max3A_697 = arith.maxsi %add3A_694, %max3A_696 : vector<16xi32>
    %gather3A_698 = arith.constant 0 : i32
    %gather3A_699 = arith.constant 0 : i32
    %gather3A_700 = tpu.memref_slice %arg8[%gather3A_698, %gather3A_699] : memref<2x64xi32, #tpu.memory_space<vmem>> -> memref<1x64xi32, #tpu.memory_space<vmem>>
    %gather3A_701 = tpu.memref_squeeze %gather3A_700 : memref<1x64xi32, #tpu.memory_space<vmem>> -> memref<64xi32, #tpu.memory_space<vmem>>
    %gather3A_702 = tpu.vector_load_idx %gather3A_701[%max3A_697] : memref<64xi32, #tpu.memory_space<vmem>>[vector<16xi32>], vector<16xi32>,
    %ne3A_703 = arith.cmpi ne, %min3A_626, %min3A_617 : vector<16xi32>
    %ne3A_704 = arith.cmpi ne, %min3A_641, %min3A_632 : vector<16xi32>
    %and3A_705 = arith.andi %ne3A_703, %ne3A_704 : vector<16xi1>
    %ne3A_706 = arith.cmpi ne, %add3A_684, %gather3A_702 : vector<16xi32>
    %convert_element_type3A_707 = arith.extui %ne3A_706 : vector<16xi1> to vector<16xi32>
    %convert_element_type3A_708 = arith.extui %ne3A_703 : vector<16xi1> to vector<16xi32>
    %convert_element_type3A_709 = arith.extui %ne3A_704 : vector<16xi1> to vector<16xi32>
    %mul3A_710 = arith.muli %convert_element_type3A_708, %convert_element_type3A_709 : vector<16xi32>
    %add3A_711 = arith.addi %convert_element_type3A_707, %convert_element_type3A_708 : vector<16xi32>
    %add3A_712 = arith.addi %add3A_711, %convert_element_type3A_709 : vector<16xi32>
    %add3A_713 = arith.addi %add3A_712, %mul3A_710 : vector<16xi32>
    %broadcast_in_dim3A_714 = arith.constant true
    %broadcast_in_dim3A_715 = vector.broadcast %broadcast_in_dim3A_714 : i1 to vector<16xi1>
    %masked_cumsum3A_716 = tpu.scan <sum>, %add3A_713 masked %broadcast_in_dim3A_715 : vector<16xi32>, vector<16xi1> -> vector<16xi32>
    %add3A_717 = vector.broadcast %add3A_583 : i32 to vector<16xi32>
    %add3A_718 = arith.addi %add3A_717, %masked_cumsum3A_716 : vector<16xi32>
    %sub3A_719 = arith.subi %add3A_718, %add3A_713 : vector<16xi32>
    %add3A_720 = arith.addi %sub3A_719, %convert_element_type3A_707 : vector<16xi32>
    %sub3A_721 = arith.constant 1 : i32
    %sub3A_722 = vector.broadcast %sub3A_721 : i32 to vector<16xi32>
    %sub3A_723 = arith.subi %add3A_720, %sub3A_722 : vector<16xi32>
    %add3A_724 = arith.addi %sub3A_723, %convert_element_type3A_708 : vector<16xi32>
    %add3A_725 = arith.addi %add3A_724, %convert_element_type3A_709 : vector<16xi32>
    %add3A_726 = arith.addi %add3A_725, %mul3A_710 : vector<16xi32>
    %scatter3A_727 = arith.constant 0 : i32
    %scatter3A_728 = arith.constant 0 : i32
    %scatter3A_729 = tpu.memref_slice %arg17[%scatter3A_727, %scatter3A_728] : memref<2x256xi32, #tpu.memory_space<vmem>> -> memref<1x256xi32, #tpu.memory_space<vmem>>
    %scatter3A_730 = tpu.memref_squeeze %scatter3A_729 : memref<1x256xi32, #tpu.memory_space<vmem>> -> memref<256xi32, #tpu.memory_space<vmem>>
    tpu.vector_store_idx %scatter3A_730[%sub3A_723], %add3A_684 masked %ne3A_706 : memref<256xi32, #tpu.memory_space<vmem>>[vector<16xi32>], vector<16xi32>, vector<16xi1>
    %scatter3A_731 = arith.constant 0 : i32
    %scatter3A_732 = arith.constant 0 : i32
    %scatter3A_733 = tpu.memref_slice %arg17[%scatter3A_731, %scatter3A_732] : memref<2x256xi32, #tpu.memory_space<vmem>> -> memref<1x256xi32, #tpu.memory_space<vmem>>
    %scatter3A_734 = tpu.memref_squeeze %scatter3A_733 : memref<1x256xi32, #tpu.memory_space<vmem>> -> memref<256xi32, #tpu.memory_space<vmem>>
    tpu.vector_store_idx %scatter3A_734[%add3A_724], %add3A_686 masked %ne3A_703 : memref<256xi32, #tpu.memory_space<vmem>>[vector<16xi32>], vector<16xi32>, vector<16xi1>
    %scatter3A_735 = arith.constant 0 : i32
    %scatter3A_736 = arith.constant 0 : i32
    %scatter3A_737 = tpu.memref_slice %arg17[%scatter3A_735, %scatter3A_736] : memref<2x256xi32, #tpu.memory_space<vmem>> -> memref<1x256xi32, #tpu.memory_space<vmem>>
    %scatter3A_738 = tpu.memref_squeeze %scatter3A_737 : memref<1x256xi32, #tpu.memory_space<vmem>> -> memref<256xi32, #tpu.memory_space<vmem>>
    tpu.vector_store_idx %scatter3A_738[%add3A_725], %add3A_685 masked %ne3A_704 : memref<256xi32, #tpu.memory_space<vmem>>[vector<16xi32>], vector<16xi32>, vector<16xi1>
    %scatter3A_739 = arith.constant 0 : i32
    %scatter3A_740 = arith.constant 0 : i32
    %scatter3A_741 = tpu.memref_slice %arg17[%scatter3A_739, %scatter3A_740] : memref<2x256xi32, #tpu.memory_space<vmem>> -> memref<1x256xi32, #tpu.memory_space<vmem>>
    %scatter3A_742 = tpu.memref_squeeze %scatter3A_741 : memref<1x256xi32, #tpu.memory_space<vmem>> -> memref<256xi32, #tpu.memory_space<vmem>>
    tpu.vector_store_idx %scatter3A_742[%add3A_726], %add3A_687 masked %and3A_705 : memref<256xi32, #tpu.memory_space<vmem>>[vector<16xi32>], vector<16xi32>, vector<16xi1>
    %swap3A_743 = arith.constant 0 : i32
    %swap3A_744 = arith.index_cast %swap3A_743 : i32 to index
    %swap3A_745 = arith.constant 32 : index
    %swap3A_746 = tpu.vector_load %arg13[%swap3A_744, %swap3A_745] {strides = array<i32>} : memref<2x64xi32, #tpu.memory_space<vmem>>, vector<16xi32>,
    tpu.vector_store %arg13[%swap3A_744, %swap3A_745], %sub3A_723 {strides = array<i32>} : memref<2x64xi32, #tpu.memory_space<vmem>>, vector<16xi32>,
    %swap3A_747 = arith.constant 0 : i32
    %swap3A_748 = arith.index_cast %swap3A_747 : i32 to index
    %swap3A_749 = arith.constant 32 : index
    %swap3A_750 = tpu.vector_load %arg15[%swap3A_748, %swap3A_749] {strides = array<i32>} : memref<2x64xi32, #tpu.memory_space<vmem>>, vector<16xi32>,
    tpu.vector_store %arg15[%swap3A_748, %swap3A_749], %add3A_724 {strides = array<i32>} : memref<2x64xi32, #tpu.memory_space<vmem>>, vector<16xi32>,
    %select_n3A_751 = arith.select %ne3A_704, %add3A_725, %sub3A_723 : vector<16xi1>, vector<16xi32>
    %swap3A_752 = arith.constant 0 : i32
    %swap3A_753 = arith.index_cast %swap3A_752 : i32 to index
    %swap3A_754 = arith.constant 32 : index
    %swap3A_755 = tpu.vector_load %arg14[%swap3A_753, %swap3A_754] {strides = array<i32>} : memref<2x64xi32, #tpu.memory_space<vmem>>, vector<16xi32>,
    tpu.vector_store %arg14[%swap3A_753, %swap3A_754], %select_n3A_751 {strides = array<i32>} : memref<2x64xi32, #tpu.memory_space<vmem>>, vector<16xi32>,
    %select_n3A_756 = arith.select %ne3A_704, %add3A_725, %add3A_724 : vector<16xi1>, vector<16xi32>
    %select_n3A_757 = arith.select %and3A_705, %add3A_726, %select_n3A_756 : vector<16xi1>, vector<16xi32>
    %swap3A_758 = arith.constant 0 : i32
    %swap3A_759 = arith.index_cast %swap3A_758 : i32 to index
    %swap3A_760 = arith.constant 32 : index
    %swap3A_761 = tpu.vector_load %arg16[%swap3A_759, %swap3A_760] {strides = array<i32>} : memref<2x64xi32, #tpu.memory_space<vmem>>, vector<16xi32>,
    tpu.vector_store %arg16[%swap3A_759, %swap3A_760], %select_n3A_757 {strides = array<i32>} : memref<2x64xi32, #tpu.memory_space<vmem>>, vector<16xi32>,
    %reduce_max3A_762 = arith.constant true
    %reduce_max3A_763 = vector.broadcast %reduce_max3A_762 : i1 to vector<16xi1>
    %reduce_max3A_764 = arith.constant -2147483648 : i32
    %reduce_max3A_765 = vector.broadcast %reduce_max3A_764 : i32 to vector<16xi32>
    %reduce_max3A_766 = arith.xori %masked_cumsum3A_716, %reduce_max3A_765 : vector<16xi32>
    %reduce_max3A_767 = tpu.scan <max>, %reduce_max3A_766 masked %reduce_max3A_763 : vector<16xi32>, vector<16xi1> -> vector<16xi32>
    %reduce_max3A_768 = arith.xori %reduce_max3A_767, %reduce_max3A_765 : vector<16xi32>
    %reduce_max3A_769 = vector.extract %reduce_max3A_768[15] : i32 from vector<16xi32>
    %add3A_770 = arith.addi %add3A_583, %reduce_max3A_769 : i32
    %get3A_771 = arith.constant 0 : i32
    %get3A_772 = arith.index_cast %get3A_771 : i32 to index
    %get3A_773 = arith.constant 48 : index
    %get3A_774 = tpu.vector_load %arg6[%get3A_772, %get3A_773] {strides = array<i32>} : memref<2x64xf32, #tpu.memory_space<vmem>>, vector<16xf32>,
    %add3A_775 = arith.constant 1.000000e+00 : f32
    %add3A_776 = vector.broadcast %add3A_775 : f32 to vector<16xf32>
    %add3A_777 = arith.addf %get3A_774, %add3A_776 : vector<16xf32>
    %mul3A_778 = arith.constant 5.000000e-01 : f32
    %mul3A_779 = vector.broadcast %mul3A_778 : f32 to vector<16xf32>
    %mul3A_780 = arith.mulf %mul3A_779, %add3A_777 : vector<16xf32>
    %mul3A_781 = arith.constant 2.240000e+02 : f32
    %mul3A_782 = vector.broadcast %mul3A_781 : f32 to vector<16xf32>
    %mul3A_783 = arith.mulf %mul3A_780, %mul3A_782 : vector<16xf32>
    %get3A_784 = arith.constant 0 : i32
    %get3A_785 = arith.index_cast %get3A_784 : i32 to index
    %get3A_786 = arith.constant 48 : index
    %get3A_787 = tpu.vector_load %arg7[%get3A_785, %get3A_786] {strides = array<i32>} : memref<2x64xf32, #tpu.memory_space<vmem>>, vector<16xf32>,
    %add3A_788 = arith.constant 1.000000e+00 : f32
    %add3A_789 = vector.broadcast %add3A_788 : f32 to vector<16xf32>
    %add3A_790 = arith.addf %get3A_787, %add3A_789 : vector<16xf32>
    %mul3A_791 = arith.constant 5.000000e-01 : f32
    %mul3A_792 = vector.broadcast %mul3A_791 : f32 to vector<16xf32>
    %mul3A_793 = arith.mulf %mul3A_792, %add3A_790 : vector<16xf32>
    %mul3A_794 = arith.constant 2.240000e+02 : f32
    %mul3A_795 = vector.broadcast %mul3A_794 : f32 to vector<16xf32>
    %mul3A_796 = arith.mulf %mul3A_793, %mul3A_795 : vector<16xf32>
    %convert_element_type3A_797 = arith.fptosi %mul3A_783 : vector<16xf32> to vector<16xi32>
    %convert_element_type3A_798 = arith.fptosi %mul3A_796 : vector<16xf32> to vector<16xi32>
    %jit3A_799 = arith.constant 0 : i32
    %jit3A_800 = arith.constant 223 : i32
    %max3A_801 = vector.broadcast %jit3A_799 : i32 to vector<16xi32>
    %max3A_802 = arith.maxsi %max3A_801, %convert_element_type3A_797 : vector<16xi32>
    %min3A_803 = vector.broadcast %jit3A_800 : i32 to vector<16xi32>
    %min3A_804 = arith.minsi %min3A_803, %max3A_802 : vector<16xi32>
    %add3A_805 = arith.constant 1 : i32
    %add3A_806 = vector.broadcast %add3A_805 : i32 to vector<16xi32>
    %add3A_807 = arith.addi %convert_element_type3A_797, %add3A_806 : vector<16xi32>
    %jit3A_808 = arith.constant 0 : i32
    %jit3A_809 = arith.constant 223 : i32
    %max3A_810 = vector.broadcast %jit3A_808 : i32 to vector<16xi32>
    %max3A_811 = arith.maxsi %max3A_810, %add3A_807 : vector<16xi32>
    %min3A_812 = vector.broadcast %jit3A_809 : i32 to vector<16xi32>
    %min3A_813 = arith.minsi %min3A_812, %max3A_811 : vector<16xi32>
    %jit3A_814 = arith.constant 0 : i32
    %jit3A_815 = arith.constant 223 : i32
    %max3A_816 = vector.broadcast %jit3A_814 : i32 to vector<16xi32>
    %max3A_817 = arith.maxsi %max3A_816, %convert_element_type3A_798 : vector<16xi32>
    %min3A_818 = vector.broadcast %jit3A_815 : i32 to vector<16xi32>
    %min3A_819 = arith.minsi %min3A_818, %max3A_817 : vector<16xi32>
    %add3A_820 = arith.constant 1 : i32
    %add3A_821 = vector.broadcast %add3A_820 : i32 to vector<16xi32>
    %add3A_822 = arith.addi %convert_element_type3A_798, %add3A_821 : vector<16xi32>
    %jit3A_823 = arith.constant 0 : i32
    %jit3A_824 = arith.constant 223 : i32
    %max3A_825 = vector.broadcast %jit3A_823 : i32 to vector<16xi32>
    %max3A_826 = arith.maxsi %max3A_825, %add3A_822 : vector<16xi32>
    %min3A_827 = vector.broadcast %jit3A_824 : i32 to vector<16xi32>
    %min3A_828 = arith.minsi %min3A_827, %max3A_826 : vector<16xi32>
    %convert_element_type3A_829 = arith.sitofp %min3A_804 : vector<16xi32> to vector<16xf32>
    %convert_element_type3A_830 = arith.sitofp %min3A_813 : vector<16xi32> to vector<16xf32>
    %convert_element_type3A_831 = arith.sitofp %min3A_819 : vector<16xi32> to vector<16xf32>
    %convert_element_type3A_832 = arith.sitofp %min3A_828 : vector<16xi32> to vector<16xf32>
    %sub3A_833 = arith.subf %convert_element_type3A_830, %mul3A_783 : vector<16xf32>
    %sub3A_834 = arith.subf %convert_element_type3A_832, %mul3A_796 : vector<16xf32>
    %mul3A_835 = arith.mulf %sub3A_833, %sub3A_834 : vector<16xf32>
    %swap3A_836 = arith.constant 0 : i32
    %swap3A_837 = arith.index_cast %swap3A_836 : i32 to index
    %swap3A_838 = arith.constant 48 : index
    %swap3A_839 = tpu.vector_load %arg9[%swap3A_837, %swap3A_838] {strides = array<i32>} : memref<2x64xf32, #tpu.memory_space<vmem>>, vector<16xf32>,
    tpu.vector_store %arg9[%swap3A_837, %swap3A_838], %mul3A_835 {strides = array<i32>} : memref<2x64xf32, #tpu.memory_space<vmem>>, vector<16xf32>,
    %sub3A_840 = arith.subf %convert_element_type3A_830, %mul3A_783 : vector<16xf32>
    %sub3A_841 = arith.subf %mul3A_796, %convert_element_type3A_831 : vector<16xf32>
    %mul3A_842 = arith.mulf %sub3A_840, %sub3A_841 : vector<16xf32>
    %swap3A_843 = arith.constant 0 : i32
    %swap3A_844 = arith.index_cast %swap3A_843 : i32 to index
    %swap3A_845 = arith.constant 48 : index
    %swap3A_846 = tpu.vector_load %arg10[%swap3A_844, %swap3A_845] {strides = array<i32>} : memref<2x64xf32, #tpu.memory_space<vmem>>, vector<16xf32>,
    tpu.vector_store %arg10[%swap3A_844, %swap3A_845], %mul3A_842 {strides = array<i32>} : memref<2x64xf32, #tpu.memory_space<vmem>>, vector<16xf32>,
    %sub3A_847 = arith.subf %mul3A_783, %convert_element_type3A_829 : vector<16xf32>
    %sub3A_848 = arith.subf %convert_element_type3A_832, %mul3A_796 : vector<16xf32>
    %mul3A_849 = arith.mulf %sub3A_847, %sub3A_848 : vector<16xf32>
    %swap3A_850 = arith.constant 0 : i32
    %swap3A_851 = arith.index_cast %swap3A_850 : i32 to index
    %swap3A_852 = arith.constant 48 : index
    %swap3A_853 = tpu.vector_load %arg11[%swap3A_851, %swap3A_852] {strides = array<i32>} : memref<2x64xf32, #tpu.memory_space<vmem>>, vector<16xf32>,
    tpu.vector_store %arg11[%swap3A_851, %swap3A_852], %mul3A_849 {strides = array<i32>} : memref<2x64xf32, #tpu.memory_space<vmem>>, vector<16xf32>,
    %sub3A_854 = arith.subf %mul3A_783, %convert_element_type3A_829 : vector<16xf32>
    %sub3A_855 = arith.subf %mul3A_796, %convert_element_type3A_831 : vector<16xf32>
    %mul3A_856 = arith.mulf %sub3A_854, %sub3A_855 : vector<16xf32>
    %swap3A_857 = arith.constant 0 : i32
    %swap3A_858 = arith.index_cast %swap3A_857 : i32 to index
    %swap3A_859 = arith.constant 48 : index
    %swap3A_860 = tpu.vector_load %arg12[%swap3A_858, %swap3A_859] {strides = array<i32>} : memref<2x64xf32, #tpu.memory_space<vmem>>, vector<16xf32>,
    tpu.vector_store %arg12[%swap3A_858, %swap3A_859], %mul3A_856 {strides = array<i32>} : memref<2x64xf32, #tpu.memory_space<vmem>>, vector<16xf32>,
    %mul3A_861 = arith.constant 224 : i32
    %mul3A_862 = vector.broadcast %mul3A_861 : i32 to vector<16xi32>
    %mul3A_863 = arith.muli %min3A_819, %mul3A_862 : vector<16xi32>
    %add3A_864 = vector.broadcast %mul3A_20 : i32 to vector<16xi32>
    %add3A_865 = arith.addi %add3A_864, %mul3A_863 : vector<16xi32>
    %mul3A_866 = arith.constant 224 : i32
    %mul3A_867 = vector.broadcast %mul3A_866 : i32 to vector<16xi32>
    %mul3A_868 = arith.muli %min3A_828, %mul3A_867 : vector<16xi32>
    %add3A_869 = vector.broadcast %mul3A_20 : i32 to vector<16xi32>
    %add3A_870 = arith.addi %add3A_869, %mul3A_868 : vector<16xi32>
    %add3A_871 = arith.addi %add3A_865, %min3A_804 : vector<16xi32>
    %add3A_872 = arith.addi %add3A_870, %min3A_804 : vector<16xi32>
    %add3A_873 = arith.addi %add3A_865, %min3A_813 : vector<16xi32>
    %add3A_874 = arith.addi %add3A_870, %min3A_813 : vector<16xi32>
    %swap3A_875 = arith.constant 0 : i32
    %swap3A_876 = arith.index_cast %swap3A_875 : i32 to index
    %swap3A_877 = arith.constant 48 : index
    %swap3A_878 = tpu.vector_load %arg8[%swap3A_876, %swap3A_877] {strides = array<i32>} : memref<2x64xi32, #tpu.memory_space<vmem>>, vector<16xi32>,
    tpu.vector_store %arg8[%swap3A_876, %swap3A_877], %add3A_874 {strides = array<i32>} : memref<2x64xi32, #tpu.memory_space<vmem>>, vector<16xi32>,
    %add3A_879 = arith.constant 47 : i32
    %add3A_880 = vector.broadcast %add3A_879 : i32 to vector<16xi32>
    %add3A_881 = arith.addi %iota3A, %add3A_880 : vector<16xi32>
    %max3A_882 = arith.constant 0 : i32
    %max3A_883 = vector.broadcast %max3A_882 : i32 to vector<16xi32>
    %max3A_884 = arith.maxsi %add3A_881, %max3A_883 : vector<16xi32>
    %gather3A_885 = arith.constant 0 : i32
    %gather3A_886 = arith.constant 0 : i32
    %gather3A_887 = tpu.memref_slice %arg8[%gather3A_885, %gather3A_886] : memref<2x64xi32, #tpu.memory_space<vmem>> -> memref<1x64xi32, #tpu.memory_space<vmem>>
    %gather3A_888 = tpu.memref_squeeze %gather3A_887 : memref<1x64xi32, #tpu.memory_space<vmem>> -> memref<64xi32, #tpu.memory_space<vmem>>
    %gather3A_889 = tpu.vector_load_idx %gather3A_888[%max3A_884] : memref<64xi32, #tpu.memory_space<vmem>>[vector<16xi32>], vector<16xi32>,
    %ne3A_890 = arith.cmpi ne, %min3A_813, %min3A_804 : vector<16xi32>
    %ne3A_891 = arith.cmpi ne, %min3A_828, %min3A_819 : vector<16xi32>
    %and3A_892 = arith.andi %ne3A_890, %ne3A_891 : vector<16xi1>
    %ne3A_893 = arith.cmpi ne, %add3A_871, %gather3A_889 : vector<16xi32>
    %convert_element_type3A_894 = arith.extui %ne3A_893 : vector<16xi1> to vector<16xi32>
    %convert_element_type3A_895 = arith.extui %ne3A_890 : vector<16xi1> to vector<16xi32>
    %convert_element_type3A_896 = arith.extui %ne3A_891 : vector<16xi1> to vector<16xi32>
    %mul3A_897 = arith.muli %convert_element_type3A_895, %convert_element_type3A_896 : vector<16xi32>
    %add3A_898 = arith.addi %convert_element_type3A_894, %convert_element_type3A_895 : vector<16xi32>
    %add3A_899 = arith.addi %add3A_898, %convert_element_type3A_896 : vector<16xi32>
    %add3A_900 = arith.addi %add3A_899, %mul3A_897 : vector<16xi32>
    %broadcast_in_dim3A_901 = arith.constant true
    %broadcast_in_dim3A_902 = vector.broadcast %broadcast_in_dim3A_901 : i1 to vector<16xi1>
    %masked_cumsum3A_903 = tpu.scan <sum>, %add3A_900 masked %broadcast_in_dim3A_902 : vector<16xi32>, vector<16xi1> -> vector<16xi32>
    %add3A_904 = vector.broadcast %add3A_770 : i32 to vector<16xi32>
    %add3A_905 = arith.addi %add3A_904, %masked_cumsum3A_903 : vector<16xi32>
    %sub3A_906 = arith.subi %add3A_905, %add3A_900 : vector<16xi32>
    %add3A_907 = arith.addi %sub3A_906, %convert_element_type3A_894 : vector<16xi32>
    %sub3A_908 = arith.constant 1 : i32
    %sub3A_909 = vector.broadcast %sub3A_908 : i32 to vector<16xi32>
    %sub3A_910 = arith.subi %add3A_907, %sub3A_909 : vector<16xi32>
    %add3A_911 = arith.addi %sub3A_910, %convert_element_type3A_895 : vector<16xi32>
    %add3A_912 = arith.addi %add3A_911, %convert_element_type3A_896 : vector<16xi32>
    %add3A_913 = arith.addi %add3A_912, %mul3A_897 : vector<16xi32>
    %scatter3A_914 = arith.constant 0 : i32
    %scatter3A_915 = arith.constant 0 : i32
    %scatter3A_916 = tpu.memref_slice %arg17[%scatter3A_914, %scatter3A_915] : memref<2x256xi32, #tpu.memory_space<vmem>> -> memref<1x256xi32, #tpu.memory_space<vmem>>
    %scatter3A_917 = tpu.memref_squeeze %scatter3A_916 : memref<1x256xi32, #tpu.memory_space<vmem>> -> memref<256xi32, #tpu.memory_space<vmem>>
    tpu.vector_store_idx %scatter3A_917[%sub3A_910], %add3A_871 masked %ne3A_893 : memref<256xi32, #tpu.memory_space<vmem>>[vector<16xi32>], vector<16xi32>, vector<16xi1>
    %scatter3A_918 = arith.constant 0 : i32
    %scatter3A_919 = arith.constant 0 : i32
    %scatter3A_920 = tpu.memref_slice %arg17[%scatter3A_918, %scatter3A_919] : memref<2x256xi32, #tpu.memory_space<vmem>> -> memref<1x256xi32, #tpu.memory_space<vmem>>
    %scatter3A_921 = tpu.memref_squeeze %scatter3A_920 : memref<1x256xi32, #tpu.memory_space<vmem>> -> memref<256xi32, #tpu.memory_space<vmem>>
    tpu.vector_store_idx %scatter3A_921[%add3A_911], %add3A_873 masked %ne3A_890 : memref<256xi32, #tpu.memory_space<vmem>>[vector<16xi32>], vector<16xi32>, vector<16xi1>
    %scatter3A_922 = arith.constant 0 : i32
    %scatter3A_923 = arith.constant 0 : i32
    %scatter3A_924 = tpu.memref_slice %arg17[%scatter3A_922, %scatter3A_923] : memref<2x256xi32, #tpu.memory_space<vmem>> -> memref<1x256xi32, #tpu.memory_space<vmem>>
    %scatter3A_925 = tpu.memref_squeeze %scatter3A_924 : memref<1x256xi32, #tpu.memory_space<vmem>> -> memref<256xi32, #tpu.memory_space<vmem>>
    tpu.vector_store_idx %scatter3A_925[%add3A_912], %add3A_872 masked %ne3A_891 : memref<256xi32, #tpu.memory_space<vmem>>[vector<16xi32>], vector<16xi32>, vector<16xi1>
    %scatter3A_926 = arith.constant 0 : i32
    %scatter3A_927 = arith.constant 0 : i32
    %scatter3A_928 = tpu.memref_slice %arg17[%scatter3A_926, %scatter3A_927] : memref<2x256xi32, #tpu.memory_space<vmem>> -> memref<1x256xi32, #tpu.memory_space<vmem>>
    %scatter3A_929 = tpu.memref_squeeze %scatter3A_928 : memref<1x256xi32, #tpu.memory_space<vmem>> -> memref<256xi32, #tpu.memory_space<vmem>>
    tpu.vector_store_idx %scatter3A_929[%add3A_913], %add3A_874 masked %and3A_892 : memref<256xi32, #tpu.memory_space<vmem>>[vector<16xi32>], vector<16xi32>, vector<16xi1>
    %swap3A_930 = arith.constant 0 : i32
    %swap3A_931 = arith.index_cast %swap3A_930 : i32 to index
    %swap3A_932 = arith.constant 48 : index
    %swap3A_933 = tpu.vector_load %arg13[%swap3A_931, %swap3A_932] {strides = array<i32>} : memref<2x64xi32, #tpu.memory_space<vmem>>, vector<16xi32>,
    tpu.vector_store %arg13[%swap3A_931, %swap3A_932], %sub3A_910 {strides = array<i32>} : memref<2x64xi32, #tpu.memory_space<vmem>>, vector<16xi32>,
    %swap3A_934 = arith.constant 0 : i32
    %swap3A_935 = arith.index_cast %swap3A_934 : i32 to index
    %swap3A_936 = arith.constant 48 : index
    %swap3A_937 = tpu.vector_load %arg15[%swap3A_935, %swap3A_936] {strides = array<i32>} : memref<2x64xi32, #tpu.memory_space<vmem>>, vector<16xi32>,
    tpu.vector_store %arg15[%swap3A_935, %swap3A_936], %add3A_911 {strides = array<i32>} : memref<2x64xi32, #tpu.memory_space<vmem>>, vector<16xi32>,
    %select_n3A_938 = arith.select %ne3A_891, %add3A_912, %sub3A_910 : vector<16xi1>, vector<16xi32>
    %swap3A_939 = arith.constant 0 : i32
    %swap3A_940 = arith.index_cast %swap3A_939 : i32 to index
    %swap3A_941 = arith.constant 48 : index
    %swap3A_942 = tpu.vector_load %arg14[%swap3A_940, %swap3A_941] {strides = array<i32>} : memref<2x64xi32, #tpu.memory_space<vmem>>, vector<16xi32>,
    tpu.vector_store %arg14[%swap3A_940, %swap3A_941], %select_n3A_938 {strides = array<i32>} : memref<2x64xi32, #tpu.memory_space<vmem>>, vector<16xi32>,
    %select_n3A_943 = arith.select %ne3A_891, %add3A_912, %add3A_911 : vector<16xi1>, vector<16xi32>
    %select_n3A_944 = arith.select %and3A_892, %add3A_913, %select_n3A_943 : vector<16xi1>, vector<16xi32>
    %swap3A_945 = arith.constant 0 : i32
    %swap3A_946 = arith.index_cast %swap3A_945 : i32 to index
    %swap3A_947 = arith.constant 48 : index
    %swap3A_948 = tpu.vector_load %arg16[%swap3A_946, %swap3A_947] {strides = array<i32>} : memref<2x64xi32, #tpu.memory_space<vmem>>, vector<16xi32>,
    tpu.vector_store %arg16[%swap3A_946, %swap3A_947], %select_n3A_944 {strides = array<i32>} : memref<2x64xi32, #tpu.memory_space<vmem>>, vector<16xi32>,
    %reduce_max3A_949 = arith.constant true
    %reduce_max3A_950 = vector.broadcast %reduce_max3A_949 : i1 to vector<16xi1>
    %reduce_max3A_951 = arith.constant -2147483648 : i32
    %reduce_max3A_952 = vector.broadcast %reduce_max3A_951 : i32 to vector<16xi32>
    %reduce_max3A_953 = arith.xori %masked_cumsum3A_903, %reduce_max3A_952 : vector<16xi32>
    %reduce_max3A_954 = tpu.scan <max>, %reduce_max3A_953 masked %reduce_max3A_950 : vector<16xi32>, vector<16xi1> -> vector<16xi32>
    %reduce_max3A_955 = arith.xori %reduce_max3A_954, %reduce_max3A_952 : vector<16xi32>
    %reduce_max3A_956 = vector.extract %reduce_max3A_955[15] : i32 from vector<16xi32>
    %add3A_957 = arith.addi %add3A_770, %reduce_max3A_956 : i32
    %add3A_958 = arith.constant 31 : i32
    %add3A_959 = arith.addi %add3A_957, %add3A_958 : i32
    %jit3A_960 = arith.constant 32 : i32
    %div3A_961 = arith.divsi %add3A_959, %jit3A_960 : i32
    %sign3A_962 = arith.constant 0 : i32
    %sign3A_963 = arith.cmpi sgt, %add3A_959, %sign3A_962 : i32
    %sign3A_964 = arith.extui %sign3A_963 : i1 to i32
    %sign3A_965 = arith.constant 0 : i32
    %sign3A_966 = arith.cmpi slt, %add3A_959, %sign3A_965 : i32
    %sign3A_967 = arith.extui %sign3A_966 : i1 to i32
    %sign3A_968 = arith.subi %sign3A_964, %sign3A_967 : i32
    %sign3A_969 = arith.constant 0 : i32
    %sign3A_970 = arith.cmpi sgt, %jit3A_960, %sign3A_969 : i32
    %sign3A_971 = arith.extui %sign3A_970 : i1 to i32
    %sign3A_972 = arith.constant 0 : i32
    %sign3A_973 = arith.cmpi slt, %jit3A_960, %sign3A_972 : i32
    %sign3A_974 = arith.extui %sign3A_973 : i1 to i32
    %sign3A_975 = arith.subi %sign3A_971, %sign3A_974 : i32
    %ne3A_976 = arith.cmpi ne, %sign3A_968, %sign3A_975 : i32
    %rem3A_977 = arith.remsi %add3A_959, %jit3A_960 : i32
    %ne3A_978 = arith.constant 0 : i32
    %ne3A_979 = arith.cmpi ne, %rem3A_977, %ne3A_978 : i32
    %and3A_980 = arith.andi %ne3A_976, %ne3A_979 : i1
    %sub3A_981 = arith.constant 1 : i32
    %sub3A_982 = arith.subi %div3A_961, %sub3A_981 : i32
    %select_n3A_983 = arith.select %and3A_980, %sub3A_982, %div3A_961 : i32
    %while3A = arith.constant 0 : i32
    %while3A_984 = arith.constant 0 : i32
    %while3A_985 = arith.subi %select_n3A_983, %while3A_984 : i32
    %while3A_986 = arith.addi %while3A_984, %while3A_985 : i32
    %while3A_987 = arith.constant 1 : i32
    %while3A_988 = arith.divsi %while3A_985, %while3A_987 : i32
    %while3A_989 = arith.muli %while3A_988, %while3A_987 : i32
    %while3A_990 = arith.addi %while3A_984, %while3A_989 : i32
    %while3A_991 = arith.constant 1 : i32
    scf.for %while3A_1033 = %while3A_984 to %while3A_990 step %while3A_991  : i32 {
      %mul3A_1034 = arith.constant 32 : i32
      %mul3A_1035 = arith.muli %while3A_1033, %mul3A_1034 : i32
      %mul3A_1036 = arith.constant 32 : i32
      %mul3A_1037 = arith.muli %while3A_1033, %mul3A_1036 : i32
      %dma_start3A = arith.constant 0 : i32
      %dma_start3A_1038 = arith.constant 0 : i32
      %dma_start3A_1039 = arith.constant 0 : i32
      %dma_start3A_1040 = arith.constant 0 : i32
      %dma_start3A_1041 = tpu.memref_slice %arg18[%dma_start3A_1038, %mul3A_1037, %dma_start3A_1039, %dma_start3A_1040] : memref<2x256x2x96xf32, #tpu.memory_space<vmem>> -> memref<1x32x2x96xf32, #tpu.memory_space<vmem>>
      %dma_start3A_1042 = tpu.memref_squeeze %dma_start3A_1041 : memref<1x32x2x96xf32, #tpu.memory_space<vmem>> -> memref<32x2x96xf32, #tpu.memory_space<vmem>>
      %dma_start3A_1043 = tpu.memref_slice %arg17[%dma_start3A, %mul3A_1035] : memref<2x256xi32, #tpu.memory_space<vmem>> -> memref<1x32xi32, #tpu.memory_space<vmem>>
      %dma_start3A_1044 = tpu.memref_squeeze %dma_start3A_1043 : memref<1x32xi32, #tpu.memory_space<vmem>> -> memref<32xi32, #tpu.memory_space<vmem>>
      %dma_start3A_1045 = arith.constant 0 : i32
      %dma_start3A_1046 = arith.constant 0 : i32
      %dma_start3A_1047 = arith.constant 0 : i32
      %dma_start3A_1048 = tpu.memref_slice %arg4[%dma_start3A_1045, %dma_start3A_1046, %dma_start3A_1047] : memref<401408x2x96xf32, #tpu.memory_space<hbm>> -> memref<401408x2x96xf32, #tpu.memory_space<hbm>>
      tpu.enqueue_indirect_dma source(%dma_start3A_1048 : memref<401408x2x96xf32, #tpu.memory_space<hbm>>) target(%dma_start3A_1042 : memref<32x2x96xf32, #tpu.memory_space<vmem>>) offsets(%dma_start3A_1044 : memref<32xi32, #tpu.memory_space<vmem>>) semaphore(%arg20 : memref<!tpu.dma_semaphore, #tpu.memory_space<semaphore_mem>>)
    }
    %while3A_992 = arith.constant 1 : i32
    scf.for %while3A_1033 = %while3A_990 to %while3A_986 step %while3A_992  : i32 {
      %mul3A_1034 = arith.constant 32 : i32
      %mul3A_1035 = arith.muli %while3A_1033, %mul3A_1034 : i32
      %mul3A_1036 = arith.constant 32 : i32
      %mul3A_1037 = arith.muli %while3A_1033, %mul3A_1036 : i32
      %dma_start3A = arith.constant 0 : i32
      %dma_start3A_1038 = arith.constant 0 : i32
      %dma_start3A_1039 = arith.constant 0 : i32
      %dma_start3A_1040 = arith.constant 0 : i32
      %dma_start3A_1041 = tpu.memref_slice %arg18[%dma_start3A_1038, %mul3A_1037, %dma_start3A_1039, %dma_start3A_1040] : memref<2x256x2x96xf32, #tpu.memory_space<vmem>> -> memref<1x32x2x96xf32, #tpu.memory_space<vmem>>
      %dma_start3A_1042 = tpu.memref_squeeze %dma_start3A_1041 : memref<1x32x2x96xf32, #tpu.memory_space<vmem>> -> memref<32x2x96xf32, #tpu.memory_space<vmem>>
      %dma_start3A_1043 = tpu.memref_slice %arg17[%dma_start3A, %mul3A_1035] : memref<2x256xi32, #tpu.memory_space<vmem>> -> memref<1x32xi32, #tpu.memory_space<vmem>>
      %dma_start3A_1044 = tpu.memref_squeeze %dma_start3A_1043 : memref<1x32xi32, #tpu.memory_space<vmem>> -> memref<32xi32, #tpu.memory_space<vmem>>
      %dma_start3A_1045 = arith.constant 0 : i32
      %dma_start3A_1046 = arith.constant 0 : i32
      %dma_start3A_1047 = arith.constant 0 : i32
      %dma_start3A_1048 = tpu.memref_slice %arg4[%dma_start3A_1045, %dma_start3A_1046, %dma_start3A_1047] : memref<401408x2x96xf32, #tpu.memory_space<hbm>> -> memref<401408x2x96xf32, #tpu.memory_space<hbm>>
      tpu.enqueue_indirect_dma source(%dma_start3A_1048 : memref<401408x2x96xf32, #tpu.memory_space<hbm>>) target(%dma_start3A_1042 : memref<32x2x96xf32, #tpu.memory_space<vmem>>) offsets(%dma_start3A_1044 : memref<32xi32, #tpu.memory_space<vmem>>) semaphore(%arg20 : memref<!tpu.dma_semaphore, #tpu.memory_space<semaphore_mem>>)
    }
    %scan3A = arith.constant 0 : i32
    %scan3A_993 = arith.constant 98 : i32
    %scan3A_994 = arith.addi %scan3A, %scan3A_993 : i32
    %scan3A_995 = arith.constant 1 : i32
    %scan3A_996 = scf.for %scan3A_1033 = %scan3A to %scan3A_994 step %scan3A_995 iter_args(%scan3A_1034 = %select_n3A_983) -> (i32)  : i32 {
      %mul3A_1035 = arith.constant 2 : i32
      %mul3A_1036 = arith.muli %scan3A_1033, %mul3A_1035 : i32
      %add3A_1037 = arith.constant 1 : i32
      %add3A_1038 = arith.addi %mul3A_1036, %add3A_1037 : i32
      %mul3A_1039 = arith.constant 64 : i32
      %mul3A_1040 = arith.muli %add3A_1038, %mul3A_1039 : i32
      %add3A_1041 = arith.addi %mul3A_2, %mul3A_1040 : i32
      %run_scoped3A_1042 = arith.constant 1 : i32
      "tpu.region"() ({
        %run_scoped3A_2700 = tpu.sem_alloc : memref<!tpu.dma_semaphore, #tpu.memory_space<semaphore_mem>>
        %dma_start3A_2701 = arith.constant 0 : i32
        %dma_start3A_2702 = tpu.memref_slice %arg6[%run_scoped3A_1042, %dma_start3A_2701] : memref<2x64xf32, #tpu.memory_space<vmem>> -> memref<1x64xf32, #tpu.memory_space<vmem>>
        %dma_start3A_2703 = tpu.memref_squeeze %dma_start3A_2702 : memref<1x64xf32, #tpu.memory_space<vmem>> -> memref<64xf32, #tpu.memory_space<vmem>>
        %dma_start3A_2704 = tpu.memref_slice %arg2[%add3A_1041] : memref<401536xf32, #tpu.memory_space<hbm>> -> memref<64xf32, #tpu.memory_space<hbm>>
        %dma_start3A_2705 = arith.constant 0 : i32
        %dma_start3A_2706 = tpu.memref_slice %arg6[%run_scoped3A_1042, %dma_start3A_2705] : memref<2x64xf32, #tpu.memory_space<vmem>> -> memref<1x64xf32, #tpu.memory_space<vmem>>
        %dma_start3A_2707 = tpu.memref_squeeze %dma_start3A_2706 : memref<1x64xf32, #tpu.memory_space<vmem>> -> memref<64xf32, #tpu.memory_space<vmem>>
        %dma_start3A_2708 = tpu.memref_slice %arg2[%add3A_1041] : memref<401536xf32, #tpu.memory_space<hbm>> -> memref<64xf32, #tpu.memory_space<hbm>>
        tpu.enqueue_dma source(%dma_start3A_2708 : memref<64xf32, #tpu.memory_space<hbm>>) target(%dma_start3A_2707 : memref<64xf32, #tpu.memory_space<vmem>>) target_semaphore(%run_scoped3A_2700 : memref<!tpu.dma_semaphore, #tpu.memory_space<semaphore_mem>>)
        %dma_wait3A_2709 = arith.constant 0 : i32
        %dma_wait3A_2710 = tpu.memref_slice %arg6[%run_scoped3A_1042, %dma_wait3A_2709] : memref<2x64xf32, #tpu.memory_space<vmem>> -> memref<1x64xf32, #tpu.memory_space<vmem>>
        %dma_wait3A_2711 = tpu.memref_squeeze %dma_wait3A_2710 : memref<1x64xf32, #tpu.memory_space<vmem>> -> memref<64xf32, #tpu.memory_space<vmem>>
        %dma_wait3A_2712 = tpu.memref_slice %arg2[%add3A_1041] : memref<401536xf32, #tpu.memory_space<hbm>> -> memref<64xf32, #tpu.memory_space<hbm>>
        %dma_wait3A_2713 = arith.constant 0 : i32
        %dma_wait3A_2714 = tpu.memref_slice %arg6[%run_scoped3A_1042, %dma_wait3A_2713] : memref<2x64xf32, #tpu.memory_space<vmem>> -> memref<1x64xf32, #tpu.memory_space<vmem>>
        %dma_wait3A_2715 = tpu.memref_squeeze %dma_wait3A_2714 : memref<1x64xf32, #tpu.memory_space<vmem>> -> memref<64xf32, #tpu.memory_space<vmem>>
        %dma_wait3A_2716 = tpu.memref_slice %arg2[%add3A_1041] : memref<401536xf32, #tpu.memory_space<hbm>> -> memref<64xf32, #tpu.memory_space<hbm>>
        tpu.wait_dma2 semaphore(%run_scoped3A_2700 : memref<!tpu.dma_semaphore, #tpu.memory_space<semaphore_mem>>) src(%dma_wait3A_2716 : memref<64xf32, #tpu.memory_space<hbm>>) dst(%dma_wait3A_2715 : memref<64xf32, #tpu.memory_space<vmem>>)
        tpu.yield
      }) : () -> ()
      %run_scoped3A_1043 = arith.constant 1 : i32
      "tpu.region"() ({
        %run_scoped3A_2700 = tpu.sem_alloc : memref<!tpu.dma_semaphore, #tpu.memory_space<semaphore_mem>>
        %dma_start3A_2701 = arith.constant 0 : i32
        %dma_start3A_2702 = tpu.memref_slice %arg7[%run_scoped3A_1043, %dma_start3A_2701] : memref<2x64xf32, #tpu.memory_space<vmem>> -> memref<1x64xf32, #tpu.memory_space<vmem>>
        %dma_start3A_2703 = tpu.memref_squeeze %dma_start3A_2702 : memref<1x64xf32, #tpu.memory_space<vmem>> -> memref<64xf32, #tpu.memory_space<vmem>>
        %dma_start3A_2704 = tpu.memref_slice %arg3[%add3A_1041] : memref<401536xf32, #tpu.memory_space<hbm>> -> memref<64xf32, #tpu.memory_space<hbm>>
        %dma_start3A_2705 = arith.constant 0 : i32
        %dma_start3A_2706 = tpu.memref_slice %arg7[%run_scoped3A_1043, %dma_start3A_2705] : memref<2x64xf32, #tpu.memory_space<vmem>> -> memref<1x64xf32, #tpu.memory_space<vmem>>
        %dma_start3A_2707 = tpu.memref_squeeze %dma_start3A_2706 : memref<1x64xf32, #tpu.memory_space<vmem>> -> memref<64xf32, #tpu.memory_space<vmem>>
        %dma_start3A_2708 = tpu.memref_slice %arg3[%add3A_1041] : memref<401536xf32, #tpu.memory_space<hbm>> -> memref<64xf32, #tpu.memory_space<hbm>>
        tpu.enqueue_dma source(%dma_start3A_2708 : memref<64xf32, #tpu.memory_space<hbm>>) target(%dma_start3A_2707 : memref<64xf32, #tpu.memory_space<vmem>>) target_semaphore(%run_scoped3A_2700 : memref<!tpu.dma_semaphore, #tpu.memory_space<semaphore_mem>>)
        %dma_wait3A_2709 = arith.constant 0 : i32
        %dma_wait3A_2710 = tpu.memref_slice %arg7[%run_scoped3A_1043, %dma_wait3A_2709] : memref<2x64xf32, #tpu.memory_space<vmem>> -> memref<1x64xf32, #tpu.memory_space<vmem>>
        %dma_wait3A_2711 = tpu.memref_squeeze %dma_wait3A_2710 : memref<1x64xf32, #tpu.memory_space<vmem>> -> memref<64xf32, #tpu.memory_space<vmem>>
        %dma_wait3A_2712 = tpu.memref_slice %arg3[%add3A_1041] : memref<401536xf32, #tpu.memory_space<hbm>> -> memref<64xf32, #tpu.memory_space<hbm>>
        %dma_wait3A_2713 = arith.constant 0 : i32
        %dma_wait3A_2714 = tpu.memref_slice %arg7[%run_scoped3A_1043, %dma_wait3A_2713] : memref<2x64xf32, #tpu.memory_space<vmem>> -> memref<1x64xf32, #tpu.memory_space<vmem>>
        %dma_wait3A_2715 = tpu.memref_squeeze %dma_wait3A_2714 : memref<1x64xf32, #tpu.memory_space<vmem>> -> memref<64xf32, #tpu.memory_space<vmem>>
        %dma_wait3A_2716 = tpu.memref_slice %arg3[%add3A_1041] : memref<401536xf32, #tpu.memory_space<hbm>> -> memref<64xf32, #tpu.memory_space<hbm>>
        tpu.wait_dma2 semaphore(%run_scoped3A_2700 : memref<!tpu.dma_semaphore, #tpu.memory_space<semaphore_mem>>) src(%dma_wait3A_2716 : memref<64xf32, #tpu.memory_space<hbm>>) dst(%dma_wait3A_2715 : memref<64xf32, #tpu.memory_space<vmem>>)
        tpu.yield
      }) : () -> ()
      %get3A_1044 = arith.constant 1 : i32
      %get3A_1045 = arith.index_cast %get3A_1044 : i32 to index
      %get3A_1046 = arith.constant 0 : index
      %get3A_1047 = tpu.vector_load %arg6[%get3A_1045, %get3A_1046] {strides = array<i32>} : memref<2x64xf32, #tpu.memory_space<vmem>>, vector<16xf32>,
      %add3A_1048 = arith.constant 1.000000e+00 : f32
      %add3A_1049 = vector.broadcast %add3A_1048 : f32 to vector<16xf32>
      %add3A_1050 = arith.addf %get3A_1047, %add3A_1049 : vector<16xf32>
      %mul3A_1051 = arith.constant 5.000000e-01 : f32
      %mul3A_1052 = vector.broadcast %mul3A_1051 : f32 to vector<16xf32>
      %mul3A_1053 = arith.mulf %mul3A_1052, %add3A_1050 : vector<16xf32>
      %mul3A_1054 = arith.constant 2.240000e+02 : f32
      %mul3A_1055 = vector.broadcast %mul3A_1054 : f32 to vector<16xf32>
      %mul3A_1056 = arith.mulf %mul3A_1053, %mul3A_1055 : vector<16xf32>
      %get3A_1057 = arith.constant 1 : i32
      %get3A_1058 = arith.index_cast %get3A_1057 : i32 to index
      %get3A_1059 = arith.constant 0 : index
      %get3A_1060 = tpu.vector_load %arg7[%get3A_1058, %get3A_1059] {strides = array<i32>} : memref<2x64xf32, #tpu.memory_space<vmem>>, vector<16xf32>,
      %add3A_1061 = arith.constant 1.000000e+00 : f32
      %add3A_1062 = vector.broadcast %add3A_1061 : f32 to vector<16xf32>
      %add3A_1063 = arith.addf %get3A_1060, %add3A_1062 : vector<16xf32>
      %mul3A_1064 = arith.constant 5.000000e-01 : f32
      %mul3A_1065 = vector.broadcast %mul3A_1064 : f32 to vector<16xf32>
      %mul3A_1066 = arith.mulf %mul3A_1065, %add3A_1063 : vector<16xf32>
      %mul3A_1067 = arith.constant 2.240000e+02 : f32
      %mul3A_1068 = vector.broadcast %mul3A_1067 : f32 to vector<16xf32>
      %mul3A_1069 = arith.mulf %mul3A_1066, %mul3A_1068 : vector<16xf32>
      %convert_element_type3A_1070 = arith.fptosi %mul3A_1056 : vector<16xf32> to vector<16xi32>
      %convert_element_type3A_1071 = arith.fptosi %mul3A_1069 : vector<16xf32> to vector<16xi32>
      %jit3A_1072 = arith.constant 0 : i32
      %jit3A_1073 = arith.constant 223 : i32
      %max3A_1074 = vector.broadcast %jit3A_1072 : i32 to vector<16xi32>
      %max3A_1075 = arith.maxsi %max3A_1074, %convert_element_type3A_1070 : vector<16xi32>
      %min3A_1076 = vector.broadcast %jit3A_1073 : i32 to vector<16xi32>
      %min3A_1077 = arith.minsi %min3A_1076, %max3A_1075 : vector<16xi32>
      %add3A_1078 = arith.constant 1 : i32
      %add3A_1079 = vector.broadcast %add3A_1078 : i32 to vector<16xi32>
      %add3A_1080 = arith.addi %convert_element_type3A_1070, %add3A_1079 : vector<16xi32>
      %jit3A_1081 = arith.constant 0 : i32
      %jit3A_1082 = arith.constant 223 : i32
      %max3A_1083 = vector.broadcast %jit3A_1081 : i32 to vector<16xi32>
      %max3A_1084 = arith.maxsi %max3A_1083, %add3A_1080 : vector<16xi32>
      %min3A_1085 = vector.broadcast %jit3A_1082 : i32 to vector<16xi32>
      %min3A_1086 = arith.minsi %min3A_1085, %max3A_1084 : vector<16xi32>
      %jit3A_1087 = arith.constant 0 : i32
      %jit3A_1088 = arith.constant 223 : i32
      %max3A_1089 = vector.broadcast %jit3A_1087 : i32 to vector<16xi32>
      %max3A_1090 = arith.maxsi %max3A_1089, %convert_element_type3A_1071 : vector<16xi32>
      %min3A_1091 = vector.broadcast %jit3A_1088 : i32 to vector<16xi32>
      %min3A_1092 = arith.minsi %min3A_1091, %max3A_1090 : vector<16xi32>
      %add3A_1093 = arith.constant 1 : i32
      %add3A_1094 = vector.broadcast %add3A_1093 : i32 to vector<16xi32>
      %add3A_1095 = arith.addi %convert_element_type3A_1071, %add3A_1094 : vector<16xi32>
      %jit3A_1096 = arith.constant 0 : i32
      %jit3A_1097 = arith.constant 223 : i32
      %max3A_1098 = vector.broadcast %jit3A_1096 : i32 to vector<16xi32>
      %max3A_1099 = arith.maxsi %max3A_1098, %add3A_1095 : vector<16xi32>
      %min3A_1100 = vector.broadcast %jit3A_1097 : i32 to vector<16xi32>
      %min3A_1101 = arith.minsi %min3A_1100, %max3A_1099 : vector<16xi32>
      %convert_element_type3A_1102 = arith.sitofp %min3A_1077 : vector<16xi32> to vector<16xf32>
      %convert_element_type3A_1103 = arith.sitofp %min3A_1086 : vector<16xi32> to vector<16xf32>
      %convert_element_type3A_1104 = arith.sitofp %min3A_1092 : vector<16xi32> to vector<16xf32>
      %convert_element_type3A_1105 = arith.sitofp %min3A_1101 : vector<16xi32> to vector<16xf32>
      %sub3A_1106 = arith.subf %convert_element_type3A_1103, %mul3A_1056 : vector<16xf32>
      %sub3A_1107 = arith.subf %convert_element_type3A_1105, %mul3A_1069 : vector<16xf32>
      %mul3A_1108 = arith.mulf %sub3A_1106, %sub3A_1107 : vector<16xf32>
      %swap3A_1109 = arith.constant 1 : i32
      %swap3A_1110 = arith.index_cast %swap3A_1109 : i32 to index
      %swap3A_1111 = arith.constant 0 : index
      %swap3A_1112 = tpu.vector_load %arg9[%swap3A_1110, %swap3A_1111] {strides = array<i32>} : memref<2x64xf32, #tpu.memory_space<vmem>>, vector<16xf32>,
      tpu.vector_store %arg9[%swap3A_1110, %swap3A_1111], %mul3A_1108 {strides = array<i32>} : memref<2x64xf32, #tpu.memory_space<vmem>>, vector<16xf32>,
      %sub3A_1113 = arith.subf %convert_element_type3A_1103, %mul3A_1056 : vector<16xf32>
      %sub3A_1114 = arith.subf %mul3A_1069, %convert_element_type3A_1104 : vector<16xf32>
      %mul3A_1115 = arith.mulf %sub3A_1113, %sub3A_1114 : vector<16xf32>
      %swap3A_1116 = arith.constant 1 : i32
      %swap3A_1117 = arith.index_cast %swap3A_1116 : i32 to index
      %swap3A_1118 = arith.constant 0 : index
      %swap3A_1119 = tpu.vector_load %arg10[%swap3A_1117, %swap3A_1118] {strides = array<i32>} : memref<2x64xf32, #tpu.memory_space<vmem>>, vector<16xf32>,
      tpu.vector_store %arg10[%swap3A_1117, %swap3A_1118], %mul3A_1115 {strides = array<i32>} : memref<2x64xf32, #tpu.memory_space<vmem>>, vector<16xf32>,
      %sub3A_1120 = arith.subf %mul3A_1056, %convert_element_type3A_1102 : vector<16xf32>
      %sub3A_1121 = arith.subf %convert_element_type3A_1105, %mul3A_1069 : vector<16xf32>
      %mul3A_1122 = arith.mulf %sub3A_1120, %sub3A_1121 : vector<16xf32>
      %swap3A_1123 = arith.constant 1 : i32
      %swap3A_1124 = arith.index_cast %swap3A_1123 : i32 to index
      %swap3A_1125 = arith.constant 0 : index
      %swap3A_1126 = tpu.vector_load %arg11[%swap3A_1124, %swap3A_1125] {strides = array<i32>} : memref<2x64xf32, #tpu.memory_space<vmem>>, vector<16xf32>,
      tpu.vector_store %arg11[%swap3A_1124, %swap3A_1125], %mul3A_1122 {strides = array<i32>} : memref<2x64xf32, #tpu.memory_space<vmem>>, vector<16xf32>,
      %sub3A_1127 = arith.subf %mul3A_1056, %convert_element_type3A_1102 : vector<16xf32>
      %sub3A_1128 = arith.subf %mul3A_1069, %convert_element_type3A_1104 : vector<16xf32>
      %mul3A_1129 = arith.mulf %sub3A_1127, %sub3A_1128 : vector<16xf32>
      %swap3A_1130 = arith.constant 1 : i32
      %swap3A_1131 = arith.index_cast %swap3A_1130 : i32 to index
      %swap3A_1132 = arith.constant 0 : index
      %swap3A_1133 = tpu.vector_load %arg12[%swap3A_1131, %swap3A_1132] {strides = array<i32>} : memref<2x64xf32, #tpu.memory_space<vmem>>, vector<16xf32>,
      tpu.vector_store %arg12[%swap3A_1131, %swap3A_1132], %mul3A_1129 {strides = array<i32>} : memref<2x64xf32, #tpu.memory_space<vmem>>, vector<16xf32>,
      %mul3A_1134 = arith.constant 224 : i32
      %mul3A_1135 = vector.broadcast %mul3A_1134 : i32 to vector<16xi32>
      %mul3A_1136 = arith.muli %min3A_1092, %mul3A_1135 : vector<16xi32>
      %add3A_1137 = vector.broadcast %mul3A_20 : i32 to vector<16xi32>
      %add3A_1138 = arith.addi %add3A_1137, %mul3A_1136 : vector<16xi32>
      %mul3A_1139 = arith.constant 224 : i32
      %mul3A_1140 = vector.broadcast %mul3A_1139 : i32 to vector<16xi32>
      %mul3A_1141 = arith.muli %min3A_1101, %mul3A_1140 : vector<16xi32>
      %add3A_1142 = vector.broadcast %mul3A_20 : i32 to vector<16xi32>
      %add3A_1143 = arith.addi %add3A_1142, %mul3A_1141 : vector<16xi32>
      %add3A_1144 = arith.addi %add3A_1138, %min3A_1077 : vector<16xi32>
      %add3A_1145 = arith.addi %add3A_1143, %min3A_1077 : vector<16xi32>
      %add3A_1146 = arith.addi %add3A_1138, %min3A_1086 : vector<16xi32>
      %add3A_1147 = arith.addi %add3A_1143, %min3A_1086 : vector<16xi32>
      %swap3A_1148 = arith.constant 1 : i32
      %swap3A_1149 = arith.index_cast %swap3A_1148 : i32 to index
      %swap3A_1150 = arith.constant 0 : index
      %swap3A_1151 = tpu.vector_load %arg8[%swap3A_1149, %swap3A_1150] {strides = array<i32>} : memref<2x64xi32, #tpu.memory_space<vmem>>, vector<16xi32>,
      tpu.vector_store %arg8[%swap3A_1149, %swap3A_1150], %add3A_1147 {strides = array<i32>} : memref<2x64xi32, #tpu.memory_space<vmem>>, vector<16xi32>,
      %add3A_1152 = arith.constant -1 : i32
      %add3A_1153 = vector.broadcast %add3A_1152 : i32 to vector<16xi32>
      %add3A_1154 = arith.addi %iota3A, %add3A_1153 : vector<16xi32>
      %max3A_1155 = arith.constant 0 : i32
      %max3A_1156 = vector.broadcast %max3A_1155 : i32 to vector<16xi32>
      %max3A_1157 = arith.maxsi %add3A_1154, %max3A_1156 : vector<16xi32>
      %gather3A_1158 = arith.constant 1 : i32
      %gather3A_1159 = arith.constant 0 : i32
      %gather3A_1160 = tpu.memref_slice %arg8[%gather3A_1158, %gather3A_1159] : memref<2x64xi32, #tpu.memory_space<vmem>> -> memref<1x64xi32, #tpu.memory_space<vmem>>
      %gather3A_1161 = tpu.memref_squeeze %gather3A_1160 : memref<1x64xi32, #tpu.memory_space<vmem>> -> memref<64xi32, #tpu.memory_space<vmem>>
      %gather3A_1162 = tpu.vector_load_idx %gather3A_1161[%max3A_1157] : memref<64xi32, #tpu.memory_space<vmem>>[vector<16xi32>], vector<16xi32>,
      %ne3A_1163 = arith.cmpi ne, %min3A_1086, %min3A_1077 : vector<16xi32>
      %ne3A_1164 = arith.cmpi ne, %min3A_1101, %min3A_1092 : vector<16xi32>
      %and3A_1165 = arith.andi %ne3A_1163, %ne3A_1164 : vector<16xi1>
      %ne3A_1166 = arith.cmpi ne, %add3A_1144, %gather3A_1162 : vector<16xi32>
      %eq3A_1167 = arith.constant 0 : i32
      %eq3A_1168 = vector.broadcast %eq3A_1167 : i32 to vector<16xi32>
      %eq3A_1169 = arith.cmpi eq, %iota3A, %eq3A_1168 : vector<16xi32>
      %or3A_1170 = arith.ori %ne3A_1166, %eq3A_1169 : vector<16xi1>
      %convert_element_type3A_1171 = arith.extui %or3A_1170 : vector<16xi1> to vector<16xi32>
      %convert_element_type3A_1172 = arith.extui %ne3A_1163 : vector<16xi1> to vector<16xi32>
      %convert_element_type3A_1173 = arith.extui %ne3A_1164 : vector<16xi1> to vector<16xi32>
      %mul3A_1174 = arith.muli %convert_element_type3A_1172, %convert_element_type3A_1173 : vector<16xi32>
      %add3A_1175 = arith.addi %convert_element_type3A_1171, %convert_element_type3A_1172 : vector<16xi32>
      %add3A_1176 = arith.addi %add3A_1175, %convert_element_type3A_1173 : vector<16xi32>
      %add3A_1177 = arith.addi %add3A_1176, %mul3A_1174 : vector<16xi32>
      %broadcast_in_dim3A_1178 = arith.constant true
      %broadcast_in_dim3A_1179 = vector.broadcast %broadcast_in_dim3A_1178 : i1 to vector<16xi1>
      %masked_cumsum3A_1180 = tpu.scan <sum>, %add3A_1177 masked %broadcast_in_dim3A_1179 : vector<16xi32>, vector<16xi1> -> vector<16xi32>
      %add3A_1181 = arith.constant 0 : i32
      %add3A_1182 = vector.broadcast %add3A_1181 : i32 to vector<16xi32>
      %add3A_1183 = arith.addi %add3A_1182, %masked_cumsum3A_1180 : vector<16xi32>
      %sub3A_1184 = arith.subi %add3A_1183, %add3A_1177 : vector<16xi32>
      %add3A_1185 = arith.addi %sub3A_1184, %convert_element_type3A_1171 : vector<16xi32>
      %sub3A_1186 = arith.constant 1 : i32
      %sub3A_1187 = vector.broadcast %sub3A_1186 : i32 to vector<16xi32>
      %sub3A_1188 = arith.subi %add3A_1185, %sub3A_1187 : vector<16xi32>
      %add3A_1189 = arith.addi %sub3A_1188, %convert_element_type3A_1172 : vector<16xi32>
      %add3A_1190 = arith.addi %add3A_1189, %convert_element_type3A_1173 : vector<16xi32>
      %add3A_1191 = arith.addi %add3A_1190, %mul3A_1174 : vector<16xi32>
      %scatter3A_1192 = arith.constant 1 : i32
      %scatter3A_1193 = arith.constant 0 : i32
      %scatter3A_1194 = tpu.memref_slice %arg17[%scatter3A_1192, %scatter3A_1193] : memref<2x256xi32, #tpu.memory_space<vmem>> -> memref<1x256xi32, #tpu.memory_space<vmem>>
      %scatter3A_1195 = tpu.memref_squeeze %scatter3A_1194 : memref<1x256xi32, #tpu.memory_space<vmem>> -> memref<256xi32, #tpu.memory_space<vmem>>
      tpu.vector_store_idx %scatter3A_1195[%sub3A_1188], %add3A_1144 masked %or3A_1170 : memref<256xi32, #tpu.memory_space<vmem>>[vector<16xi32>], vector<16xi32>, vector<16xi1>
      %scatter3A_1196 = arith.constant 1 : i32
      %scatter3A_1197 = arith.constant 0 : i32
      %scatter3A_1198 = tpu.memref_slice %arg17[%scatter3A_1196, %scatter3A_1197] : memref<2x256xi32, #tpu.memory_space<vmem>> -> memref<1x256xi32, #tpu.memory_space<vmem>>
      %scatter3A_1199 = tpu.memref_squeeze %scatter3A_1198 : memref<1x256xi32, #tpu.memory_space<vmem>> -> memref<256xi32, #tpu.memory_space<vmem>>
      tpu.vector_store_idx %scatter3A_1199[%add3A_1189], %add3A_1146 masked %ne3A_1163 : memref<256xi32, #tpu.memory_space<vmem>>[vector<16xi32>], vector<16xi32>, vector<16xi1>
      %scatter3A_1200 = arith.constant 1 : i32
      %scatter3A_1201 = arith.constant 0 : i32
      %scatter3A_1202 = tpu.memref_slice %arg17[%scatter3A_1200, %scatter3A_1201] : memref<2x256xi32, #tpu.memory_space<vmem>> -> memref<1x256xi32, #tpu.memory_space<vmem>>
      %scatter3A_1203 = tpu.memref_squeeze %scatter3A_1202 : memref<1x256xi32, #tpu.memory_space<vmem>> -> memref<256xi32, #tpu.memory_space<vmem>>
      tpu.vector_store_idx %scatter3A_1203[%add3A_1190], %add3A_1145 masked %ne3A_1164 : memref<256xi32, #tpu.memory_space<vmem>>[vector<16xi32>], vector<16xi32>, vector<16xi1>
      %scatter3A_1204 = arith.constant 1 : i32
      %scatter3A_1205 = arith.constant 0 : i32
      %scatter3A_1206 = tpu.memref_slice %arg17[%scatter3A_1204, %scatter3A_1205] : memref<2x256xi32, #tpu.memory_space<vmem>> -> memref<1x256xi32, #tpu.memory_space<vmem>>
      %scatter3A_1207 = tpu.memref_squeeze %scatter3A_1206 : memref<1x256xi32, #tpu.memory_space<vmem>> -> memref<256xi32, #tpu.memory_space<vmem>>
      tpu.vector_store_idx %scatter3A_1207[%add3A_1191], %add3A_1147 masked %and3A_1165 : memref<256xi32, #tpu.memory_space<vmem>>[vector<16xi32>], vector<16xi32>, vector<16xi1>
      %swap3A_1208 = arith.constant 1 : i32
      %swap3A_1209 = arith.index_cast %swap3A_1208 : i32 to index
      %swap3A_1210 = arith.constant 0 : index
      %swap3A_1211 = tpu.vector_load %arg13[%swap3A_1209, %swap3A_1210] {strides = array<i32>} : memref<2x64xi32, #tpu.memory_space<vmem>>, vector<16xi32>,
      tpu.vector_store %arg13[%swap3A_1209, %swap3A_1210], %sub3A_1188 {strides = array<i32>} : memref<2x64xi32, #tpu.memory_space<vmem>>, vector<16xi32>,
      %swap3A_1212 = arith.constant 1 : i32
      %swap3A_1213 = arith.index_cast %swap3A_1212 : i32 to index
      %swap3A_1214 = arith.constant 0 : index
      %swap3A_1215 = tpu.vector_load %arg15[%swap3A_1213, %swap3A_1214] {strides = array<i32>} : memref<2x64xi32, #tpu.memory_space<vmem>>, vector<16xi32>,
      tpu.vector_store %arg15[%swap3A_1213, %swap3A_1214], %add3A_1189 {strides = array<i32>} : memref<2x64xi32, #tpu.memory_space<vmem>>, vector<16xi32>,
      %select_n3A_1216 = arith.select %ne3A_1164, %add3A_1190, %sub3A_1188 : vector<16xi1>, vector<16xi32>
      %swap3A_1217 = arith.constant 1 : i32
      %swap3A_1218 = arith.index_cast %swap3A_1217 : i32 to index
      %swap3A_1219 = arith.constant 0 : index
      %swap3A_1220 = tpu.vector_load %arg14[%swap3A_1218, %swap3A_1219] {strides = array<i32>} : memref<2x64xi32, #tpu.memory_space<vmem>>, vector<16xi32>,
      tpu.vector_store %arg14[%swap3A_1218, %swap3A_1219], %select_n3A_1216 {strides = array<i32>} : memref<2x64xi32, #tpu.memory_space<vmem>>, vector<16xi32>,
      %select_n3A_1221 = arith.select %ne3A_1164, %add3A_1190, %add3A_1189 : vector<16xi1>, vector<16xi32>
      %select_n3A_1222 = arith.select %and3A_1165, %add3A_1191, %select_n3A_1221 : vector<16xi1>, vector<16xi32>
      %swap3A_1223 = arith.constant 1 : i32
      %swap3A_1224 = arith.index_cast %swap3A_1223 : i32 to index
      %swap3A_1225 = arith.constant 0 : index
      %swap3A_1226 = tpu.vector_load %arg16[%swap3A_1224, %swap3A_1225] {strides = array<i32>} : memref<2x64xi32, #tpu.memory_space<vmem>>, vector<16xi32>,
      tpu.vector_store %arg16[%swap3A_1224, %swap3A_1225], %select_n3A_1222 {strides = array<i32>} : memref<2x64xi32, #tpu.memory_space<vmem>>, vector<16xi32>,
      %reduce_max3A_1227 = arith.constant true
      %reduce_max3A_1228 = vector.broadcast %reduce_max3A_1227 : i1 to vector<16xi1>
      %reduce_max3A_1229 = arith.constant -2147483648 : i32
      %reduce_max3A_1230 = vector.broadcast %reduce_max3A_1229 : i32 to vector<16xi32>
      %reduce_max3A_1231 = arith.xori %masked_cumsum3A_1180, %reduce_max3A_1230 : vector<16xi32>
      %reduce_max3A_1232 = tpu.scan <max>, %reduce_max3A_1231 masked %reduce_max3A_1228 : vector<16xi32>, vector<16xi1> -> vector<16xi32>
      %reduce_max3A_1233 = arith.xori %reduce_max3A_1232, %reduce_max3A_1230 : vector<16xi32>
      %reduce_max3A_1234 = vector.extract %reduce_max3A_1233[15] : i32 from vector<16xi32>
      %add3A_1235 = arith.constant 0 : i32
      %add3A_1236 = arith.addi %add3A_1235, %reduce_max3A_1234 : i32
      %get3A_1237 = arith.constant 1 : i32
      %get3A_1238 = arith.index_cast %get3A_1237 : i32 to index
      %get3A_1239 = arith.constant 16 : index
      %get3A_1240 = tpu.vector_load %arg6[%get3A_1238, %get3A_1239] {strides = array<i32>} : memref<2x64xf32, #tpu.memory_space<vmem>>, vector<16xf32>,
      %add3A_1241 = arith.constant 1.000000e+00 : f32
      %add3A_1242 = vector.broadcast %add3A_1241 : f32 to vector<16xf32>
      %add3A_1243 = arith.addf %get3A_1240, %add3A_1242 : vector<16xf32>
      %mul3A_1244 = arith.constant 5.000000e-01 : f32
      %mul3A_1245 = vector.broadcast %mul3A_1244 : f32 to vector<16xf32>
      %mul3A_1246 = arith.mulf %mul3A_1245, %add3A_1243 : vector<16xf32>
      %mul3A_1247 = arith.constant 2.240000e+02 : f32
      %mul3A_1248 = vector.broadcast %mul3A_1247 : f32 to vector<16xf32>
      %mul3A_1249 = arith.mulf %mul3A_1246, %mul3A_1248 : vector<16xf32>
      %get3A_1250 = arith.constant 1 : i32
      %get3A_1251 = arith.index_cast %get3A_1250 : i32 to index
      %get3A_1252 = arith.constant 16 : index
      %get3A_1253 = tpu.vector_load %arg7[%get3A_1251, %get3A_1252] {strides = array<i32>} : memref<2x64xf32, #tpu.memory_space<vmem>>, vector<16xf32>,
      %add3A_1254 = arith.constant 1.000000e+00 : f32
      %add3A_1255 = vector.broadcast %add3A_1254 : f32 to vector<16xf32>
      %add3A_1256 = arith.addf %get3A_1253, %add3A_1255 : vector<16xf32>
      %mul3A_1257 = arith.constant 5.000000e-01 : f32
      %mul3A_1258 = vector.broadcast %mul3A_1257 : f32 to vector<16xf32>
      %mul3A_1259 = arith.mulf %mul3A_1258, %add3A_1256 : vector<16xf32>
      %mul3A_1260 = arith.constant 2.240000e+02 : f32
      %mul3A_1261 = vector.broadcast %mul3A_1260 : f32 to vector<16xf32>
      %mul3A_1262 = arith.mulf %mul3A_1259, %mul3A_1261 : vector<16xf32>
      %convert_element_type3A_1263 = arith.fptosi %mul3A_1249 : vector<16xf32> to vector<16xi32>
      %convert_element_type3A_1264 = arith.fptosi %mul3A_1262 : vector<16xf32> to vector<16xi32>
      %jit3A_1265 = arith.constant 0 : i32
      %jit3A_1266 = arith.constant 223 : i32
      %max3A_1267 = vector.broadcast %jit3A_1265 : i32 to vector<16xi32>
      %max3A_1268 = arith.maxsi %max3A_1267, %convert_element_type3A_1263 : vector<16xi32>
      %min3A_1269 = vector.broadcast %jit3A_1266 : i32 to vector<16xi32>
      %min3A_1270 = arith.minsi %min3A_1269, %max3A_1268 : vector<16xi32>
      %add3A_1271 = arith.constant 1 : i32
      %add3A_1272 = vector.broadcast %add3A_1271 : i32 to vector<16xi32>
      %add3A_1273 = arith.addi %convert_element_type3A_1263, %add3A_1272 : vector<16xi32>
      %jit3A_1274 = arith.constant 0 : i32
      %jit3A_1275 = arith.constant 223 : i32
      %max3A_1276 = vector.broadcast %jit3A_1274 : i32 to vector<16xi32>
      %max3A_1277 = arith.maxsi %max3A_1276, %add3A_1273 : vector<16xi32>
      %min3A_1278 = vector.broadcast %jit3A_1275 : i32 to vector<16xi32>
      %min3A_1279 = arith.minsi %min3A_1278, %max3A_1277 : vector<16xi32>
      %jit3A_1280 = arith.constant 0 : i32
      %jit3A_1281 = arith.constant 223 : i32
      %max3A_1282 = vector.broadcast %jit3A_1280 : i32 to vector<16xi32>
      %max3A_1283 = arith.maxsi %max3A_1282, %convert_element_type3A_1264 : vector<16xi32>
      %min3A_1284 = vector.broadcast %jit3A_1281 : i32 to vector<16xi32>
      %min3A_1285 = arith.minsi %min3A_1284, %max3A_1283 : vector<16xi32>
      %add3A_1286 = arith.constant 1 : i32
      %add3A_1287 = vector.broadcast %add3A_1286 : i32 to vector<16xi32>
      %add3A_1288 = arith.addi %convert_element_type3A_1264, %add3A_1287 : vector<16xi32>
      %jit3A_1289 = arith.constant 0 : i32
      %jit3A_1290 = arith.constant 223 : i32
      %max3A_1291 = vector.broadcast %jit3A_1289 : i32 to vector<16xi32>
      %max3A_1292 = arith.maxsi %max3A_1291, %add3A_1288 : vector<16xi32>
      %min3A_1293 = vector.broadcast %jit3A_1290 : i32 to vector<16xi32>
      %min3A_1294 = arith.minsi %min3A_1293, %max3A_1292 : vector<16xi32>
      %convert_element_type3A_1295 = arith.sitofp %min3A_1270 : vector<16xi32> to vector<16xf32>
      %convert_element_type3A_1296 = arith.sitofp %min3A_1279 : vector<16xi32> to vector<16xf32>
      %convert_element_type3A_1297 = arith.sitofp %min3A_1285 : vector<16xi32> to vector<16xf32>
      %convert_element_type3A_1298 = arith.sitofp %min3A_1294 : vector<16xi32> to vector<16xf32>
      %sub3A_1299 = arith.subf %convert_element_type3A_1296, %mul3A_1249 : vector<16xf32>
      %sub3A_1300 = arith.subf %convert_element_type3A_1298, %mul3A_1262 : vector<16xf32>
      %mul3A_1301 = arith.mulf %sub3A_1299, %sub3A_1300 : vector<16xf32>
      %swap3A_1302 = arith.constant 1 : i32
      %swap3A_1303 = arith.index_cast %swap3A_1302 : i32 to index
      %swap3A_1304 = arith.constant 16 : index
      %swap3A_1305 = tpu.vector_load %arg9[%swap3A_1303, %swap3A_1304] {strides = array<i32>} : memref<2x64xf32, #tpu.memory_space<vmem>>, vector<16xf32>,
      tpu.vector_store %arg9[%swap3A_1303, %swap3A_1304], %mul3A_1301 {strides = array<i32>} : memref<2x64xf32, #tpu.memory_space<vmem>>, vector<16xf32>,
      %sub3A_1306 = arith.subf %convert_element_type3A_1296, %mul3A_1249 : vector<16xf32>
      %sub3A_1307 = arith.subf %mul3A_1262, %convert_element_type3A_1297 : vector<16xf32>
      %mul3A_1308 = arith.mulf %sub3A_1306, %sub3A_1307 : vector<16xf32>
      %swap3A_1309 = arith.constant 1 : i32
      %swap3A_1310 = arith.index_cast %swap3A_1309 : i32 to index
      %swap3A_1311 = arith.constant 16 : index
      %swap3A_1312 = tpu.vector_load %arg10[%swap3A_1310, %swap3A_1311] {strides = array<i32>} : memref<2x64xf32, #tpu.memory_space<vmem>>, vector<16xf32>,
      tpu.vector_store %arg10[%swap3A_1310, %swap3A_1311], %mul3A_1308 {strides = array<i32>} : memref<2x64xf32, #tpu.memory_space<vmem>>, vector<16xf32>,
      %sub3A_1313 = arith.subf %mul3A_1249, %convert_element_type3A_1295 : vector<16xf32>
      %sub3A_1314 = arith.subf %convert_element_type3A_1298, %mul3A_1262 : vector<16xf32>
      %mul3A_1315 = arith.mulf %sub3A_1313, %sub3A_1314 : vector<16xf32>
      %swap3A_1316 = arith.constant 1 : i32
      %swap3A_1317 = arith.index_cast %swap3A_1316 : i32 to index
      %swap3A_1318 = arith.constant 16 : index
      %swap3A_1319 = tpu.vector_load %arg11[%swap3A_1317, %swap3A_1318] {strides = array<i32>} : memref<2x64xf32, #tpu.memory_space<vmem>>, vector<16xf32>,
      tpu.vector_store %arg11[%swap3A_1317, %swap3A_1318], %mul3A_1315 {strides = array<i32>} : memref<2x64xf32, #tpu.memory_space<vmem>>, vector<16xf32>,
      %sub3A_1320 = arith.subf %mul3A_1249, %convert_element_type3A_1295 : vector<16xf32>
      %sub3A_1321 = arith.subf %mul3A_1262, %convert_element_type3A_1297 : vector<16xf32>
      %mul3A_1322 = arith.mulf %sub3A_1320, %sub3A_1321 : vector<16xf32>
      %swap3A_1323 = arith.constant 1 : i32
      %swap3A_1324 = arith.index_cast %swap3A_1323 : i32 to index
      %swap3A_1325 = arith.constant 16 : index
      %swap3A_1326 = tpu.vector_load %arg12[%swap3A_1324, %swap3A_1325] {strides = array<i32>} : memref<2x64xf32, #tpu.memory_space<vmem>>, vector<16xf32>,
      tpu.vector_store %arg12[%swap3A_1324, %swap3A_1325], %mul3A_1322 {strides = array<i32>} : memref<2x64xf32, #tpu.memory_space<vmem>>, vector<16xf32>,
      %mul3A_1327 = arith.constant 224 : i32
      %mul3A_1328 = vector.broadcast %mul3A_1327 : i32 to vector<16xi32>
      %mul3A_1329 = arith.muli %min3A_1285, %mul3A_1328 : vector<16xi32>
      %add3A_1330 = vector.broadcast %mul3A_20 : i32 to vector<16xi32>
      %add3A_1331 = arith.addi %add3A_1330, %mul3A_1329 : vector<16xi32>
      %mul3A_1332 = arith.constant 224 : i32
      %mul3A_1333 = vector.broadcast %mul3A_1332 : i32 to vector<16xi32>
      %mul3A_1334 = arith.muli %min3A_1294, %mul3A_1333 : vector<16xi32>
      %add3A_1335 = vector.broadcast %mul3A_20 : i32 to vector<16xi32>
      %add3A_1336 = arith.addi %add3A_1335, %mul3A_1334 : vector<16xi32>
      %add3A_1337 = arith.addi %add3A_1331, %min3A_1270 : vector<16xi32>
      %add3A_1338 = arith.addi %add3A_1336, %min3A_1270 : vector<16xi32>
      %add3A_1339 = arith.addi %add3A_1331, %min3A_1279 : vector<16xi32>
      %add3A_1340 = arith.addi %add3A_1336, %min3A_1279 : vector<16xi32>
      %swap3A_1341 = arith.constant 1 : i32
      %swap3A_1342 = arith.index_cast %swap3A_1341 : i32 to index
      %swap3A_1343 = arith.constant 16 : index
      %swap3A_1344 = tpu.vector_load %arg8[%swap3A_1342, %swap3A_1343] {strides = array<i32>} : memref<2x64xi32, #tpu.memory_space<vmem>>, vector<16xi32>,
      tpu.vector_store %arg8[%swap3A_1342, %swap3A_1343], %add3A_1340 {strides = array<i32>} : memref<2x64xi32, #tpu.memory_space<vmem>>, vector<16xi32>,
      %add3A_1345 = arith.constant 15 : i32
      %add3A_1346 = vector.broadcast %add3A_1345 : i32 to vector<16xi32>
      %add3A_1347 = arith.addi %iota3A, %add3A_1346 : vector<16xi32>
      %max3A_1348 = arith.constant 0 : i32
      %max3A_1349 = vector.broadcast %max3A_1348 : i32 to vector<16xi32>
      %max3A_1350 = arith.maxsi %add3A_1347, %max3A_1349 : vector<16xi32>
      %gather3A_1351 = arith.constant 1 : i32
      %gather3A_1352 = arith.constant 0 : i32
      %gather3A_1353 = tpu.memref_slice %arg8[%gather3A_1351, %gather3A_1352] : memref<2x64xi32, #tpu.memory_space<vmem>> -> memref<1x64xi32, #tpu.memory_space<vmem>>
      %gather3A_1354 = tpu.memref_squeeze %gather3A_1353 : memref<1x64xi32, #tpu.memory_space<vmem>> -> memref<64xi32, #tpu.memory_space<vmem>>
      %gather3A_1355 = tpu.vector_load_idx %gather3A_1354[%max3A_1350] : memref<64xi32, #tpu.memory_space<vmem>>[vector<16xi32>], vector<16xi32>,
      %ne3A_1356 = arith.cmpi ne, %min3A_1279, %min3A_1270 : vector<16xi32>
      %ne3A_1357 = arith.cmpi ne, %min3A_1294, %min3A_1285 : vector<16xi32>
      %and3A_1358 = arith.andi %ne3A_1356, %ne3A_1357 : vector<16xi1>
      %ne3A_1359 = arith.cmpi ne, %add3A_1337, %gather3A_1355 : vector<16xi32>
      %convert_element_type3A_1360 = arith.extui %ne3A_1359 : vector<16xi1> to vector<16xi32>
      %convert_element_type3A_1361 = arith.extui %ne3A_1356 : vector<16xi1> to vector<16xi32>
      %convert_element_type3A_1362 = arith.extui %ne3A_1357 : vector<16xi1> to vector<16xi32>
      %mul3A_1363 = arith.muli %convert_element_type3A_1361, %convert_element_type3A_1362 : vector<16xi32>
      %add3A_1364 = arith.addi %convert_element_type3A_1360, %convert_element_type3A_1361 : vector<16xi32>
      %add3A_1365 = arith.addi %add3A_1364, %convert_element_type3A_1362 : vector<16xi32>
      %add3A_1366 = arith.addi %add3A_1365, %mul3A_1363 : vector<16xi32>
      %broadcast_in_dim3A_1367 = arith.constant true
      %broadcast_in_dim3A_1368 = vector.broadcast %broadcast_in_dim3A_1367 : i1 to vector<16xi1>
      %masked_cumsum3A_1369 = tpu.scan <sum>, %add3A_1366 masked %broadcast_in_dim3A_1368 : vector<16xi32>, vector<16xi1> -> vector<16xi32>
      %add3A_1370 = vector.broadcast %add3A_1236 : i32 to vector<16xi32>
      %add3A_1371 = arith.addi %add3A_1370, %masked_cumsum3A_1369 : vector<16xi32>
      %sub3A_1372 = arith.subi %add3A_1371, %add3A_1366 : vector<16xi32>
      %add3A_1373 = arith.addi %sub3A_1372, %convert_element_type3A_1360 : vector<16xi32>
      %sub3A_1374 = arith.constant 1 : i32
      %sub3A_1375 = vector.broadcast %sub3A_1374 : i32 to vector<16xi32>
      %sub3A_1376 = arith.subi %add3A_1373, %sub3A_1375 : vector<16xi32>
      %add3A_1377 = arith.addi %sub3A_1376, %convert_element_type3A_1361 : vector<16xi32>
      %add3A_1378 = arith.addi %add3A_1377, %convert_element_type3A_1362 : vector<16xi32>
      %add3A_1379 = arith.addi %add3A_1378, %mul3A_1363 : vector<16xi32>
      %scatter3A_1380 = arith.constant 1 : i32
      %scatter3A_1381 = arith.constant 0 : i32
      %scatter3A_1382 = tpu.memref_slice %arg17[%scatter3A_1380, %scatter3A_1381] : memref<2x256xi32, #tpu.memory_space<vmem>> -> memref<1x256xi32, #tpu.memory_space<vmem>>
      %scatter3A_1383 = tpu.memref_squeeze %scatter3A_1382 : memref<1x256xi32, #tpu.memory_space<vmem>> -> memref<256xi32, #tpu.memory_space<vmem>>
      tpu.vector_store_idx %scatter3A_1383[%sub3A_1376], %add3A_1337 masked %ne3A_1359 : memref<256xi32, #tpu.memory_space<vmem>>[vector<16xi32>], vector<16xi32>, vector<16xi1>
      %scatter3A_1384 = arith.constant 1 : i32
      %scatter3A_1385 = arith.constant 0 : i32
      %scatter3A_1386 = tpu.memref_slice %arg17[%scatter3A_1384, %scatter3A_1385] : memref<2x256xi32, #tpu.memory_space<vmem>> -> memref<1x256xi32, #tpu.memory_space<vmem>>
      %scatter3A_1387 = tpu.memref_squeeze %scatter3A_1386 : memref<1x256xi32, #tpu.memory_space<vmem>> -> memref<256xi32, #tpu.memory_space<vmem>>
      tpu.vector_store_idx %scatter3A_1387[%add3A_1377], %add3A_1339 masked %ne3A_1356 : memref<256xi32, #tpu.memory_space<vmem>>[vector<16xi32>], vector<16xi32>, vector<16xi1>
      %scatter3A_1388 = arith.constant 1 : i32
      %scatter3A_1389 = arith.constant 0 : i32
      %scatter3A_1390 = tpu.memref_slice %arg17[%scatter3A_1388, %scatter3A_1389] : memref<2x256xi32, #tpu.memory_space<vmem>> -> memref<1x256xi32, #tpu.memory_space<vmem>>
      %scatter3A_1391 = tpu.memref_squeeze %scatter3A_1390 : memref<1x256xi32, #tpu.memory_space<vmem>> -> memref<256xi32, #tpu.memory_space<vmem>>
      tpu.vector_store_idx %scatter3A_1391[%add3A_1378], %add3A_1338 masked %ne3A_1357 : memref<256xi32, #tpu.memory_space<vmem>>[vector<16xi32>], vector<16xi32>, vector<16xi1>
      %scatter3A_1392 = arith.constant 1 : i32
      %scatter3A_1393 = arith.constant 0 : i32
      %scatter3A_1394 = tpu.memref_slice %arg17[%scatter3A_1392, %scatter3A_1393] : memref<2x256xi32, #tpu.memory_space<vmem>> -> memref<1x256xi32, #tpu.memory_space<vmem>>
      %scatter3A_1395 = tpu.memref_squeeze %scatter3A_1394 : memref<1x256xi32, #tpu.memory_space<vmem>> -> memref<256xi32, #tpu.memory_space<vmem>>
      tpu.vector_store_idx %scatter3A_1395[%add3A_1379], %add3A_1340 masked %and3A_1358 : memref<256xi32, #tpu.memory_space<vmem>>[vector<16xi32>], vector<16xi32>, vector<16xi1>
      %swap3A_1396 = arith.constant 1 : i32
      %swap3A_1397 = arith.index_cast %swap3A_1396 : i32 to index
      %swap3A_1398 = arith.constant 16 : index
      %swap3A_1399 = tpu.vector_load %arg13[%swap3A_1397, %swap3A_1398] {strides = array<i32>} : memref<2x64xi32, #tpu.memory_space<vmem>>, vector<16xi32>,
      tpu.vector_store %arg13[%swap3A_1397, %swap3A_1398], %sub3A_1376 {strides = array<i32>} : memref<2x64xi32, #tpu.memory_space<vmem>>, vector<16xi32>,
      %swap3A_1400 = arith.constant 1 : i32
      %swap3A_1401 = arith.index_cast %swap3A_1400 : i32 to index
      %swap3A_1402 = arith.constant 16 : index
      %swap3A_1403 = tpu.vector_load %arg15[%swap3A_1401, %swap3A_1402] {strides = array<i32>} : memref<2x64xi32, #tpu.memory_space<vmem>>, vector<16xi32>,
      tpu.vector_store %arg15[%swap3A_1401, %swap3A_1402], %add3A_1377 {strides = array<i32>} : memref<2x64xi32, #tpu.memory_space<vmem>>, vector<16xi32>,
      %select_n3A_1404 = arith.select %ne3A_1357, %add3A_1378, %sub3A_1376 : vector<16xi1>, vector<16xi32>
      %swap3A_1405 = arith.constant 1 : i32
      %swap3A_1406 = arith.index_cast %swap3A_1405 : i32 to index
      %swap3A_1407 = arith.constant 16 : index
      %swap3A_1408 = tpu.vector_load %arg14[%swap3A_1406, %swap3A_1407] {strides = array<i32>} : memref<2x64xi32, #tpu.memory_space<vmem>>, vector<16xi32>,
      tpu.vector_store %arg14[%swap3A_1406, %swap3A_1407], %select_n3A_1404 {strides = array<i32>} : memref<2x64xi32, #tpu.memory_space<vmem>>, vector<16xi32>,
      %select_n3A_1409 = arith.select %ne3A_1357, %add3A_1378, %add3A_1377 : vector<16xi1>, vector<16xi32>
      %select_n3A_1410 = arith.select %and3A_1358, %add3A_1379, %select_n3A_1409 : vector<16xi1>, vector<16xi32>
      %swap3A_1411 = arith.constant 1 : i32
      %swap3A_1412 = arith.index_cast %swap3A_1411 : i32 to index
      %swap3A_1413 = arith.constant 16 : index
      %swap3A_1414 = tpu.vector_load %arg16[%swap3A_1412, %swap3A_1413] {strides = array<i32>} : memref<2x64xi32, #tpu.memory_space<vmem>>, vector<16xi32>,
      tpu.vector_store %arg16[%swap3A_1412, %swap3A_1413], %select_n3A_1410 {strides = array<i32>} : memref<2x64xi32, #tpu.memory_space<vmem>>, vector<16xi32>,
      %reduce_max3A_1415 = arith.constant true
      %reduce_max3A_1416 = vector.broadcast %reduce_max3A_1415 : i1 to vector<16xi1>
      %reduce_max3A_1417 = arith.constant -2147483648 : i32
      %reduce_max3A_1418 = vector.broadcast %reduce_max3A_1417 : i32 to vector<16xi32>
      %reduce_max3A_1419 = arith.xori %masked_cumsum3A_1369, %reduce_max3A_1418 : vector<16xi32>
      %reduce_max3A_1420 = tpu.scan <max>, %reduce_max3A_1419 masked %reduce_max3A_1416 : vector<16xi32>, vector<16xi1> -> vector<16xi32>
      %reduce_max3A_1421 = arith.xori %reduce_max3A_1420, %reduce_max3A_1418 : vector<16xi32>
      %reduce_max3A_1422 = vector.extract %reduce_max3A_1421[15] : i32 from vector<16xi32>
      %add3A_1423 = arith.addi %add3A_1236, %reduce_max3A_1422 : i32
      %get3A_1424 = arith.constant 1 : i32
      %get3A_1425 = arith.index_cast %get3A_1424 : i32 to index
      %get3A_1426 = arith.constant 32 : index
      %get3A_1427 = tpu.vector_load %arg6[%get3A_1425, %get3A_1426] {strides = array<i32>} : memref<2x64xf32, #tpu.memory_space<vmem>>, vector<16xf32>,
      %add3A_1428 = arith.constant 1.000000e+00 : f32
      %add3A_1429 = vector.broadcast %add3A_1428 : f32 to vector<16xf32>
      %add3A_1430 = arith.addf %get3A_1427, %add3A_1429 : vector<16xf32>
      %mul3A_1431 = arith.constant 5.000000e-01 : f32
      %mul3A_1432 = vector.broadcast %mul3A_1431 : f32 to vector<16xf32>
      %mul3A_1433 = arith.mulf %mul3A_1432, %add3A_1430 : vector<16xf32>
      %mul3A_1434 = arith.constant 2.240000e+02 : f32
      %mul3A_1435 = vector.broadcast %mul3A_1434 : f32 to vector<16xf32>
      %mul3A_1436 = arith.mulf %mul3A_1433, %mul3A_1435 : vector<16xf32>
      %get3A_1437 = arith.constant 1 : i32
      %get3A_1438 = arith.index_cast %get3A_1437 : i32 to index
      %get3A_1439 = arith.constant 32 : index
      %get3A_1440 = tpu.vector_load %arg7[%get3A_1438, %get3A_1439] {strides = array<i32>} : memref<2x64xf32, #tpu.memory_space<vmem>>, vector<16xf32>,
      %add3A_1441 = arith.constant 1.000000e+00 : f32
      %add3A_1442 = vector.broadcast %add3A_1441 : f32 to vector<16xf32>
      %add3A_1443 = arith.addf %get3A_1440, %add3A_1442 : vector<16xf32>
      %mul3A_1444 = arith.constant 5.000000e-01 : f32
      %mul3A_1445 = vector.broadcast %mul3A_1444 : f32 to vector<16xf32>
      %mul3A_1446 = arith.mulf %mul3A_1445, %add3A_1443 : vector<16xf32>
      %mul3A_1447 = arith.constant 2.240000e+02 : f32
      %mul3A_1448 = vector.broadcast %mul3A_1447 : f32 to vector<16xf32>
      %mul3A_1449 = arith.mulf %mul3A_1446, %mul3A_1448 : vector<16xf32>
      %convert_element_type3A_1450 = arith.fptosi %mul3A_1436 : vector<16xf32> to vector<16xi32>
      %convert_element_type3A_1451 = arith.fptosi %mul3A_1449 : vector<16xf32> to vector<16xi32>
      %jit3A_1452 = arith.constant 0 : i32
      %jit3A_1453 = arith.constant 223 : i32
      %max3A_1454 = vector.broadcast %jit3A_1452 : i32 to vector<16xi32>
      %max3A_1455 = arith.maxsi %max3A_1454, %convert_element_type3A_1450 : vector<16xi32>
      %min3A_1456 = vector.broadcast %jit3A_1453 : i32 to vector<16xi32>
      %min3A_1457 = arith.minsi %min3A_1456, %max3A_1455 : vector<16xi32>
      %add3A_1458 = arith.constant 1 : i32
      %add3A_1459 = vector.broadcast %add3A_1458 : i32 to vector<16xi32>
      %add3A_1460 = arith.addi %convert_element_type3A_1450, %add3A_1459 : vector<16xi32>
      %jit3A_1461 = arith.constant 0 : i32
      %jit3A_1462 = arith.constant 223 : i32
      %max3A_1463 = vector.broadcast %jit3A_1461 : i32 to vector<16xi32>
      %max3A_1464 = arith.maxsi %max3A_1463, %add3A_1460 : vector<16xi32>
      %min3A_1465 = vector.broadcast %jit3A_1462 : i32 to vector<16xi32>
      %min3A_1466 = arith.minsi %min3A_1465, %max3A_1464 : vector<16xi32>
      %jit3A_1467 = arith.constant 0 : i32
      %jit3A_1468 = arith.constant 223 : i32
      %max3A_1469 = vector.broadcast %jit3A_1467 : i32 to vector<16xi32>
      %max3A_1470 = arith.maxsi %max3A_1469, %convert_element_type3A_1451 : vector<16xi32>
      %min3A_1471 = vector.broadcast %jit3A_1468 : i32 to vector<16xi32>
      %min3A_1472 = arith.minsi %min3A_1471, %max3A_1470 : vector<16xi32>
      %add3A_1473 = arith.constant 1 : i32
      %add3A_1474 = vector.broadcast %add3A_1473 : i32 to vector<16xi32>
      %add3A_1475 = arith.addi %convert_element_type3A_1451, %add3A_1474 : vector<16xi32>
      %jit3A_1476 = arith.constant 0 : i32
      %jit3A_1477 = arith.constant 223 : i32
      %max3A_1478 = vector.broadcast %jit3A_1476 : i32 to vector<16xi32>
      %max3A_1479 = arith.maxsi %max3A_1478, %add3A_1475 : vector<16xi32>
      %min3A_1480 = vector.broadcast %jit3A_1477 : i32 to vector<16xi32>
      %min3A_1481 = arith.minsi %min3A_1480, %max3A_1479 : vector<16xi32>
      %convert_element_type3A_1482 = arith.sitofp %min3A_1457 : vector<16xi32> to vector<16xf32>
      %convert_element_type3A_1483 = arith.sitofp %min3A_1466 : vector<16xi32> to vector<16xf32>
      %convert_element_type3A_1484 = arith.sitofp %min3A_1472 : vector<16xi32> to vector<16xf32>
      %convert_element_type3A_1485 = arith.sitofp %min3A_1481 : vector<16xi32> to vector<16xf32>
      %sub3A_1486 = arith.subf %convert_element_type3A_1483, %mul3A_1436 : vector<16xf32>
      %sub3A_1487 = arith.subf %convert_element_type3A_1485, %mul3A_1449 : vector<16xf32>
      %mul3A_1488 = arith.mulf %sub3A_1486, %sub3A_1487 : vector<16xf32>
      %swap3A_1489 = arith.constant 1 : i32
      %swap3A_1490 = arith.index_cast %swap3A_1489 : i32 to index
      %swap3A_1491 = arith.constant 32 : index
      %swap3A_1492 = tpu.vector_load %arg9[%swap3A_1490, %swap3A_1491] {strides = array<i32>} : memref<2x64xf32, #tpu.memory_space<vmem>>, vector<16xf32>,
      tpu.vector_store %arg9[%swap3A_1490, %swap3A_1491], %mul3A_1488 {strides = array<i32>} : memref<2x64xf32, #tpu.memory_space<vmem>>, vector<16xf32>,
      %sub3A_1493 = arith.subf %convert_element_type3A_1483, %mul3A_1436 : vector<16xf32>
      %sub3A_1494 = arith.subf %mul3A_1449, %convert_element_type3A_1484 : vector<16xf32>
      %mul3A_1495 = arith.mulf %sub3A_1493, %sub3A_1494 : vector<16xf32>
      %swap3A_1496 = arith.constant 1 : i32
      %swap3A_1497 = arith.index_cast %swap3A_1496 : i32 to index
      %swap3A_1498 = arith.constant 32 : index
      %swap3A_1499 = tpu.vector_load %arg10[%swap3A_1497, %swap3A_1498] {strides = array<i32>} : memref<2x64xf32, #tpu.memory_space<vmem>>, vector<16xf32>,
      tpu.vector_store %arg10[%swap3A_1497, %swap3A_1498], %mul3A_1495 {strides = array<i32>} : memref<2x64xf32, #tpu.memory_space<vmem>>, vector<16xf32>,
      %sub3A_1500 = arith.subf %mul3A_1436, %convert_element_type3A_1482 : vector<16xf32>
      %sub3A_1501 = arith.subf %convert_element_type3A_1485, %mul3A_1449 : vector<16xf32>
      %mul3A_1502 = arith.mulf %sub3A_1500, %sub3A_1501 : vector<16xf32>
      %swap3A_1503 = arith.constant 1 : i32
      %swap3A_1504 = arith.index_cast %swap3A_1503 : i32 to index
      %swap3A_1505 = arith.constant 32 : index
      %swap3A_1506 = tpu.vector_load %arg11[%swap3A_1504, %swap3A_1505] {strides = array<i32>} : memref<2x64xf32, #tpu.memory_space<vmem>>, vector<16xf32>,
      tpu.vector_store %arg11[%swap3A_1504, %swap3A_1505], %mul3A_1502 {strides = array<i32>} : memref<2x64xf32, #tpu.memory_space<vmem>>, vector<16xf32>,
      %sub3A_1507 = arith.subf %mul3A_1436, %convert_element_type3A_1482 : vector<16xf32>
      %sub3A_1508 = arith.subf %mul3A_1449, %convert_element_type3A_1484 : vector<16xf32>
      %mul3A_1509 = arith.mulf %sub3A_1507, %sub3A_1508 : vector<16xf32>
      %swap3A_1510 = arith.constant 1 : i32
      %swap3A_1511 = arith.index_cast %swap3A_1510 : i32 to index
      %swap3A_1512 = arith.constant 32 : index
      %swap3A_1513 = tpu.vector_load %arg12[%swap3A_1511, %swap3A_1512] {strides = array<i32>} : memref<2x64xf32, #tpu.memory_space<vmem>>, vector<16xf32>,
      tpu.vector_store %arg12[%swap3A_1511, %swap3A_1512], %mul3A_1509 {strides = array<i32>} : memref<2x64xf32, #tpu.memory_space<vmem>>, vector<16xf32>,
      %mul3A_1514 = arith.constant 224 : i32
      %mul3A_1515 = vector.broadcast %mul3A_1514 : i32 to vector<16xi32>
      %mul3A_1516 = arith.muli %min3A_1472, %mul3A_1515 : vector<16xi32>
      %add3A_1517 = vector.broadcast %mul3A_20 : i32 to vector<16xi32>
      %add3A_1518 = arith.addi %add3A_1517, %mul3A_1516 : vector<16xi32>
      %mul3A_1519 = arith.constant 224 : i32
      %mul3A_1520 = vector.broadcast %mul3A_1519 : i32 to vector<16xi32>
      %mul3A_1521 = arith.muli %min3A_1481, %mul3A_1520 : vector<16xi32>
      %add3A_1522 = vector.broadcast %mul3A_20 : i32 to vector<16xi32>
      %add3A_1523 = arith.addi %add3A_1522, %mul3A_1521 : vector<16xi32>
      %add3A_1524 = arith.addi %add3A_1518, %min3A_1457 : vector<16xi32>
      %add3A_1525 = arith.addi %add3A_1523, %min3A_1457 : vector<16xi32>
      %add3A_1526 = arith.addi %add3A_1518, %min3A_1466 : vector<16xi32>
      %add3A_1527 = arith.addi %add3A_1523, %min3A_1466 : vector<16xi32>
      %swap3A_1528 = arith.constant 1 : i32
      %swap3A_1529 = arith.index_cast %swap3A_1528 : i32 to index
      %swap3A_1530 = arith.constant 32 : index
      %swap3A_1531 = tpu.vector_load %arg8[%swap3A_1529, %swap3A_1530] {strides = array<i32>} : memref<2x64xi32, #tpu.memory_space<vmem>>, vector<16xi32>,
      tpu.vector_store %arg8[%swap3A_1529, %swap3A_1530], %add3A_1527 {strides = array<i32>} : memref<2x64xi32, #tpu.memory_space<vmem>>, vector<16xi32>,
      %add3A_1532 = arith.constant 31 : i32
      %add3A_1533 = vector.broadcast %add3A_1532 : i32 to vector<16xi32>
      %add3A_1534 = arith.addi %iota3A, %add3A_1533 : vector<16xi32>
      %max3A_1535 = arith.constant 0 : i32
      %max3A_1536 = vector.broadcast %max3A_1535 : i32 to vector<16xi32>
      %max3A_1537 = arith.maxsi %add3A_1534, %max3A_1536 : vector<16xi32>
      %gather3A_1538 = arith.constant 1 : i32
      %gather3A_1539 = arith.constant 0 : i32
      %gather3A_1540 = tpu.memref_slice %arg8[%gather3A_1538, %gather3A_1539] : memref<2x64xi32, #tpu.memory_space<vmem>> -> memref<1x64xi32, #tpu.memory_space<vmem>>
      %gather3A_1541 = tpu.memref_squeeze %gather3A_1540 : memref<1x64xi32, #tpu.memory_space<vmem>> -> memref<64xi32, #tpu.memory_space<vmem>>
      %gather3A_1542 = tpu.vector_load_idx %gather3A_1541[%max3A_1537] : memref<64xi32, #tpu.memory_space<vmem>>[vector<16xi32>], vector<16xi32>,
      %ne3A_1543 = arith.cmpi ne, %min3A_1466, %min3A_1457 : vector<16xi32>
      %ne3A_1544 = arith.cmpi ne, %min3A_1481, %min3A_1472 : vector<16xi32>
      %and3A_1545 = arith.andi %ne3A_1543, %ne3A_1544 : vector<16xi1>
      %ne3A_1546 = arith.cmpi ne, %add3A_1524, %gather3A_1542 : vector<16xi32>
      %convert_element_type3A_1547 = arith.extui %ne3A_1546 : vector<16xi1> to vector<16xi32>
      %convert_element_type3A_1548 = arith.extui %ne3A_1543 : vector<16xi1> to vector<16xi32>
      %convert_element_type3A_1549 = arith.extui %ne3A_1544 : vector<16xi1> to vector<16xi32>
      %mul3A_1550 = arith.muli %convert_element_type3A_1548, %convert_element_type3A_1549 : vector<16xi32>
      %add3A_1551 = arith.addi %convert_element_type3A_1547, %convert_element_type3A_1548 : vector<16xi32>
      %add3A_1552 = arith.addi %add3A_1551, %convert_element_type3A_1549 : vector<16xi32>
      %add3A_1553 = arith.addi %add3A_1552, %mul3A_1550 : vector<16xi32>
      %broadcast_in_dim3A_1554 = arith.constant true
      %broadcast_in_dim3A_1555 = vector.broadcast %broadcast_in_dim3A_1554 : i1 to vector<16xi1>
      %masked_cumsum3A_1556 = tpu.scan <sum>, %add3A_1553 masked %broadcast_in_dim3A_1555 : vector<16xi32>, vector<16xi1> -> vector<16xi32>
      %add3A_1557 = vector.broadcast %add3A_1423 : i32 to vector<16xi32>
      %add3A_1558 = arith.addi %add3A_1557, %masked_cumsum3A_1556 : vector<16xi32>
      %sub3A_1559 = arith.subi %add3A_1558, %add3A_1553 : vector<16xi32>
      %add3A_1560 = arith.addi %sub3A_1559, %convert_element_type3A_1547 : vector<16xi32>
      %sub3A_1561 = arith.constant 1 : i32
      %sub3A_1562 = vector.broadcast %sub3A_1561 : i32 to vector<16xi32>
      %sub3A_1563 = arith.subi %add3A_1560, %sub3A_1562 : vector<16xi32>
      %add3A_1564 = arith.addi %sub3A_1563, %convert_element_type3A_1548 : vector<16xi32>
      %add3A_1565 = arith.addi %add3A_1564, %convert_element_type3A_1549 : vector<16xi32>
      %add3A_1566 = arith.addi %add3A_1565, %mul3A_1550 : vector<16xi32>
      %scatter3A_1567 = arith.constant 1 : i32
      %scatter3A_1568 = arith.constant 0 : i32
      %scatter3A_1569 = tpu.memref_slice %arg17[%scatter3A_1567, %scatter3A_1568] : memref<2x256xi32, #tpu.memory_space<vmem>> -> memref<1x256xi32, #tpu.memory_space<vmem>>
      %scatter3A_1570 = tpu.memref_squeeze %scatter3A_1569 : memref<1x256xi32, #tpu.memory_space<vmem>> -> memref<256xi32, #tpu.memory_space<vmem>>
      tpu.vector_store_idx %scatter3A_1570[%sub3A_1563], %add3A_1524 masked %ne3A_1546 : memref<256xi32, #tpu.memory_space<vmem>>[vector<16xi32>], vector<16xi32>, vector<16xi1>
      %scatter3A_1571 = arith.constant 1 : i32
      %scatter3A_1572 = arith.constant 0 : i32
      %scatter3A_1573 = tpu.memref_slice %arg17[%scatter3A_1571, %scatter3A_1572] : memref<2x256xi32, #tpu.memory_space<vmem>> -> memref<1x256xi32, #tpu.memory_space<vmem>>
      %scatter3A_1574 = tpu.memref_squeeze %scatter3A_1573 : memref<1x256xi32, #tpu.memory_space<vmem>> -> memref<256xi32, #tpu.memory_space<vmem>>
      tpu.vector_store_idx %scatter3A_1574[%add3A_1564], %add3A_1526 masked %ne3A_1543 : memref<256xi32, #tpu.memory_space<vmem>>[vector<16xi32>], vector<16xi32>, vector<16xi1>
      %scatter3A_1575 = arith.constant 1 : i32
      %scatter3A_1576 = arith.constant 0 : i32
      %scatter3A_1577 = tpu.memref_slice %arg17[%scatter3A_1575, %scatter3A_1576] : memref<2x256xi32, #tpu.memory_space<vmem>> -> memref<1x256xi32, #tpu.memory_space<vmem>>
      %scatter3A_1578 = tpu.memref_squeeze %scatter3A_1577 : memref<1x256xi32, #tpu.memory_space<vmem>> -> memref<256xi32, #tpu.memory_space<vmem>>
      tpu.vector_store_idx %scatter3A_1578[%add3A_1565], %add3A_1525 masked %ne3A_1544 : memref<256xi32, #tpu.memory_space<vmem>>[vector<16xi32>], vector<16xi32>, vector<16xi1>
      %scatter3A_1579 = arith.constant 1 : i32
      %scatter3A_1580 = arith.constant 0 : i32
      %scatter3A_1581 = tpu.memref_slice %arg17[%scatter3A_1579, %scatter3A_1580] : memref<2x256xi32, #tpu.memory_space<vmem>> -> memref<1x256xi32, #tpu.memory_space<vmem>>
      %scatter3A_1582 = tpu.memref_squeeze %scatter3A_1581 : memref<1x256xi32, #tpu.memory_space<vmem>> -> memref<256xi32, #tpu.memory_space<vmem>>
      tpu.vector_store_idx %scatter3A_1582[%add3A_1566], %add3A_1527 masked %and3A_1545 : memref<256xi32, #tpu.memory_space<vmem>>[vector<16xi32>], vector<16xi32>, vector<16xi1>
      %swap3A_1583 = arith.constant 1 : i32
      %swap3A_1584 = arith.index_cast %swap3A_1583 : i32 to index
      %swap3A_1585 = arith.constant 32 : index
      %swap3A_1586 = tpu.vector_load %arg13[%swap3A_1584, %swap3A_1585] {strides = array<i32>} : memref<2x64xi32, #tpu.memory_space<vmem>>, vector<16xi32>,
      tpu.vector_store %arg13[%swap3A_1584, %swap3A_1585], %sub3A_1563 {strides = array<i32>} : memref<2x64xi32, #tpu.memory_space<vmem>>, vector<16xi32>,
      %swap3A_1587 = arith.constant 1 : i32
      %swap3A_1588 = arith.index_cast %swap3A_1587 : i32 to index
      %swap3A_1589 = arith.constant 32 : index
      %swap3A_1590 = tpu.vector_load %arg15[%swap3A_1588, %swap3A_1589] {strides = array<i32>} : memref<2x64xi32, #tpu.memory_space<vmem>>, vector<16xi32>,
      tpu.vector_store %arg15[%swap3A_1588, %swap3A_1589], %add3A_1564 {strides = array<i32>} : memref<2x64xi32, #tpu.memory_space<vmem>>, vector<16xi32>,
      %select_n3A_1591 = arith.select %ne3A_1544, %add3A_1565, %sub3A_1563 : vector<16xi1>, vector<16xi32>
      %swap3A_1592 = arith.constant 1 : i32
      %swap3A_1593 = arith.index_cast %swap3A_1592 : i32 to index
      %swap3A_1594 = arith.constant 32 : index
      %swap3A_1595 = tpu.vector_load %arg14[%swap3A_1593, %swap3A_1594] {strides = array<i32>} : memref<2x64xi32, #tpu.memory_space<vmem>>, vector<16xi32>,
      tpu.vector_store %arg14[%swap3A_1593, %swap3A_1594], %select_n3A_1591 {strides = array<i32>} : memref<2x64xi32, #tpu.memory_space<vmem>>, vector<16xi32>,
      %select_n3A_1596 = arith.select %ne3A_1544, %add3A_1565, %add3A_1564 : vector<16xi1>, vector<16xi32>
      %select_n3A_1597 = arith.select %and3A_1545, %add3A_1566, %select_n3A_1596 : vector<16xi1>, vector<16xi32>
      %swap3A_1598 = arith.constant 1 : i32
      %swap3A_1599 = arith.index_cast %swap3A_1598 : i32 to index
      %swap3A_1600 = arith.constant 32 : index
      %swap3A_1601 = tpu.vector_load %arg16[%swap3A_1599, %swap3A_1600] {strides = array<i32>} : memref<2x64xi32, #tpu.memory_space<vmem>>, vector<16xi32>,
      tpu.vector_store %arg16[%swap3A_1599, %swap3A_1600], %select_n3A_1597 {strides = array<i32>} : memref<2x64xi32, #tpu.memory_space<vmem>>, vector<16xi32>,
      %reduce_max3A_1602 = arith.constant true
      %reduce_max3A_1603 = vector.broadcast %reduce_max3A_1602 : i1 to vector<16xi1>
      %reduce_max3A_1604 = arith.constant -2147483648 : i32
      %reduce_max3A_1605 = vector.broadcast %reduce_max3A_1604 : i32 to vector<16xi32>
      %reduce_max3A_1606 = arith.xori %masked_cumsum3A_1556, %reduce_max3A_1605 : vector<16xi32>
      %reduce_max3A_1607 = tpu.scan <max>, %reduce_max3A_1606 masked %reduce_max3A_1603 : vector<16xi32>, vector<16xi1> -> vector<16xi32>
      %reduce_max3A_1608 = arith.xori %reduce_max3A_1607, %reduce_max3A_1605 : vector<16xi32>
      %reduce_max3A_1609 = vector.extract %reduce_max3A_1608[15] : i32 from vector<16xi32>
      %add3A_1610 = arith.addi %add3A_1423, %reduce_max3A_1609 : i32
      %get3A_1611 = arith.constant 1 : i32
      %get3A_1612 = arith.index_cast %get3A_1611 : i32 to index
      %get3A_1613 = arith.constant 48 : index
      %get3A_1614 = tpu.vector_load %arg6[%get3A_1612, %get3A_1613] {strides = array<i32>} : memref<2x64xf32, #tpu.memory_space<vmem>>, vector<16xf32>,
      %add3A_1615 = arith.constant 1.000000e+00 : f32
      %add3A_1616 = vector.broadcast %add3A_1615 : f32 to vector<16xf32>
      %add3A_1617 = arith.addf %get3A_1614, %add3A_1616 : vector<16xf32>
      %mul3A_1618 = arith.constant 5.000000e-01 : f32
      %mul3A_1619 = vector.broadcast %mul3A_1618 : f32 to vector<16xf32>
      %mul3A_1620 = arith.mulf %mul3A_1619, %add3A_1617 : vector<16xf32>
      %mul3A_1621 = arith.constant 2.240000e+02 : f32
      %mul3A_1622 = vector.broadcast %mul3A_1621 : f32 to vector<16xf32>
      %mul3A_1623 = arith.mulf %mul3A_1620, %mul3A_1622 : vector<16xf32>
      %get3A_1624 = arith.constant 1 : i32
      %get3A_1625 = arith.index_cast %get3A_1624 : i32 to index
      %get3A_1626 = arith.constant 48 : index
      %get3A_1627 = tpu.vector_load %arg7[%get3A_1625, %get3A_1626] {strides = array<i32>} : memref<2x64xf32, #tpu.memory_space<vmem>>, vector<16xf32>,
      %add3A_1628 = arith.constant 1.000000e+00 : f32
      %add3A_1629 = vector.broadcast %add3A_1628 : f32 to vector<16xf32>
      %add3A_1630 = arith.addf %get3A_1627, %add3A_1629 : vector<16xf32>
      %mul3A_1631 = arith.constant 5.000000e-01 : f32
      %mul3A_1632 = vector.broadcast %mul3A_1631 : f32 to vector<16xf32>
      %mul3A_1633 = arith.mulf %mul3A_1632, %add3A_1630 : vector<16xf32>
      %mul3A_1634 = arith.constant 2.240000e+02 : f32
      %mul3A_1635 = vector.broadcast %mul3A_1634 : f32 to vector<16xf32>
      %mul3A_1636 = arith.mulf %mul3A_1633, %mul3A_1635 : vector<16xf32>
      %convert_element_type3A_1637 = arith.fptosi %mul3A_1623 : vector<16xf32> to vector<16xi32>
      %convert_element_type3A_1638 = arith.fptosi %mul3A_1636 : vector<16xf32> to vector<16xi32>
      %jit3A_1639 = arith.constant 0 : i32
      %jit3A_1640 = arith.constant 223 : i32
      %max3A_1641 = vector.broadcast %jit3A_1639 : i32 to vector<16xi32>
      %max3A_1642 = arith.maxsi %max3A_1641, %convert_element_type3A_1637 : vector<16xi32>
      %min3A_1643 = vector.broadcast %jit3A_1640 : i32 to vector<16xi32>
      %min3A_1644 = arith.minsi %min3A_1643, %max3A_1642 : vector<16xi32>
      %add3A_1645 = arith.constant 1 : i32
      %add3A_1646 = vector.broadcast %add3A_1645 : i32 to vector<16xi32>
      %add3A_1647 = arith.addi %convert_element_type3A_1637, %add3A_1646 : vector<16xi32>
      %jit3A_1648 = arith.constant 0 : i32
      %jit3A_1649 = arith.constant 223 : i32
      %max3A_1650 = vector.broadcast %jit3A_1648 : i32 to vector<16xi32>
      %max3A_1651 = arith.maxsi %max3A_1650, %add3A_1647 : vector<16xi32>
      %min3A_1652 = vector.broadcast %jit3A_1649 : i32 to vector<16xi32>
      %min3A_1653 = arith.minsi %min3A_1652, %max3A_1651 : vector<16xi32>
      %jit3A_1654 = arith.constant 0 : i32
      %jit3A_1655 = arith.constant 223 : i32
      %max3A_1656 = vector.broadcast %jit3A_1654 : i32 to vector<16xi32>
      %max3A_1657 = arith.maxsi %max3A_1656, %convert_element_type3A_1638 : vector<16xi32>
      %min3A_1658 = vector.broadcast %jit3A_1655 : i32 to vector<16xi32>
      %min3A_1659 = arith.minsi %min3A_1658, %max3A_1657 : vector<16xi32>
      %add3A_1660 = arith.constant 1 : i32
      %add3A_1661 = vector.broadcast %add3A_1660 : i32 to vector<16xi32>
      %add3A_1662 = arith.addi %convert_element_type3A_1638, %add3A_1661 : vector<16xi32>
      %jit3A_1663 = arith.constant 0 : i32
      %jit3A_1664 = arith.constant 223 : i32
      %max3A_1665 = vector.broadcast %jit3A_1663 : i32 to vector<16xi32>
      %max3A_1666 = arith.maxsi %max3A_1665, %add3A_1662 : vector<16xi32>
      %min3A_1667 = vector.broadcast %jit3A_1664 : i32 to vector<16xi32>
      %min3A_1668 = arith.minsi %min3A_1667, %max3A_1666 : vector<16xi32>
      %convert_element_type3A_1669 = arith.sitofp %min3A_1644 : vector<16xi32> to vector<16xf32>
      %convert_element_type3A_1670 = arith.sitofp %min3A_1653 : vector<16xi32> to vector<16xf32>
      %convert_element_type3A_1671 = arith.sitofp %min3A_1659 : vector<16xi32> to vector<16xf32>
      %convert_element_type3A_1672 = arith.sitofp %min3A_1668 : vector<16xi32> to vector<16xf32>
      %sub3A_1673 = arith.subf %convert_element_type3A_1670, %mul3A_1623 : vector<16xf32>
      %sub3A_1674 = arith.subf %convert_element_type3A_1672, %mul3A_1636 : vector<16xf32>
      %mul3A_1675 = arith.mulf %sub3A_1673, %sub3A_1674 : vector<16xf32>
      %swap3A_1676 = arith.constant 1 : i32
      %swap3A_1677 = arith.index_cast %swap3A_1676 : i32 to index
      %swap3A_1678 = arith.constant 48 : index
      %swap3A_1679 = tpu.vector_load %arg9[%swap3A_1677, %swap3A_1678] {strides = array<i32>} : memref<2x64xf32, #tpu.memory_space<vmem>>, vector<16xf32>,
      tpu.vector_store %arg9[%swap3A_1677, %swap3A_1678], %mul3A_1675 {strides = array<i32>} : memref<2x64xf32, #tpu.memory_space<vmem>>, vector<16xf32>,
      %sub3A_1680 = arith.subf %convert_element_type3A_1670, %mul3A_1623 : vector<16xf32>
      %sub3A_1681 = arith.subf %mul3A_1636, %convert_element_type3A_1671 : vector<16xf32>
      %mul3A_1682 = arith.mulf %sub3A_1680, %sub3A_1681 : vector<16xf32>
      %swap3A_1683 = arith.constant 1 : i32
      %swap3A_1684 = arith.index_cast %swap3A_1683 : i32 to index
      %swap3A_1685 = arith.constant 48 : index
      %swap3A_1686 = tpu.vector_load %arg10[%swap3A_1684, %swap3A_1685] {strides = array<i32>} : memref<2x64xf32, #tpu.memory_space<vmem>>, vector<16xf32>,
      tpu.vector_store %arg10[%swap3A_1684, %swap3A_1685], %mul3A_1682 {strides = array<i32>} : memref<2x64xf32, #tpu.memory_space<vmem>>, vector<16xf32>,
      %sub3A_1687 = arith.subf %mul3A_1623, %convert_element_type3A_1669 : vector<16xf32>
      %sub3A_1688 = arith.subf %convert_element_type3A_1672, %mul3A_1636 : vector<16xf32>
      %mul3A_1689 = arith.mulf %sub3A_1687, %sub3A_1688 : vector<16xf32>
      %swap3A_1690 = arith.constant 1 : i32
      %swap3A_1691 = arith.index_cast %swap3A_1690 : i32 to index
      %swap3A_1692 = arith.constant 48 : index
      %swap3A_1693 = tpu.vector_load %arg11[%swap3A_1691, %swap3A_1692] {strides = array<i32>} : memref<2x64xf32, #tpu.memory_space<vmem>>, vector<16xf32>,
      tpu.vector_store %arg11[%swap3A_1691, %swap3A_1692], %mul3A_1689 {strides = array<i32>} : memref<2x64xf32, #tpu.memory_space<vmem>>, vector<16xf32>,
      %sub3A_1694 = arith.subf %mul3A_1623, %convert_element_type3A_1669 : vector<16xf32>
      %sub3A_1695 = arith.subf %mul3A_1636, %convert_element_type3A_1671 : vector<16xf32>
      %mul3A_1696 = arith.mulf %sub3A_1694, %sub3A_1695 : vector<16xf32>
      %swap3A_1697 = arith.constant 1 : i32
      %swap3A_1698 = arith.index_cast %swap3A_1697 : i32 to index
      %swap3A_1699 = arith.constant 48 : index
      %swap3A_1700 = tpu.vector_load %arg12[%swap3A_1698, %swap3A_1699] {strides = array<i32>} : memref<2x64xf32, #tpu.memory_space<vmem>>, vector<16xf32>,
      tpu.vector_store %arg12[%swap3A_1698, %swap3A_1699], %mul3A_1696 {strides = array<i32>} : memref<2x64xf32, #tpu.memory_space<vmem>>, vector<16xf32>,
      %mul3A_1701 = arith.constant 224 : i32
      %mul3A_1702 = vector.broadcast %mul3A_1701 : i32 to vector<16xi32>
      %mul3A_1703 = arith.muli %min3A_1659, %mul3A_1702 : vector<16xi32>
      %add3A_1704 = vector.broadcast %mul3A_20 : i32 to vector<16xi32>
      %add3A_1705 = arith.addi %add3A_1704, %mul3A_1703 : vector<16xi32>
      %mul3A_1706 = arith.constant 224 : i32
      %mul3A_1707 = vector.broadcast %mul3A_1706 : i32 to vector<16xi32>
      %mul3A_1708 = arith.muli %min3A_1668, %mul3A_1707 : vector<16xi32>
      %add3A_1709 = vector.broadcast %mul3A_20 : i32 to vector<16xi32>
      %add3A_1710 = arith.addi %add3A_1709, %mul3A_1708 : vector<16xi32>
      %add3A_1711 = arith.addi %add3A_1705, %min3A_1644 : vector<16xi32>
      %add3A_1712 = arith.addi %add3A_1710, %min3A_1644 : vector<16xi32>
      %add3A_1713 = arith.addi %add3A_1705, %min3A_1653 : vector<16xi32>
      %add3A_1714 = arith.addi %add3A_1710, %min3A_1653 : vector<16xi32>
      %swap3A_1715 = arith.constant 1 : i32
      %swap3A_1716 = arith.index_cast %swap3A_1715 : i32 to index
      %swap3A_1717 = arith.constant 48 : index
      %swap3A_1718 = tpu.vector_load %arg8[%swap3A_1716, %swap3A_1717] {strides = array<i32>} : memref<2x64xi32, #tpu.memory_space<vmem>>, vector<16xi32>,
      tpu.vector_store %arg8[%swap3A_1716, %swap3A_1717], %add3A_1714 {strides = array<i32>} : memref<2x64xi32, #tpu.memory_space<vmem>>, vector<16xi32>,
      %add3A_1719 = arith.constant 47 : i32
      %add3A_1720 = vector.broadcast %add3A_1719 : i32 to vector<16xi32>
      %add3A_1721 = arith.addi %iota3A, %add3A_1720 : vector<16xi32>
      %max3A_1722 = arith.constant 0 : i32
      %max3A_1723 = vector.broadcast %max3A_1722 : i32 to vector<16xi32>
      %max3A_1724 = arith.maxsi %add3A_1721, %max3A_1723 : vector<16xi32>
      %gather3A_1725 = arith.constant 1 : i32
      %gather3A_1726 = arith.constant 0 : i32
      %gather3A_1727 = tpu.memref_slice %arg8[%gather3A_1725, %gather3A_1726] : memref<2x64xi32, #tpu.memory_space<vmem>> -> memref<1x64xi32, #tpu.memory_space<vmem>>
      %gather3A_1728 = tpu.memref_squeeze %gather3A_1727 : memref<1x64xi32, #tpu.memory_space<vmem>> -> memref<64xi32, #tpu.memory_space<vmem>>
      %gather3A_1729 = tpu.vector_load_idx %gather3A_1728[%max3A_1724] : memref<64xi32, #tpu.memory_space<vmem>>[vector<16xi32>], vector<16xi32>,
      %ne3A_1730 = arith.cmpi ne, %min3A_1653, %min3A_1644 : vector<16xi32>
      %ne3A_1731 = arith.cmpi ne, %min3A_1668, %min3A_1659 : vector<16xi32>
      %and3A_1732 = arith.andi %ne3A_1730, %ne3A_1731 : vector<16xi1>
      %ne3A_1733 = arith.cmpi ne, %add3A_1711, %gather3A_1729 : vector<16xi32>
      %convert_element_type3A_1734 = arith.extui %ne3A_1733 : vector<16xi1> to vector<16xi32>
      %convert_element_type3A_1735 = arith.extui %ne3A_1730 : vector<16xi1> to vector<16xi32>
      %convert_element_type3A_1736 = arith.extui %ne3A_1731 : vector<16xi1> to vector<16xi32>
      %mul3A_1737 = arith.muli %convert_element_type3A_1735, %convert_element_type3A_1736 : vector<16xi32>
      %add3A_1738 = arith.addi %convert_element_type3A_1734, %convert_element_type3A_1735 : vector<16xi32>
      %add3A_1739 = arith.addi %add3A_1738, %convert_element_type3A_1736 : vector<16xi32>
      %add3A_1740 = arith.addi %add3A_1739, %mul3A_1737 : vector<16xi32>
      %broadcast_in_dim3A_1741 = arith.constant true
      %broadcast_in_dim3A_1742 = vector.broadcast %broadcast_in_dim3A_1741 : i1 to vector<16xi1>
      %masked_cumsum3A_1743 = tpu.scan <sum>, %add3A_1740 masked %broadcast_in_dim3A_1742 : vector<16xi32>, vector<16xi1> -> vector<16xi32>
      %add3A_1744 = vector.broadcast %add3A_1610 : i32 to vector<16xi32>
      %add3A_1745 = arith.addi %add3A_1744, %masked_cumsum3A_1743 : vector<16xi32>
      %sub3A_1746 = arith.subi %add3A_1745, %add3A_1740 : vector<16xi32>
      %add3A_1747 = arith.addi %sub3A_1746, %convert_element_type3A_1734 : vector<16xi32>
      %sub3A_1748 = arith.constant 1 : i32
      %sub3A_1749 = vector.broadcast %sub3A_1748 : i32 to vector<16xi32>
      %sub3A_1750 = arith.subi %add3A_1747, %sub3A_1749 : vector<16xi32>
      %add3A_1751 = arith.addi %sub3A_1750, %convert_element_type3A_1735 : vector<16xi32>
      %add3A_1752 = arith.addi %add3A_1751, %convert_element_type3A_1736 : vector<16xi32>
      %add3A_1753 = arith.addi %add3A_1752, %mul3A_1737 : vector<16xi32>
      %scatter3A_1754 = arith.constant 1 : i32
      %scatter3A_1755 = arith.constant 0 : i32
      %scatter3A_1756 = tpu.memref_slice %arg17[%scatter3A_1754, %scatter3A_1755] : memref<2x256xi32, #tpu.memory_space<vmem>> -> memref<1x256xi32, #tpu.memory_space<vmem>>
      %scatter3A_1757 = tpu.memref_squeeze %scatter3A_1756 : memref<1x256xi32, #tpu.memory_space<vmem>> -> memref<256xi32, #tpu.memory_space<vmem>>
      tpu.vector_store_idx %scatter3A_1757[%sub3A_1750], %add3A_1711 masked %ne3A_1733 : memref<256xi32, #tpu.memory_space<vmem>>[vector<16xi32>], vector<16xi32>, vector<16xi1>
      %scatter3A_1758 = arith.constant 1 : i32
      %scatter3A_1759 = arith.constant 0 : i32
      %scatter3A_1760 = tpu.memref_slice %arg17[%scatter3A_1758, %scatter3A_1759] : memref<2x256xi32, #tpu.memory_space<vmem>> -> memref<1x256xi32, #tpu.memory_space<vmem>>
      %scatter3A_1761 = tpu.memref_squeeze %scatter3A_1760 : memref<1x256xi32, #tpu.memory_space<vmem>> -> memref<256xi32, #tpu.memory_space<vmem>>
      tpu.vector_store_idx %scatter3A_1761[%add3A_1751], %add3A_1713 masked %ne3A_1730 : memref<256xi32, #tpu.memory_space<vmem>>[vector<16xi32>], vector<16xi32>, vector<16xi1>
      %scatter3A_1762 = arith.constant 1 : i32
      %scatter3A_1763 = arith.constant 0 : i32
      %scatter3A_1764 = tpu.memref_slice %arg17[%scatter3A_1762, %scatter3A_1763] : memref<2x256xi32, #tpu.memory_space<vmem>> -> memref<1x256xi32, #tpu.memory_space<vmem>>
      %scatter3A_1765 = tpu.memref_squeeze %scatter3A_1764 : memref<1x256xi32, #tpu.memory_space<vmem>> -> memref<256xi32, #tpu.memory_space<vmem>>
      tpu.vector_store_idx %scatter3A_1765[%add3A_1752], %add3A_1712 masked %ne3A_1731 : memref<256xi32, #tpu.memory_space<vmem>>[vector<16xi32>], vector<16xi32>, vector<16xi1>
      %scatter3A_1766 = arith.constant 1 : i32
      %scatter3A_1767 = arith.constant 0 : i32
      %scatter3A_1768 = tpu.memref_slice %arg17[%scatter3A_1766, %scatter3A_1767] : memref<2x256xi32, #tpu.memory_space<vmem>> -> memref<1x256xi32, #tpu.memory_space<vmem>>
      %scatter3A_1769 = tpu.memref_squeeze %scatter3A_1768 : memref<1x256xi32, #tpu.memory_space<vmem>> -> memref<256xi32, #tpu.memory_space<vmem>>
      tpu.vector_store_idx %scatter3A_1769[%add3A_1753], %add3A_1714 masked %and3A_1732 : memref<256xi32, #tpu.memory_space<vmem>>[vector<16xi32>], vector<16xi32>, vector<16xi1>
      %swap3A_1770 = arith.constant 1 : i32
      %swap3A_1771 = arith.index_cast %swap3A_1770 : i32 to index
      %swap3A_1772 = arith.constant 48 : index
      %swap3A_1773 = tpu.vector_load %arg13[%swap3A_1771, %swap3A_1772] {strides = array<i32>} : memref<2x64xi32, #tpu.memory_space<vmem>>, vector<16xi32>,
      tpu.vector_store %arg13[%swap3A_1771, %swap3A_1772], %sub3A_1750 {strides = array<i32>} : memref<2x64xi32, #tpu.memory_space<vmem>>, vector<16xi32>,
      %swap3A_1774 = arith.constant 1 : i32
      %swap3A_1775 = arith.index_cast %swap3A_1774 : i32 to index
      %swap3A_1776 = arith.constant 48 : index
      %swap3A_1777 = tpu.vector_load %arg15[%swap3A_1775, %swap3A_1776] {strides = array<i32>} : memref<2x64xi32, #tpu.memory_space<vmem>>, vector<16xi32>,
      tpu.vector_store %arg15[%swap3A_1775, %swap3A_1776], %add3A_1751 {strides = array<i32>} : memref<2x64xi32, #tpu.memory_space<vmem>>, vector<16xi32>,
      %select_n3A_1778 = arith.select %ne3A_1731, %add3A_1752, %sub3A_1750 : vector<16xi1>, vector<16xi32>
      %swap3A_1779 = arith.constant 1 : i32
      %swap3A_1780 = arith.index_cast %swap3A_1779 : i32 to index
      %swap3A_1781 = arith.constant 48 : index
      %swap3A_1782 = tpu.vector_load %arg14[%swap3A_1780, %swap3A_1781] {strides = array<i32>} : memref<2x64xi32, #tpu.memory_space<vmem>>, vector<16xi32>,
      tpu.vector_store %arg14[%swap3A_1780, %swap3A_1781], %select_n3A_1778 {strides = array<i32>} : memref<2x64xi32, #tpu.memory_space<vmem>>, vector<16xi32>,
      %select_n3A_1783 = arith.select %ne3A_1731, %add3A_1752, %add3A_1751 : vector<16xi1>, vector<16xi32>
      %select_n3A_1784 = arith.select %and3A_1732, %add3A_1753, %select_n3A_1783 : vector<16xi1>, vector<16xi32>
      %swap3A_1785 = arith.constant 1 : i32
      %swap3A_1786 = arith.index_cast %swap3A_1785 : i32 to index
      %swap3A_1787 = arith.constant 48 : index
      %swap3A_1788 = tpu.vector_load %arg16[%swap3A_1786, %swap3A_1787] {strides = array<i32>} : memref<2x64xi32, #tpu.memory_space<vmem>>, vector<16xi32>,
      tpu.vector_store %arg16[%swap3A_1786, %swap3A_1787], %select_n3A_1784 {strides = array<i32>} : memref<2x64xi32, #tpu.memory_space<vmem>>, vector<16xi32>,
      %reduce_max3A_1789 = arith.constant true
      %reduce_max3A_1790 = vector.broadcast %reduce_max3A_1789 : i1 to vector<16xi1>
      %reduce_max3A_1791 = arith.constant -2147483648 : i32
      %reduce_max3A_1792 = vector.broadcast %reduce_max3A_1791 : i32 to vector<16xi32>
      %reduce_max3A_1793 = arith.xori %masked_cumsum3A_1743, %reduce_max3A_1792 : vector<16xi32>
      %reduce_max3A_1794 = tpu.scan <max>, %reduce_max3A_1793 masked %reduce_max3A_1790 : vector<16xi32>, vector<16xi1> -> vector<16xi32>
      %reduce_max3A_1795 = arith.xori %reduce_max3A_1794, %reduce_max3A_1792 : vector<16xi32>
      %reduce_max3A_1796 = vector.extract %reduce_max3A_1795[15] : i32 from vector<16xi32>
      %add3A_1797 = arith.addi %add3A_1610, %reduce_max3A_1796 : i32
      %add3A_1798 = arith.constant 31 : i32
      %add3A_1799 = arith.addi %add3A_1797, %add3A_1798 : i32
      %jit3A_1800 = arith.constant 32 : i32
      %div3A_1801 = arith.divsi %add3A_1799, %jit3A_1800 : i32
      %sign3A_1802 = arith.constant 0 : i32
      %sign3A_1803 = arith.cmpi sgt, %add3A_1799, %sign3A_1802 : i32
      %sign3A_1804 = arith.extui %sign3A_1803 : i1 to i32
      %sign3A_1805 = arith.constant 0 : i32
      %sign3A_1806 = arith.cmpi slt, %add3A_1799, %sign3A_1805 : i32
      %sign3A_1807 = arith.extui %sign3A_1806 : i1 to i32
      %sign3A_1808 = arith.subi %sign3A_1804, %sign3A_1807 : i32
      %sign3A_1809 = arith.constant 0 : i32
      %sign3A_1810 = arith.cmpi sgt, %jit3A_1800, %sign3A_1809 : i32
      %sign3A_1811 = arith.extui %sign3A_1810 : i1 to i32
      %sign3A_1812 = arith.constant 0 : i32
      %sign3A_1813 = arith.cmpi slt, %jit3A_1800, %sign3A_1812 : i32
      %sign3A_1814 = arith.extui %sign3A_1813 : i1 to i32
      %sign3A_1815 = arith.subi %sign3A_1811, %sign3A_1814 : i32
      %ne3A_1816 = arith.cmpi ne, %sign3A_1808, %sign3A_1815 : i32
      %rem3A_1817 = arith.remsi %add3A_1799, %jit3A_1800 : i32
      %ne3A_1818 = arith.constant 0 : i32
      %ne3A_1819 = arith.cmpi ne, %rem3A_1817, %ne3A_1818 : i32
      %and3A_1820 = arith.andi %ne3A_1816, %ne3A_1819 : i1
      %sub3A_1821 = arith.constant 1 : i32
      %sub3A_1822 = arith.subi %div3A_1801, %sub3A_1821 : i32
      %select_n3A_1823 = arith.select %and3A_1820, %sub3A_1822, %div3A_1801 : i32
      %while3A_1824 = arith.constant 0 : i32
      %while3A_1825 = arith.constant 0 : i32
      %while3A_1826 = arith.subi %select_n3A_1823, %while3A_1825 : i32
      %while3A_1827 = arith.addi %while3A_1825, %while3A_1826 : i32
      %while3A_1828 = arith.constant 1 : i32
      %while3A_1829 = arith.divsi %while3A_1826, %while3A_1828 : i32
      %while3A_1830 = arith.muli %while3A_1829, %while3A_1828 : i32
      %while3A_1831 = arith.addi %while3A_1825, %while3A_1830 : i32
      %while3A_1832 = arith.constant 1 : i32
      scf.for %while3A_2700 = %while3A_1825 to %while3A_1831 step %while3A_1832  : i32 {
        %mul3A_2701 = arith.constant 32 : i32
        %mul3A_2702 = arith.muli %while3A_2700, %mul3A_2701 : i32
        %mul3A_2703 = arith.constant 32 : i32
        %mul3A_2704 = arith.muli %while3A_2700, %mul3A_2703 : i32
        %dma_start3A_2705 = arith.constant 1 : i32
        %dma_start3A_2706 = arith.constant 1 : i32
        %dma_start3A_2707 = arith.constant 0 : i32
        %dma_start3A_2708 = arith.constant 0 : i32
        %dma_start3A_2709 = tpu.memref_slice %arg18[%dma_start3A_2706, %mul3A_2704, %dma_start3A_2707, %dma_start3A_2708] : memref<2x256x2x96xf32, #tpu.memory_space<vmem>> -> memref<1x32x2x96xf32, #tpu.memory_space<vmem>>
        %dma_start3A_2710 = tpu.memref_squeeze %dma_start3A_2709 : memref<1x32x2x96xf32, #tpu.memory_space<vmem>> -> memref<32x2x96xf32, #tpu.memory_space<vmem>>
        %dma_start3A_2711 = tpu.memref_slice %arg17[%dma_start3A_2705, %mul3A_2702] : memref<2x256xi32, #tpu.memory_space<vmem>> -> memref<1x32xi32, #tpu.memory_space<vmem>>
        %dma_start3A_2712 = tpu.memref_squeeze %dma_start3A_2711 : memref<1x32xi32, #tpu.memory_space<vmem>> -> memref<32xi32, #tpu.memory_space<vmem>>
        %dma_start3A_2713 = arith.constant 0 : i32
        %dma_start3A_2714 = arith.constant 0 : i32
        %dma_start3A_2715 = arith.constant 0 : i32
        %dma_start3A_2716 = tpu.memref_slice %arg4[%dma_start3A_2713, %dma_start3A_2714, %dma_start3A_2715] : memref<401408x2x96xf32, #tpu.memory_space<hbm>> -> memref<401408x2x96xf32, #tpu.memory_space<hbm>>
        tpu.enqueue_indirect_dma source(%dma_start3A_2716 : memref<401408x2x96xf32, #tpu.memory_space<hbm>>) target(%dma_start3A_2710 : memref<32x2x96xf32, #tpu.memory_space<vmem>>) offsets(%dma_start3A_2712 : memref<32xi32, #tpu.memory_space<vmem>>) semaphore(%arg21 : memref<!tpu.dma_semaphore, #tpu.memory_space<semaphore_mem>>)
      }
      %while3A_1833 = arith.constant 1 : i32
      scf.for %while3A_2700 = %while3A_1831 to %while3A_1827 step %while3A_1833  : i32 {
        %mul3A_2701 = arith.constant 32 : i32
        %mul3A_2702 = arith.muli %while3A_2700, %mul3A_2701 : i32
        %mul3A_2703 = arith.constant 32 : i32
        %mul3A_2704 = arith.muli %while3A_2700, %mul3A_2703 : i32
        %dma_start3A_2705 = arith.constant 1 : i32
        %dma_start3A_2706 = arith.constant 1 : i32
        %dma_start3A_2707 = arith.constant 0 : i32
        %dma_start3A_2708 = arith.constant 0 : i32
        %dma_start3A_2709 = tpu.memref_slice %arg18[%dma_start3A_2706, %mul3A_2704, %dma_start3A_2707, %dma_start3A_2708] : memref<2x256x2x96xf32, #tpu.memory_space<vmem>> -> memref<1x32x2x96xf32, #tpu.memory_space<vmem>>
        %dma_start3A_2710 = tpu.memref_squeeze %dma_start3A_2709 : memref<1x32x2x96xf32, #tpu.memory_space<vmem>> -> memref<32x2x96xf32, #tpu.memory_space<vmem>>
        %dma_start3A_2711 = tpu.memref_slice %arg17[%dma_start3A_2705, %mul3A_2702] : memref<2x256xi32, #tpu.memory_space<vmem>> -> memref<1x32xi32, #tpu.memory_space<vmem>>
        %dma_start3A_2712 = tpu.memref_squeeze %dma_start3A_2711 : memref<1x32xi32, #tpu.memory_space<vmem>> -> memref<32xi32, #tpu.memory_space<vmem>>
        %dma_start3A_2713 = arith.constant 0 : i32
        %dma_start3A_2714 = arith.constant 0 : i32
        %dma_start3A_2715 = arith.constant 0 : i32
        %dma_start3A_2716 = tpu.memref_slice %arg4[%dma_start3A_2713, %dma_start3A_2714, %dma_start3A_2715] : memref<401408x2x96xf32, #tpu.memory_space<hbm>> -> memref<401408x2x96xf32, #tpu.memory_space<hbm>>
        tpu.enqueue_indirect_dma source(%dma_start3A_2716 : memref<401408x2x96xf32, #tpu.memory_space<hbm>>) target(%dma_start3A_2710 : memref<32x2x96xf32, #tpu.memory_space<vmem>>) offsets(%dma_start3A_2712 : memref<32xi32, #tpu.memory_space<vmem>>) semaphore(%arg21 : memref<!tpu.dma_semaphore, #tpu.memory_space<semaphore_mem>>)
      }
      %while3A_1834 = arith.constant 0 : i32
      %while3A_1835 = arith.constant 0 : i32
      %while3A_1836 = arith.subi %scan3A_1034, %while3A_1835 : i32
      %while3A_1837 = arith.addi %while3A_1835, %while3A_1836 : i32
      %while3A_1838 = arith.constant 1 : i32
      %while3A_1839 = arith.divsi %while3A_1836, %while3A_1838 : i32
      %while3A_1840 = arith.muli %while3A_1839, %while3A_1838 : i32
      %while3A_1841 = arith.addi %while3A_1835, %while3A_1840 : i32
      %while3A_1842 = arith.constant 1 : i32
      scf.for %while3A_2700 = %while3A_1835 to %while3A_1841 step %while3A_1842  : i32 {
        %mul3A_2701 = arith.constant 32 : i32
        %mul3A_2702 = arith.muli %while3A_2700, %mul3A_2701 : i32
        %mul3A_2703 = arith.constant 32 : i32
        %mul3A_2704 = arith.muli %while3A_2700, %mul3A_2703 : i32
        %dma_wait3A_2705 = arith.constant 0 : i32
        %dma_wait3A_2706 = arith.constant 0 : i32
        %dma_wait3A_2707 = arith.constant 0 : i32
        %dma_wait3A_2708 = arith.constant 0 : i32
        %dma_wait3A_2709 = tpu.memref_slice %arg18[%dma_wait3A_2706, %mul3A_2704, %dma_wait3A_2707, %dma_wait3A_2708] : memref<2x256x2x96xf32, #tpu.memory_space<vmem>> -> memref<1x32x2x96xf32, #tpu.memory_space<vmem>>
        %dma_wait3A_2710 = tpu.memref_squeeze %dma_wait3A_2709 : memref<1x32x2x96xf32, #tpu.memory_space<vmem>> -> memref<32x2x96xf32, #tpu.memory_space<vmem>>
        %dma_wait3A_2711 = tpu.memref_slice %arg17[%dma_wait3A_2705, %mul3A_2702] : memref<2x256xi32, #tpu.memory_space<vmem>> -> memref<1x32xi32, #tpu.memory_space<vmem>>
        %dma_wait3A_2712 = tpu.memref_squeeze %dma_wait3A_2711 : memref<1x32xi32, #tpu.memory_space<vmem>> -> memref<32xi32, #tpu.memory_space<vmem>>
        %dma_wait3A_2713 = arith.constant 0 : i32
        %dma_wait3A_2714 = arith.constant 0 : i32
        %dma_wait3A_2715 = arith.constant 0 : i32
        %dma_wait3A_2716 = tpu.memref_slice %arg4[%dma_wait3A_2713, %dma_wait3A_2714, %dma_wait3A_2715] : memref<401408x2x96xf32, #tpu.memory_space<hbm>> -> memref<401408x2x96xf32, #tpu.memory_space<hbm>>
        tpu.wait_indirect_dma semaphore(%arg20 : memref<!tpu.dma_semaphore, #tpu.memory_space<semaphore_mem>>) src(%dma_wait3A_2716 : memref<401408x2x96xf32, #tpu.memory_space<hbm>>) dst(%dma_wait3A_2710 : memref<32x2x96xf32, #tpu.memory_space<vmem>>)
      }
      %while3A_1843 = arith.constant 1 : i32
      scf.for %while3A_2700 = %while3A_1841 to %while3A_1837 step %while3A_1843  : i32 {
        %mul3A_2701 = arith.constant 32 : i32
        %mul3A_2702 = arith.muli %while3A_2700, %mul3A_2701 : i32
        %mul3A_2703 = arith.constant 32 : i32
        %mul3A_2704 = arith.muli %while3A_2700, %mul3A_2703 : i32
        %dma_wait3A_2705 = arith.constant 0 : i32
        %dma_wait3A_2706 = arith.constant 0 : i32
        %dma_wait3A_2707 = arith.constant 0 : i32
        %dma_wait3A_2708 = arith.constant 0 : i32
        %dma_wait3A_2709 = tpu.memref_slice %arg18[%dma_wait3A_2706, %mul3A_2704, %dma_wait3A_2707, %dma_wait3A_2708] : memref<2x256x2x96xf32, #tpu.memory_space<vmem>> -> memref<1x32x2x96xf32, #tpu.memory_space<vmem>>
        %dma_wait3A_2710 = tpu.memref_squeeze %dma_wait3A_2709 : memref<1x32x2x96xf32, #tpu.memory_space<vmem>> -> memref<32x2x96xf32, #tpu.memory_space<vmem>>
        %dma_wait3A_2711 = tpu.memref_slice %arg17[%dma_wait3A_2705, %mul3A_2702] : memref<2x256xi32, #tpu.memory_space<vmem>> -> memref<1x32xi32, #tpu.memory_space<vmem>>
        %dma_wait3A_2712 = tpu.memref_squeeze %dma_wait3A_2711 : memref<1x32xi32, #tpu.memory_space<vmem>> -> memref<32xi32, #tpu.memory_space<vmem>>
        %dma_wait3A_2713 = arith.constant 0 : i32
        %dma_wait3A_2714 = arith.constant 0 : i32
        %dma_wait3A_2715 = arith.constant 0 : i32
        %dma_wait3A_2716 = tpu.memref_slice %arg4[%dma_wait3A_2713, %dma_wait3A_2714, %dma_wait3A_2715] : memref<401408x2x96xf32, #tpu.memory_space<hbm>> -> memref<401408x2x96xf32, #tpu.memory_space<hbm>>
        tpu.wait_indirect_dma semaphore(%arg20 : memref<!tpu.dma_semaphore, #tpu.memory_space<semaphore_mem>>) src(%dma_wait3A_2716 : memref<401408x2x96xf32, #tpu.memory_space<hbm>>) dst(%dma_wait3A_2710 : memref<32x2x96xf32, #tpu.memory_space<vmem>>)
      }
      %mul3A_1844 = arith.constant 64 : i32
      %mul3A_1845 = arith.muli %mul3A_1036, %mul3A_1844 : i32
      %add3A_1846 = arith.addi %mul3A_2, %mul3A_1845 : i32
      %ge3A = arith.constant 2 : i32
      %ge3A_1847 = arith.cmpi sge, %mul3A_1036, %ge3A : i32
      %convert_element_type3A_1848 = arith.extui %ge3A_1847 : i1 to i32
      %cond3A = arith.constant 0 : i32
      %cond3A_1849 = arith.cmpi ne, %convert_element_type3A_1848, %cond3A : i32
      scf.if %cond3A_1849 {
        %sub3A_2700 = arith.constant 128 : i32
        %sub3A_2701 = arith.subi %add3A_1846, %sub3A_2700 : i32
        %mul3A_2702 = arith.constant 192 : i32
        %mul3A_2703 = arith.muli %sub3A_2701, %mul3A_2702 : i32
        %dma_wait3A_2704 = arith.constant 0 : i32
        %dma_wait3A_2705 = arith.constant 0 : i32
        %dma_wait3A_2706 = tpu.memref_slice %arg19[%dma_wait3A_2704, %dma_wait3A_2705] : memref<2x12288xf32, #tpu.memory_space<vmem>> -> memref<1x12288xf32, #tpu.memory_space<vmem>>
        %dma_wait3A_2707 = tpu.memref_squeeze %dma_wait3A_2706 : memref<1x12288xf32, #tpu.memory_space<vmem>> -> memref<12288xf32, #tpu.memory_space<vmem>>
        %dma_wait3A_2708 = tpu.memref_slice %arg5[%mul3A_2703] : memref<77070336xf32, #tpu.memory_space<hbm>> -> memref<12288xf32, #tpu.memory_space<hbm>>
        %dma_wait3A_2709 = tpu.memref_slice %arg5[%mul3A_2703] : memref<77070336xf32, #tpu.memory_space<hbm>> -> memref<12288xf32, #tpu.memory_space<hbm>>
        %dma_wait3A_2710 = arith.constant 0 : i32
        %dma_wait3A_2711 = tpu.memref_slice %arg19[%dma_wait3A_2704, %dma_wait3A_2710] : memref<2x12288xf32, #tpu.memory_space<vmem>> -> memref<1x12288xf32, #tpu.memory_space<vmem>>
        %dma_wait3A_2712 = tpu.memref_squeeze %dma_wait3A_2711 : memref<1x12288xf32, #tpu.memory_space<vmem>> -> memref<12288xf32, #tpu.memory_space<vmem>>
        tpu.wait_dma2 semaphore(%arg22 : memref<!tpu.dma_semaphore, #tpu.memory_space<semaphore_mem>>) src(%dma_wait3A_2712 : memref<12288xf32, #tpu.memory_space<vmem>>) dst(%dma_wait3A_2709 : memref<12288xf32, #tpu.memory_space<hbm>>)
      } else {
      }
      %scan3A_1850 = arith.constant 0 : i32
      %scan3A_1851 = arith.constant 0 : i32
      %scan3A_1852 = arith.constant 64 : i32
      %scan3A_1853 = arith.addi %scan3A_1851, %scan3A_1852 : i32
      %scan3A_1854 = arith.constant 1 : i32
      scf.for %scan3A_2700 = %scan3A_1851 to %scan3A_1853 step %scan3A_1854  : i32 {
        %broadcast_in_dim3A_2701 = vector.broadcast %scan3A_2700 : i32 to vector<16xi32>
        %gather3A_2702 = arith.constant 0 : i32
        %gather3A_2703 = arith.constant 0 : i32
        %gather3A_2704 = tpu.memref_slice %arg9[%gather3A_2702, %gather3A_2703] : memref<2x64xf32, #tpu.memory_space<vmem>> -> memref<1x64xf32, #tpu.memory_space<vmem>>
        %gather3A_2705 = tpu.memref_squeeze %gather3A_2704 : memref<1x64xf32, #tpu.memory_space<vmem>> -> memref<64xf32, #tpu.memory_space<vmem>>
        %gather3A_2706 = tpu.vector_load_idx %gather3A_2705[%broadcast_in_dim3A_2701] : memref<64xf32, #tpu.memory_space<vmem>>[vector<16xi32>], vector<16xf32>,
        %gather3A_2707 = arith.constant 0 : i32
        %gather3A_2708 = arith.constant 0 : i32
        %gather3A_2709 = tpu.memref_slice %arg10[%gather3A_2707, %gather3A_2708] : memref<2x64xf32, #tpu.memory_space<vmem>> -> memref<1x64xf32, #tpu.memory_space<vmem>>
        %gather3A_2710 = tpu.memref_squeeze %gather3A_2709 : memref<1x64xf32, #tpu.memory_space<vmem>> -> memref<64xf32, #tpu.memory_space<vmem>>
        %gather3A_2711 = tpu.vector_load_idx %gather3A_2710[%broadcast_in_dim3A_2701] : memref<64xf32, #tpu.memory_space<vmem>>[vector<16xi32>], vector<16xf32>,
        %gather3A_2712 = arith.constant 0 : i32
        %gather3A_2713 = arith.constant 0 : i32
        %gather3A_2714 = tpu.memref_slice %arg11[%gather3A_2712, %gather3A_2713] : memref<2x64xf32, #tpu.memory_space<vmem>> -> memref<1x64xf32, #tpu.memory_space<vmem>>
        %gather3A_2715 = tpu.memref_squeeze %gather3A_2714 : memref<1x64xf32, #tpu.memory_space<vmem>> -> memref<64xf32, #tpu.memory_space<vmem>>
        %gather3A_2716 = tpu.vector_load_idx %gather3A_2715[%broadcast_in_dim3A_2701] : memref<64xf32, #tpu.memory_space<vmem>>[vector<16xi32>], vector<16xf32>,
        %gather3A_2717 = arith.constant 0 : i32
        %gather3A_2718 = arith.constant 0 : i32
        %gather3A_2719 = tpu.memref_slice %arg12[%gather3A_2717, %gather3A_2718] : memref<2x64xf32, #tpu.memory_space<vmem>> -> memref<1x64xf32, #tpu.memory_space<vmem>>
        %gather3A_2720 = tpu.memref_squeeze %gather3A_2719 : memref<1x64xf32, #tpu.memory_space<vmem>> -> memref<64xf32, #tpu.memory_space<vmem>>
        %gather3A_2721 = tpu.vector_load_idx %gather3A_2720[%broadcast_in_dim3A_2701] : memref<64xf32, #tpu.memory_space<vmem>>[vector<16xi32>], vector<16xf32>,
        %gather3A_2722 = arith.constant 0 : i32
        %gather3A_2723 = arith.constant 0 : i32
        %gather3A_2724 = tpu.memref_slice %arg13[%gather3A_2722, %gather3A_2723] : memref<2x64xi32, #tpu.memory_space<vmem>> -> memref<1x64xi32, #tpu.memory_space<vmem>>
        %gather3A_2725 = tpu.memref_squeeze %gather3A_2724 : memref<1x64xi32, #tpu.memory_space<vmem>> -> memref<64xi32, #tpu.memory_space<vmem>>
        %gather3A_2726 = tpu.vector_load_idx %gather3A_2725[%broadcast_in_dim3A_2701] : memref<64xi32, #tpu.memory_space<vmem>>[vector<16xi32>], vector<16xi32>,
        %gather3A_2727 = arith.constant 0 : i32
        %gather3A_2728 = arith.constant 0 : i32
        %gather3A_2729 = tpu.memref_slice %arg14[%gather3A_2727, %gather3A_2728] : memref<2x64xi32, #tpu.memory_space<vmem>> -> memref<1x64xi32, #tpu.memory_space<vmem>>
        %gather3A_2730 = tpu.memref_squeeze %gather3A_2729 : memref<1x64xi32, #tpu.memory_space<vmem>> -> memref<64xi32, #tpu.memory_space<vmem>>
        %gather3A_2731 = tpu.vector_load_idx %gather3A_2730[%broadcast_in_dim3A_2701] : memref<64xi32, #tpu.memory_space<vmem>>[vector<16xi32>], vector<16xi32>,
        %gather3A_2732 = arith.constant 0 : i32
        %gather3A_2733 = arith.constant 0 : i32
        %gather3A_2734 = tpu.memref_slice %arg15[%gather3A_2732, %gather3A_2733] : memref<2x64xi32, #tpu.memory_space<vmem>> -> memref<1x64xi32, #tpu.memory_space<vmem>>
        %gather3A_2735 = tpu.memref_squeeze %gather3A_2734 : memref<1x64xi32, #tpu.memory_space<vmem>> -> memref<64xi32, #tpu.memory_space<vmem>>
        %gather3A_2736 = tpu.vector_load_idx %gather3A_2735[%broadcast_in_dim3A_2701] : memref<64xi32, #tpu.memory_space<vmem>>[vector<16xi32>], vector<16xi32>,
        %gather3A_2737 = arith.constant 0 : i32
        %gather3A_2738 = arith.constant 0 : i32
        %gather3A_2739 = tpu.memref_slice %arg16[%gather3A_2737, %gather3A_2738] : memref<2x64xi32, #tpu.memory_space<vmem>> -> memref<1x64xi32, #tpu.memory_space<vmem>>
        %gather3A_2740 = tpu.memref_squeeze %gather3A_2739 : memref<1x64xi32, #tpu.memory_space<vmem>> -> memref<64xi32, #tpu.memory_space<vmem>>
        %gather3A_2741 = tpu.vector_load_idx %gather3A_2740[%broadcast_in_dim3A_2701] : memref<64xi32, #tpu.memory_space<vmem>>[vector<16xi32>], vector<16xi32>,
        %mul3A_2742 = arith.constant 192 : i32
        %mul3A_2743 = arith.muli %scan3A_2700, %mul3A_2742 : i32
        %broadcast_in_dim3A_2744 = arith.constant 0 : i32
        %broadcast_in_dim3A_2745 = vector.broadcast %broadcast_in_dim3A_2744 : i32 to vector<16xi32>
        %add3A_2746 = arith.constant 0 : i32
        %add3A_2747 = vector.broadcast %add3A_2746 : i32 to vector<16xi32>
        %add3A_2748 = arith.addi %iota3A, %add3A_2747 : vector<16xi32>
        %gather3A_2749 = arith.constant 0 : i32
        %gather3A_2750 = arith.constant 0 : i32
        %gather3A_2751 = arith.constant 0 : i32
        %gather3A_2752 = arith.constant 0 : i32
        %gather3A_2753 = tpu.memref_slice %arg18[%gather3A_2749, %gather3A_2750, %gather3A_2751, %gather3A_2752] : memref<2x256x2x96xf32, #tpu.memory_space<vmem>> -> memref<1x256x2x96xf32, #tpu.memory_space<vmem>>
        %gather3A_2754 = tpu.memref_squeeze %gather3A_2753 : memref<1x256x2x96xf32, #tpu.memory_space<vmem>> -> memref<256x2x96xf32, #tpu.memory_space<vmem>>
        %gather3A_2755 = tpu.vector_load_idx %gather3A_2754[%gather3A_2726, %broadcast_in_dim3A_2745, %add3A_2748] : memref<256x2x96xf32, #tpu.memory_space<vmem>>[vector<16xi32>, vector<16xi32>, vector<16xi32>], vector<16xf32>,
        %gather3A_2756 = arith.constant 0 : i32
        %gather3A_2757 = arith.constant 0 : i32
        %gather3A_2758 = arith.constant 0 : i32
        %gather3A_2759 = arith.constant 0 : i32
        %gather3A_2760 = tpu.memref_slice %arg18[%gather3A_2756, %gather3A_2757, %gather3A_2758, %gather3A_2759] : memref<2x256x2x96xf32, #tpu.memory_space<vmem>> -> memref<1x256x2x96xf32, #tpu.memory_space<vmem>>
        %gather3A_2761 = tpu.memref_squeeze %gather3A_2760 : memref<1x256x2x96xf32, #tpu.memory_space<vmem>> -> memref<256x2x96xf32, #tpu.memory_space<vmem>>
        %gather3A_2762 = tpu.vector_load_idx %gather3A_2761[%gather3A_2731, %broadcast_in_dim3A_2745, %add3A_2748] : memref<256x2x96xf32, #tpu.memory_space<vmem>>[vector<16xi32>, vector<16xi32>, vector<16xi32>], vector<16xf32>,
        %gather3A_2763 = arith.constant 0 : i32
        %gather3A_2764 = arith.constant 0 : i32
        %gather3A_2765 = arith.constant 0 : i32
        %gather3A_2766 = arith.constant 0 : i32
        %gather3A_2767 = tpu.memref_slice %arg18[%gather3A_2763, %gather3A_2764, %gather3A_2765, %gather3A_2766] : memref<2x256x2x96xf32, #tpu.memory_space<vmem>> -> memref<1x256x2x96xf32, #tpu.memory_space<vmem>>
        %gather3A_2768 = tpu.memref_squeeze %gather3A_2767 : memref<1x256x2x96xf32, #tpu.memory_space<vmem>> -> memref<256x2x96xf32, #tpu.memory_space<vmem>>
        %gather3A_2769 = tpu.vector_load_idx %gather3A_2768[%gather3A_2736, %broadcast_in_dim3A_2745, %add3A_2748] : memref<256x2x96xf32, #tpu.memory_space<vmem>>[vector<16xi32>, vector<16xi32>, vector<16xi32>], vector<16xf32>,
        %gather3A_2770 = arith.constant 0 : i32
        %gather3A_2771 = arith.constant 0 : i32
        %gather3A_2772 = arith.constant 0 : i32
        %gather3A_2773 = arith.constant 0 : i32
        %gather3A_2774 = tpu.memref_slice %arg18[%gather3A_2770, %gather3A_2771, %gather3A_2772, %gather3A_2773] : memref<2x256x2x96xf32, #tpu.memory_space<vmem>> -> memref<1x256x2x96xf32, #tpu.memory_space<vmem>>
        %gather3A_2775 = tpu.memref_squeeze %gather3A_2774 : memref<1x256x2x96xf32, #tpu.memory_space<vmem>> -> memref<256x2x96xf32, #tpu.memory_space<vmem>>
        %gather3A_2776 = tpu.vector_load_idx %gather3A_2775[%gather3A_2741, %broadcast_in_dim3A_2745, %add3A_2748] : memref<256x2x96xf32, #tpu.memory_space<vmem>>[vector<16xi32>, vector<16xi32>, vector<16xi32>], vector<16xf32>,
        %mul3A_2777 = arith.mulf %gather3A_2706, %gather3A_2755 : vector<16xf32>
        %mul3A_2778 = arith.mulf %gather3A_2711, %gather3A_2762 : vector<16xf32>
        %add3A_2779 = arith.addf %mul3A_2777, %mul3A_2778 : vector<16xf32>
        %mul3A_2780 = arith.mulf %gather3A_2716, %gather3A_2769 : vector<16xf32>
        %add3A_2781 = arith.addf %add3A_2779, %mul3A_2780 : vector<16xf32>
        %mul3A_2782 = arith.mulf %gather3A_2721, %gather3A_2776 : vector<16xf32>
        %add3A_2783 = arith.addf %add3A_2781, %mul3A_2782 : vector<16xf32>
        %add3A_2784 = arith.constant 0 : i32
        %add3A_2785 = arith.addi %mul3A_2743, %add3A_2784 : i32
        %add3A_2786 = arith.constant 0 : i32
        %add3A_2787 = arith.addi %add3A_2785, %add3A_2786 : i32
        %swap3A_2788 = arith.constant 0 : i32
        %swap3A_2789 = arith.index_cast %swap3A_2788 : i32 to index
        %swap3A_2790 = arith.index_cast %add3A_2787 : i32 to index
        %swap3A_2791 = tpu.vector_load %arg19[%swap3A_2789, %swap3A_2790] {strides = array<i32>} : memref<2x12288xf32, #tpu.memory_space<vmem>>, vector<16xf32>,
        tpu.vector_store %arg19[%swap3A_2789, %swap3A_2790], %add3A_2783 {strides = array<i32>} : memref<2x12288xf32, #tpu.memory_space<vmem>>, vector<16xf32>,
        %add3A_2792 = arith.constant 16 : i32
        %add3A_2793 = vector.broadcast %add3A_2792 : i32 to vector<16xi32>
        %add3A_2794 = arith.addi %iota3A, %add3A_2793 : vector<16xi32>
        %gather3A_2795 = arith.constant 0 : i32
        %gather3A_2796 = arith.constant 0 : i32
        %gather3A_2797 = arith.constant 0 : i32
        %gather3A_2798 = arith.constant 0 : i32
        %gather3A_2799 = tpu.memref_slice %arg18[%gather3A_2795, %gather3A_2796, %gather3A_2797, %gather3A_2798] : memref<2x256x2x96xf32, #tpu.memory_space<vmem>> -> memref<1x256x2x96xf32, #tpu.memory_space<vmem>>
        %gather3A_2800 = tpu.memref_squeeze %gather3A_2799 : memref<1x256x2x96xf32, #tpu.memory_space<vmem>> -> memref<256x2x96xf32, #tpu.memory_space<vmem>>
        %gather3A_2801 = tpu.vector_load_idx %gather3A_2800[%gather3A_2726, %broadcast_in_dim3A_2745, %add3A_2794] : memref<256x2x96xf32, #tpu.memory_space<vmem>>[vector<16xi32>, vector<16xi32>, vector<16xi32>], vector<16xf32>,
        %gather3A_2802 = arith.constant 0 : i32
        %gather3A_2803 = arith.constant 0 : i32
        %gather3A_2804 = arith.constant 0 : i32
        %gather3A_2805 = arith.constant 0 : i32
        %gather3A_2806 = tpu.memref_slice %arg18[%gather3A_2802, %gather3A_2803, %gather3A_2804, %gather3A_2805] : memref<2x256x2x96xf32, #tpu.memory_space<vmem>> -> memref<1x256x2x96xf32, #tpu.memory_space<vmem>>
        %gather3A_2807 = tpu.memref_squeeze %gather3A_2806 : memref<1x256x2x96xf32, #tpu.memory_space<vmem>> -> memref<256x2x96xf32, #tpu.memory_space<vmem>>
        %gather3A_2808 = tpu.vector_load_idx %gather3A_2807[%gather3A_2731, %broadcast_in_dim3A_2745, %add3A_2794] : memref<256x2x96xf32, #tpu.memory_space<vmem>>[vector<16xi32>, vector<16xi32>, vector<16xi32>], vector<16xf32>,
        %gather3A_2809 = arith.constant 0 : i32
        %gather3A_2810 = arith.constant 0 : i32
        %gather3A_2811 = arith.constant 0 : i32
        %gather3A_2812 = arith.constant 0 : i32
        %gather3A_2813 = tpu.memref_slice %arg18[%gather3A_2809, %gather3A_2810, %gather3A_2811, %gather3A_2812] : memref<2x256x2x96xf32, #tpu.memory_space<vmem>> -> memref<1x256x2x96xf32, #tpu.memory_space<vmem>>
        %gather3A_2814 = tpu.memref_squeeze %gather3A_2813 : memref<1x256x2x96xf32, #tpu.memory_space<vmem>> -> memref<256x2x96xf32, #tpu.memory_space<vmem>>
        %gather3A_2815 = tpu.vector_load_idx %gather3A_2814[%gather3A_2736, %broadcast_in_dim3A_2745, %add3A_2794] : memref<256x2x96xf32, #tpu.memory_space<vmem>>[vector<16xi32>, vector<16xi32>, vector<16xi32>], vector<16xf32>,
        %gather3A_2816 = arith.constant 0 : i32
        %gather3A_2817 = arith.constant 0 : i32
        %gather3A_2818 = arith.constant 0 : i32
        %gather3A_2819 = arith.constant 0 : i32
        %gather3A_2820 = tpu.memref_slice %arg18[%gather3A_2816, %gather3A_2817, %gather3A_2818, %gather3A_2819] : memref<2x256x2x96xf32, #tpu.memory_space<vmem>> -> memref<1x256x2x96xf32, #tpu.memory_space<vmem>>
        %gather3A_2821 = tpu.memref_squeeze %gather3A_2820 : memref<1x256x2x96xf32, #tpu.memory_space<vmem>> -> memref<256x2x96xf32, #tpu.memory_space<vmem>>
        %gather3A_2822 = tpu.vector_load_idx %gather3A_2821[%gather3A_2741, %broadcast_in_dim3A_2745, %add3A_2794] : memref<256x2x96xf32, #tpu.memory_space<vmem>>[vector<16xi32>, vector<16xi32>, vector<16xi32>], vector<16xf32>,
        %mul3A_2823 = arith.mulf %gather3A_2706, %gather3A_2801 : vector<16xf32>
        %mul3A_2824 = arith.mulf %gather3A_2711, %gather3A_2808 : vector<16xf32>
        %add3A_2825 = arith.addf %mul3A_2823, %mul3A_2824 : vector<16xf32>
        %mul3A_2826 = arith.mulf %gather3A_2716, %gather3A_2815 : vector<16xf32>
        %add3A_2827 = arith.addf %add3A_2825, %mul3A_2826 : vector<16xf32>
        %mul3A_2828 = arith.mulf %gather3A_2721, %gather3A_2822 : vector<16xf32>
        %add3A_2829 = arith.addf %add3A_2827, %mul3A_2828 : vector<16xf32>
        %add3A_2830 = arith.constant 0 : i32
        %add3A_2831 = arith.addi %mul3A_2743, %add3A_2830 : i32
        %add3A_2832 = arith.constant 16 : i32
        %add3A_2833 = arith.addi %add3A_2831, %add3A_2832 : i32
        %swap3A_2834 = arith.constant 0 : i32
        %swap3A_2835 = arith.index_cast %swap3A_2834 : i32 to index
        %swap3A_2836 = arith.index_cast %add3A_2833 : i32 to index
        %swap3A_2837 = tpu.vector_load %arg19[%swap3A_2835, %swap3A_2836] {strides = array<i32>} : memref<2x12288xf32, #tpu.memory_space<vmem>>, vector<16xf32>,
        tpu.vector_store %arg19[%swap3A_2835, %swap3A_2836], %add3A_2829 {strides = array<i32>} : memref<2x12288xf32, #tpu.memory_space<vmem>>, vector<16xf32>,
        %add3A_2838 = arith.constant 32 : i32
        %add3A_2839 = vector.broadcast %add3A_2838 : i32 to vector<16xi32>
        %add3A_2840 = arith.addi %iota3A, %add3A_2839 : vector<16xi32>
        %gather3A_2841 = arith.constant 0 : i32
        %gather3A_2842 = arith.constant 0 : i32
        %gather3A_2843 = arith.constant 0 : i32
        %gather3A_2844 = arith.constant 0 : i32
        %gather3A_2845 = tpu.memref_slice %arg18[%gather3A_2841, %gather3A_2842, %gather3A_2843, %gather3A_2844] : memref<2x256x2x96xf32, #tpu.memory_space<vmem>> -> memref<1x256x2x96xf32, #tpu.memory_space<vmem>>
        %gather3A_2846 = tpu.memref_squeeze %gather3A_2845 : memref<1x256x2x96xf32, #tpu.memory_space<vmem>> -> memref<256x2x96xf32, #tpu.memory_space<vmem>>
        %gather3A_2847 = tpu.vector_load_idx %gather3A_2846[%gather3A_2726, %broadcast_in_dim3A_2745, %add3A_2840] : memref<256x2x96xf32, #tpu.memory_space<vmem>>[vector<16xi32>, vector<16xi32>, vector<16xi32>], vector<16xf32>,
        %gather3A_2848 = arith.constant 0 : i32
        %gather3A_2849 = arith.constant 0 : i32
        %gather3A_2850 = arith.constant 0 : i32
        %gather3A_2851 = arith.constant 0 : i32
        %gather3A_2852 = tpu.memref_slice %arg18[%gather3A_2848, %gather3A_2849, %gather3A_2850, %gather3A_2851] : memref<2x256x2x96xf32, #tpu.memory_space<vmem>> -> memref<1x256x2x96xf32, #tpu.memory_space<vmem>>
        %gather3A_2853 = tpu.memref_squeeze %gather3A_2852 : memref<1x256x2x96xf32, #tpu.memory_space<vmem>> -> memref<256x2x96xf32, #tpu.memory_space<vmem>>
        %gather3A_2854 = tpu.vector_load_idx %gather3A_2853[%gather3A_2731, %broadcast_in_dim3A_2745, %add3A_2840] : memref<256x2x96xf32, #tpu.memory_space<vmem>>[vector<16xi32>, vector<16xi32>, vector<16xi32>], vector<16xf32>,
        %gather3A_2855 = arith.constant 0 : i32
        %gather3A_2856 = arith.constant 0 : i32
        %gather3A_2857 = arith.constant 0 : i32
        %gather3A_2858 = arith.constant 0 : i32
        %gather3A_2859 = tpu.memref_slice %arg18[%gather3A_2855, %gather3A_2856, %gather3A_2857, %gather3A_2858] : memref<2x256x2x96xf32, #tpu.memory_space<vmem>> -> memref<1x256x2x96xf32, #tpu.memory_space<vmem>>
        %gather3A_2860 = tpu.memref_squeeze %gather3A_2859 : memref<1x256x2x96xf32, #tpu.memory_space<vmem>> -> memref<256x2x96xf32, #tpu.memory_space<vmem>>
        %gather3A_2861 = tpu.vector_load_idx %gather3A_2860[%gather3A_2736, %broadcast_in_dim3A_2745, %add3A_2840] : memref<256x2x96xf32, #tpu.memory_space<vmem>>[vector<16xi32>, vector<16xi32>, vector<16xi32>], vector<16xf32>,
        %gather3A_2862 = arith.constant 0 : i32
        %gather3A_2863 = arith.constant 0 : i32
        %gather3A_2864 = arith.constant 0 : i32
        %gather3A_2865 = arith.constant 0 : i32
        %gather3A_2866 = tpu.memref_slice %arg18[%gather3A_2862, %gather3A_2863, %gather3A_2864, %gather3A_2865] : memref<2x256x2x96xf32, #tpu.memory_space<vmem>> -> memref<1x256x2x96xf32, #tpu.memory_space<vmem>>
        %gather3A_2867 = tpu.memref_squeeze %gather3A_2866 : memref<1x256x2x96xf32, #tpu.memory_space<vmem>> -> memref<256x2x96xf32, #tpu.memory_space<vmem>>
        %gather3A_2868 = tpu.vector_load_idx %gather3A_2867[%gather3A_2741, %broadcast_in_dim3A_2745, %add3A_2840] : memref<256x2x96xf32, #tpu.memory_space<vmem>>[vector<16xi32>, vector<16xi32>, vector<16xi32>], vector<16xf32>,
        %mul3A_2869 = arith.mulf %gather3A_2706, %gather3A_2847 : vector<16xf32>
        %mul3A_2870 = arith.mulf %gather3A_2711, %gather3A_2854 : vector<16xf32>
        %add3A_2871 = arith.addf %mul3A_2869, %mul3A_2870 : vector<16xf32>
        %mul3A_2872 = arith.mulf %gather3A_2716, %gather3A_2861 : vector<16xf32>
        %add3A_2873 = arith.addf %add3A_2871, %mul3A_2872 : vector<16xf32>
        %mul3A_2874 = arith.mulf %gather3A_2721, %gather3A_2868 : vector<16xf32>
        %add3A_2875 = arith.addf %add3A_2873, %mul3A_2874 : vector<16xf32>
        %add3A_2876 = arith.constant 0 : i32
        %add3A_2877 = arith.addi %mul3A_2743, %add3A_2876 : i32
        %add3A_2878 = arith.constant 32 : i32
        %add3A_2879 = arith.addi %add3A_2877, %add3A_2878 : i32
        %swap3A_2880 = arith.constant 0 : i32
        %swap3A_2881 = arith.index_cast %swap3A_2880 : i32 to index
        %swap3A_2882 = arith.index_cast %add3A_2879 : i32 to index
        %swap3A_2883 = tpu.vector_load %arg19[%swap3A_2881, %swap3A_2882] {strides = array<i32>} : memref<2x12288xf32, #tpu.memory_space<vmem>>, vector<16xf32>,
        tpu.vector_store %arg19[%swap3A_2881, %swap3A_2882], %add3A_2875 {strides = array<i32>} : memref<2x12288xf32, #tpu.memory_space<vmem>>, vector<16xf32>,
        %add3A_2884 = arith.constant 48 : i32
        %add3A_2885 = vector.broadcast %add3A_2884 : i32 to vector<16xi32>
        %add3A_2886 = arith.addi %iota3A, %add3A_2885 : vector<16xi32>
        %gather3A_2887 = arith.constant 0 : i32
        %gather3A_2888 = arith.constant 0 : i32
        %gather3A_2889 = arith.constant 0 : i32
        %gather3A_2890 = arith.constant 0 : i32
        %gather3A_2891 = tpu.memref_slice %arg18[%gather3A_2887, %gather3A_2888, %gather3A_2889, %gather3A_2890] : memref<2x256x2x96xf32, #tpu.memory_space<vmem>> -> memref<1x256x2x96xf32, #tpu.memory_space<vmem>>
        %gather3A_2892 = tpu.memref_squeeze %gather3A_2891 : memref<1x256x2x96xf32, #tpu.memory_space<vmem>> -> memref<256x2x96xf32, #tpu.memory_space<vmem>>
        %gather3A_2893 = tpu.vector_load_idx %gather3A_2892[%gather3A_2726, %broadcast_in_dim3A_2745, %add3A_2886] : memref<256x2x96xf32, #tpu.memory_space<vmem>>[vector<16xi32>, vector<16xi32>, vector<16xi32>], vector<16xf32>,
        %gather3A_2894 = arith.constant 0 : i32
        %gather3A_2895 = arith.constant 0 : i32
        %gather3A_2896 = arith.constant 0 : i32
        %gather3A_2897 = arith.constant 0 : i32
        %gather3A_2898 = tpu.memref_slice %arg18[%gather3A_2894, %gather3A_2895, %gather3A_2896, %gather3A_2897] : memref<2x256x2x96xf32, #tpu.memory_space<vmem>> -> memref<1x256x2x96xf32, #tpu.memory_space<vmem>>
        %gather3A_2899 = tpu.memref_squeeze %gather3A_2898 : memref<1x256x2x96xf32, #tpu.memory_space<vmem>> -> memref<256x2x96xf32, #tpu.memory_space<vmem>>
        %gather3A_2900 = tpu.vector_load_idx %gather3A_2899[%gather3A_2731, %broadcast_in_dim3A_2745, %add3A_2886] : memref<256x2x96xf32, #tpu.memory_space<vmem>>[vector<16xi32>, vector<16xi32>, vector<16xi32>], vector<16xf32>,
        %gather3A_2901 = arith.constant 0 : i32
        %gather3A_2902 = arith.constant 0 : i32
        %gather3A_2903 = arith.constant 0 : i32
        %gather3A_2904 = arith.constant 0 : i32
        %gather3A_2905 = tpu.memref_slice %arg18[%gather3A_2901, %gather3A_2902, %gather3A_2903, %gather3A_2904] : memref<2x256x2x96xf32, #tpu.memory_space<vmem>> -> memref<1x256x2x96xf32, #tpu.memory_space<vmem>>
        %gather3A_2906 = tpu.memref_squeeze %gather3A_2905 : memref<1x256x2x96xf32, #tpu.memory_space<vmem>> -> memref<256x2x96xf32, #tpu.memory_space<vmem>>
        %gather3A_2907 = tpu.vector_load_idx %gather3A_2906[%gather3A_2736, %broadcast_in_dim3A_2745, %add3A_2886] : memref<256x2x96xf32, #tpu.memory_space<vmem>>[vector<16xi32>, vector<16xi32>, vector<16xi32>], vector<16xf32>,
        %gather3A_2908 = arith.constant 0 : i32
        %gather3A_2909 = arith.constant 0 : i32
        %gather3A_2910 = arith.constant 0 : i32
        %gather3A_2911 = arith.constant 0 : i32
        %gather3A_2912 = tpu.memref_slice %arg18[%gather3A_2908, %gather3A_2909, %gather3A_2910, %gather3A_2911] : memref<2x256x2x96xf32, #tpu.memory_space<vmem>> -> memref<1x256x2x96xf32, #tpu.memory_space<vmem>>
        %gather3A_2913 = tpu.memref_squeeze %gather3A_2912 : memref<1x256x2x96xf32, #tpu.memory_space<vmem>> -> memref<256x2x96xf32, #tpu.memory_space<vmem>>
        %gather3A_2914 = tpu.vector_load_idx %gather3A_2913[%gather3A_2741, %broadcast_in_dim3A_2745, %add3A_2886] : memref<256x2x96xf32, #tpu.memory_space<vmem>>[vector<16xi32>, vector<16xi32>, vector<16xi32>], vector<16xf32>,
        %mul3A_2915 = arith.mulf %gather3A_2706, %gather3A_2893 : vector<16xf32>
        %mul3A_2916 = arith.mulf %gather3A_2711, %gather3A_2900 : vector<16xf32>
        %add3A_2917 = arith.addf %mul3A_2915, %mul3A_2916 : vector<16xf32>
        %mul3A_2918 = arith.mulf %gather3A_2716, %gather3A_2907 : vector<16xf32>
        %add3A_2919 = arith.addf %add3A_2917, %mul3A_2918 : vector<16xf32>
        %mul3A_2920 = arith.mulf %gather3A_2721, %gather3A_2914 : vector<16xf32>
        %add3A_2921 = arith.addf %add3A_2919, %mul3A_2920 : vector<16xf32>
        %add3A_2922 = arith.constant 0 : i32
        %add3A_2923 = arith.addi %mul3A_2743, %add3A_2922 : i32
        %add3A_2924 = arith.constant 48 : i32
        %add3A_2925 = arith.addi %add3A_2923, %add3A_2924 : i32
        %swap3A_2926 = arith.constant 0 : i32
        %swap3A_2927 = arith.index_cast %swap3A_2926 : i32 to index
        %swap3A_2928 = arith.index_cast %add3A_2925 : i32 to index
        %swap3A_2929 = tpu.vector_load %arg19[%swap3A_2927, %swap3A_2928] {strides = array<i32>} : memref<2x12288xf32, #tpu.memory_space<vmem>>, vector<16xf32>,
        tpu.vector_store %arg19[%swap3A_2927, %swap3A_2928], %add3A_2921 {strides = array<i32>} : memref<2x12288xf32, #tpu.memory_space<vmem>>, vector<16xf32>,
        %add3A_2930 = arith.constant 64 : i32
        %add3A_2931 = vector.broadcast %add3A_2930 : i32 to vector<16xi32>
        %add3A_2932 = arith.addi %iota3A, %add3A_2931 : vector<16xi32>
        %gather3A_2933 = arith.constant 0 : i32
        %gather3A_2934 = arith.constant 0 : i32
        %gather3A_2935 = arith.constant 0 : i32
        %gather3A_2936 = arith.constant 0 : i32
        %gather3A_2937 = tpu.memref_slice %arg18[%gather3A_2933, %gather3A_2934, %gather3A_2935, %gather3A_2936] : memref<2x256x2x96xf32, #tpu.memory_space<vmem>> -> memref<1x256x2x96xf32, #tpu.memory_space<vmem>>
        %gather3A_2938 = tpu.memref_squeeze %gather3A_2937 : memref<1x256x2x96xf32, #tpu.memory_space<vmem>> -> memref<256x2x96xf32, #tpu.memory_space<vmem>>
        %gather3A_2939 = tpu.vector_load_idx %gather3A_2938[%gather3A_2726, %broadcast_in_dim3A_2745, %add3A_2932] : memref<256x2x96xf32, #tpu.memory_space<vmem>>[vector<16xi32>, vector<16xi32>, vector<16xi32>], vector<16xf32>,
        %gather3A_2940 = arith.constant 0 : i32
        %gather3A_2941 = arith.constant 0 : i32
        %gather3A_2942 = arith.constant 0 : i32
        %gather3A_2943 = arith.constant 0 : i32
        %gather3A_2944 = tpu.memref_slice %arg18[%gather3A_2940, %gather3A_2941, %gather3A_2942, %gather3A_2943] : memref<2x256x2x96xf32, #tpu.memory_space<vmem>> -> memref<1x256x2x96xf32, #tpu.memory_space<vmem>>
        %gather3A_2945 = tpu.memref_squeeze %gather3A_2944 : memref<1x256x2x96xf32, #tpu.memory_space<vmem>> -> memref<256x2x96xf32, #tpu.memory_space<vmem>>
        %gather3A_2946 = tpu.vector_load_idx %gather3A_2945[%gather3A_2731, %broadcast_in_dim3A_2745, %add3A_2932] : memref<256x2x96xf32, #tpu.memory_space<vmem>>[vector<16xi32>, vector<16xi32>, vector<16xi32>], vector<16xf32>,
        %gather3A_2947 = arith.constant 0 : i32
        %gather3A_2948 = arith.constant 0 : i32
        %gather3A_2949 = arith.constant 0 : i32
        %gather3A_2950 = arith.constant 0 : i32
        %gather3A_2951 = tpu.memref_slice %arg18[%gather3A_2947, %gather3A_2948, %gather3A_2949, %gather3A_2950] : memref<2x256x2x96xf32, #tpu.memory_space<vmem>> -> memref<1x256x2x96xf32, #tpu.memory_space<vmem>>
        %gather3A_2952 = tpu.memref_squeeze %gather3A_2951 : memref<1x256x2x96xf32, #tpu.memory_space<vmem>> -> memref<256x2x96xf32, #tpu.memory_space<vmem>>
        %gather3A_2953 = tpu.vector_load_idx %gather3A_2952[%gather3A_2736, %broadcast_in_dim3A_2745, %add3A_2932] : memref<256x2x96xf32, #tpu.memory_space<vmem>>[vector<16xi32>, vector<16xi32>, vector<16xi32>], vector<16xf32>,
        %gather3A_2954 = arith.constant 0 : i32
        %gather3A_2955 = arith.constant 0 : i32
        %gather3A_2956 = arith.constant 0 : i32
        %gather3A_2957 = arith.constant 0 : i32
        %gather3A_2958 = tpu.memref_slice %arg18[%gather3A_2954, %gather3A_2955, %gather3A_2956, %gather3A_2957] : memref<2x256x2x96xf32, #tpu.memory_space<vmem>> -> memref<1x256x2x96xf32, #tpu.memory_space<vmem>>
        %gather3A_2959 = tpu.memref_squeeze %gather3A_2958 : memref<1x256x2x96xf32, #tpu.memory_space<vmem>> -> memref<256x2x96xf32, #tpu.memory_space<vmem>>
        %gather3A_2960 = tpu.vector_load_idx %gather3A_2959[%gather3A_2741, %broadcast_in_dim3A_2745, %add3A_2932] : memref<256x2x96xf32, #tpu.memory_space<vmem>>[vector<16xi32>, vector<16xi32>, vector<16xi32>], vector<16xf32>,
        %mul3A_2961 = arith.mulf %gather3A_2706, %gather3A_2939 : vector<16xf32>
        %mul3A_2962 = arith.mulf %gather3A_2711, %gather3A_2946 : vector<16xf32>
        %add3A_2963 = arith.addf %mul3A_2961, %mul3A_2962 : vector<16xf32>
        %mul3A_2964 = arith.mulf %gather3A_2716, %gather3A_2953 : vector<16xf32>
        %add3A_2965 = arith.addf %add3A_2963, %mul3A_2964 : vector<16xf32>
        %mul3A_2966 = arith.mulf %gather3A_2721, %gather3A_2960 : vector<16xf32>
        %add3A_2967 = arith.addf %add3A_2965, %mul3A_2966 : vector<16xf32>
        %add3A_2968 = arith.constant 0 : i32
        %add3A_2969 = arith.addi %mul3A_2743, %add3A_2968 : i32
        %add3A_2970 = arith.constant 64 : i32
        %add3A_2971 = arith.addi %add3A_2969, %add3A_2970 : i32
        %swap3A_2972 = arith.constant 0 : i32
        %swap3A_2973 = arith.index_cast %swap3A_2972 : i32 to index
        %swap3A_2974 = arith.index_cast %add3A_2971 : i32 to index
        %swap3A_2975 = tpu.vector_load %arg19[%swap3A_2973, %swap3A_2974] {strides = array<i32>} : memref<2x12288xf32, #tpu.memory_space<vmem>>, vector<16xf32>,
        tpu.vector_store %arg19[%swap3A_2973, %swap3A_2974], %add3A_2967 {strides = array<i32>} : memref<2x12288xf32, #tpu.memory_space<vmem>>, vector<16xf32>,
        %add3A_2976 = arith.constant 80 : i32
        %add3A_2977 = vector.broadcast %add3A_2976 : i32 to vector<16xi32>
        %add3A_2978 = arith.addi %iota3A, %add3A_2977 : vector<16xi32>
        %gather3A_2979 = arith.constant 0 : i32
        %gather3A_2980 = arith.constant 0 : i32
        %gather3A_2981 = arith.constant 0 : i32
        %gather3A_2982 = arith.constant 0 : i32
        %gather3A_2983 = tpu.memref_slice %arg18[%gather3A_2979, %gather3A_2980, %gather3A_2981, %gather3A_2982] : memref<2x256x2x96xf32, #tpu.memory_space<vmem>> -> memref<1x256x2x96xf32, #tpu.memory_space<vmem>>
        %gather3A_2984 = tpu.memref_squeeze %gather3A_2983 : memref<1x256x2x96xf32, #tpu.memory_space<vmem>> -> memref<256x2x96xf32, #tpu.memory_space<vmem>>
        %gather3A_2985 = tpu.vector_load_idx %gather3A_2984[%gather3A_2726, %broadcast_in_dim3A_2745, %add3A_2978] : memref<256x2x96xf32, #tpu.memory_space<vmem>>[vector<16xi32>, vector<16xi32>, vector<16xi32>], vector<16xf32>,
        %gather3A_2986 = arith.constant 0 : i32
        %gather3A_2987 = arith.constant 0 : i32
        %gather3A_2988 = arith.constant 0 : i32
        %gather3A_2989 = arith.constant 0 : i32
        %gather3A_2990 = tpu.memref_slice %arg18[%gather3A_2986, %gather3A_2987, %gather3A_2988, %gather3A_2989] : memref<2x256x2x96xf32, #tpu.memory_space<vmem>> -> memref<1x256x2x96xf32, #tpu.memory_space<vmem>>
        %gather3A_2991 = tpu.memref_squeeze %gather3A_2990 : memref<1x256x2x96xf32, #tpu.memory_space<vmem>> -> memref<256x2x96xf32, #tpu.memory_space<vmem>>
        %gather3A_2992 = tpu.vector_load_idx %gather3A_2991[%gather3A_2731, %broadcast_in_dim3A_2745, %add3A_2978] : memref<256x2x96xf32, #tpu.memory_space<vmem>>[vector<16xi32>, vector<16xi32>, vector<16xi32>], vector<16xf32>,
        %gather3A_2993 = arith.constant 0 : i32
        %gather3A_2994 = arith.constant 0 : i32
        %gather3A_2995 = arith.constant 0 : i32
        %gather3A_2996 = arith.constant 0 : i32
        %gather3A_2997 = tpu.memref_slice %arg18[%gather3A_2993, %gather3A_2994, %gather3A_2995, %gather3A_2996] : memref<2x256x2x96xf32, #tpu.memory_space<vmem>> -> memref<1x256x2x96xf32, #tpu.memory_space<vmem>>
        %gather3A_2998 = tpu.memref_squeeze %gather3A_2997 : memref<1x256x2x96xf32, #tpu.memory_space<vmem>> -> memref<256x2x96xf32, #tpu.memory_space<vmem>>
        %gather3A_2999 = tpu.vector_load_idx %gather3A_2998[%gather3A_2736, %broadcast_in_dim3A_2745, %add3A_2978] : memref<256x2x96xf32, #tpu.memory_space<vmem>>[vector<16xi32>, vector<16xi32>, vector<16xi32>], vector<16xf32>,
        %gather3A_3000 = arith.constant 0 : i32
        %gather3A_3001 = arith.constant 0 : i32
        %gather3A_3002 = arith.constant 0 : i32
        %gather3A_3003 = arith.constant 0 : i32
        %gather3A_3004 = tpu.memref_slice %arg18[%gather3A_3000, %gather3A_3001, %gather3A_3002, %gather3A_3003] : memref<2x256x2x96xf32, #tpu.memory_space<vmem>> -> memref<1x256x2x96xf32, #tpu.memory_space<vmem>>
        %gather3A_3005 = tpu.memref_squeeze %gather3A_3004 : memref<1x256x2x96xf32, #tpu.memory_space<vmem>> -> memref<256x2x96xf32, #tpu.memory_space<vmem>>
        %gather3A_3006 = tpu.vector_load_idx %gather3A_3005[%gather3A_2741, %broadcast_in_dim3A_2745, %add3A_2978] : memref<256x2x96xf32, #tpu.memory_space<vmem>>[vector<16xi32>, vector<16xi32>, vector<16xi32>], vector<16xf32>,
        %mul3A_3007 = arith.mulf %gather3A_2706, %gather3A_2985 : vector<16xf32>
        %mul3A_3008 = arith.mulf %gather3A_2711, %gather3A_2992 : vector<16xf32>
        %add3A_3009 = arith.addf %mul3A_3007, %mul3A_3008 : vector<16xf32>
        %mul3A_3010 = arith.mulf %gather3A_2716, %gather3A_2999 : vector<16xf32>
        %add3A_3011 = arith.addf %add3A_3009, %mul3A_3010 : vector<16xf32>
        %mul3A_3012 = arith.mulf %gather3A_2721, %gather3A_3006 : vector<16xf32>
        %add3A_3013 = arith.addf %add3A_3011, %mul3A_3012 : vector<16xf32>
        %add3A_3014 = arith.constant 0 : i32
        %add3A_3015 = arith.addi %mul3A_2743, %add3A_3014 : i32
        %add3A_3016 = arith.constant 80 : i32
        %add3A_3017 = arith.addi %add3A_3015, %add3A_3016 : i32
        %swap3A_3018 = arith.constant 0 : i32
        %swap3A_3019 = arith.index_cast %swap3A_3018 : i32 to index
        %swap3A_3020 = arith.index_cast %add3A_3017 : i32 to index
        %swap3A_3021 = tpu.vector_load %arg19[%swap3A_3019, %swap3A_3020] {strides = array<i32>} : memref<2x12288xf32, #tpu.memory_space<vmem>>, vector<16xf32>,
        tpu.vector_store %arg19[%swap3A_3019, %swap3A_3020], %add3A_3013 {strides = array<i32>} : memref<2x12288xf32, #tpu.memory_space<vmem>>, vector<16xf32>,
        %broadcast_in_dim3A_3022 = arith.constant 1 : i32
        %broadcast_in_dim3A_3023 = vector.broadcast %broadcast_in_dim3A_3022 : i32 to vector<16xi32>
        %add3A_3024 = arith.constant 0 : i32
        %add3A_3025 = vector.broadcast %add3A_3024 : i32 to vector<16xi32>
        %add3A_3026 = arith.addi %iota3A, %add3A_3025 : vector<16xi32>
        %gather3A_3027 = arith.constant 0 : i32
        %gather3A_3028 = arith.constant 0 : i32
        %gather3A_3029 = arith.constant 0 : i32
        %gather3A_3030 = arith.constant 0 : i32
        %gather3A_3031 = tpu.memref_slice %arg18[%gather3A_3027, %gather3A_3028, %gather3A_3029, %gather3A_3030] : memref<2x256x2x96xf32, #tpu.memory_space<vmem>> -> memref<1x256x2x96xf32, #tpu.memory_space<vmem>>
        %gather3A_3032 = tpu.memref_squeeze %gather3A_3031 : memref<1x256x2x96xf32, #tpu.memory_space<vmem>> -> memref<256x2x96xf32, #tpu.memory_space<vmem>>
        %gather3A_3033 = tpu.vector_load_idx %gather3A_3032[%gather3A_2726, %broadcast_in_dim3A_3023, %add3A_3026] : memref<256x2x96xf32, #tpu.memory_space<vmem>>[vector<16xi32>, vector<16xi32>, vector<16xi32>], vector<16xf32>,
        %gather3A_3034 = arith.constant 0 : i32
        %gather3A_3035 = arith.constant 0 : i32
        %gather3A_3036 = arith.constant 0 : i32
        %gather3A_3037 = arith.constant 0 : i32
        %gather3A_3038 = tpu.memref_slice %arg18[%gather3A_3034, %gather3A_3035, %gather3A_3036, %gather3A_3037] : memref<2x256x2x96xf32, #tpu.memory_space<vmem>> -> memref<1x256x2x96xf32, #tpu.memory_space<vmem>>
        %gather3A_3039 = tpu.memref_squeeze %gather3A_3038 : memref<1x256x2x96xf32, #tpu.memory_space<vmem>> -> memref<256x2x96xf32, #tpu.memory_space<vmem>>
        %gather3A_3040 = tpu.vector_load_idx %gather3A_3039[%gather3A_2731, %broadcast_in_dim3A_3023, %add3A_3026] : memref<256x2x96xf32, #tpu.memory_space<vmem>>[vector<16xi32>, vector<16xi32>, vector<16xi32>], vector<16xf32>,
        %gather3A_3041 = arith.constant 0 : i32
        %gather3A_3042 = arith.constant 0 : i32
        %gather3A_3043 = arith.constant 0 : i32
        %gather3A_3044 = arith.constant 0 : i32
        %gather3A_3045 = tpu.memref_slice %arg18[%gather3A_3041, %gather3A_3042, %gather3A_3043, %gather3A_3044] : memref<2x256x2x96xf32, #tpu.memory_space<vmem>> -> memref<1x256x2x96xf32, #tpu.memory_space<vmem>>
        %gather3A_3046 = tpu.memref_squeeze %gather3A_3045 : memref<1x256x2x96xf32, #tpu.memory_space<vmem>> -> memref<256x2x96xf32, #tpu.memory_space<vmem>>
        %gather3A_3047 = tpu.vector_load_idx %gather3A_3046[%gather3A_2736, %broadcast_in_dim3A_3023, %add3A_3026] : memref<256x2x96xf32, #tpu.memory_space<vmem>>[vector<16xi32>, vector<16xi32>, vector<16xi32>], vector<16xf32>,
        %gather3A_3048 = arith.constant 0 : i32
        %gather3A_3049 = arith.constant 0 : i32
        %gather3A_3050 = arith.constant 0 : i32
        %gather3A_3051 = arith.constant 0 : i32
        %gather3A_3052 = tpu.memref_slice %arg18[%gather3A_3048, %gather3A_3049, %gather3A_3050, %gather3A_3051] : memref<2x256x2x96xf32, #tpu.memory_space<vmem>> -> memref<1x256x2x96xf32, #tpu.memory_space<vmem>>
        %gather3A_3053 = tpu.memref_squeeze %gather3A_3052 : memref<1x256x2x96xf32, #tpu.memory_space<vmem>> -> memref<256x2x96xf32, #tpu.memory_space<vmem>>
        %gather3A_3054 = tpu.vector_load_idx %gather3A_3053[%gather3A_2741, %broadcast_in_dim3A_3023, %add3A_3026] : memref<256x2x96xf32, #tpu.memory_space<vmem>>[vector<16xi32>, vector<16xi32>, vector<16xi32>], vector<16xf32>,
        %mul3A_3055 = arith.mulf %gather3A_2706, %gather3A_3033 : vector<16xf32>
        %mul3A_3056 = arith.mulf %gather3A_2711, %gather3A_3040 : vector<16xf32>
        %add3A_3057 = arith.addf %mul3A_3055, %mul3A_3056 : vector<16xf32>
        %mul3A_3058 = arith.mulf %gather3A_2716, %gather3A_3047 : vector<16xf32>
        %add3A_3059 = arith.addf %add3A_3057, %mul3A_3058 : vector<16xf32>
        %mul3A_3060 = arith.mulf %gather3A_2721, %gather3A_3054 : vector<16xf32>
        %add3A_3061 = arith.addf %add3A_3059, %mul3A_3060 : vector<16xf32>
        %add3A_3062 = arith.constant 96 : i32
        %add3A_3063 = arith.addi %mul3A_2743, %add3A_3062 : i32
        %add3A_3064 = arith.constant 0 : i32
        %add3A_3065 = arith.addi %add3A_3063, %add3A_3064 : i32
        %swap3A_3066 = arith.constant 0 : i32
        %swap3A_3067 = arith.index_cast %swap3A_3066 : i32 to index
        %swap3A_3068 = arith.index_cast %add3A_3065 : i32 to index
        %swap3A_3069 = tpu.vector_load %arg19[%swap3A_3067, %swap3A_3068] {strides = array<i32>} : memref<2x12288xf32, #tpu.memory_space<vmem>>, vector<16xf32>,
        tpu.vector_store %arg19[%swap3A_3067, %swap3A_3068], %add3A_3061 {strides = array<i32>} : memref<2x12288xf32, #tpu.memory_space<vmem>>, vector<16xf32>,
        %add3A_3070 = arith.constant 16 : i32
        %add3A_3071 = vector.broadcast %add3A_3070 : i32 to vector<16xi32>
        %add3A_3072 = arith.addi %iota3A, %add3A_3071 : vector<16xi32>
        %gather3A_3073 = arith.constant 0 : i32
        %gather3A_3074 = arith.constant 0 : i32
        %gather3A_3075 = arith.constant 0 : i32
        %gather3A_3076 = arith.constant 0 : i32
        %gather3A_3077 = tpu.memref_slice %arg18[%gather3A_3073, %gather3A_3074, %gather3A_3075, %gather3A_3076] : memref<2x256x2x96xf32, #tpu.memory_space<vmem>> -> memref<1x256x2x96xf32, #tpu.memory_space<vmem>>
        %gather3A_3078 = tpu.memref_squeeze %gather3A_3077 : memref<1x256x2x96xf32, #tpu.memory_space<vmem>> -> memref<256x2x96xf32, #tpu.memory_space<vmem>>
        %gather3A_3079 = tpu.vector_load_idx %gather3A_3078[%gather3A_2726, %broadcast_in_dim3A_3023, %add3A_3072] : memref<256x2x96xf32, #tpu.memory_space<vmem>>[vector<16xi32>, vector<16xi32>, vector<16xi32>], vector<16xf32>,
        %gather3A_3080 = arith.constant 0 : i32
        %gather3A_3081 = arith.constant 0 : i32
        %gather3A_3082 = arith.constant 0 : i32
        %gather3A_3083 = arith.constant 0 : i32
        %gather3A_3084 = tpu.memref_slice %arg18[%gather3A_3080, %gather3A_3081, %gather3A_3082, %gather3A_3083] : memref<2x256x2x96xf32, #tpu.memory_space<vmem>> -> memref<1x256x2x96xf32, #tpu.memory_space<vmem>>
        %gather3A_3085 = tpu.memref_squeeze %gather3A_3084 : memref<1x256x2x96xf32, #tpu.memory_space<vmem>> -> memref<256x2x96xf32, #tpu.memory_space<vmem>>
        %gather3A_3086 = tpu.vector_load_idx %gather3A_3085[%gather3A_2731, %broadcast_in_dim3A_3023, %add3A_3072] : memref<256x2x96xf32, #tpu.memory_space<vmem>>[vector<16xi32>, vector<16xi32>, vector<16xi32>], vector<16xf32>,
        %gather3A_3087 = arith.constant 0 : i32
        %gather3A_3088 = arith.constant 0 : i32
        %gather3A_3089 = arith.constant 0 : i32
        %gather3A_3090 = arith.constant 0 : i32
        %gather3A_3091 = tpu.memref_slice %arg18[%gather3A_3087, %gather3A_3088, %gather3A_3089, %gather3A_3090] : memref<2x256x2x96xf32, #tpu.memory_space<vmem>> -> memref<1x256x2x96xf32, #tpu.memory_space<vmem>>
        %gather3A_3092 = tpu.memref_squeeze %gather3A_3091 : memref<1x256x2x96xf32, #tpu.memory_space<vmem>> -> memref<256x2x96xf32, #tpu.memory_space<vmem>>
        %gather3A_3093 = tpu.vector_load_idx %gather3A_3092[%gather3A_2736, %broadcast_in_dim3A_3023, %add3A_3072] : memref<256x2x96xf32, #tpu.memory_space<vmem>>[vector<16xi32>, vector<16xi32>, vector<16xi32>], vector<16xf32>,
        %gather3A_3094 = arith.constant 0 : i32
        %gather3A_3095 = arith.constant 0 : i32
        %gather3A_3096 = arith.constant 0 : i32
        %gather3A_3097 = arith.constant 0 : i32
        %gather3A_3098 = tpu.memref_slice %arg18[%gather3A_3094, %gather3A_3095, %gather3A_3096, %gather3A_3097] : memref<2x256x2x96xf32, #tpu.memory_space<vmem>> -> memref<1x256x2x96xf32, #tpu.memory_space<vmem>>
        %gather3A_3099 = tpu.memref_squeeze %gather3A_3098 : memref<1x256x2x96xf32, #tpu.memory_space<vmem>> -> memref<256x2x96xf32, #tpu.memory_space<vmem>>
        %gather3A_3100 = tpu.vector_load_idx %gather3A_3099[%gather3A_2741, %broadcast_in_dim3A_3023, %add3A_3072] : memref<256x2x96xf32, #tpu.memory_space<vmem>>[vector<16xi32>, vector<16xi32>, vector<16xi32>], vector<16xf32>,
        %mul3A_3101 = arith.mulf %gather3A_2706, %gather3A_3079 : vector<16xf32>
        %mul3A_3102 = arith.mulf %gather3A_2711, %gather3A_3086 : vector<16xf32>
        %add3A_3103 = arith.addf %mul3A_3101, %mul3A_3102 : vector<16xf32>
        %mul3A_3104 = arith.mulf %gather3A_2716, %gather3A_3093 : vector<16xf32>
        %add3A_3105 = arith.addf %add3A_3103, %mul3A_3104 : vector<16xf32>
        %mul3A_3106 = arith.mulf %gather3A_2721, %gather3A_3100 : vector<16xf32>
        %add3A_3107 = arith.addf %add3A_3105, %mul3A_3106 : vector<16xf32>
        %add3A_3108 = arith.constant 96 : i32
        %add3A_3109 = arith.addi %mul3A_2743, %add3A_3108 : i32
        %add3A_3110 = arith.constant 16 : i32
        %add3A_3111 = arith.addi %add3A_3109, %add3A_3110 : i32
        %swap3A_3112 = arith.constant 0 : i32
        %swap3A_3113 = arith.index_cast %swap3A_3112 : i32 to index
        %swap3A_3114 = arith.index_cast %add3A_3111 : i32 to index
        %swap3A_3115 = tpu.vector_load %arg19[%swap3A_3113, %swap3A_3114] {strides = array<i32>} : memref<2x12288xf32, #tpu.memory_space<vmem>>, vector<16xf32>,
        tpu.vector_store %arg19[%swap3A_3113, %swap3A_3114], %add3A_3107 {strides = array<i32>} : memref<2x12288xf32, #tpu.memory_space<vmem>>, vector<16xf32>,
        %add3A_3116 = arith.constant 32 : i32
        %add3A_3117 = vector.broadcast %add3A_3116 : i32 to vector<16xi32>
        %add3A_3118 = arith.addi %iota3A, %add3A_3117 : vector<16xi32>
        %gather3A_3119 = arith.constant 0 : i32
        %gather3A_3120 = arith.constant 0 : i32
        %gather3A_3121 = arith.constant 0 : i32
        %gather3A_3122 = arith.constant 0 : i32
        %gather3A_3123 = tpu.memref_slice %arg18[%gather3A_3119, %gather3A_3120, %gather3A_3121, %gather3A_3122] : memref<2x256x2x96xf32, #tpu.memory_space<vmem>> -> memref<1x256x2x96xf32, #tpu.memory_space<vmem>>
        %gather3A_3124 = tpu.memref_squeeze %gather3A_3123 : memref<1x256x2x96xf32, #tpu.memory_space<vmem>> -> memref<256x2x96xf32, #tpu.memory_space<vmem>>
        %gather3A_3125 = tpu.vector_load_idx %gather3A_3124[%gather3A_2726, %broadcast_in_dim3A_3023, %add3A_3118] : memref<256x2x96xf32, #tpu.memory_space<vmem>>[vector<16xi32>, vector<16xi32>, vector<16xi32>], vector<16xf32>,
        %gather3A_3126 = arith.constant 0 : i32
        %gather3A_3127 = arith.constant 0 : i32
        %gather3A_3128 = arith.constant 0 : i32
        %gather3A_3129 = arith.constant 0 : i32
        %gather3A_3130 = tpu.memref_slice %arg18[%gather3A_3126, %gather3A_3127, %gather3A_3128, %gather3A_3129] : memref<2x256x2x96xf32, #tpu.memory_space<vmem>> -> memref<1x256x2x96xf32, #tpu.memory_space<vmem>>
        %gather3A_3131 = tpu.memref_squeeze %gather3A_3130 : memref<1x256x2x96xf32, #tpu.memory_space<vmem>> -> memref<256x2x96xf32, #tpu.memory_space<vmem>>
        %gather3A_3132 = tpu.vector_load_idx %gather3A_3131[%gather3A_2731, %broadcast_in_dim3A_3023, %add3A_3118] : memref<256x2x96xf32, #tpu.memory_space<vmem>>[vector<16xi32>, vector<16xi32>, vector<16xi32>], vector<16xf32>,
        %gather3A_3133 = arith.constant 0 : i32
        %gather3A_3134 = arith.constant 0 : i32
        %gather3A_3135 = arith.constant 0 : i32
        %gather3A_3136 = arith.constant 0 : i32
        %gather3A_3137 = tpu.memref_slice %arg18[%gather3A_3133, %gather3A_3134, %gather3A_3135, %gather3A_3136] : memref<2x256x2x96xf32, #tpu.memory_space<vmem>> -> memref<1x256x2x96xf32, #tpu.memory_space<vmem>>
        %gather3A_3138 = tpu.memref_squeeze %gather3A_3137 : memref<1x256x2x96xf32, #tpu.memory_space<vmem>> -> memref<256x2x96xf32, #tpu.memory_space<vmem>>
        %gather3A_3139 = tpu.vector_load_idx %gather3A_3138[%gather3A_2736, %broadcast_in_dim3A_3023, %add3A_3118] : memref<256x2x96xf32, #tpu.memory_space<vmem>>[vector<16xi32>, vector<16xi32>, vector<16xi32>], vector<16xf32>,
        %gather3A_3140 = arith.constant 0 : i32
        %gather3A_3141 = arith.constant 0 : i32
        %gather3A_3142 = arith.constant 0 : i32
        %gather3A_3143 = arith.constant 0 : i32
        %gather3A_3144 = tpu.memref_slice %arg18[%gather3A_3140, %gather3A_3141, %gather3A_3142, %gather3A_3143] : memref<2x256x2x96xf32, #tpu.memory_space<vmem>> -> memref<1x256x2x96xf32, #tpu.memory_space<vmem>>
        %gather3A_3145 = tpu.memref_squeeze %gather3A_3144 : memref<1x256x2x96xf32, #tpu.memory_space<vmem>> -> memref<256x2x96xf32, #tpu.memory_space<vmem>>
        %gather3A_3146 = tpu.vector_load_idx %gather3A_3145[%gather3A_2741, %broadcast_in_dim3A_3023, %add3A_3118] : memref<256x2x96xf32, #tpu.memory_space<vmem>>[vector<16xi32>, vector<16xi32>, vector<16xi32>], vector<16xf32>,
        %mul3A_3147 = arith.mulf %gather3A_2706, %gather3A_3125 : vector<16xf32>
        %mul3A_3148 = arith.mulf %gather3A_2711, %gather3A_3132 : vector<16xf32>
        %add3A_3149 = arith.addf %mul3A_3147, %mul3A_3148 : vector<16xf32>
        %mul3A_3150 = arith.mulf %gather3A_2716, %gather3A_3139 : vector<16xf32>
        %add3A_3151 = arith.addf %add3A_3149, %mul3A_3150 : vector<16xf32>
        %mul3A_3152 = arith.mulf %gather3A_2721, %gather3A_3146 : vector<16xf32>
        %add3A_3153 = arith.addf %add3A_3151, %mul3A_3152 : vector<16xf32>
        %add3A_3154 = arith.constant 96 : i32
        %add3A_3155 = arith.addi %mul3A_2743, %add3A_3154 : i32
        %add3A_3156 = arith.constant 32 : i32
        %add3A_3157 = arith.addi %add3A_3155, %add3A_3156 : i32
        %swap3A_3158 = arith.constant 0 : i32
        %swap3A_3159 = arith.index_cast %swap3A_3158 : i32 to index
        %swap3A_3160 = arith.index_cast %add3A_3157 : i32 to index
        %swap3A_3161 = tpu.vector_load %arg19[%swap3A_3159, %swap3A_3160] {strides = array<i32>} : memref<2x12288xf32, #tpu.memory_space<vmem>>, vector<16xf32>,
        tpu.vector_store %arg19[%swap3A_3159, %swap3A_3160], %add3A_3153 {strides = array<i32>} : memref<2x12288xf32, #tpu.memory_space<vmem>>, vector<16xf32>,
        %add3A_3162 = arith.constant 48 : i32
        %add3A_3163 = vector.broadcast %add3A_3162 : i32 to vector<16xi32>
        %add3A_3164 = arith.addi %iota3A, %add3A_3163 : vector<16xi32>
        %gather3A_3165 = arith.constant 0 : i32
        %gather3A_3166 = arith.constant 0 : i32
        %gather3A_3167 = arith.constant 0 : i32
        %gather3A_3168 = arith.constant 0 : i32
        %gather3A_3169 = tpu.memref_slice %arg18[%gather3A_3165, %gather3A_3166, %gather3A_3167, %gather3A_3168] : memref<2x256x2x96xf32, #tpu.memory_space<vmem>> -> memref<1x256x2x96xf32, #tpu.memory_space<vmem>>
        %gather3A_3170 = tpu.memref_squeeze %gather3A_3169 : memref<1x256x2x96xf32, #tpu.memory_space<vmem>> -> memref<256x2x96xf32, #tpu.memory_space<vmem>>
        %gather3A_3171 = tpu.vector_load_idx %gather3A_3170[%gather3A_2726, %broadcast_in_dim3A_3023, %add3A_3164] : memref<256x2x96xf32, #tpu.memory_space<vmem>>[vector<16xi32>, vector<16xi32>, vector<16xi32>], vector<16xf32>,
        %gather3A_3172 = arith.constant 0 : i32
        %gather3A_3173 = arith.constant 0 : i32
        %gather3A_3174 = arith.constant 0 : i32
        %gather3A_3175 = arith.constant 0 : i32
        %gather3A_3176 = tpu.memref_slice %arg18[%gather3A_3172, %gather3A_3173, %gather3A_3174, %gather3A_3175] : memref<2x256x2x96xf32, #tpu.memory_space<vmem>> -> memref<1x256x2x96xf32, #tpu.memory_space<vmem>>
        %gather3A_3177 = tpu.memref_squeeze %gather3A_3176 : memref<1x256x2x96xf32, #tpu.memory_space<vmem>> -> memref<256x2x96xf32, #tpu.memory_space<vmem>>
        %gather3A_3178 = tpu.vector_load_idx %gather3A_3177[%gather3A_2731, %broadcast_in_dim3A_3023, %add3A_3164] : memref<256x2x96xf32, #tpu.memory_space<vmem>>[vector<16xi32>, vector<16xi32>, vector<16xi32>], vector<16xf32>,
        %gather3A_3179 = arith.constant 0 : i32
        %gather3A_3180 = arith.constant 0 : i32
        %gather3A_3181 = arith.constant 0 : i32
        %gather3A_3182 = arith.constant 0 : i32
        %gather3A_3183 = tpu.memref_slice %arg18[%gather3A_3179, %gather3A_3180, %gather3A_3181, %gather3A_3182] : memref<2x256x2x96xf32, #tpu.memory_space<vmem>> -> memref<1x256x2x96xf32, #tpu.memory_space<vmem>>
        %gather3A_3184 = tpu.memref_squeeze %gather3A_3183 : memref<1x256x2x96xf32, #tpu.memory_space<vmem>> -> memref<256x2x96xf32, #tpu.memory_space<vmem>>
        %gather3A_3185 = tpu.vector_load_idx %gather3A_3184[%gather3A_2736, %broadcast_in_dim3A_3023, %add3A_3164] : memref<256x2x96xf32, #tpu.memory_space<vmem>>[vector<16xi32>, vector<16xi32>, vector<16xi32>], vector<16xf32>,
        %gather3A_3186 = arith.constant 0 : i32
        %gather3A_3187 = arith.constant 0 : i32
        %gather3A_3188 = arith.constant 0 : i32
        %gather3A_3189 = arith.constant 0 : i32
        %gather3A_3190 = tpu.memref_slice %arg18[%gather3A_3186, %gather3A_3187, %gather3A_3188, %gather3A_3189] : memref<2x256x2x96xf32, #tpu.memory_space<vmem>> -> memref<1x256x2x96xf32, #tpu.memory_space<vmem>>
        %gather3A_3191 = tpu.memref_squeeze %gather3A_3190 : memref<1x256x2x96xf32, #tpu.memory_space<vmem>> -> memref<256x2x96xf32, #tpu.memory_space<vmem>>
        %gather3A_3192 = tpu.vector_load_idx %gather3A_3191[%gather3A_2741, %broadcast_in_dim3A_3023, %add3A_3164] : memref<256x2x96xf32, #tpu.memory_space<vmem>>[vector<16xi32>, vector<16xi32>, vector<16xi32>], vector<16xf32>,
        %mul3A_3193 = arith.mulf %gather3A_2706, %gather3A_3171 : vector<16xf32>
        %mul3A_3194 = arith.mulf %gather3A_2711, %gather3A_3178 : vector<16xf32>
        %add3A_3195 = arith.addf %mul3A_3193, %mul3A_3194 : vector<16xf32>
        %mul3A_3196 = arith.mulf %gather3A_2716, %gather3A_3185 : vector<16xf32>
        %add3A_3197 = arith.addf %add3A_3195, %mul3A_3196 : vector<16xf32>
        %mul3A_3198 = arith.mulf %gather3A_2721, %gather3A_3192 : vector<16xf32>
        %add3A_3199 = arith.addf %add3A_3197, %mul3A_3198 : vector<16xf32>
        %add3A_3200 = arith.constant 96 : i32
        %add3A_3201 = arith.addi %mul3A_2743, %add3A_3200 : i32
        %add3A_3202 = arith.constant 48 : i32
        %add3A_3203 = arith.addi %add3A_3201, %add3A_3202 : i32
        %swap3A_3204 = arith.constant 0 : i32
        %swap3A_3205 = arith.index_cast %swap3A_3204 : i32 to index
        %swap3A_3206 = arith.index_cast %add3A_3203 : i32 to index
        %swap3A_3207 = tpu.vector_load %arg19[%swap3A_3205, %swap3A_3206] {strides = array<i32>} : memref<2x12288xf32, #tpu.memory_space<vmem>>, vector<16xf32>,
        tpu.vector_store %arg19[%swap3A_3205, %swap3A_3206], %add3A_3199 {strides = array<i32>} : memref<2x12288xf32, #tpu.memory_space<vmem>>, vector<16xf32>,
        %add3A_3208 = arith.constant 64 : i32
        %add3A_3209 = vector.broadcast %add3A_3208 : i32 to vector<16xi32>
        %add3A_3210 = arith.addi %iota3A, %add3A_3209 : vector<16xi32>
        %gather3A_3211 = arith.constant 0 : i32
        %gather3A_3212 = arith.constant 0 : i32
        %gather3A_3213 = arith.constant 0 : i32
        %gather3A_3214 = arith.constant 0 : i32
        %gather3A_3215 = tpu.memref_slice %arg18[%gather3A_3211, %gather3A_3212, %gather3A_3213, %gather3A_3214] : memref<2x256x2x96xf32, #tpu.memory_space<vmem>> -> memref<1x256x2x96xf32, #tpu.memory_space<vmem>>
        %gather3A_3216 = tpu.memref_squeeze %gather3A_3215 : memref<1x256x2x96xf32, #tpu.memory_space<vmem>> -> memref<256x2x96xf32, #tpu.memory_space<vmem>>
        %gather3A_3217 = tpu.vector_load_idx %gather3A_3216[%gather3A_2726, %broadcast_in_dim3A_3023, %add3A_3210] : memref<256x2x96xf32, #tpu.memory_space<vmem>>[vector<16xi32>, vector<16xi32>, vector<16xi32>], vector<16xf32>,
        %gather3A_3218 = arith.constant 0 : i32
        %gather3A_3219 = arith.constant 0 : i32
        %gather3A_3220 = arith.constant 0 : i32
        %gather3A_3221 = arith.constant 0 : i32
        %gather3A_3222 = tpu.memref_slice %arg18[%gather3A_3218, %gather3A_3219, %gather3A_3220, %gather3A_3221] : memref<2x256x2x96xf32, #tpu.memory_space<vmem>> -> memref<1x256x2x96xf32, #tpu.memory_space<vmem>>
        %gather3A_3223 = tpu.memref_squeeze %gather3A_3222 : memref<1x256x2x96xf32, #tpu.memory_space<vmem>> -> memref<256x2x96xf32, #tpu.memory_space<vmem>>
        %gather3A_3224 = tpu.vector_load_idx %gather3A_3223[%gather3A_2731, %broadcast_in_dim3A_3023, %add3A_3210] : memref<256x2x96xf32, #tpu.memory_space<vmem>>[vector<16xi32>, vector<16xi32>, vector<16xi32>], vector<16xf32>,
        %gather3A_3225 = arith.constant 0 : i32
        %gather3A_3226 = arith.constant 0 : i32
        %gather3A_3227 = arith.constant 0 : i32
        %gather3A_3228 = arith.constant 0 : i32
        %gather3A_3229 = tpu.memref_slice %arg18[%gather3A_3225, %gather3A_3226, %gather3A_3227, %gather3A_3228] : memref<2x256x2x96xf32, #tpu.memory_space<vmem>> -> memref<1x256x2x96xf32, #tpu.memory_space<vmem>>
        %gather3A_3230 = tpu.memref_squeeze %gather3A_3229 : memref<1x256x2x96xf32, #tpu.memory_space<vmem>> -> memref<256x2x96xf32, #tpu.memory_space<vmem>>
        %gather3A_3231 = tpu.vector_load_idx %gather3A_3230[%gather3A_2736, %broadcast_in_dim3A_3023, %add3A_3210] : memref<256x2x96xf32, #tpu.memory_space<vmem>>[vector<16xi32>, vector<16xi32>, vector<16xi32>], vector<16xf32>,
        %gather3A_3232 = arith.constant 0 : i32
        %gather3A_3233 = arith.constant 0 : i32
        %gather3A_3234 = arith.constant 0 : i32
        %gather3A_3235 = arith.constant 0 : i32
        %gather3A_3236 = tpu.memref_slice %arg18[%gather3A_3232, %gather3A_3233, %gather3A_3234, %gather3A_3235] : memref<2x256x2x96xf32, #tpu.memory_space<vmem>> -> memref<1x256x2x96xf32, #tpu.memory_space<vmem>>
        %gather3A_3237 = tpu.memref_squeeze %gather3A_3236 : memref<1x256x2x96xf32, #tpu.memory_space<vmem>> -> memref<256x2x96xf32, #tpu.memory_space<vmem>>
        %gather3A_3238 = tpu.vector_load_idx %gather3A_3237[%gather3A_2741, %broadcast_in_dim3A_3023, %add3A_3210] : memref<256x2x96xf32, #tpu.memory_space<vmem>>[vector<16xi32>, vector<16xi32>, vector<16xi32>], vector<16xf32>,
        %mul3A_3239 = arith.mulf %gather3A_2706, %gather3A_3217 : vector<16xf32>
        %mul3A_3240 = arith.mulf %gather3A_2711, %gather3A_3224 : vector<16xf32>
        %add3A_3241 = arith.addf %mul3A_3239, %mul3A_3240 : vector<16xf32>
        %mul3A_3242 = arith.mulf %gather3A_2716, %gather3A_3231 : vector<16xf32>
        %add3A_3243 = arith.addf %add3A_3241, %mul3A_3242 : vector<16xf32>
        %mul3A_3244 = arith.mulf %gather3A_2721, %gather3A_3238 : vector<16xf32>
        %add3A_3245 = arith.addf %add3A_3243, %mul3A_3244 : vector<16xf32>
        %add3A_3246 = arith.constant 96 : i32
        %add3A_3247 = arith.addi %mul3A_2743, %add3A_3246 : i32
        %add3A_3248 = arith.constant 64 : i32
        %add3A_3249 = arith.addi %add3A_3247, %add3A_3248 : i32
        %swap3A_3250 = arith.constant 0 : i32
        %swap3A_3251 = arith.index_cast %swap3A_3250 : i32 to index
        %swap3A_3252 = arith.index_cast %add3A_3249 : i32 to index
        %swap3A_3253 = tpu.vector_load %arg19[%swap3A_3251, %swap3A_3252] {strides = array<i32>} : memref<2x12288xf32, #tpu.memory_space<vmem>>, vector<16xf32>,
        tpu.vector_store %arg19[%swap3A_3251, %swap3A_3252], %add3A_3245 {strides = array<i32>} : memref<2x12288xf32, #tpu.memory_space<vmem>>, vector<16xf32>,
        %add3A_3254 = arith.constant 80 : i32
        %add3A_3255 = vector.broadcast %add3A_3254 : i32 to vector<16xi32>
        %add3A_3256 = arith.addi %iota3A, %add3A_3255 : vector<16xi32>
        %gather3A_3257 = arith.constant 0 : i32
        %gather3A_3258 = arith.constant 0 : i32
        %gather3A_3259 = arith.constant 0 : i32
        %gather3A_3260 = arith.constant 0 : i32
        %gather3A_3261 = tpu.memref_slice %arg18[%gather3A_3257, %gather3A_3258, %gather3A_3259, %gather3A_3260] : memref<2x256x2x96xf32, #tpu.memory_space<vmem>> -> memref<1x256x2x96xf32, #tpu.memory_space<vmem>>
        %gather3A_3262 = tpu.memref_squeeze %gather3A_3261 : memref<1x256x2x96xf32, #tpu.memory_space<vmem>> -> memref<256x2x96xf32, #tpu.memory_space<vmem>>
        %gather3A_3263 = tpu.vector_load_idx %gather3A_3262[%gather3A_2726, %broadcast_in_dim3A_3023, %add3A_3256] : memref<256x2x96xf32, #tpu.memory_space<vmem>>[vector<16xi32>, vector<16xi32>, vector<16xi32>], vector<16xf32>,
        %gather3A_3264 = arith.constant 0 : i32
        %gather3A_3265 = arith.constant 0 : i32
        %gather3A_3266 = arith.constant 0 : i32
        %gather3A_3267 = arith.constant 0 : i32
        %gather3A_3268 = tpu.memref_slice %arg18[%gather3A_3264, %gather3A_3265, %gather3A_3266, %gather3A_3267] : memref<2x256x2x96xf32, #tpu.memory_space<vmem>> -> memref<1x256x2x96xf32, #tpu.memory_space<vmem>>
        %gather3A_3269 = tpu.memref_squeeze %gather3A_3268 : memref<1x256x2x96xf32, #tpu.memory_space<vmem>> -> memref<256x2x96xf32, #tpu.memory_space<vmem>>
        %gather3A_3270 = tpu.vector_load_idx %gather3A_3269[%gather3A_2731, %broadcast_in_dim3A_3023, %add3A_3256] : memref<256x2x96xf32, #tpu.memory_space<vmem>>[vector<16xi32>, vector<16xi32>, vector<16xi32>], vector<16xf32>,
        %gather3A_3271 = arith.constant 0 : i32
        %gather3A_3272 = arith.constant 0 : i32
        %gather3A_3273 = arith.constant 0 : i32
        %gather3A_3274 = arith.constant 0 : i32
        %gather3A_3275 = tpu.memref_slice %arg18[%gather3A_3271, %gather3A_3272, %gather3A_3273, %gather3A_3274] : memref<2x256x2x96xf32, #tpu.memory_space<vmem>> -> memref<1x256x2x96xf32, #tpu.memory_space<vmem>>
        %gather3A_3276 = tpu.memref_squeeze %gather3A_3275 : memref<1x256x2x96xf32, #tpu.memory_space<vmem>> -> memref<256x2x96xf32, #tpu.memory_space<vmem>>
        %gather3A_3277 = tpu.vector_load_idx %gather3A_3276[%gather3A_2736, %broadcast_in_dim3A_3023, %add3A_3256] : memref<256x2x96xf32, #tpu.memory_space<vmem>>[vector<16xi32>, vector<16xi32>, vector<16xi32>], vector<16xf32>,
        %gather3A_3278 = arith.constant 0 : i32
        %gather3A_3279 = arith.constant 0 : i32
        %gather3A_3280 = arith.constant 0 : i32
        %gather3A_3281 = arith.constant 0 : i32
        %gather3A_3282 = tpu.memref_slice %arg18[%gather3A_3278, %gather3A_3279, %gather3A_3280, %gather3A_3281] : memref<2x256x2x96xf32, #tpu.memory_space<vmem>> -> memref<1x256x2x96xf32, #tpu.memory_space<vmem>>
        %gather3A_3283 = tpu.memref_squeeze %gather3A_3282 : memref<1x256x2x96xf32, #tpu.memory_space<vmem>> -> memref<256x2x96xf32, #tpu.memory_space<vmem>>
        %gather3A_3284 = tpu.vector_load_idx %gather3A_3283[%gather3A_2741, %broadcast_in_dim3A_3023, %add3A_3256] : memref<256x2x96xf32, #tpu.memory_space<vmem>>[vector<16xi32>, vector<16xi32>, vector<16xi32>], vector<16xf32>,
        %mul3A_3285 = arith.mulf %gather3A_2706, %gather3A_3263 : vector<16xf32>
        %mul3A_3286 = arith.mulf %gather3A_2711, %gather3A_3270 : vector<16xf32>
        %add3A_3287 = arith.addf %mul3A_3285, %mul3A_3286 : vector<16xf32>
        %mul3A_3288 = arith.mulf %gather3A_2716, %gather3A_3277 : vector<16xf32>
        %add3A_3289 = arith.addf %add3A_3287, %mul3A_3288 : vector<16xf32>
        %mul3A_3290 = arith.mulf %gather3A_2721, %gather3A_3284 : vector<16xf32>
        %add3A_3291 = arith.addf %add3A_3289, %mul3A_3290 : vector<16xf32>
        %add3A_3292 = arith.constant 96 : i32
        %add3A_3293 = arith.addi %mul3A_2743, %add3A_3292 : i32
        %add3A_3294 = arith.constant 80 : i32
        %add3A_3295 = arith.addi %add3A_3293, %add3A_3294 : i32
        %swap3A_3296 = arith.constant 0 : i32
        %swap3A_3297 = arith.index_cast %swap3A_3296 : i32 to index
        %swap3A_3298 = arith.index_cast %add3A_3295 : i32 to index
        %swap3A_3299 = tpu.vector_load %arg19[%swap3A_3297, %swap3A_3298] {strides = array<i32>} : memref<2x12288xf32, #tpu.memory_space<vmem>>, vector<16xf32>,
        tpu.vector_store %arg19[%swap3A_3297, %swap3A_3298], %add3A_3291 {strides = array<i32>} : memref<2x12288xf32, #tpu.memory_space<vmem>>, vector<16xf32>,
      }
      %scan3A_1855 = arith.constant 64 : i32
      %mul3A_1856 = arith.constant 192 : i32
      %mul3A_1857 = arith.muli %add3A_1846, %mul3A_1856 : i32
      %dma_start3A = arith.constant 0 : i32
      %dma_start3A_1858 = arith.constant 0 : i32
      %dma_start3A_1859 = tpu.memref_slice %arg19[%dma_start3A, %dma_start3A_1858] : memref<2x12288xf32, #tpu.memory_space<vmem>> -> memref<1x12288xf32, #tpu.memory_space<vmem>>
      %dma_start3A_1860 = tpu.memref_squeeze %dma_start3A_1859 : memref<1x12288xf32, #tpu.memory_space<vmem>> -> memref<12288xf32, #tpu.memory_space<vmem>>
      %dma_start3A_1861 = tpu.memref_slice %arg5[%mul3A_1857] : memref<77070336xf32, #tpu.memory_space<hbm>> -> memref<12288xf32, #tpu.memory_space<hbm>>
      %dma_start3A_1862 = tpu.memref_slice %arg5[%mul3A_1857] : memref<77070336xf32, #tpu.memory_space<hbm>> -> memref<12288xf32, #tpu.memory_space<hbm>>
      %dma_start3A_1863 = arith.constant 0 : i32
      %dma_start3A_1864 = tpu.memref_slice %arg19[%dma_start3A, %dma_start3A_1863] : memref<2x12288xf32, #tpu.memory_space<vmem>> -> memref<1x12288xf32, #tpu.memory_space<vmem>>
      %dma_start3A_1865 = tpu.memref_squeeze %dma_start3A_1864 : memref<1x12288xf32, #tpu.memory_space<vmem>> -> memref<12288xf32, #tpu.memory_space<vmem>>
      tpu.enqueue_dma source(%dma_start3A_1865 : memref<12288xf32, #tpu.memory_space<vmem>>) target(%dma_start3A_1862 : memref<12288xf32, #tpu.memory_space<hbm>>) target_semaphore(%arg22 : memref<!tpu.dma_semaphore, #tpu.memory_space<semaphore_mem>>)
      %add3A_1866 = arith.constant 2 : i32
      %add3A_1867 = arith.addi %mul3A_1036, %add3A_1866 : i32
      %mul3A_1868 = arith.constant 64 : i32
      %mul3A_1869 = arith.muli %add3A_1867, %mul3A_1868 : i32
      %add3A_1870 = arith.addi %mul3A_2, %mul3A_1869 : i32
      %run_scoped3A_1871 = arith.constant 0 : i32
      "tpu.region"() ({
        %run_scoped3A_2700 = tpu.sem_alloc : memref<!tpu.dma_semaphore, #tpu.memory_space<semaphore_mem>>
        %dma_start3A_2701 = arith.constant 0 : i32
        %dma_start3A_2702 = tpu.memref_slice %arg6[%run_scoped3A_1871, %dma_start3A_2701] : memref<2x64xf32, #tpu.memory_space<vmem>> -> memref<1x64xf32, #tpu.memory_space<vmem>>
        %dma_start3A_2703 = tpu.memref_squeeze %dma_start3A_2702 : memref<1x64xf32, #tpu.memory_space<vmem>> -> memref<64xf32, #tpu.memory_space<vmem>>
        %dma_start3A_2704 = tpu.memref_slice %arg2[%add3A_1870] : memref<401536xf32, #tpu.memory_space<hbm>> -> memref<64xf32, #tpu.memory_space<hbm>>
        %dma_start3A_2705 = arith.constant 0 : i32
        %dma_start3A_2706 = tpu.memref_slice %arg6[%run_scoped3A_1871, %dma_start3A_2705] : memref<2x64xf32, #tpu.memory_space<vmem>> -> memref<1x64xf32, #tpu.memory_space<vmem>>
        %dma_start3A_2707 = tpu.memref_squeeze %dma_start3A_2706 : memref<1x64xf32, #tpu.memory_space<vmem>> -> memref<64xf32, #tpu.memory_space<vmem>>
        %dma_start3A_2708 = tpu.memref_slice %arg2[%add3A_1870] : memref<401536xf32, #tpu.memory_space<hbm>> -> memref<64xf32, #tpu.memory_space<hbm>>
        tpu.enqueue_dma source(%dma_start3A_2708 : memref<64xf32, #tpu.memory_space<hbm>>) target(%dma_start3A_2707 : memref<64xf32, #tpu.memory_space<vmem>>) target_semaphore(%run_scoped3A_2700 : memref<!tpu.dma_semaphore, #tpu.memory_space<semaphore_mem>>)
        %dma_wait3A_2709 = arith.constant 0 : i32
        %dma_wait3A_2710 = tpu.memref_slice %arg6[%run_scoped3A_1871, %dma_wait3A_2709] : memref<2x64xf32, #tpu.memory_space<vmem>> -> memref<1x64xf32, #tpu.memory_space<vmem>>
        %dma_wait3A_2711 = tpu.memref_squeeze %dma_wait3A_2710 : memref<1x64xf32, #tpu.memory_space<vmem>> -> memref<64xf32, #tpu.memory_space<vmem>>
        %dma_wait3A_2712 = tpu.memref_slice %arg2[%add3A_1870] : memref<401536xf32, #tpu.memory_space<hbm>> -> memref<64xf32, #tpu.memory_space<hbm>>
        %dma_wait3A_2713 = arith.constant 0 : i32
        %dma_wait3A_2714 = tpu.memref_slice %arg6[%run_scoped3A_1871, %dma_wait3A_2713] : memref<2x64xf32, #tpu.memory_space<vmem>> -> memref<1x64xf32, #tpu.memory_space<vmem>>
        %dma_wait3A_2715 = tpu.memref_squeeze %dma_wait3A_2714 : memref<1x64xf32, #tpu.memory_space<vmem>> -> memref<64xf32, #tpu.memory_space<vmem>>
        %dma_wait3A_2716 = tpu.memref_slice %arg2[%add3A_1870] : memref<401536xf32, #tpu.memory_space<hbm>> -> memref<64xf32, #tpu.memory_space<hbm>>
        tpu.wait_dma2 semaphore(%run_scoped3A_2700 : memref<!tpu.dma_semaphore, #tpu.memory_space<semaphore_mem>>) src(%dma_wait3A_2716 : memref<64xf32, #tpu.memory_space<hbm>>) dst(%dma_wait3A_2715 : memref<64xf32, #tpu.memory_space<vmem>>)
        tpu.yield
      }) : () -> ()
      %run_scoped3A_1872 = arith.constant 0 : i32
      "tpu.region"() ({
        %run_scoped3A_2700 = tpu.sem_alloc : memref<!tpu.dma_semaphore, #tpu.memory_space<semaphore_mem>>
        %dma_start3A_2701 = arith.constant 0 : i32
        %dma_start3A_2702 = tpu.memref_slice %arg7[%run_scoped3A_1872, %dma_start3A_2701] : memref<2x64xf32, #tpu.memory_space<vmem>> -> memref<1x64xf32, #tpu.memory_space<vmem>>
        %dma_start3A_2703 = tpu.memref_squeeze %dma_start3A_2702 : memref<1x64xf32, #tpu.memory_space<vmem>> -> memref<64xf32, #tpu.memory_space<vmem>>
        %dma_start3A_2704 = tpu.memref_slice %arg3[%add3A_1870] : memref<401536xf32, #tpu.memory_space<hbm>> -> memref<64xf32, #tpu.memory_space<hbm>>
        %dma_start3A_2705 = arith.constant 0 : i32
        %dma_start3A_2706 = tpu.memref_slice %arg7[%run_scoped3A_1872, %dma_start3A_2705] : memref<2x64xf32, #tpu.memory_space<vmem>> -> memref<1x64xf32, #tpu.memory_space<vmem>>
        %dma_start3A_2707 = tpu.memref_squeeze %dma_start3A_2706 : memref<1x64xf32, #tpu.memory_space<vmem>> -> memref<64xf32, #tpu.memory_space<vmem>>
        %dma_start3A_2708 = tpu.memref_slice %arg3[%add3A_1870] : memref<401536xf32, #tpu.memory_space<hbm>> -> memref<64xf32, #tpu.memory_space<hbm>>
        tpu.enqueue_dma source(%dma_start3A_2708 : memref<64xf32, #tpu.memory_space<hbm>>) target(%dma_start3A_2707 : memref<64xf32, #tpu.memory_space<vmem>>) target_semaphore(%run_scoped3A_2700 : memref<!tpu.dma_semaphore, #tpu.memory_space<semaphore_mem>>)
        %dma_wait3A_2709 = arith.constant 0 : i32
        %dma_wait3A_2710 = tpu.memref_slice %arg7[%run_scoped3A_1872, %dma_wait3A_2709] : memref<2x64xf32, #tpu.memory_space<vmem>> -> memref<1x64xf32, #tpu.memory_space<vmem>>
        %dma_wait3A_2711 = tpu.memref_squeeze %dma_wait3A_2710 : memref<1x64xf32, #tpu.memory_space<vmem>> -> memref<64xf32, #tpu.memory_space<vmem>>
        %dma_wait3A_2712 = tpu.memref_slice %arg3[%add3A_1870] : memref<401536xf32, #tpu.memory_space<hbm>> -> memref<64xf32, #tpu.memory_space<hbm>>
        %dma_wait3A_2713 = arith.constant 0 : i32
        %dma_wait3A_2714 = tpu.memref_slice %arg7[%run_scoped3A_1872, %dma_wait3A_2713] : memref<2x64xf32, #tpu.memory_space<vmem>> -> memref<1x64xf32, #tpu.memory_space<vmem>>
        %dma_wait3A_2715 = tpu.memref_squeeze %dma_wait3A_2714 : memref<1x64xf32, #tpu.memory_space<vmem>> -> memref<64xf32, #tpu.memory_space<vmem>>
        %dma_wait3A_2716 = tpu.memref_slice %arg3[%add3A_1870] : memref<401536xf32, #tpu.memory_space<hbm>> -> memref<64xf32, #tpu.memory_space<hbm>>
        tpu.wait_dma2 semaphore(%run_scoped3A_2700 : memref<!tpu.dma_semaphore, #tpu.memory_space<semaphore_mem>>) src(%dma_wait3A_2716 : memref<64xf32, #tpu.memory_space<hbm>>) dst(%dma_wait3A_2715 : memref<64xf32, #tpu.memory_space<vmem>>)
        tpu.yield
      }) : () -> ()
      %get3A_1873 = arith.constant 0 : i32
      %get3A_1874 = arith.index_cast %get3A_1873 : i32 to index
      %get3A_1875 = arith.constant 0 : index
      %get3A_1876 = tpu.vector_load %arg6[%get3A_1874, %get3A_1875] {strides = array<i32>} : memref<2x64xf32, #tpu.memory_space<vmem>>, vector<16xf32>,
      %add3A_1877 = arith.constant 1.000000e+00 : f32
      %add3A_1878 = vector.broadcast %add3A_1877 : f32 to vector<16xf32>
      %add3A_1879 = arith.addf %get3A_1876, %add3A_1878 : vector<16xf32>
      %mul3A_1880 = arith.constant 5.000000e-01 : f32
      %mul3A_1881 = vector.broadcast %mul3A_1880 : f32 to vector<16xf32>
      %mul3A_1882 = arith.mulf %mul3A_1881, %add3A_1879 : vector<16xf32>
      %mul3A_1883 = arith.constant 2.240000e+02 : f32
      %mul3A_1884 = vector.broadcast %mul3A_1883 : f32 to vector<16xf32>
      %mul3A_1885 = arith.mulf %mul3A_1882, %mul3A_1884 : vector<16xf32>
      %get3A_1886 = arith.constant 0 : i32
      %get3A_1887 = arith.index_cast %get3A_1886 : i32 to index
      %get3A_1888 = arith.constant 0 : index
      %get3A_1889 = tpu.vector_load %arg7[%get3A_1887, %get3A_1888] {strides = array<i32>} : memref<2x64xf32, #tpu.memory_space<vmem>>, vector<16xf32>,
      %add3A_1890 = arith.constant 1.000000e+00 : f32
      %add3A_1891 = vector.broadcast %add3A_1890 : f32 to vector<16xf32>
      %add3A_1892 = arith.addf %get3A_1889, %add3A_1891 : vector<16xf32>
      %mul3A_1893 = arith.constant 5.000000e-01 : f32
      %mul3A_1894 = vector.broadcast %mul3A_1893 : f32 to vector<16xf32>
      %mul3A_1895 = arith.mulf %mul3A_1894, %add3A_1892 : vector<16xf32>
      %mul3A_1896 = arith.constant 2.240000e+02 : f32
      %mul3A_1897 = vector.broadcast %mul3A_1896 : f32 to vector<16xf32>
      %mul3A_1898 = arith.mulf %mul3A_1895, %mul3A_1897 : vector<16xf32>
      %convert_element_type3A_1899 = arith.fptosi %mul3A_1885 : vector<16xf32> to vector<16xi32>
      %convert_element_type3A_1900 = arith.fptosi %mul3A_1898 : vector<16xf32> to vector<16xi32>
      %jit3A_1901 = arith.constant 0 : i32
      %jit3A_1902 = arith.constant 223 : i32
      %max3A_1903 = vector.broadcast %jit3A_1901 : i32 to vector<16xi32>
      %max3A_1904 = arith.maxsi %max3A_1903, %convert_element_type3A_1899 : vector<16xi32>
      %min3A_1905 = vector.broadcast %jit3A_1902 : i32 to vector<16xi32>
      %min3A_1906 = arith.minsi %min3A_1905, %max3A_1904 : vector<16xi32>
      %add3A_1907 = arith.constant 1 : i32
      %add3A_1908 = vector.broadcast %add3A_1907 : i32 to vector<16xi32>
      %add3A_1909 = arith.addi %convert_element_type3A_1899, %add3A_1908 : vector<16xi32>
      %jit3A_1910 = arith.constant 0 : i32
      %jit3A_1911 = arith.constant 223 : i32
      %max3A_1912 = vector.broadcast %jit3A_1910 : i32 to vector<16xi32>
      %max3A_1913 = arith.maxsi %max3A_1912, %add3A_1909 : vector<16xi32>
      %min3A_1914 = vector.broadcast %jit3A_1911 : i32 to vector<16xi32>
      %min3A_1915 = arith.minsi %min3A_1914, %max3A_1913 : vector<16xi32>
      %jit3A_1916 = arith.constant 0 : i32
      %jit3A_1917 = arith.constant 223 : i32
      %max3A_1918 = vector.broadcast %jit3A_1916 : i32 to vector<16xi32>
      %max3A_1919 = arith.maxsi %max3A_1918, %convert_element_type3A_1900 : vector<16xi32>
      %min3A_1920 = vector.broadcast %jit3A_1917 : i32 to vector<16xi32>
      %min3A_1921 = arith.minsi %min3A_1920, %max3A_1919 : vector<16xi32>
      %add3A_1922 = arith.constant 1 : i32
      %add3A_1923 = vector.broadcast %add3A_1922 : i32 to vector<16xi32>
      %add3A_1924 = arith.addi %convert_element_type3A_1900, %add3A_1923 : vector<16xi32>
      %jit3A_1925 = arith.constant 0 : i32
      %jit3A_1926 = arith.constant 223 : i32
      %max3A_1927 = vector.broadcast %jit3A_1925 : i32 to vector<16xi32>
      %max3A_1928 = arith.maxsi %max3A_1927, %add3A_1924 : vector<16xi32>
      %min3A_1929 = vector.broadcast %jit3A_1926 : i32 to vector<16xi32>
      %min3A_1930 = arith.minsi %min3A_1929, %max3A_1928 : vector<16xi32>
      %convert_element_type3A_1931 = arith.sitofp %min3A_1906 : vector<16xi32> to vector<16xf32>
      %convert_element_type3A_1932 = arith.sitofp %min3A_1915 : vector<16xi32> to vector<16xf32>
      %convert_element_type3A_1933 = arith.sitofp %min3A_1921 : vector<16xi32> to vector<16xf32>
      %convert_element_type3A_1934 = arith.sitofp %min3A_1930 : vector<16xi32> to vector<16xf32>
      %sub3A_1935 = arith.subf %convert_element_type3A_1932, %mul3A_1885 : vector<16xf32>
      %sub3A_1936 = arith.subf %convert_element_type3A_1934, %mul3A_1898 : vector<16xf32>
      %mul3A_1937 = arith.mulf %sub3A_1935, %sub3A_1936 : vector<16xf32>
      %swap3A_1938 = arith.constant 0 : i32
      %swap3A_1939 = arith.index_cast %swap3A_1938 : i32 to index
      %swap3A_1940 = arith.constant 0 : index
      %swap3A_1941 = tpu.vector_load %arg9[%swap3A_1939, %swap3A_1940] {strides = array<i32>} : memref<2x64xf32, #tpu.memory_space<vmem>>, vector<16xf32>,
      tpu.vector_store %arg9[%swap3A_1939, %swap3A_1940], %mul3A_1937 {strides = array<i32>} : memref<2x64xf32, #tpu.memory_space<vmem>>, vector<16xf32>,
      %sub3A_1942 = arith.subf %convert_element_type3A_1932, %mul3A_1885 : vector<16xf32>
      %sub3A_1943 = arith.subf %mul3A_1898, %convert_element_type3A_1933 : vector<16xf32>
      %mul3A_1944 = arith.mulf %sub3A_1942, %sub3A_1943 : vector<16xf32>
      %swap3A_1945 = arith.constant 0 : i32
      %swap3A_1946 = arith.index_cast %swap3A_1945 : i32 to index
      %swap3A_1947 = arith.constant 0 : index
      %swap3A_1948 = tpu.vector_load %arg10[%swap3A_1946, %swap3A_1947] {strides = array<i32>} : memref<2x64xf32, #tpu.memory_space<vmem>>, vector<16xf32>,
      tpu.vector_store %arg10[%swap3A_1946, %swap3A_1947], %mul3A_1944 {strides = array<i32>} : memref<2x64xf32, #tpu.memory_space<vmem>>, vector<16xf32>,
      %sub3A_1949 = arith.subf %mul3A_1885, %convert_element_type3A_1931 : vector<16xf32>
      %sub3A_1950 = arith.subf %convert_element_type3A_1934, %mul3A_1898 : vector<16xf32>
      %mul3A_1951 = arith.mulf %sub3A_1949, %sub3A_1950 : vector<16xf32>
      %swap3A_1952 = arith.constant 0 : i32
      %swap3A_1953 = arith.index_cast %swap3A_1952 : i32 to index
      %swap3A_1954 = arith.constant 0 : index
      %swap3A_1955 = tpu.vector_load %arg11[%swap3A_1953, %swap3A_1954] {strides = array<i32>} : memref<2x64xf32, #tpu.memory_space<vmem>>, vector<16xf32>,
      tpu.vector_store %arg11[%swap3A_1953, %swap3A_1954], %mul3A_1951 {strides = array<i32>} : memref<2x64xf32, #tpu.memory_space<vmem>>, vector<16xf32>,
      %sub3A_1956 = arith.subf %mul3A_1885, %convert_element_type3A_1931 : vector<16xf32>
      %sub3A_1957 = arith.subf %mul3A_1898, %convert_element_type3A_1933 : vector<16xf32>
      %mul3A_1958 = arith.mulf %sub3A_1956, %sub3A_1957 : vector<16xf32>
      %swap3A_1959 = arith.constant 0 : i32
      %swap3A_1960 = arith.index_cast %swap3A_1959 : i32 to index
      %swap3A_1961 = arith.constant 0 : index
      %swap3A_1962 = tpu.vector_load %arg12[%swap3A_1960, %swap3A_1961] {strides = array<i32>} : memref<2x64xf32, #tpu.memory_space<vmem>>, vector<16xf32>,
      tpu.vector_store %arg12[%swap3A_1960, %swap3A_1961], %mul3A_1958 {strides = array<i32>} : memref<2x64xf32, #tpu.memory_space<vmem>>, vector<16xf32>,
      %mul3A_1963 = arith.constant 224 : i32
      %mul3A_1964 = vector.broadcast %mul3A_1963 : i32 to vector<16xi32>
      %mul3A_1965 = arith.muli %min3A_1921, %mul3A_1964 : vector<16xi32>
      %add3A_1966 = vector.broadcast %mul3A_20 : i32 to vector<16xi32>
      %add3A_1967 = arith.addi %add3A_1966, %mul3A_1965 : vector<16xi32>
      %mul3A_1968 = arith.constant 224 : i32
      %mul3A_1969 = vector.broadcast %mul3A_1968 : i32 to vector<16xi32>
      %mul3A_1970 = arith.muli %min3A_1930, %mul3A_1969 : vector<16xi32>
      %add3A_1971 = vector.broadcast %mul3A_20 : i32 to vector<16xi32>
      %add3A_1972 = arith.addi %add3A_1971, %mul3A_1970 : vector<16xi32>
      %add3A_1973 = arith.addi %add3A_1967, %min3A_1906 : vector<16xi32>
      %add3A_1974 = arith.addi %add3A_1972, %min3A_1906 : vector<16xi32>
      %add3A_1975 = arith.addi %add3A_1967, %min3A_1915 : vector<16xi32>
      %add3A_1976 = arith.addi %add3A_1972, %min3A_1915 : vector<16xi32>
      %swap3A_1977 = arith.constant 0 : i32
      %swap3A_1978 = arith.index_cast %swap3A_1977 : i32 to index
      %swap3A_1979 = arith.constant 0 : index
      %swap3A_1980 = tpu.vector_load %arg8[%swap3A_1978, %swap3A_1979] {strides = array<i32>} : memref<2x64xi32, #tpu.memory_space<vmem>>, vector<16xi32>,
      tpu.vector_store %arg8[%swap3A_1978, %swap3A_1979], %add3A_1976 {strides = array<i32>} : memref<2x64xi32, #tpu.memory_space<vmem>>, vector<16xi32>,
      %add3A_1981 = arith.constant -1 : i32
      %add3A_1982 = vector.broadcast %add3A_1981 : i32 to vector<16xi32>
      %add3A_1983 = arith.addi %iota3A, %add3A_1982 : vector<16xi32>
      %max3A_1984 = arith.constant 0 : i32
      %max3A_1985 = vector.broadcast %max3A_1984 : i32 to vector<16xi32>
      %max3A_1986 = arith.maxsi %add3A_1983, %max3A_1985 : vector<16xi32>
      %gather3A_1987 = arith.constant 0 : i32
      %gather3A_1988 = arith.constant 0 : i32
      %gather3A_1989 = tpu.memref_slice %arg8[%gather3A_1987, %gather3A_1988] : memref<2x64xi32, #tpu.memory_space<vmem>> -> memref<1x64xi32, #tpu.memory_space<vmem>>
      %gather3A_1990 = tpu.memref_squeeze %gather3A_1989 : memref<1x64xi32, #tpu.memory_space<vmem>> -> memref<64xi32, #tpu.memory_space<vmem>>
      %gather3A_1991 = tpu.vector_load_idx %gather3A_1990[%max3A_1986] : memref<64xi32, #tpu.memory_space<vmem>>[vector<16xi32>], vector<16xi32>,
      %ne3A_1992 = arith.cmpi ne, %min3A_1915, %min3A_1906 : vector<16xi32>
      %ne3A_1993 = arith.cmpi ne, %min3A_1930, %min3A_1921 : vector<16xi32>
      %and3A_1994 = arith.andi %ne3A_1992, %ne3A_1993 : vector<16xi1>
      %ne3A_1995 = arith.cmpi ne, %add3A_1973, %gather3A_1991 : vector<16xi32>
      %eq3A_1996 = arith.constant 0 : i32
      %eq3A_1997 = vector.broadcast %eq3A_1996 : i32 to vector<16xi32>
      %eq3A_1998 = arith.cmpi eq, %iota3A, %eq3A_1997 : vector<16xi32>
      %or3A_1999 = arith.ori %ne3A_1995, %eq3A_1998 : vector<16xi1>
      %convert_element_type3A_2000 = arith.extui %or3A_1999 : vector<16xi1> to vector<16xi32>
      %convert_element_type3A_2001 = arith.extui %ne3A_1992 : vector<16xi1> to vector<16xi32>
      %convert_element_type3A_2002 = arith.extui %ne3A_1993 : vector<16xi1> to vector<16xi32>
      %mul3A_2003 = arith.muli %convert_element_type3A_2001, %convert_element_type3A_2002 : vector<16xi32>
      %add3A_2004 = arith.addi %convert_element_type3A_2000, %convert_element_type3A_2001 : vector<16xi32>
      %add3A_2005 = arith.addi %add3A_2004, %convert_element_type3A_2002 : vector<16xi32>
      %add3A_2006 = arith.addi %add3A_2005, %mul3A_2003 : vector<16xi32>
      %broadcast_in_dim3A_2007 = arith.constant true
      %broadcast_in_dim3A_2008 = vector.broadcast %broadcast_in_dim3A_2007 : i1 to vector<16xi1>
      %masked_cumsum3A_2009 = tpu.scan <sum>, %add3A_2006 masked %broadcast_in_dim3A_2008 : vector<16xi32>, vector<16xi1> -> vector<16xi32>
      %add3A_2010 = arith.constant 0 : i32
      %add3A_2011 = vector.broadcast %add3A_2010 : i32 to vector<16xi32>
      %add3A_2012 = arith.addi %add3A_2011, %masked_cumsum3A_2009 : vector<16xi32>
      %sub3A_2013 = arith.subi %add3A_2012, %add3A_2006 : vector<16xi32>
      %add3A_2014 = arith.addi %sub3A_2013, %convert_element_type3A_2000 : vector<16xi32>
      %sub3A_2015 = arith.constant 1 : i32
      %sub3A_2016 = vector.broadcast %sub3A_2015 : i32 to vector<16xi32>
      %sub3A_2017 = arith.subi %add3A_2014, %sub3A_2016 : vector<16xi32>
      %add3A_2018 = arith.addi %sub3A_2017, %convert_element_type3A_2001 : vector<16xi32>
      %add3A_2019 = arith.addi %add3A_2018, %convert_element_type3A_2002 : vector<16xi32>
      %add3A_2020 = arith.addi %add3A_2019, %mul3A_2003 : vector<16xi32>
      %scatter3A_2021 = arith.constant 0 : i32
      %scatter3A_2022 = arith.constant 0 : i32
      %scatter3A_2023 = tpu.memref_slice %arg17[%scatter3A_2021, %scatter3A_2022] : memref<2x256xi32, #tpu.memory_space<vmem>> -> memref<1x256xi32, #tpu.memory_space<vmem>>
      %scatter3A_2024 = tpu.memref_squeeze %scatter3A_2023 : memref<1x256xi32, #tpu.memory_space<vmem>> -> memref<256xi32, #tpu.memory_space<vmem>>
      tpu.vector_store_idx %scatter3A_2024[%sub3A_2017], %add3A_1973 masked %or3A_1999 : memref<256xi32, #tpu.memory_space<vmem>>[vector<16xi32>], vector<16xi32>, vector<16xi1>
      %scatter3A_2025 = arith.constant 0 : i32
      %scatter3A_2026 = arith.constant 0 : i32
      %scatter3A_2027 = tpu.memref_slice %arg17[%scatter3A_2025, %scatter3A_2026] : memref<2x256xi32, #tpu.memory_space<vmem>> -> memref<1x256xi32, #tpu.memory_space<vmem>>
      %scatter3A_2028 = tpu.memref_squeeze %scatter3A_2027 : memref<1x256xi32, #tpu.memory_space<vmem>> -> memref<256xi32, #tpu.memory_space<vmem>>
      tpu.vector_store_idx %scatter3A_2028[%add3A_2018], %add3A_1975 masked %ne3A_1992 : memref<256xi32, #tpu.memory_space<vmem>>[vector<16xi32>], vector<16xi32>, vector<16xi1>
      %scatter3A_2029 = arith.constant 0 : i32
      %scatter3A_2030 = arith.constant 0 : i32
      %scatter3A_2031 = tpu.memref_slice %arg17[%scatter3A_2029, %scatter3A_2030] : memref<2x256xi32, #tpu.memory_space<vmem>> -> memref<1x256xi32, #tpu.memory_space<vmem>>
      %scatter3A_2032 = tpu.memref_squeeze %scatter3A_2031 : memref<1x256xi32, #tpu.memory_space<vmem>> -> memref<256xi32, #tpu.memory_space<vmem>>
      tpu.vector_store_idx %scatter3A_2032[%add3A_2019], %add3A_1974 masked %ne3A_1993 : memref<256xi32, #tpu.memory_space<vmem>>[vector<16xi32>], vector<16xi32>, vector<16xi1>
      %scatter3A_2033 = arith.constant 0 : i32
      %scatter3A_2034 = arith.constant 0 : i32
      %scatter3A_2035 = tpu.memref_slice %arg17[%scatter3A_2033, %scatter3A_2034] : memref<2x256xi32, #tpu.memory_space<vmem>> -> memref<1x256xi32, #tpu.memory_space<vmem>>
      %scatter3A_2036 = tpu.memref_squeeze %scatter3A_2035 : memref<1x256xi32, #tpu.memory_space<vmem>> -> memref<256xi32, #tpu.memory_space<vmem>>
      tpu.vector_store_idx %scatter3A_2036[%add3A_2020], %add3A_1976 masked %and3A_1994 : memref<256xi32, #tpu.memory_space<vmem>>[vector<16xi32>], vector<16xi32>, vector<16xi1>
      %swap3A_2037 = arith.constant 0 : i32
      %swap3A_2038 = arith.index_cast %swap3A_2037 : i32 to index
      %swap3A_2039 = arith.constant 0 : index
      %swap3A_2040 = tpu.vector_load %arg13[%swap3A_2038, %swap3A_2039] {strides = array<i32>} : memref<2x64xi32, #tpu.memory_space<vmem>>, vector<16xi32>,
      tpu.vector_store %arg13[%swap3A_2038, %swap3A_2039], %sub3A_2017 {strides = array<i32>} : memref<2x64xi32, #tpu.memory_space<vmem>>, vector<16xi32>,
      %swap3A_2041 = arith.constant 0 : i32
      %swap3A_2042 = arith.index_cast %swap3A_2041 : i32 to index
      %swap3A_2043 = arith.constant 0 : index
      %swap3A_2044 = tpu.vector_load %arg15[%swap3A_2042, %swap3A_2043] {strides = array<i32>} : memref<2x64xi32, #tpu.memory_space<vmem>>, vector<16xi32>,
      tpu.vector_store %arg15[%swap3A_2042, %swap3A_2043], %add3A_2018 {strides = array<i32>} : memref<2x64xi32, #tpu.memory_space<vmem>>, vector<16xi32>,
      %select_n3A_2045 = arith.select %ne3A_1993, %add3A_2019, %sub3A_2017 : vector<16xi1>, vector<16xi32>
      %swap3A_2046 = arith.constant 0 : i32
      %swap3A_2047 = arith.index_cast %swap3A_2046 : i32 to index
      %swap3A_2048 = arith.constant 0 : index
      %swap3A_2049 = tpu.vector_load %arg14[%swap3A_2047, %swap3A_2048] {strides = array<i32>} : memref<2x64xi32, #tpu.memory_space<vmem>>, vector<16xi32>,
      tpu.vector_store %arg14[%swap3A_2047, %swap3A_2048], %select_n3A_2045 {strides = array<i32>} : memref<2x64xi32, #tpu.memory_space<vmem>>, vector<16xi32>,
      %select_n3A_2050 = arith.select %ne3A_1993, %add3A_2019, %add3A_2018 : vector<16xi1>, vector<16xi32>
      %select_n3A_2051 = arith.select %and3A_1994, %add3A_2020, %select_n3A_2050 : vector<16xi1>, vector<16xi32>
      %swap3A_2052 = arith.constant 0 : i32
      %swap3A_2053 = arith.index_cast %swap3A_2052 : i32 to index
      %swap3A_2054 = arith.constant 0 : index
      %swap3A_2055 = tpu.vector_load %arg16[%swap3A_2053, %swap3A_2054] {strides = array<i32>} : memref<2x64xi32, #tpu.memory_space<vmem>>, vector<16xi32>,
      tpu.vector_store %arg16[%swap3A_2053, %swap3A_2054], %select_n3A_2051 {strides = array<i32>} : memref<2x64xi32, #tpu.memory_space<vmem>>, vector<16xi32>,
      %reduce_max3A_2056 = arith.constant true
      %reduce_max3A_2057 = vector.broadcast %reduce_max3A_2056 : i1 to vector<16xi1>
      %reduce_max3A_2058 = arith.constant -2147483648 : i32
      %reduce_max3A_2059 = vector.broadcast %reduce_max3A_2058 : i32 to vector<16xi32>
      %reduce_max3A_2060 = arith.xori %masked_cumsum3A_2009, %reduce_max3A_2059 : vector<16xi32>
      %reduce_max3A_2061 = tpu.scan <max>, %reduce_max3A_2060 masked %reduce_max3A_2057 : vector<16xi32>, vector<16xi1> -> vector<16xi32>
      %reduce_max3A_2062 = arith.xori %reduce_max3A_2061, %reduce_max3A_2059 : vector<16xi32>
      %reduce_max3A_2063 = vector.extract %reduce_max3A_2062[15] : i32 from vector<16xi32>
      %add3A_2064 = arith.constant 0 : i32
      %add3A_2065 = arith.addi %add3A_2064, %reduce_max3A_2063 : i32
      %get3A_2066 = arith.constant 0 : i32
      %get3A_2067 = arith.index_cast %get3A_2066 : i32 to index
      %get3A_2068 = arith.constant 16 : index
      %get3A_2069 = tpu.vector_load %arg6[%get3A_2067, %get3A_2068] {strides = array<i32>} : memref<2x64xf32, #tpu.memory_space<vmem>>, vector<16xf32>,
      %add3A_2070 = arith.constant 1.000000e+00 : f32
      %add3A_2071 = vector.broadcast %add3A_2070 : f32 to vector<16xf32>
      %add3A_2072 = arith.addf %get3A_2069, %add3A_2071 : vector<16xf32>
      %mul3A_2073 = arith.constant 5.000000e-01 : f32
      %mul3A_2074 = vector.broadcast %mul3A_2073 : f32 to vector<16xf32>
      %mul3A_2075 = arith.mulf %mul3A_2074, %add3A_2072 : vector<16xf32>
      %mul3A_2076 = arith.constant 2.240000e+02 : f32
      %mul3A_2077 = vector.broadcast %mul3A_2076 : f32 to vector<16xf32>
      %mul3A_2078 = arith.mulf %mul3A_2075, %mul3A_2077 : vector<16xf32>
      %get3A_2079 = arith.constant 0 : i32
      %get3A_2080 = arith.index_cast %get3A_2079 : i32 to index
      %get3A_2081 = arith.constant 16 : index
      %get3A_2082 = tpu.vector_load %arg7[%get3A_2080, %get3A_2081] {strides = array<i32>} : memref<2x64xf32, #tpu.memory_space<vmem>>, vector<16xf32>,
      %add3A_2083 = arith.constant 1.000000e+00 : f32
      %add3A_2084 = vector.broadcast %add3A_2083 : f32 to vector<16xf32>
      %add3A_2085 = arith.addf %get3A_2082, %add3A_2084 : vector<16xf32>
      %mul3A_2086 = arith.constant 5.000000e-01 : f32
      %mul3A_2087 = vector.broadcast %mul3A_2086 : f32 to vector<16xf32>
      %mul3A_2088 = arith.mulf %mul3A_2087, %add3A_2085 : vector<16xf32>
      %mul3A_2089 = arith.constant 2.240000e+02 : f32
      %mul3A_2090 = vector.broadcast %mul3A_2089 : f32 to vector<16xf32>
      %mul3A_2091 = arith.mulf %mul3A_2088, %mul3A_2090 : vector<16xf32>
      %convert_element_type3A_2092 = arith.fptosi %mul3A_2078 : vector<16xf32> to vector<16xi32>
      %convert_element_type3A_2093 = arith.fptosi %mul3A_2091 : vector<16xf32> to vector<16xi32>
      %jit3A_2094 = arith.constant 0 : i32
      %jit3A_2095 = arith.constant 223 : i32
      %max3A_2096 = vector.broadcast %jit3A_2094 : i32 to vector<16xi32>
      %max3A_2097 = arith.maxsi %max3A_2096, %convert_element_type3A_2092 : vector<16xi32>
      %min3A_2098 = vector.broadcast %jit3A_2095 : i32 to vector<16xi32>
      %min3A_2099 = arith.minsi %min3A_2098, %max3A_2097 : vector<16xi32>
      %add3A_2100 = arith.constant 1 : i32
      %add3A_2101 = vector.broadcast %add3A_2100 : i32 to vector<16xi32>
      %add3A_2102 = arith.addi %convert_element_type3A_2092, %add3A_2101 : vector<16xi32>
      %jit3A_2103 = arith.constant 0 : i32
      %jit3A_2104 = arith.constant 223 : i32
      %max3A_2105 = vector.broadcast %jit3A_2103 : i32 to vector<16xi32>
      %max3A_2106 = arith.maxsi %max3A_2105, %add3A_2102 : vector<16xi32>
      %min3A_2107 = vector.broadcast %jit3A_2104 : i32 to vector<16xi32>
      %min3A_2108 = arith.minsi %min3A_2107, %max3A_2106 : vector<16xi32>
      %jit3A_2109 = arith.constant 0 : i32
      %jit3A_2110 = arith.constant 223 : i32
      %max3A_2111 = vector.broadcast %jit3A_2109 : i32 to vector<16xi32>
      %max3A_2112 = arith.maxsi %max3A_2111, %convert_element_type3A_2093 : vector<16xi32>
      %min3A_2113 = vector.broadcast %jit3A_2110 : i32 to vector<16xi32>
      %min3A_2114 = arith.minsi %min3A_2113, %max3A_2112 : vector<16xi32>
      %add3A_2115 = arith.constant 1 : i32
      %add3A_2116 = vector.broadcast %add3A_2115 : i32 to vector<16xi32>
      %add3A_2117 = arith.addi %convert_element_type3A_2093, %add3A_2116 : vector<16xi32>
      %jit3A_2118 = arith.constant 0 : i32
      %jit3A_2119 = arith.constant 223 : i32
      %max3A_2120 = vector.broadcast %jit3A_2118 : i32 to vector<16xi32>
      %max3A_2121 = arith.maxsi %max3A_2120, %add3A_2117 : vector<16xi32>
      %min3A_2122 = vector.broadcast %jit3A_2119 : i32 to vector<16xi32>
      %min3A_2123 = arith.minsi %min3A_2122, %max3A_2121 : vector<16xi32>
      %convert_element_type3A_2124 = arith.sitofp %min3A_2099 : vector<16xi32> to vector<16xf32>
      %convert_element_type3A_2125 = arith.sitofp %min3A_2108 : vector<16xi32> to vector<16xf32>
      %convert_element_type3A_2126 = arith.sitofp %min3A_2114 : vector<16xi32> to vector<16xf32>
      %convert_element_type3A_2127 = arith.sitofp %min3A_2123 : vector<16xi32> to vector<16xf32>
      %sub3A_2128 = arith.subf %convert_element_type3A_2125, %mul3A_2078 : vector<16xf32>
      %sub3A_2129 = arith.subf %convert_element_type3A_2127, %mul3A_2091 : vector<16xf32>
      %mul3A_2130 = arith.mulf %sub3A_2128, %sub3A_2129 : vector<16xf32>
      %swap3A_2131 = arith.constant 0 : i32
      %swap3A_2132 = arith.index_cast %swap3A_2131 : i32 to index
      %swap3A_2133 = arith.constant 16 : index
      %swap3A_2134 = tpu.vector_load %arg9[%swap3A_2132, %swap3A_2133] {strides = array<i32>} : memref<2x64xf32, #tpu.memory_space<vmem>>, vector<16xf32>,
      tpu.vector_store %arg9[%swap3A_2132, %swap3A_2133], %mul3A_2130 {strides = array<i32>} : memref<2x64xf32, #tpu.memory_space<vmem>>, vector<16xf32>,
      %sub3A_2135 = arith.subf %convert_element_type3A_2125, %mul3A_2078 : vector<16xf32>
      %sub3A_2136 = arith.subf %mul3A_2091, %convert_element_type3A_2126 : vector<16xf32>
      %mul3A_2137 = arith.mulf %sub3A_2135, %sub3A_2136 : vector<16xf32>
      %swap3A_2138 = arith.constant 0 : i32
      %swap3A_2139 = arith.index_cast %swap3A_2138 : i32 to index
      %swap3A_2140 = arith.constant 16 : index
      %swap3A_2141 = tpu.vector_load %arg10[%swap3A_2139, %swap3A_2140] {strides = array<i32>} : memref<2x64xf32, #tpu.memory_space<vmem>>, vector<16xf32>,
      tpu.vector_store %arg10[%swap3A_2139, %swap3A_2140], %mul3A_2137 {strides = array<i32>} : memref<2x64xf32, #tpu.memory_space<vmem>>, vector<16xf32>,
      %sub3A_2142 = arith.subf %mul3A_2078, %convert_element_type3A_2124 : vector<16xf32>
      %sub3A_2143 = arith.subf %convert_element_type3A_2127, %mul3A_2091 : vector<16xf32>
      %mul3A_2144 = arith.mulf %sub3A_2142, %sub3A_2143 : vector<16xf32>
      %swap3A_2145 = arith.constant 0 : i32
      %swap3A_2146 = arith.index_cast %swap3A_2145 : i32 to index
      %swap3A_2147 = arith.constant 16 : index
      %swap3A_2148 = tpu.vector_load %arg11[%swap3A_2146, %swap3A_2147] {strides = array<i32>} : memref<2x64xf32, #tpu.memory_space<vmem>>, vector<16xf32>,
      tpu.vector_store %arg11[%swap3A_2146, %swap3A_2147], %mul3A_2144 {strides = array<i32>} : memref<2x64xf32, #tpu.memory_space<vmem>>, vector<16xf32>,
      %sub3A_2149 = arith.subf %mul3A_2078, %convert_element_type3A_2124 : vector<16xf32>
      %sub3A_2150 = arith.subf %mul3A_2091, %convert_element_type3A_2126 : vector<16xf32>
      %mul3A_2151 = arith.mulf %sub3A_2149, %sub3A_2150 : vector<16xf32>
      %swap3A_2152 = arith.constant 0 : i32
      %swap3A_2153 = arith.index_cast %swap3A_2152 : i32 to index
      %swap3A_2154 = arith.constant 16 : index
      %swap3A_2155 = tpu.vector_load %arg12[%swap3A_2153, %swap3A_2154] {strides = array<i32>} : memref<2x64xf32, #tpu.memory_space<vmem>>, vector<16xf32>,
      tpu.vector_store %arg12[%swap3A_2153, %swap3A_2154], %mul3A_2151 {strides = array<i32>} : memref<2x64xf32, #tpu.memory_space<vmem>>, vector<16xf32>,
      %mul3A_2156 = arith.constant 224 : i32
      %mul3A_2157 = vector.broadcast %mul3A_2156 : i32 to vector<16xi32>
      %mul3A_2158 = arith.muli %min3A_2114, %mul3A_2157 : vector<16xi32>
      %add3A_2159 = vector.broadcast %mul3A_20 : i32 to vector<16xi32>
      %add3A_2160 = arith.addi %add3A_2159, %mul3A_2158 : vector<16xi32>
      %mul3A_2161 = arith.constant 224 : i32
      %mul3A_2162 = vector.broadcast %mul3A_2161 : i32 to vector<16xi32>
      %mul3A_2163 = arith.muli %min3A_2123, %mul3A_2162 : vector<16xi32>
      %add3A_2164 = vector.broadcast %mul3A_20 : i32 to vector<16xi32>
      %add3A_2165 = arith.addi %add3A_2164, %mul3A_2163 : vector<16xi32>
      %add3A_2166 = arith.addi %add3A_2160, %min3A_2099 : vector<16xi32>
      %add3A_2167 = arith.addi %add3A_2165, %min3A_2099 : vector<16xi32>
      %add3A_2168 = arith.addi %add3A_2160, %min3A_2108 : vector<16xi32>
      %add3A_2169 = arith.addi %add3A_2165, %min3A_2108 : vector<16xi32>
      %swap3A_2170 = arith.constant 0 : i32
      %swap3A_2171 = arith.index_cast %swap3A_2170 : i32 to index
      %swap3A_2172 = arith.constant 16 : index
      %swap3A_2173 = tpu.vector_load %arg8[%swap3A_2171, %swap3A_2172] {strides = array<i32>} : memref<2x64xi32, #tpu.memory_space<vmem>>, vector<16xi32>,
      tpu.vector_store %arg8[%swap3A_2171, %swap3A_2172], %add3A_2169 {strides = array<i32>} : memref<2x64xi32, #tpu.memory_space<vmem>>, vector<16xi32>,
      %add3A_2174 = arith.constant 15 : i32
      %add3A_2175 = vector.broadcast %add3A_2174 : i32 to vector<16xi32>
      %add3A_2176 = arith.addi %iota3A, %add3A_2175 : vector<16xi32>
      %max3A_2177 = arith.constant 0 : i32
      %max3A_2178 = vector.broadcast %max3A_2177 : i32 to vector<16xi32>
      %max3A_2179 = arith.maxsi %add3A_2176, %max3A_2178 : vector<16xi32>
      %gather3A_2180 = arith.constant 0 : i32
      %gather3A_2181 = arith.constant 0 : i32
      %gather3A_2182 = tpu.memref_slice %arg8[%gather3A_2180, %gather3A_2181] : memref<2x64xi32, #tpu.memory_space<vmem>> -> memref<1x64xi32, #tpu.memory_space<vmem>>
      %gather3A_2183 = tpu.memref_squeeze %gather3A_2182 : memref<1x64xi32, #tpu.memory_space<vmem>> -> memref<64xi32, #tpu.memory_space<vmem>>
      %gather3A_2184 = tpu.vector_load_idx %gather3A_2183[%max3A_2179] : memref<64xi32, #tpu.memory_space<vmem>>[vector<16xi32>], vector<16xi32>,
      %ne3A_2185 = arith.cmpi ne, %min3A_2108, %min3A_2099 : vector<16xi32>
      %ne3A_2186 = arith.cmpi ne, %min3A_2123, %min3A_2114 : vector<16xi32>
      %and3A_2187 = arith.andi %ne3A_2185, %ne3A_2186 : vector<16xi1>
      %ne3A_2188 = arith.cmpi ne, %add3A_2166, %gather3A_2184 : vector<16xi32>
      %convert_element_type3A_2189 = arith.extui %ne3A_2188 : vector<16xi1> to vector<16xi32>
      %convert_element_type3A_2190 = arith.extui %ne3A_2185 : vector<16xi1> to vector<16xi32>
      %convert_element_type3A_2191 = arith.extui %ne3A_2186 : vector<16xi1> to vector<16xi32>
      %mul3A_2192 = arith.muli %convert_element_type3A_2190, %convert_element_type3A_2191 : vector<16xi32>
      %add3A_2193 = arith.addi %convert_element_type3A_2189, %convert_element_type3A_2190 : vector<16xi32>
      %add3A_2194 = arith.addi %add3A_2193, %convert_element_type3A_2191 : vector<16xi32>
      %add3A_2195 = arith.addi %add3A_2194, %mul3A_2192 : vector<16xi32>
      %broadcast_in_dim3A_2196 = arith.constant true
      %broadcast_in_dim3A_2197 = vector.broadcast %broadcast_in_dim3A_2196 : i1 to vector<16xi1>
      %masked_cumsum3A_2198 = tpu.scan <sum>, %add3A_2195 masked %broadcast_in_dim3A_2197 : vector<16xi32>, vector<16xi1> -> vector<16xi32>
      %add3A_2199 = vector.broadcast %add3A_2065 : i32 to vector<16xi32>
      %add3A_2200 = arith.addi %add3A_2199, %masked_cumsum3A_2198 : vector<16xi32>
      %sub3A_2201 = arith.subi %add3A_2200, %add3A_2195 : vector<16xi32>
      %add3A_2202 = arith.addi %sub3A_2201, %convert_element_type3A_2189 : vector<16xi32>
      %sub3A_2203 = arith.constant 1 : i32
      %sub3A_2204 = vector.broadcast %sub3A_2203 : i32 to vector<16xi32>
      %sub3A_2205 = arith.subi %add3A_2202, %sub3A_2204 : vector<16xi32>
      %add3A_2206 = arith.addi %sub3A_2205, %convert_element_type3A_2190 : vector<16xi32>
      %add3A_2207 = arith.addi %add3A_2206, %convert_element_type3A_2191 : vector<16xi32>
      %add3A_2208 = arith.addi %add3A_2207, %mul3A_2192 : vector<16xi32>
      %scatter3A_2209 = arith.constant 0 : i32
      %scatter3A_2210 = arith.constant 0 : i32
      %scatter3A_2211 = tpu.memref_slice %arg17[%scatter3A_2209, %scatter3A_2210] : memref<2x256xi32, #tpu.memory_space<vmem>> -> memref<1x256xi32, #tpu.memory_space<vmem>>
      %scatter3A_2212 = tpu.memref_squeeze %scatter3A_2211 : memref<1x256xi32, #tpu.memory_space<vmem>> -> memref<256xi32, #tpu.memory_space<vmem>>
      tpu.vector_store_idx %scatter3A_2212[%sub3A_2205], %add3A_2166 masked %ne3A_2188 : memref<256xi32, #tpu.memory_space<vmem>>[vector<16xi32>], vector<16xi32>, vector<16xi1>
      %scatter3A_2213 = arith.constant 0 : i32
      %scatter3A_2214 = arith.constant 0 : i32
      %scatter3A_2215 = tpu.memref_slice %arg17[%scatter3A_2213, %scatter3A_2214] : memref<2x256xi32, #tpu.memory_space<vmem>> -> memref<1x256xi32, #tpu.memory_space<vmem>>
      %scatter3A_2216 = tpu.memref_squeeze %scatter3A_2215 : memref<1x256xi32, #tpu.memory_space<vmem>> -> memref<256xi32, #tpu.memory_space<vmem>>
      tpu.vector_store_idx %scatter3A_2216[%add3A_2206], %add3A_2168 masked %ne3A_2185 : memref<256xi32, #tpu.memory_space<vmem>>[vector<16xi32>], vector<16xi32>, vector<16xi1>
      %scatter3A_2217 = arith.constant 0 : i32
      %scatter3A_2218 = arith.constant 0 : i32
      %scatter3A_2219 = tpu.memref_slice %arg17[%scatter3A_2217, %scatter3A_2218] : memref<2x256xi32, #tpu.memory_space<vmem>> -> memref<1x256xi32, #tpu.memory_space<vmem>>
      %scatter3A_2220 = tpu.memref_squeeze %scatter3A_2219 : memref<1x256xi32, #tpu.memory_space<vmem>> -> memref<256xi32, #tpu.memory_space<vmem>>
      tpu.vector_store_idx %scatter3A_2220[%add3A_2207], %add3A_2167 masked %ne3A_2186 : memref<256xi32, #tpu.memory_space<vmem>>[vector<16xi32>], vector<16xi32>, vector<16xi1>
      %scatter3A_2221 = arith.constant 0 : i32
      %scatter3A_2222 = arith.constant 0 : i32
      %scatter3A_2223 = tpu.memref_slice %arg17[%scatter3A_2221, %scatter3A_2222] : memref<2x256xi32, #tpu.memory_space<vmem>> -> memref<1x256xi32, #tpu.memory_space<vmem>>
      %scatter3A_2224 = tpu.memref_squeeze %scatter3A_2223 : memref<1x256xi32, #tpu.memory_space<vmem>> -> memref<256xi32, #tpu.memory_space<vmem>>
      tpu.vector_store_idx %scatter3A_2224[%add3A_2208], %add3A_2169 masked %and3A_2187 : memref<256xi32, #tpu.memory_space<vmem>>[vector<16xi32>], vector<16xi32>, vector<16xi1>
      %swap3A_2225 = arith.constant 0 : i32
      %swap3A_2226 = arith.index_cast %swap3A_2225 : i32 to index
      %swap3A_2227 = arith.constant 16 : index
      %swap3A_2228 = tpu.vector_load %arg13[%swap3A_2226, %swap3A_2227] {strides = array<i32>} : memref<2x64xi32, #tpu.memory_space<vmem>>, vector<16xi32>,
      tpu.vector_store %arg13[%swap3A_2226, %swap3A_2227], %sub3A_2205 {strides = array<i32>} : memref<2x64xi32, #tpu.memory_space<vmem>>, vector<16xi32>,
      %swap3A_2229 = arith.constant 0 : i32
      %swap3A_2230 = arith.index_cast %swap3A_2229 : i32 to index
      %swap3A_2231 = arith.constant 16 : index
      %swap3A_2232 = tpu.vector_load %arg15[%swap3A_2230, %swap3A_2231] {strides = array<i32>} : memref<2x64xi32, #tpu.memory_space<vmem>>, vector<16xi32>,
      tpu.vector_store %arg15[%swap3A_2230, %swap3A_2231], %add3A_2206 {strides = array<i32>} : memref<2x64xi32, #tpu.memory_space<vmem>>, vector<16xi32>,
      %select_n3A_2233 = arith.select %ne3A_2186, %add3A_2207, %sub3A_2205 : vector<16xi1>, vector<16xi32>
      %swap3A_2234 = arith.constant 0 : i32
      %swap3A_2235 = arith.index_cast %swap3A_2234 : i32 to index
      %swap3A_2236 = arith.constant 16 : index
      %swap3A_2237 = tpu.vector_load %arg14[%swap3A_2235, %swap3A_2236] {strides = array<i32>} : memref<2x64xi32, #tpu.memory_space<vmem>>, vector<16xi32>,
      tpu.vector_store %arg14[%swap3A_2235, %swap3A_2236], %select_n3A_2233 {strides = array<i32>} : memref<2x64xi32, #tpu.memory_space<vmem>>, vector<16xi32>,
      %select_n3A_2238 = arith.select %ne3A_2186, %add3A_2207, %add3A_2206 : vector<16xi1>, vector<16xi32>
      %select_n3A_2239 = arith.select %and3A_2187, %add3A_2208, %select_n3A_2238 : vector<16xi1>, vector<16xi32>
      %swap3A_2240 = arith.constant 0 : i32
      %swap3A_2241 = arith.index_cast %swap3A_2240 : i32 to index
      %swap3A_2242 = arith.constant 16 : index
      %swap3A_2243 = tpu.vector_load %arg16[%swap3A_2241, %swap3A_2242] {strides = array<i32>} : memref<2x64xi32, #tpu.memory_space<vmem>>, vector<16xi32>,
      tpu.vector_store %arg16[%swap3A_2241, %swap3A_2242], %select_n3A_2239 {strides = array<i32>} : memref<2x64xi32, #tpu.memory_space<vmem>>, vector<16xi32>,
      %reduce_max3A_2244 = arith.constant true
      %reduce_max3A_2245 = vector.broadcast %reduce_max3A_2244 : i1 to vector<16xi1>
      %reduce_max3A_2246 = arith.constant -2147483648 : i32
      %reduce_max3A_2247 = vector.broadcast %reduce_max3A_2246 : i32 to vector<16xi32>
      %reduce_max3A_2248 = arith.xori %masked_cumsum3A_2198, %reduce_max3A_2247 : vector<16xi32>
      %reduce_max3A_2249 = tpu.scan <max>, %reduce_max3A_2248 masked %reduce_max3A_2245 : vector<16xi32>, vector<16xi1> -> vector<16xi32>
      %reduce_max3A_2250 = arith.xori %reduce_max3A_2249, %reduce_max3A_2247 : vector<16xi32>
      %reduce_max3A_2251 = vector.extract %reduce_max3A_2250[15] : i32 from vector<16xi32>
      %add3A_2252 = arith.addi %add3A_2065, %reduce_max3A_2251 : i32
      %get3A_2253 = arith.constant 0 : i32
      %get3A_2254 = arith.index_cast %get3A_2253 : i32 to index
      %get3A_2255 = arith.constant 32 : index
      %get3A_2256 = tpu.vector_load %arg6[%get3A_2254, %get3A_2255] {strides = array<i32>} : memref<2x64xf32, #tpu.memory_space<vmem>>, vector<16xf32>,
      %add3A_2257 = arith.constant 1.000000e+00 : f32
      %add3A_2258 = vector.broadcast %add3A_2257 : f32 to vector<16xf32>
      %add3A_2259 = arith.addf %get3A_2256, %add3A_2258 : vector<16xf32>
      %mul3A_2260 = arith.constant 5.000000e-01 : f32
      %mul3A_2261 = vector.broadcast %mul3A_2260 : f32 to vector<16xf32>
      %mul3A_2262 = arith.mulf %mul3A_2261, %add3A_2259 : vector<16xf32>
      %mul3A_2263 = arith.constant 2.240000e+02 : f32
      %mul3A_2264 = vector.broadcast %mul3A_2263 : f32 to vector<16xf32>
      %mul3A_2265 = arith.mulf %mul3A_2262, %mul3A_2264 : vector<16xf32>
      %get3A_2266 = arith.constant 0 : i32
      %get3A_2267 = arith.index_cast %get3A_2266 : i32 to index
      %get3A_2268 = arith.constant 32 : index
      %get3A_2269 = tpu.vector_load %arg7[%get3A_2267, %get3A_2268] {strides = array<i32>} : memref<2x64xf32, #tpu.memory_space<vmem>>, vector<16xf32>,
      %add3A_2270 = arith.constant 1.000000e+00 : f32
      %add3A_2271 = vector.broadcast %add3A_2270 : f32 to vector<16xf32>
      %add3A_2272 = arith.addf %get3A_2269, %add3A_2271 : vector<16xf32>
      %mul3A_2273 = arith.constant 5.000000e-01 : f32
      %mul3A_2274 = vector.broadcast %mul3A_2273 : f32 to vector<16xf32>
      %mul3A_2275 = arith.mulf %mul3A_2274, %add3A_2272 : vector<16xf32>
      %mul3A_2276 = arith.constant 2.240000e+02 : f32
      %mul3A_2277 = vector.broadcast %mul3A_2276 : f32 to vector<16xf32>
      %mul3A_2278 = arith.mulf %mul3A_2275, %mul3A_2277 : vector<16xf32>
      %convert_element_type3A_2279 = arith.fptosi %mul3A_2265 : vector<16xf32> to vector<16xi32>
      %convert_element_type3A_2280 = arith.fptosi %mul3A_2278 : vector<16xf32> to vector<16xi32>
      %jit3A_2281 = arith.constant 0 : i32
      %jit3A_2282 = arith.constant 223 : i32
      %max3A_2283 = vector.broadcast %jit3A_2281 : i32 to vector<16xi32>
      %max3A_2284 = arith.maxsi %max3A_2283, %convert_element_type3A_2279 : vector<16xi32>
      %min3A_2285 = vector.broadcast %jit3A_2282 : i32 to vector<16xi32>
      %min3A_2286 = arith.minsi %min3A_2285, %max3A_2284 : vector<16xi32>
      %add3A_2287 = arith.constant 1 : i32
      %add3A_2288 = vector.broadcast %add3A_2287 : i32 to vector<16xi32>
      %add3A_2289 = arith.addi %convert_element_type3A_2279, %add3A_2288 : vector<16xi32>
      %jit3A_2290 = arith.constant 0 : i32
      %jit3A_2291 = arith.constant 223 : i32
      %max3A_2292 = vector.broadcast %jit3A_2290 : i32 to vector<16xi32>
      %max3A_2293 = arith.maxsi %max3A_2292, %add3A_2289 : vector<16xi32>
      %min3A_2294 = vector.broadcast %jit3A_2291 : i32 to vector<16xi32>
      %min3A_2295 = arith.minsi %min3A_2294, %max3A_2293 : vector<16xi32>
      %jit3A_2296 = arith.constant 0 : i32
      %jit3A_2297 = arith.constant 223 : i32
      %max3A_2298 = vector.broadcast %jit3A_2296 : i32 to vector<16xi32>
      %max3A_2299 = arith.maxsi %max3A_2298, %convert_element_type3A_2280 : vector<16xi32>
      %min3A_2300 = vector.broadcast %jit3A_2297 : i32 to vector<16xi32>
      %min3A_2301 = arith.minsi %min3A_2300, %max3A_2299 : vector<16xi32>
      %add3A_2302 = arith.constant 1 : i32
      %add3A_2303 = vector.broadcast %add3A_2302 : i32 to vector<16xi32>
      %add3A_2304 = arith.addi %convert_element_type3A_2280, %add3A_2303 : vector<16xi32>
      %jit3A_2305 = arith.constant 0 : i32
      %jit3A_2306 = arith.constant 223 : i32
      %max3A_2307 = vector.broadcast %jit3A_2305 : i32 to vector<16xi32>
      %max3A_2308 = arith.maxsi %max3A_2307, %add3A_2304 : vector<16xi32>
      %min3A_2309 = vector.broadcast %jit3A_2306 : i32 to vector<16xi32>
      %min3A_2310 = arith.minsi %min3A_2309, %max3A_2308 : vector<16xi32>
      %convert_element_type3A_2311 = arith.sitofp %min3A_2286 : vector<16xi32> to vector<16xf32>
      %convert_element_type3A_2312 = arith.sitofp %min3A_2295 : vector<16xi32> to vector<16xf32>
      %convert_element_type3A_2313 = arith.sitofp %min3A_2301 : vector<16xi32> to vector<16xf32>
      %convert_element_type3A_2314 = arith.sitofp %min3A_2310 : vector<16xi32> to vector<16xf32>
      %sub3A_2315 = arith.subf %convert_element_type3A_2312, %mul3A_2265 : vector<16xf32>
      %sub3A_2316 = arith.subf %convert_element_type3A_2314, %mul3A_2278 : vector<16xf32>
      %mul3A_2317 = arith.mulf %sub3A_2315, %sub3A_2316 : vector<16xf32>
      %swap3A_2318 = arith.constant 0 : i32
      %swap3A_2319 = arith.index_cast %swap3A_2318 : i32 to index
      %swap3A_2320 = arith.constant 32 : index
      %swap3A_2321 = tpu.vector_load %arg9[%swap3A_2319, %swap3A_2320] {strides = array<i32>} : memref<2x64xf32, #tpu.memory_space<vmem>>, vector<16xf32>,
      tpu.vector_store %arg9[%swap3A_2319, %swap3A_2320], %mul3A_2317 {strides = array<i32>} : memref<2x64xf32, #tpu.memory_space<vmem>>, vector<16xf32>,
      %sub3A_2322 = arith.subf %convert_element_type3A_2312, %mul3A_2265 : vector<16xf32>
      %sub3A_2323 = arith.subf %mul3A_2278, %convert_element_type3A_2313 : vector<16xf32>
      %mul3A_2324 = arith.mulf %sub3A_2322, %sub3A_2323 : vector<16xf32>
      %swap3A_2325 = arith.constant 0 : i32
      %swap3A_2326 = arith.index_cast %swap3A_2325 : i32 to index
      %swap3A_2327 = arith.constant 32 : index
      %swap3A_2328 = tpu.vector_load %arg10[%swap3A_2326, %swap3A_2327] {strides = array<i32>} : memref<2x64xf32, #tpu.memory_space<vmem>>, vector<16xf32>,
      tpu.vector_store %arg10[%swap3A_2326, %swap3A_2327], %mul3A_2324 {strides = array<i32>} : memref<2x64xf32, #tpu.memory_space<vmem>>, vector<16xf32>,
      %sub3A_2329 = arith.subf %mul3A_2265, %convert_element_type3A_2311 : vector<16xf32>
      %sub3A_2330 = arith.subf %convert_element_type3A_2314, %mul3A_2278 : vector<16xf32>
      %mul3A_2331 = arith.mulf %sub3A_2329, %sub3A_2330 : vector<16xf32>
      %swap3A_2332 = arith.constant 0 : i32
      %swap3A_2333 = arith.index_cast %swap3A_2332 : i32 to index
      %swap3A_2334 = arith.constant 32 : index
      %swap3A_2335 = tpu.vector_load %arg11[%swap3A_2333, %swap3A_2334] {strides = array<i32>} : memref<2x64xf32, #tpu.memory_space<vmem>>, vector<16xf32>,
      tpu.vector_store %arg11[%swap3A_2333, %swap3A_2334], %mul3A_2331 {strides = array<i32>} : memref<2x64xf32, #tpu.memory_space<vmem>>, vector<16xf32>,
      %sub3A_2336 = arith.subf %mul3A_2265, %convert_element_type3A_2311 : vector<16xf32>
      %sub3A_2337 = arith.subf %mul3A_2278, %convert_element_type3A_2313 : vector<16xf32>
      %mul3A_2338 = arith.mulf %sub3A_2336, %sub3A_2337 : vector<16xf32>
      %swap3A_2339 = arith.constant 0 : i32
      %swap3A_2340 = arith.index_cast %swap3A_2339 : i32 to index
      %swap3A_2341 = arith.constant 32 : index
      %swap3A_2342 = tpu.vector_load %arg12[%swap3A_2340, %swap3A_2341] {strides = array<i32>} : memref<2x64xf32, #tpu.memory_space<vmem>>, vector<16xf32>,
      tpu.vector_store %arg12[%swap3A_2340, %swap3A_2341], %mul3A_2338 {strides = array<i32>} : memref<2x64xf32, #tpu.memory_space<vmem>>, vector<16xf32>,
      %mul3A_2343 = arith.constant 224 : i32
      %mul3A_2344 = vector.broadcast %mul3A_2343 : i32 to vector<16xi32>
      %mul3A_2345 = arith.muli %min3A_2301, %mul3A_2344 : vector<16xi32>
      %add3A_2346 = vector.broadcast %mul3A_20 : i32 to vector<16xi32>
      %add3A_2347 = arith.addi %add3A_2346, %mul3A_2345 : vector<16xi32>
      %mul3A_2348 = arith.constant 224 : i32
      %mul3A_2349 = vector.broadcast %mul3A_2348 : i32 to vector<16xi32>
      %mul3A_2350 = arith.muli %min3A_2310, %mul3A_2349 : vector<16xi32>
      %add3A_2351 = vector.broadcast %mul3A_20 : i32 to vector<16xi32>
      %add3A_2352 = arith.addi %add3A_2351, %mul3A_2350 : vector<16xi32>
      %add3A_2353 = arith.addi %add3A_2347, %min3A_2286 : vector<16xi32>
      %add3A_2354 = arith.addi %add3A_2352, %min3A_2286 : vector<16xi32>
      %add3A_2355 = arith.addi %add3A_2347, %min3A_2295 : vector<16xi32>
      %add3A_2356 = arith.addi %add3A_2352, %min3A_2295 : vector<16xi32>
      %swap3A_2357 = arith.constant 0 : i32
      %swap3A_2358 = arith.index_cast %swap3A_2357 : i32 to index
      %swap3A_2359 = arith.constant 32 : index
      %swap3A_2360 = tpu.vector_load %arg8[%swap3A_2358, %swap3A_2359] {strides = array<i32>} : memref<2x64xi32, #tpu.memory_space<vmem>>, vector<16xi32>,
      tpu.vector_store %arg8[%swap3A_2358, %swap3A_2359], %add3A_2356 {strides = array<i32>} : memref<2x64xi32, #tpu.memory_space<vmem>>, vector<16xi32>,
      %add3A_2361 = arith.constant 31 : i32
      %add3A_2362 = vector.broadcast %add3A_2361 : i32 to vector<16xi32>
      %add3A_2363 = arith.addi %iota3A, %add3A_2362 : vector<16xi32>
      %max3A_2364 = arith.constant 0 : i32
      %max3A_2365 = vector.broadcast %max3A_2364 : i32 to vector<16xi32>
      %max3A_2366 = arith.maxsi %add3A_2363, %max3A_2365 : vector<16xi32>
      %gather3A_2367 = arith.constant 0 : i32
      %gather3A_2368 = arith.constant 0 : i32
      %gather3A_2369 = tpu.memref_slice %arg8[%gather3A_2367, %gather3A_2368] : memref<2x64xi32, #tpu.memory_space<vmem>> -> memref<1x64xi32, #tpu.memory_space<vmem>>
      %gather3A_2370 = tpu.memref_squeeze %gather3A_2369 : memref<1x64xi32, #tpu.memory_space<vmem>> -> memref<64xi32, #tpu.memory_space<vmem>>
      %gather3A_2371 = tpu.vector_load_idx %gather3A_2370[%max3A_2366] : memref<64xi32, #tpu.memory_space<vmem>>[vector<16xi32>], vector<16xi32>,
      %ne3A_2372 = arith.cmpi ne, %min3A_2295, %min3A_2286 : vector<16xi32>
      %ne3A_2373 = arith.cmpi ne, %min3A_2310, %min3A_2301 : vector<16xi32>
      %and3A_2374 = arith.andi %ne3A_2372, %ne3A_2373 : vector<16xi1>
      %ne3A_2375 = arith.cmpi ne, %add3A_2353, %gather3A_2371 : vector<16xi32>
      %convert_element_type3A_2376 = arith.extui %ne3A_2375 : vector<16xi1> to vector<16xi32>
      %convert_element_type3A_2377 = arith.extui %ne3A_2372 : vector<16xi1> to vector<16xi32>
      %convert_element_type3A_2378 = arith.extui %ne3A_2373 : vector<16xi1> to vector<16xi32>
      %mul3A_2379 = arith.muli %convert_element_type3A_2377, %convert_element_type3A_2378 : vector<16xi32>
      %add3A_2380 = arith.addi %convert_element_type3A_2376, %convert_element_type3A_2377 : vector<16xi32>
      %add3A_2381 = arith.addi %add3A_2380, %convert_element_type3A_2378 : vector<16xi32>
      %add3A_2382 = arith.addi %add3A_2381, %mul3A_2379 : vector<16xi32>
      %broadcast_in_dim3A_2383 = arith.constant true
      %broadcast_in_dim3A_2384 = vector.broadcast %broadcast_in_dim3A_2383 : i1 to vector<16xi1>
      %masked_cumsum3A_2385 = tpu.scan <sum>, %add3A_2382 masked %broadcast_in_dim3A_2384 : vector<16xi32>, vector<16xi1> -> vector<16xi32>
      %add3A_2386 = vector.broadcast %add3A_2252 : i32 to vector<16xi32>
      %add3A_2387 = arith.addi %add3A_2386, %masked_cumsum3A_2385 : vector<16xi32>
      %sub3A_2388 = arith.subi %add3A_2387, %add3A_2382 : vector<16xi32>
      %add3A_2389 = arith.addi %sub3A_2388, %convert_element_type3A_2376 : vector<16xi32>
      %sub3A_2390 = arith.constant 1 : i32
      %sub3A_2391 = vector.broadcast %sub3A_2390 : i32 to vector<16xi32>
      %sub3A_2392 = arith.subi %add3A_2389, %sub3A_2391 : vector<16xi32>
      %add3A_2393 = arith.addi %sub3A_2392, %convert_element_type3A_2377 : vector<16xi32>
      %add3A_2394 = arith.addi %add3A_2393, %convert_element_type3A_2378 : vector<16xi32>
      %add3A_2395 = arith.addi %add3A_2394, %mul3A_2379 : vector<16xi32>
      %scatter3A_2396 = arith.constant 0 : i32
      %scatter3A_2397 = arith.constant 0 : i32
      %scatter3A_2398 = tpu.memref_slice %arg17[%scatter3A_2396, %scatter3A_2397] : memref<2x256xi32, #tpu.memory_space<vmem>> -> memref<1x256xi32, #tpu.memory_space<vmem>>
      %scatter3A_2399 = tpu.memref_squeeze %scatter3A_2398 : memref<1x256xi32, #tpu.memory_space<vmem>> -> memref<256xi32, #tpu.memory_space<vmem>>
      tpu.vector_store_idx %scatter3A_2399[%sub3A_2392], %add3A_2353 masked %ne3A_2375 : memref<256xi32, #tpu.memory_space<vmem>>[vector<16xi32>], vector<16xi32>, vector<16xi1>
      %scatter3A_2400 = arith.constant 0 : i32
      %scatter3A_2401 = arith.constant 0 : i32
      %scatter3A_2402 = tpu.memref_slice %arg17[%scatter3A_2400, %scatter3A_2401] : memref<2x256xi32, #tpu.memory_space<vmem>> -> memref<1x256xi32, #tpu.memory_space<vmem>>
      %scatter3A_2403 = tpu.memref_squeeze %scatter3A_2402 : memref<1x256xi32, #tpu.memory_space<vmem>> -> memref<256xi32, #tpu.memory_space<vmem>>
      tpu.vector_store_idx %scatter3A_2403[%add3A_2393], %add3A_2355 masked %ne3A_2372 : memref<256xi32, #tpu.memory_space<vmem>>[vector<16xi32>], vector<16xi32>, vector<16xi1>
      %scatter3A_2404 = arith.constant 0 : i32
      %scatter3A_2405 = arith.constant 0 : i32
      %scatter3A_2406 = tpu.memref_slice %arg17[%scatter3A_2404, %scatter3A_2405] : memref<2x256xi32, #tpu.memory_space<vmem>> -> memref<1x256xi32, #tpu.memory_space<vmem>>
      %scatter3A_2407 = tpu.memref_squeeze %scatter3A_2406 : memref<1x256xi32, #tpu.memory_space<vmem>> -> memref<256xi32, #tpu.memory_space<vmem>>
      tpu.vector_store_idx %scatter3A_2407[%add3A_2394], %add3A_2354 masked %ne3A_2373 : memref<256xi32, #tpu.memory_space<vmem>>[vector<16xi32>], vector<16xi32>, vector<16xi1>
      %scatter3A_2408 = arith.constant 0 : i32
      %scatter3A_2409 = arith.constant 0 : i32
      %scatter3A_2410 = tpu.memref_slice %arg17[%scatter3A_2408, %scatter3A_2409] : memref<2x256xi32, #tpu.memory_space<vmem>> -> memref<1x256xi32, #tpu.memory_space<vmem>>
      %scatter3A_2411 = tpu.memref_squeeze %scatter3A_2410 : memref<1x256xi32, #tpu.memory_space<vmem>> -> memref<256xi32, #tpu.memory_space<vmem>>
      tpu.vector_store_idx %scatter3A_2411[%add3A_2395], %add3A_2356 masked %and3A_2374 : memref<256xi32, #tpu.memory_space<vmem>>[vector<16xi32>], vector<16xi32>, vector<16xi1>
      %swap3A_2412 = arith.constant 0 : i32
      %swap3A_2413 = arith.index_cast %swap3A_2412 : i32 to index
      %swap3A_2414 = arith.constant 32 : index
      %swap3A_2415 = tpu.vector_load %arg13[%swap3A_2413, %swap3A_2414] {strides = array<i32>} : memref<2x64xi32, #tpu.memory_space<vmem>>, vector<16xi32>,
      tpu.vector_store %arg13[%swap3A_2413, %swap3A_2414], %sub3A_2392 {strides = array<i32>} : memref<2x64xi32, #tpu.memory_space<vmem>>, vector<16xi32>,
      %swap3A_2416 = arith.constant 0 : i32
      %swap3A_2417 = arith.index_cast %swap3A_2416 : i32 to index
      %swap3A_2418 = arith.constant 32 : index
      %swap3A_2419 = tpu.vector_load %arg15[%swap3A_2417, %swap3A_2418] {strides = array<i32>} : memref<2x64xi32, #tpu.memory_space<vmem>>, vector<16xi32>,
      tpu.vector_store %arg15[%swap3A_2417, %swap3A_2418], %add3A_2393 {strides = array<i32>} : memref<2x64xi32, #tpu.memory_space<vmem>>, vector<16xi32>,
      %select_n3A_2420 = arith.select %ne3A_2373, %add3A_2394, %sub3A_2392 : vector<16xi1>, vector<16xi32>
      %swap3A_2421 = arith.constant 0 : i32
      %swap3A_2422 = arith.index_cast %swap3A_2421 : i32 to index
      %swap3A_2423 = arith.constant 32 : index
      %swap3A_2424 = tpu.vector_load %arg14[%swap3A_2422, %swap3A_2423] {strides = array<i32>} : memref<2x64xi32, #tpu.memory_space<vmem>>, vector<16xi32>,
      tpu.vector_store %arg14[%swap3A_2422, %swap3A_2423], %select_n3A_2420 {strides = array<i32>} : memref<2x64xi32, #tpu.memory_space<vmem>>, vector<16xi32>,
      %select_n3A_2425 = arith.select %ne3A_2373, %add3A_2394, %add3A_2393 : vector<16xi1>, vector<16xi32>
      %select_n3A_2426 = arith.select %and3A_2374, %add3A_2395, %select_n3A_2425 : vector<16xi1>, vector<16xi32>
      %swap3A_2427 = arith.constant 0 : i32
      %swap3A_2428 = arith.index_cast %swap3A_2427 : i32 to index
      %swap3A_2429 = arith.constant 32 : index
      %swap3A_2430 = tpu.vector_load %arg16[%swap3A_2428, %swap3A_2429] {strides = array<i32>} : memref<2x64xi32, #tpu.memory_space<vmem>>, vector<16xi32>,
      tpu.vector_store %arg16[%swap3A_2428, %swap3A_2429], %select_n3A_2426 {strides = array<i32>} : memref<2x64xi32, #tpu.memory_space<vmem>>, vector<16xi32>,
      %reduce_max3A_2431 = arith.constant true
      %reduce_max3A_2432 = vector.broadcast %reduce_max3A_2431 : i1 to vector<16xi1>
      %reduce_max3A_2433 = arith.constant -2147483648 : i32
      %reduce_max3A_2434 = vector.broadcast %reduce_max3A_2433 : i32 to vector<16xi32>
      %reduce_max3A_2435 = arith.xori %masked_cumsum3A_2385, %reduce_max3A_2434 : vector<16xi32>
      %reduce_max3A_2436 = tpu.scan <max>, %reduce_max3A_2435 masked %reduce_max3A_2432 : vector<16xi32>, vector<16xi1> -> vector<16xi32>
      %reduce_max3A_2437 = arith.xori %reduce_max3A_2436, %reduce_max3A_2434 : vector<16xi32>
      %reduce_max3A_2438 = vector.extract %reduce_max3A_2437[15] : i32 from vector<16xi32>
      %add3A_2439 = arith.addi %add3A_2252, %reduce_max3A_2438 : i32
      %get3A_2440 = arith.constant 0 : i32
      %get3A_2441 = arith.index_cast %get3A_2440 : i32 to index
      %get3A_2442 = arith.constant 48 : index
      %get3A_2443 = tpu.vector_load %arg6[%get3A_2441, %get3A_2442] {strides = array<i32>} : memref<2x64xf32, #tpu.memory_space<vmem>>, vector<16xf32>,
      %add3A_2444 = arith.constant 1.000000e+00 : f32
      %add3A_2445 = vector.broadcast %add3A_2444 : f32 to vector<16xf32>
      %add3A_2446 = arith.addf %get3A_2443, %add3A_2445 : vector<16xf32>
      %mul3A_2447 = arith.constant 5.000000e-01 : f32
      %mul3A_2448 = vector.broadcast %mul3A_2447 : f32 to vector<16xf32>
      %mul3A_2449 = arith.mulf %mul3A_2448, %add3A_2446 : vector<16xf32>
      %mul3A_2450 = arith.constant 2.240000e+02 : f32
      %mul3A_2451 = vector.broadcast %mul3A_2450 : f32 to vector<16xf32>
      %mul3A_2452 = arith.mulf %mul3A_2449, %mul3A_2451 : vector<16xf32>
      %get3A_2453 = arith.constant 0 : i32
      %get3A_2454 = arith.index_cast %get3A_2453 : i32 to index
      %get3A_2455 = arith.constant 48 : index
      %get3A_2456 = tpu.vector_load %arg7[%get3A_2454, %get3A_2455] {strides = array<i32>} : memref<2x64xf32, #tpu.memory_space<vmem>>, vector<16xf32>,
      %add3A_2457 = arith.constant 1.000000e+00 : f32
      %add3A_2458 = vector.broadcast %add3A_2457 : f32 to vector<16xf32>
      %add3A_2459 = arith.addf %get3A_2456, %add3A_2458 : vector<16xf32>
      %mul3A_2460 = arith.constant 5.000000e-01 : f32
      %mul3A_2461 = vector.broadcast %mul3A_2460 : f32 to vector<16xf32>
      %mul3A_2462 = arith.mulf %mul3A_2461, %add3A_2459 : vector<16xf32>
      %mul3A_2463 = arith.constant 2.240000e+02 : f32
      %mul3A_2464 = vector.broadcast %mul3A_2463 : f32 to vector<16xf32>
      %mul3A_2465 = arith.mulf %mul3A_2462, %mul3A_2464 : vector<16xf32>
      %convert_element_type3A_2466 = arith.fptosi %mul3A_2452 : vector<16xf32> to vector<16xi32>
      %convert_element_type3A_2467 = arith.fptosi %mul3A_2465 : vector<16xf32> to vector<16xi32>
      %jit3A_2468 = arith.constant 0 : i32
      %jit3A_2469 = arith.constant 223 : i32
      %max3A_2470 = vector.broadcast %jit3A_2468 : i32 to vector<16xi32>
      %max3A_2471 = arith.maxsi %max3A_2470, %convert_element_type3A_2466 : vector<16xi32>
      %min3A_2472 = vector.broadcast %jit3A_2469 : i32 to vector<16xi32>
      %min3A_2473 = arith.minsi %min3A_2472, %max3A_2471 : vector<16xi32>
      %add3A_2474 = arith.constant 1 : i32
      %add3A_2475 = vector.broadcast %add3A_2474 : i32 to vector<16xi32>
      %add3A_2476 = arith.addi %convert_element_type3A_2466, %add3A_2475 : vector<16xi32>
      %jit3A_2477 = arith.constant 0 : i32
      %jit3A_2478 = arith.constant 223 : i32
      %max3A_2479 = vector.broadcast %jit3A_2477 : i32 to vector<16xi32>
      %max3A_2480 = arith.maxsi %max3A_2479, %add3A_2476 : vector<16xi32>
      %min3A_2481 = vector.broadcast %jit3A_2478 : i32 to vector<16xi32>
      %min3A_2482 = arith.minsi %min3A_2481, %max3A_2480 : vector<16xi32>
      %jit3A_2483 = arith.constant 0 : i32
      %jit3A_2484 = arith.constant 223 : i32
      %max3A_2485 = vector.broadcast %jit3A_2483 : i32 to vector<16xi32>
      %max3A_2486 = arith.maxsi %max3A_2485, %convert_element_type3A_2467 : vector<16xi32>
      %min3A_2487 = vector.broadcast %jit3A_2484 : i32 to vector<16xi32>
      %min3A_2488 = arith.minsi %min3A_2487, %max3A_2486 : vector<16xi32>
      %add3A_2489 = arith.constant 1 : i32
      %add3A_2490 = vector.broadcast %add3A_2489 : i32 to vector<16xi32>
      %add3A_2491 = arith.addi %convert_element_type3A_2467, %add3A_2490 : vector<16xi32>
      %jit3A_2492 = arith.constant 0 : i32
      %jit3A_2493 = arith.constant 223 : i32
      %max3A_2494 = vector.broadcast %jit3A_2492 : i32 to vector<16xi32>
      %max3A_2495 = arith.maxsi %max3A_2494, %add3A_2491 : vector<16xi32>
      %min3A_2496 = vector.broadcast %jit3A_2493 : i32 to vector<16xi32>
      %min3A_2497 = arith.minsi %min3A_2496, %max3A_2495 : vector<16xi32>
      %convert_element_type3A_2498 = arith.sitofp %min3A_2473 : vector<16xi32> to vector<16xf32>
      %convert_element_type3A_2499 = arith.sitofp %min3A_2482 : vector<16xi32> to vector<16xf32>
      %convert_element_type3A_2500 = arith.sitofp %min3A_2488 : vector<16xi32> to vector<16xf32>
      %convert_element_type3A_2501 = arith.sitofp %min3A_2497 : vector<16xi32> to vector<16xf32>
      %sub3A_2502 = arith.subf %convert_element_type3A_2499, %mul3A_2452 : vector<16xf32>
      %sub3A_2503 = arith.subf %convert_element_type3A_2501, %mul3A_2465 : vector<16xf32>
      %mul3A_2504 = arith.mulf %sub3A_2502, %sub3A_2503 : vector<16xf32>
      %swap3A_2505 = arith.constant 0 : i32
      %swap3A_2506 = arith.index_cast %swap3A_2505 : i32 to index
      %swap3A_2507 = arith.constant 48 : index
      %swap3A_2508 = tpu.vector_load %arg9[%swap3A_2506, %swap3A_2507] {strides = array<i32>} : memref<2x64xf32, #tpu.memory_space<vmem>>, vector<16xf32>,
      tpu.vector_store %arg9[%swap3A_2506, %swap3A_2507], %mul3A_2504 {strides = array<i32>} : memref<2x64xf32, #tpu.memory_space<vmem>>, vector<16xf32>,
      %sub3A_2509 = arith.subf %convert_element_type3A_2499, %mul3A_2452 : vector<16xf32>
      %sub3A_2510 = arith.subf %mul3A_2465, %convert_element_type3A_2500 : vector<16xf32>
      %mul3A_2511 = arith.mulf %sub3A_2509, %sub3A_2510 : vector<16xf32>
      %swap3A_2512 = arith.constant 0 : i32
      %swap3A_2513 = arith.index_cast %swap3A_2512 : i32 to index
      %swap3A_2514 = arith.constant 48 : index
      %swap3A_2515 = tpu.vector_load %arg10[%swap3A_2513, %swap3A_2514] {strides = array<i32>} : memref<2x64xf32, #tpu.memory_space<vmem>>, vector<16xf32>,
      tpu.vector_store %arg10[%swap3A_2513, %swap3A_2514], %mul3A_2511 {strides = array<i32>} : memref<2x64xf32, #tpu.memory_space<vmem>>, vector<16xf32>,
      %sub3A_2516 = arith.subf %mul3A_2452, %convert_element_type3A_2498 : vector<16xf32>
      %sub3A_2517 = arith.subf %convert_element_type3A_2501, %mul3A_2465 : vector<16xf32>
      %mul3A_2518 = arith.mulf %sub3A_2516, %sub3A_2517 : vector<16xf32>
      %swap3A_2519 = arith.constant 0 : i32
      %swap3A_2520 = arith.index_cast %swap3A_2519 : i32 to index
      %swap3A_2521 = arith.constant 48 : index
      %swap3A_2522 = tpu.vector_load %arg11[%swap3A_2520, %swap3A_2521] {strides = array<i32>} : memref<2x64xf32, #tpu.memory_space<vmem>>, vector<16xf32>,
      tpu.vector_store %arg11[%swap3A_2520, %swap3A_2521], %mul3A_2518 {strides = array<i32>} : memref<2x64xf32, #tpu.memory_space<vmem>>, vector<16xf32>,
      %sub3A_2523 = arith.subf %mul3A_2452, %convert_element_type3A_2498 : vector<16xf32>
      %sub3A_2524 = arith.subf %mul3A_2465, %convert_element_type3A_2500 : vector<16xf32>
      %mul3A_2525 = arith.mulf %sub3A_2523, %sub3A_2524 : vector<16xf32>
      %swap3A_2526 = arith.constant 0 : i32
      %swap3A_2527 = arith.index_cast %swap3A_2526 : i32 to index
      %swap3A_2528 = arith.constant 48 : index
      %swap3A_2529 = tpu.vector_load %arg12[%swap3A_2527, %swap3A_2528] {strides = array<i32>} : memref<2x64xf32, #tpu.memory_space<vmem>>, vector<16xf32>,
      tpu.vector_store %arg12[%swap3A_2527, %swap3A_2528], %mul3A_2525 {strides = array<i32>} : memref<2x64xf32, #tpu.memory_space<vmem>>, vector<16xf32>,
      %mul3A_2530 = arith.constant 224 : i32
      %mul3A_2531 = vector.broadcast %mul3A_2530 : i32 to vector<16xi32>
      %mul3A_2532 = arith.muli %min3A_2488, %mul3A_2531 : vector<16xi32>
      %add3A_2533 = vector.broadcast %mul3A_20 : i32 to vector<16xi32>
      %add3A_2534 = arith.addi %add3A_2533, %mul3A_2532 : vector<16xi32>
      %mul3A_2535 = arith.constant 224 : i32
      %mul3A_2536 = vector.broadcast %mul3A_2535 : i32 to vector<16xi32>
      %mul3A_2537 = arith.muli %min3A_2497, %mul3A_2536 : vector<16xi32>
      %add3A_2538 = vector.broadcast %mul3A_20 : i32 to vector<16xi32>
      %add3A_2539 = arith.addi %add3A_2538, %mul3A_2537 : vector<16xi32>
      %add3A_2540 = arith.addi %add3A_2534, %min3A_2473 : vector<16xi32>
      %add3A_2541 = arith.addi %add3A_2539, %min3A_2473 : vector<16xi32>
      %add3A_2542 = arith.addi %add3A_2534, %min3A_2482 : vector<16xi32>
      %add3A_2543 = arith.addi %add3A_2539, %min3A_2482 : vector<16xi32>
      %swap3A_2544 = arith.constant 0 : i32
      %swap3A_2545 = arith.index_cast %swap3A_2544 : i32 to index
      %swap3A_2546 = arith.constant 48 : index
      %swap3A_2547 = tpu.vector_load %arg8[%swap3A_2545, %swap3A_2546] {strides = array<i32>} : memref<2x64xi32, #tpu.memory_space<vmem>>, vector<16xi32>,
      tpu.vector_store %arg8[%swap3A_2545, %swap3A_2546], %add3A_2543 {strides = array<i32>} : memref<2x64xi32, #tpu.memory_space<vmem>>, vector<16xi32>,
      %add3A_2548 = arith.constant 47 : i32
      %add3A_2549 = vector.broadcast %add3A_2548 : i32 to vector<16xi32>
      %add3A_2550 = arith.addi %iota3A, %add3A_2549 : vector<16xi32>
      %max3A_2551 = arith.constant 0 : i32
      %max3A_2552 = vector.broadcast %max3A_2551 : i32 to vector<16xi32>
      %max3A_2553 = arith.maxsi %add3A_2550, %max3A_2552 : vector<16xi32>
      %gather3A_2554 = arith.constant 0 : i32
      %gather3A_2555 = arith.constant 0 : i32
      %gather3A_2556 = tpu.memref_slice %arg8[%gather3A_2554, %gather3A_2555] : memref<2x64xi32, #tpu.memory_space<vmem>> -> memref<1x64xi32, #tpu.memory_space<vmem>>
      %gather3A_2557 = tpu.memref_squeeze %gather3A_2556 : memref<1x64xi32, #tpu.memory_space<vmem>> -> memref<64xi32, #tpu.memory_space<vmem>>
      %gather3A_2558 = tpu.vector_load_idx %gather3A_2557[%max3A_2553] : memref<64xi32, #tpu.memory_space<vmem>>[vector<16xi32>], vector<16xi32>,
      %ne3A_2559 = arith.cmpi ne, %min3A_2482, %min3A_2473 : vector<16xi32>
      %ne3A_2560 = arith.cmpi ne, %min3A_2497, %min3A_2488 : vector<16xi32>
      %and3A_2561 = arith.andi %ne3A_2559, %ne3A_2560 : vector<16xi1>
      %ne3A_2562 = arith.cmpi ne, %add3A_2540, %gather3A_2558 : vector<16xi32>
      %convert_element_type3A_2563 = arith.extui %ne3A_2562 : vector<16xi1> to vector<16xi32>
      %convert_element_type3A_2564 = arith.extui %ne3A_2559 : vector<16xi1> to vector<16xi32>
      %convert_element_type3A_2565 = arith.extui %ne3A_2560 : vector<16xi1> to vector<16xi32>
      %mul3A_2566 = arith.muli %convert_element_type3A_2564, %convert_element_type3A_2565 : vector<16xi32>
      %add3A_2567 = arith.addi %convert_element_type3A_2563, %convert_element_type3A_2564 : vector<16xi32>
      %add3A_2568 = arith.addi %add3A_2567, %convert_element_type3A_2565 : vector<16xi32>
      %add3A_2569 = arith.addi %add3A_2568, %mul3A_2566 : vector<16xi32>
      %broadcast_in_dim3A_2570 = arith.constant true
      %broadcast_in_dim3A_2571 = vector.broadcast %broadcast_in_dim3A_2570 : i1 to vector<16xi1>
      %masked_cumsum3A_2572 = tpu.scan <sum>, %add3A_2569 masked %broadcast_in_dim3A_2571 : vector<16xi32>, vector<16xi1> -> vector<16xi32>
      %add3A_2573 = vector.broadcast %add3A_2439 : i32 to vector<16xi32>
      %add3A_2574 = arith.addi %add3A_2573, %masked_cumsum3A_2572 : vector<16xi32>
      %sub3A_2575 = arith.subi %add3A_2574, %add3A_2569 : vector<16xi32>
      %add3A_2576 = arith.addi %sub3A_2575, %convert_element_type3A_2563 : vector<16xi32>
      %sub3A_2577 = arith.constant 1 : i32
      %sub3A_2578 = vector.broadcast %sub3A_2577 : i32 to vector<16xi32>
      %sub3A_2579 = arith.subi %add3A_2576, %sub3A_2578 : vector<16xi32>
      %add3A_2580 = arith.addi %sub3A_2579, %convert_element_type3A_2564 : vector<16xi32>
      %add3A_2581 = arith.addi %add3A_2580, %convert_element_type3A_2565 : vector<16xi32>
      %add3A_2582 = arith.addi %add3A_2581, %mul3A_2566 : vector<16xi32>
      %scatter3A_2583 = arith.constant 0 : i32
      %scatter3A_2584 = arith.constant 0 : i32
      %scatter3A_2585 = tpu.memref_slice %arg17[%scatter3A_2583, %scatter3A_2584] : memref<2x256xi32, #tpu.memory_space<vmem>> -> memref<1x256xi32, #tpu.memory_space<vmem>>
      %scatter3A_2586 = tpu.memref_squeeze %scatter3A_2585 : memref<1x256xi32, #tpu.memory_space<vmem>> -> memref<256xi32, #tpu.memory_space<vmem>>
      tpu.vector_store_idx %scatter3A_2586[%sub3A_2579], %add3A_2540 masked %ne3A_2562 : memref<256xi32, #tpu.memory_space<vmem>>[vector<16xi32>], vector<16xi32>, vector<16xi1>
      %scatter3A_2587 = arith.constant 0 : i32
      %scatter3A_2588 = arith.constant 0 : i32
      %scatter3A_2589 = tpu.memref_slice %arg17[%scatter3A_2587, %scatter3A_2588] : memref<2x256xi32, #tpu.memory_space<vmem>> -> memref<1x256xi32, #tpu.memory_space<vmem>>
      %scatter3A_2590 = tpu.memref_squeeze %scatter3A_2589 : memref<1x256xi32, #tpu.memory_space<vmem>> -> memref<256xi32, #tpu.memory_space<vmem>>
      tpu.vector_store_idx %scatter3A_2590[%add3A_2580], %add3A_2542 masked %ne3A_2559 : memref<256xi32, #tpu.memory_space<vmem>>[vector<16xi32>], vector<16xi32>, vector<16xi1>
      %scatter3A_2591 = arith.constant 0 : i32
      %scatter3A_2592 = arith.constant 0 : i32
      %scatter3A_2593 = tpu.memref_slice %arg17[%scatter3A_2591, %scatter3A_2592] : memref<2x256xi32, #tpu.memory_space<vmem>> -> memref<1x256xi32, #tpu.memory_space<vmem>>
      %scatter3A_2594 = tpu.memref_squeeze %scatter3A_2593 : memref<1x256xi32, #tpu.memory_space<vmem>> -> memref<256xi32, #tpu.memory_space<vmem>>
      tpu.vector_store_idx %scatter3A_2594[%add3A_2581], %add3A_2541 masked %ne3A_2560 : memref<256xi32, #tpu.memory_space<vmem>>[vector<16xi32>], vector<16xi32>, vector<16xi1>
      %scatter3A_2595 = arith.constant 0 : i32
      %scatter3A_2596 = arith.constant 0 : i32
      %scatter3A_2597 = tpu.memref_slice %arg17[%scatter3A_2595, %scatter3A_2596] : memref<2x256xi32, #tpu.memory_space<vmem>> -> memref<1x256xi32, #tpu.memory_space<vmem>>
      %scatter3A_2598 = tpu.memref_squeeze %scatter3A_2597 : memref<1x256xi32, #tpu.memory_space<vmem>> -> memref<256xi32, #tpu.memory_space<vmem>>
      tpu.vector_store_idx %scatter3A_2598[%add3A_2582], %add3A_2543 masked %and3A_2561 : memref<256xi32, #tpu.memory_space<vmem>>[vector<16xi32>], vector<16xi32>, vector<16xi1>
      %swap3A_2599 = arith.constant 0 : i32
      %swap3A_2600 = arith.index_cast %swap3A_2599 : i32 to index
      %swap3A_2601 = arith.constant 48 : index
      %swap3A_2602 = tpu.vector_load %arg13[%swap3A_2600, %swap3A_2601] {strides = array<i32>} : memref<2x64xi32, #tpu.memory_space<vmem>>, vector<16xi32>,
      tpu.vector_store %arg13[%swap3A_2600, %swap3A_2601], %sub3A_2579 {strides = array<i32>} : memref<2x64xi32, #tpu.memory_space<vmem>>, vector<16xi32>,
      %swap3A_2603 = arith.constant 0 : i32
      %swap3A_2604 = arith.index_cast %swap3A_2603 : i32 to index
      %swap3A_2605 = arith.constant 48 : index
      %swap3A_2606 = tpu.vector_load %arg15[%swap3A_2604, %swap3A_2605] {strides = array<i32>} : memref<2x64xi32, #tpu.memory_space<vmem>>, vector<16xi32>,
      tpu.vector_store %arg15[%swap3A_2604, %swap3A_2605], %add3A_2580 {strides = array<i32>} : memref<2x64xi32, #tpu.memory_space<vmem>>, vector<16xi32>,
      %select_n3A_2607 = arith.select %ne3A_2560, %add3A_2581, %sub3A_2579 : vector<16xi1>, vector<16xi32>
      %swap3A_2608 = arith.constant 0 : i32
      %swap3A_2609 = arith.index_cast %swap3A_2608 : i32 to index
      %swap3A_2610 = arith.constant 48 : index
      %swap3A_2611 = tpu.vector_load %arg14[%swap3A_2609, %swap3A_2610] {strides = array<i32>} : memref<2x64xi32, #tpu.memory_space<vmem>>, vector<16xi32>,
      tpu.vector_store %arg14[%swap3A_2609, %swap3A_2610], %select_n3A_2607 {strides = array<i32>} : memref<2x64xi32, #tpu.memory_space<vmem>>, vector<16xi32>,
      %select_n3A_2612 = arith.select %ne3A_2560, %add3A_2581, %add3A_2580 : vector<16xi1>, vector<16xi32>
      %select_n3A_2613 = arith.select %and3A_2561, %add3A_2582, %select_n3A_2612 : vector<16xi1>, vector<16xi32>
      %swap3A_2614 = arith.constant 0 : i32
      %swap3A_2615 = arith.index_cast %swap3A_2614 : i32 to index
      %swap3A_2616 = arith.constant 48 : index
      %swap3A_2617 = tpu.vector_load %arg16[%swap3A_2615, %swap3A_2616] {strides = array<i32>} : memref<2x64xi32, #tpu.memory_space<vmem>>, vector<16xi32>,
      tpu.vector_store %arg16[%swap3A_2615, %swap3A_2616], %select_n3A_2613 {strides = array<i32>} : memref<2x64xi32, #tpu.memory_space<vmem>>, vector<16xi32>,
      %reduce_max3A_2618 = arith.constant true
      %reduce_max3A_2619 = vector.broadcast %reduce_max3A_2618 : i1 to vector<16xi1>
      %reduce_max3A_2620 = arith.constant -2147483648 : i32
      %reduce_max3A_2621 = vector.broadcast %reduce_max3A_2620 : i32 to vector<16xi32>
      %reduce_max3A_2622 = arith.xori %masked_cumsum3A_2572, %reduce_max3A_2621 : vector<16xi32>
      %reduce_max3A_2623 = tpu.scan <max>, %reduce_max3A_2622 masked %reduce_max3A_2619 : vector<16xi32>, vector<16xi1> -> vector<16xi32>
      %reduce_max3A_2624 = arith.xori %reduce_max3A_2623, %reduce_max3A_2621 : vector<16xi32>
      %reduce_max3A_2625 = vector.extract %reduce_max3A_2624[15] : i32 from vector<16xi32>
      %add3A_2626 = arith.addi %add3A_2439, %reduce_max3A_2625 : i32
      %add3A_2627 = arith.constant 31 : i32
      %add3A_2628 = arith.addi %add3A_2626, %add3A_2627 : i32
      %jit3A_2629 = arith.constant 32 : i32
      %div3A_2630 = arith.divsi %add3A_2628, %jit3A_2629 : i32
      %sign3A_2631 = arith.constant 0 : i32
      %sign3A_2632 = arith.cmpi sgt, %add3A_2628, %sign3A_2631 : i32
      %sign3A_2633 = arith.extui %sign3A_2632 : i1 to i32
      %sign3A_2634 = arith.constant 0 : i32
      %sign3A_2635 = arith.cmpi slt, %add3A_2628, %sign3A_2634 : i32
      %sign3A_2636 = arith.extui %sign3A_2635 : i1 to i32
      %sign3A_2637 = arith.subi %sign3A_2633, %sign3A_2636 : i32
      %sign3A_2638 = arith.constant 0 : i32
      %sign3A_2639 = arith.cmpi sgt, %jit3A_2629, %sign3A_2638 : i32
      %sign3A_2640 = arith.extui %sign3A_2639 : i1 to i32
      %sign3A_2641 = arith.constant 0 : i32
      %sign3A_2642 = arith.cmpi slt, %jit3A_2629, %sign3A_2641 : i32
      %sign3A_2643 = arith.extui %sign3A_2642 : i1 to i32
      %sign3A_2644 = arith.subi %sign3A_2640, %sign3A_2643 : i32
      %ne3A_2645 = arith.cmpi ne, %sign3A_2637, %sign3A_2644 : i32
      %rem3A_2646 = arith.remsi %add3A_2628, %jit3A_2629 : i32
      %ne3A_2647 = arith.constant 0 : i32
      %ne3A_2648 = arith.cmpi ne, %rem3A_2646, %ne3A_2647 : i32
      %and3A_2649 = arith.andi %ne3A_2645, %ne3A_2648 : i1
      %sub3A_2650 = arith.constant 1 : i32
      %sub3A_2651 = arith.subi %div3A_2630, %sub3A_2650 : i32
      %select_n3A_2652 = arith.select %and3A_2649, %sub3A_2651, %div3A_2630 : i32
      %while3A_2653 = arith.constant 0 : i32
      %while3A_2654 = arith.constant 0 : i32
      %while3A_2655 = arith.subi %select_n3A_2652, %while3A_2654 : i32
      %while3A_2656 = arith.addi %while3A_2654, %while3A_2655 : i32
      %while3A_2657 = arith.constant 1 : i32
      %while3A_2658 = arith.divsi %while3A_2655, %while3A_2657 : i32
      %while3A_2659 = arith.muli %while3A_2658, %while3A_2657 : i32
      %while3A_2660 = arith.addi %while3A_2654, %while3A_2659 : i32
      %while3A_2661 = arith.constant 1 : i32
      scf.for %while3A_2700 = %while3A_2654 to %while3A_2660 step %while3A_2661  : i32 {
        %mul3A_2701 = arith.constant 32 : i32
        %mul3A_2702 = arith.muli %while3A_2700, %mul3A_2701 : i32
        %mul3A_2703 = arith.constant 32 : i32
        %mul3A_2704 = arith.muli %while3A_2700, %mul3A_2703 : i32
        %dma_start3A_2705 = arith.constant 0 : i32
        %dma_start3A_2706 = arith.constant 0 : i32
        %dma_start3A_2707 = arith.constant 0 : i32
        %dma_start3A_2708 = arith.constant 0 : i32
        %dma_start3A_2709 = tpu.memref_slice %arg18[%dma_start3A_2706, %mul3A_2704, %dma_start3A_2707, %dma_start3A_2708] : memref<2x256x2x96xf32, #tpu.memory_space<vmem>> -> memref<1x32x2x96xf32, #tpu.memory_space<vmem>>
        %dma_start3A_2710 = tpu.memref_squeeze %dma_start3A_2709 : memref<1x32x2x96xf32, #tpu.memory_space<vmem>> -> memref<32x2x96xf32, #tpu.memory_space<vmem>>
        %dma_start3A_2711 = tpu.memref_slice %arg17[%dma_start3A_2705, %mul3A_2702] : memref<2x256xi32, #tpu.memory_space<vmem>> -> memref<1x32xi32, #tpu.memory_space<vmem>>
        %dma_start3A_2712 = tpu.memref_squeeze %dma_start3A_2711 : memref<1x32xi32, #tpu.memory_space<vmem>> -> memref<32xi32, #tpu.memory_space<vmem>>
        %dma_start3A_2713 = arith.constant 0 : i32
        %dma_start3A_2714 = arith.constant 0 : i32
        %dma_start3A_2715 = arith.constant 0 : i32
        %dma_start3A_2716 = tpu.memref_slice %arg4[%dma_start3A_2713, %dma_start3A_2714, %dma_start3A_2715] : memref<401408x2x96xf32, #tpu.memory_space<hbm>> -> memref<401408x2x96xf32, #tpu.memory_space<hbm>>
        tpu.enqueue_indirect_dma source(%dma_start3A_2716 : memref<401408x2x96xf32, #tpu.memory_space<hbm>>) target(%dma_start3A_2710 : memref<32x2x96xf32, #tpu.memory_space<vmem>>) offsets(%dma_start3A_2712 : memref<32xi32, #tpu.memory_space<vmem>>) semaphore(%arg20 : memref<!tpu.dma_semaphore, #tpu.memory_space<semaphore_mem>>)
      }
      %while3A_2662 = arith.constant 1 : i32
      scf.for %while3A_2700 = %while3A_2660 to %while3A_2656 step %while3A_2662  : i32 {
        %mul3A_2701 = arith.constant 32 : i32
        %mul3A_2702 = arith.muli %while3A_2700, %mul3A_2701 : i32
        %mul3A_2703 = arith.constant 32 : i32
        %mul3A_2704 = arith.muli %while3A_2700, %mul3A_2703 : i32
        %dma_start3A_2705 = arith.constant 0 : i32
        %dma_start3A_2706 = arith.constant 0 : i32
        %dma_start3A_2707 = arith.constant 0 : i32
        %dma_start3A_2708 = arith.constant 0 : i32
        %dma_start3A_2709 = tpu.memref_slice %arg18[%dma_start3A_2706, %mul3A_2704, %dma_start3A_2707, %dma_start3A_2708] : memref<2x256x2x96xf32, #tpu.memory_space<vmem>> -> memref<1x32x2x96xf32, #tpu.memory_space<vmem>>
        %dma_start3A_2710 = tpu.memref_squeeze %dma_start3A_2709 : memref<1x32x2x96xf32, #tpu.memory_space<vmem>> -> memref<32x2x96xf32, #tpu.memory_space<vmem>>
        %dma_start3A_2711 = tpu.memref_slice %arg17[%dma_start3A_2705, %mul3A_2702] : memref<2x256xi32, #tpu.memory_space<vmem>> -> memref<1x32xi32, #tpu.memory_space<vmem>>
        %dma_start3A_2712 = tpu.memref_squeeze %dma_start3A_2711 : memref<1x32xi32, #tpu.memory_space<vmem>> -> memref<32xi32, #tpu.memory_space<vmem>>
        %dma_start3A_2713 = arith.constant 0 : i32
        %dma_start3A_2714 = arith.constant 0 : i32
        %dma_start3A_2715 = arith.constant 0 : i32
        %dma_start3A_2716 = tpu.memref_slice %arg4[%dma_start3A_2713, %dma_start3A_2714, %dma_start3A_2715] : memref<401408x2x96xf32, #tpu.memory_space<hbm>> -> memref<401408x2x96xf32, #tpu.memory_space<hbm>>
        tpu.enqueue_indirect_dma source(%dma_start3A_2716 : memref<401408x2x96xf32, #tpu.memory_space<hbm>>) target(%dma_start3A_2710 : memref<32x2x96xf32, #tpu.memory_space<vmem>>) offsets(%dma_start3A_2712 : memref<32xi32, #tpu.memory_space<vmem>>) semaphore(%arg20 : memref<!tpu.dma_semaphore, #tpu.memory_space<semaphore_mem>>)
      }
      %while3A_2663 = arith.constant 0 : i32
      %while3A_2664 = arith.constant 0 : i32
      %while3A_2665 = arith.subi %select_n3A_1823, %while3A_2664 : i32
      %while3A_2666 = arith.addi %while3A_2664, %while3A_2665 : i32
      %while3A_2667 = arith.constant 1 : i32
      %while3A_2668 = arith.divsi %while3A_2665, %while3A_2667 : i32
      %while3A_2669 = arith.muli %while3A_2668, %while3A_2667 : i32
      %while3A_2670 = arith.addi %while3A_2664, %while3A_2669 : i32
      %while3A_2671 = arith.constant 1 : i32
      scf.for %while3A_2700 = %while3A_2664 to %while3A_2670 step %while3A_2671  : i32 {
        %mul3A_2701 = arith.constant 32 : i32
        %mul3A_2702 = arith.muli %while3A_2700, %mul3A_2701 : i32
        %mul3A_2703 = arith.constant 32 : i32
        %mul3A_2704 = arith.muli %while3A_2700, %mul3A_2703 : i32
        %dma_wait3A_2705 = arith.constant 1 : i32
        %dma_wait3A_2706 = arith.constant 1 : i32
        %dma_wait3A_2707 = arith.constant 0 : i32
        %dma_wait3A_2708 = arith.constant 0 : i32
        %dma_wait3A_2709 = tpu.memref_slice %arg18[%dma_wait3A_2706, %mul3A_2704, %dma_wait3A_2707, %dma_wait3A_2708] : memref<2x256x2x96xf32, #tpu.memory_space<vmem>> -> memref<1x32x2x96xf32, #tpu.memory_space<vmem>>
        %dma_wait3A_2710 = tpu.memref_squeeze %dma_wait3A_2709 : memref<1x32x2x96xf32, #tpu.memory_space<vmem>> -> memref<32x2x96xf32, #tpu.memory_space<vmem>>
        %dma_wait3A_2711 = tpu.memref_slice %arg17[%dma_wait3A_2705, %mul3A_2702] : memref<2x256xi32, #tpu.memory_space<vmem>> -> memref<1x32xi32, #tpu.memory_space<vmem>>
        %dma_wait3A_2712 = tpu.memref_squeeze %dma_wait3A_2711 : memref<1x32xi32, #tpu.memory_space<vmem>> -> memref<32xi32, #tpu.memory_space<vmem>>
        %dma_wait3A_2713 = arith.constant 0 : i32
        %dma_wait3A_2714 = arith.constant 0 : i32
        %dma_wait3A_2715 = arith.constant 0 : i32
        %dma_wait3A_2716 = tpu.memref_slice %arg4[%dma_wait3A_2713, %dma_wait3A_2714, %dma_wait3A_2715] : memref<401408x2x96xf32, #tpu.memory_space<hbm>> -> memref<401408x2x96xf32, #tpu.memory_space<hbm>>
        tpu.wait_indirect_dma semaphore(%arg21 : memref<!tpu.dma_semaphore, #tpu.memory_space<semaphore_mem>>) src(%dma_wait3A_2716 : memref<401408x2x96xf32, #tpu.memory_space<hbm>>) dst(%dma_wait3A_2710 : memref<32x2x96xf32, #tpu.memory_space<vmem>>)
      }
      %while3A_2672 = arith.constant 1 : i32
      scf.for %while3A_2700 = %while3A_2670 to %while3A_2666 step %while3A_2672  : i32 {
        %mul3A_2701 = arith.constant 32 : i32
        %mul3A_2702 = arith.muli %while3A_2700, %mul3A_2701 : i32
        %mul3A_2703 = arith.constant 32 : i32
        %mul3A_2704 = arith.muli %while3A_2700, %mul3A_2703 : i32
        %dma_wait3A_2705 = arith.constant 1 : i32
        %dma_wait3A_2706 = arith.constant 1 : i32
        %dma_wait3A_2707 = arith.constant 0 : i32
        %dma_wait3A_2708 = arith.constant 0 : i32
        %dma_wait3A_2709 = tpu.memref_slice %arg18[%dma_wait3A_2706, %mul3A_2704, %dma_wait3A_2707, %dma_wait3A_2708] : memref<2x256x2x96xf32, #tpu.memory_space<vmem>> -> memref<1x32x2x96xf32, #tpu.memory_space<vmem>>
        %dma_wait3A_2710 = tpu.memref_squeeze %dma_wait3A_2709 : memref<1x32x2x96xf32, #tpu.memory_space<vmem>> -> memref<32x2x96xf32, #tpu.memory_space<vmem>>
        %dma_wait3A_2711 = tpu.memref_slice %arg17[%dma_wait3A_2705, %mul3A_2702] : memref<2x256xi32, #tpu.memory_space<vmem>> -> memref<1x32xi32, #tpu.memory_space<vmem>>
        %dma_wait3A_2712 = tpu.memref_squeeze %dma_wait3A_2711 : memref<1x32xi32, #tpu.memory_space<vmem>> -> memref<32xi32, #tpu.memory_space<vmem>>
        %dma_wait3A_2713 = arith.constant 0 : i32
        %dma_wait3A_2714 = arith.constant 0 : i32
        %dma_wait3A_2715 = arith.constant 0 : i32
        %dma_wait3A_2716 = tpu.memref_slice %arg4[%dma_wait3A_2713, %dma_wait3A_2714, %dma_wait3A_2715] : memref<401408x2x96xf32, #tpu.memory_space<hbm>> -> memref<401408x2x96xf32, #tpu.memory_space<hbm>>
        tpu.wait_indirect_dma semaphore(%arg21 : memref<!tpu.dma_semaphore, #tpu.memory_space<semaphore_mem>>) src(%dma_wait3A_2716 : memref<401408x2x96xf32, #tpu.memory_space<hbm>>) dst(%dma_wait3A_2710 : memref<32x2x96xf32, #tpu.memory_space<vmem>>)
      }
      %add3A_2673 = arith.constant 1 : i32
      %add3A_2674 = arith.addi %mul3A_1036, %add3A_2673 : i32
      %mul3A_2675 = arith.constant 64 : i32
      %mul3A_2676 = arith.muli %add3A_2674, %mul3A_2675 : i32
      %add3A_2677 = arith.addi %mul3A_2, %mul3A_2676 : i32
      %ge3A_2678 = arith.constant 2 : i32
      %ge3A_2679 = arith.cmpi sge, %add3A_2674, %ge3A_2678 : i32
      %convert_element_type3A_2680 = arith.extui %ge3A_2679 : i1 to i32
      %cond3A_2681 = arith.constant 0 : i32
      %cond3A_2682 = arith.cmpi ne, %convert_element_type3A_2680, %cond3A_2681 : i32
      scf.if %cond3A_2682 {
        %sub3A_2700 = arith.constant 128 : i32
        %sub3A_2701 = arith.subi %add3A_2677, %sub3A_2700 : i32
        %mul3A_2702 = arith.constant 192 : i32
        %mul3A_2703 = arith.muli %sub3A_2701, %mul3A_2702 : i32
        %dma_wait3A_2704 = arith.constant 1 : i32
        %dma_wait3A_2705 = arith.constant 0 : i32
        %dma_wait3A_2706 = tpu.memref_slice %arg19[%dma_wait3A_2704, %dma_wait3A_2705] : memref<2x12288xf32, #tpu.memory_space<vmem>> -> memref<1x12288xf32, #tpu.memory_space<vmem>>
        %dma_wait3A_2707 = tpu.memref_squeeze %dma_wait3A_2706 : memref<1x12288xf32, #tpu.memory_space<vmem>> -> memref<12288xf32, #tpu.memory_space<vmem>>
        %dma_wait3A_2708 = tpu.memref_slice %arg5[%mul3A_2703] : memref<77070336xf32, #tpu.memory_space<hbm>> -> memref<12288xf32, #tpu.memory_space<hbm>>
        %dma_wait3A_2709 = tpu.memref_slice %arg5[%mul3A_2703] : memref<77070336xf32, #tpu.memory_space<hbm>> -> memref<12288xf32, #tpu.memory_space<hbm>>
        %dma_wait3A_2710 = arith.constant 0 : i32
        %dma_wait3A_2711 = tpu.memref_slice %arg19[%dma_wait3A_2704, %dma_wait3A_2710] : memref<2x12288xf32, #tpu.memory_space<vmem>> -> memref<1x12288xf32, #tpu.memory_space<vmem>>
        %dma_wait3A_2712 = tpu.memref_squeeze %dma_wait3A_2711 : memref<1x12288xf32, #tpu.memory_space<vmem>> -> memref<12288xf32, #tpu.memory_space<vmem>>
        tpu.wait_dma2 semaphore(%arg23 : memref<!tpu.dma_semaphore, #tpu.memory_space<semaphore_mem>>) src(%dma_wait3A_2712 : memref<12288xf32, #tpu.memory_space<vmem>>) dst(%dma_wait3A_2709 : memref<12288xf32, #tpu.memory_space<hbm>>)
      } else {
      }
      %scan3A_2683 = arith.constant 0 : i32
      %scan3A_2684 = arith.constant 0 : i32
      %scan3A_2685 = arith.constant 64 : i32
      %scan3A_2686 = arith.addi %scan3A_2684, %scan3A_2685 : i32
      %scan3A_2687 = arith.constant 1 : i32
      scf.for %scan3A_2700 = %scan3A_2684 to %scan3A_2686 step %scan3A_2687  : i32 {
        %broadcast_in_dim3A_2701 = vector.broadcast %scan3A_2700 : i32 to vector<16xi32>
        %gather3A_2702 = arith.constant 1 : i32
        %gather3A_2703 = arith.constant 0 : i32
        %gather3A_2704 = tpu.memref_slice %arg9[%gather3A_2702, %gather3A_2703] : memref<2x64xf32, #tpu.memory_space<vmem>> -> memref<1x64xf32, #tpu.memory_space<vmem>>
        %gather3A_2705 = tpu.memref_squeeze %gather3A_2704 : memref<1x64xf32, #tpu.memory_space<vmem>> -> memref<64xf32, #tpu.memory_space<vmem>>
        %gather3A_2706 = tpu.vector_load_idx %gather3A_2705[%broadcast_in_dim3A_2701] : memref<64xf32, #tpu.memory_space<vmem>>[vector<16xi32>], vector<16xf32>,
        %gather3A_2707 = arith.constant 1 : i32
        %gather3A_2708 = arith.constant 0 : i32
        %gather3A_2709 = tpu.memref_slice %arg10[%gather3A_2707, %gather3A_2708] : memref<2x64xf32, #tpu.memory_space<vmem>> -> memref<1x64xf32, #tpu.memory_space<vmem>>
        %gather3A_2710 = tpu.memref_squeeze %gather3A_2709 : memref<1x64xf32, #tpu.memory_space<vmem>> -> memref<64xf32, #tpu.memory_space<vmem>>
        %gather3A_2711 = tpu.vector_load_idx %gather3A_2710[%broadcast_in_dim3A_2701] : memref<64xf32, #tpu.memory_space<vmem>>[vector<16xi32>], vector<16xf32>,
        %gather3A_2712 = arith.constant 1 : i32
        %gather3A_2713 = arith.constant 0 : i32
        %gather3A_2714 = tpu.memref_slice %arg11[%gather3A_2712, %gather3A_2713] : memref<2x64xf32, #tpu.memory_space<vmem>> -> memref<1x64xf32, #tpu.memory_space<vmem>>
        %gather3A_2715 = tpu.memref_squeeze %gather3A_2714 : memref<1x64xf32, #tpu.memory_space<vmem>> -> memref<64xf32, #tpu.memory_space<vmem>>
        %gather3A_2716 = tpu.vector_load_idx %gather3A_2715[%broadcast_in_dim3A_2701] : memref<64xf32, #tpu.memory_space<vmem>>[vector<16xi32>], vector<16xf32>,
        %gather3A_2717 = arith.constant 1 : i32
        %gather3A_2718 = arith.constant 0 : i32
        %gather3A_2719 = tpu.memref_slice %arg12[%gather3A_2717, %gather3A_2718] : memref<2x64xf32, #tpu.memory_space<vmem>> -> memref<1x64xf32, #tpu.memory_space<vmem>>
        %gather3A_2720 = tpu.memref_squeeze %gather3A_2719 : memref<1x64xf32, #tpu.memory_space<vmem>> -> memref<64xf32, #tpu.memory_space<vmem>>
        %gather3A_2721 = tpu.vector_load_idx %gather3A_2720[%broadcast_in_dim3A_2701] : memref<64xf32, #tpu.memory_space<vmem>>[vector<16xi32>], vector<16xf32>,
        %gather3A_2722 = arith.constant 1 : i32
        %gather3A_2723 = arith.constant 0 : i32
        %gather3A_2724 = tpu.memref_slice %arg13[%gather3A_2722, %gather3A_2723] : memref<2x64xi32, #tpu.memory_space<vmem>> -> memref<1x64xi32, #tpu.memory_space<vmem>>
        %gather3A_2725 = tpu.memref_squeeze %gather3A_2724 : memref<1x64xi32, #tpu.memory_space<vmem>> -> memref<64xi32, #tpu.memory_space<vmem>>
        %gather3A_2726 = tpu.vector_load_idx %gather3A_2725[%broadcast_in_dim3A_2701] : memref<64xi32, #tpu.memory_space<vmem>>[vector<16xi32>], vector<16xi32>,
        %gather3A_2727 = arith.constant 1 : i32
        %gather3A_2728 = arith.constant 0 : i32
        %gather3A_2729 = tpu.memref_slice %arg14[%gather3A_2727, %gather3A_2728] : memref<2x64xi32, #tpu.memory_space<vmem>> -> memref<1x64xi32, #tpu.memory_space<vmem>>
        %gather3A_2730 = tpu.memref_squeeze %gather3A_2729 : memref<1x64xi32, #tpu.memory_space<vmem>> -> memref<64xi32, #tpu.memory_space<vmem>>
        %gather3A_2731 = tpu.vector_load_idx %gather3A_2730[%broadcast_in_dim3A_2701] : memref<64xi32, #tpu.memory_space<vmem>>[vector<16xi32>], vector<16xi32>,
        %gather3A_2732 = arith.constant 1 : i32
        %gather3A_2733 = arith.constant 0 : i32
        %gather3A_2734 = tpu.memref_slice %arg15[%gather3A_2732, %gather3A_2733] : memref<2x64xi32, #tpu.memory_space<vmem>> -> memref<1x64xi32, #tpu.memory_space<vmem>>
        %gather3A_2735 = tpu.memref_squeeze %gather3A_2734 : memref<1x64xi32, #tpu.memory_space<vmem>> -> memref<64xi32, #tpu.memory_space<vmem>>
        %gather3A_2736 = tpu.vector_load_idx %gather3A_2735[%broadcast_in_dim3A_2701] : memref<64xi32, #tpu.memory_space<vmem>>[vector<16xi32>], vector<16xi32>,
        %gather3A_2737 = arith.constant 1 : i32
        %gather3A_2738 = arith.constant 0 : i32
        %gather3A_2739 = tpu.memref_slice %arg16[%gather3A_2737, %gather3A_2738] : memref<2x64xi32, #tpu.memory_space<vmem>> -> memref<1x64xi32, #tpu.memory_space<vmem>>
        %gather3A_2740 = tpu.memref_squeeze %gather3A_2739 : memref<1x64xi32, #tpu.memory_space<vmem>> -> memref<64xi32, #tpu.memory_space<vmem>>
        %gather3A_2741 = tpu.vector_load_idx %gather3A_2740[%broadcast_in_dim3A_2701] : memref<64xi32, #tpu.memory_space<vmem>>[vector<16xi32>], vector<16xi32>,
        %mul3A_2742 = arith.constant 192 : i32
        %mul3A_2743 = arith.muli %scan3A_2700, %mul3A_2742 : i32
        %broadcast_in_dim3A_2744 = arith.constant 0 : i32
        %broadcast_in_dim3A_2745 = vector.broadcast %broadcast_in_dim3A_2744 : i32 to vector<16xi32>
        %add3A_2746 = arith.constant 0 : i32
        %add3A_2747 = vector.broadcast %add3A_2746 : i32 to vector<16xi32>
        %add3A_2748 = arith.addi %iota3A, %add3A_2747 : vector<16xi32>
        %gather3A_2749 = arith.constant 1 : i32
        %gather3A_2750 = arith.constant 0 : i32
        %gather3A_2751 = arith.constant 0 : i32
        %gather3A_2752 = arith.constant 0 : i32
        %gather3A_2753 = tpu.memref_slice %arg18[%gather3A_2749, %gather3A_2750, %gather3A_2751, %gather3A_2752] : memref<2x256x2x96xf32, #tpu.memory_space<vmem>> -> memref<1x256x2x96xf32, #tpu.memory_space<vmem>>
        %gather3A_2754 = tpu.memref_squeeze %gather3A_2753 : memref<1x256x2x96xf32, #tpu.memory_space<vmem>> -> memref<256x2x96xf32, #tpu.memory_space<vmem>>
        %gather3A_2755 = tpu.vector_load_idx %gather3A_2754[%gather3A_2726, %broadcast_in_dim3A_2745, %add3A_2748] : memref<256x2x96xf32, #tpu.memory_space<vmem>>[vector<16xi32>, vector<16xi32>, vector<16xi32>], vector<16xf32>,
        %gather3A_2756 = arith.constant 1 : i32
        %gather3A_2757 = arith.constant 0 : i32
        %gather3A_2758 = arith.constant 0 : i32
        %gather3A_2759 = arith.constant 0 : i32
        %gather3A_2760 = tpu.memref_slice %arg18[%gather3A_2756, %gather3A_2757, %gather3A_2758, %gather3A_2759] : memref<2x256x2x96xf32, #tpu.memory_space<vmem>> -> memref<1x256x2x96xf32, #tpu.memory_space<vmem>>
        %gather3A_2761 = tpu.memref_squeeze %gather3A_2760 : memref<1x256x2x96xf32, #tpu.memory_space<vmem>> -> memref<256x2x96xf32, #tpu.memory_space<vmem>>
        %gather3A_2762 = tpu.vector_load_idx %gather3A_2761[%gather3A_2731, %broadcast_in_dim3A_2745, %add3A_2748] : memref<256x2x96xf32, #tpu.memory_space<vmem>>[vector<16xi32>, vector<16xi32>, vector<16xi32>], vector<16xf32>,
        %gather3A_2763 = arith.constant 1 : i32
        %gather3A_2764 = arith.constant 0 : i32
        %gather3A_2765 = arith.constant 0 : i32
        %gather3A_2766 = arith.constant 0 : i32
        %gather3A_2767 = tpu.memref_slice %arg18[%gather3A_2763, %gather3A_2764, %gather3A_2765, %gather3A_2766] : memref<2x256x2x96xf32, #tpu.memory_space<vmem>> -> memref<1x256x2x96xf32, #tpu.memory_space<vmem>>
        %gather3A_2768 = tpu.memref_squeeze %gather3A_2767 : memref<1x256x2x96xf32, #tpu.memory_space<vmem>> -> memref<256x2x96xf32, #tpu.memory_space<vmem>>
        %gather3A_2769 = tpu.vector_load_idx %gather3A_2768[%gather3A_2736, %broadcast_in_dim3A_2745, %add3A_2748] : memref<256x2x96xf32, #tpu.memory_space<vmem>>[vector<16xi32>, vector<16xi32>, vector<16xi32>], vector<16xf32>,
        %gather3A_2770 = arith.constant 1 : i32
        %gather3A_2771 = arith.constant 0 : i32
        %gather3A_2772 = arith.constant 0 : i32
        %gather3A_2773 = arith.constant 0 : i32
        %gather3A_2774 = tpu.memref_slice %arg18[%gather3A_2770, %gather3A_2771, %gather3A_2772, %gather3A_2773] : memref<2x256x2x96xf32, #tpu.memory_space<vmem>> -> memref<1x256x2x96xf32, #tpu.memory_space<vmem>>
        %gather3A_2775 = tpu.memref_squeeze %gather3A_2774 : memref<1x256x2x96xf32, #tpu.memory_space<vmem>> -> memref<256x2x96xf32, #tpu.memory_space<vmem>>
        %gather3A_2776 = tpu.vector_load_idx %gather3A_2775[%gather3A_2741, %broadcast_in_dim3A_2745, %add3A_2748] : memref<256x2x96xf32, #tpu.memory_space<vmem>>[vector<16xi32>, vector<16xi32>, vector<16xi32>], vector<16xf32>,
        %mul3A_2777 = arith.mulf %gather3A_2706, %gather3A_2755 : vector<16xf32>
        %mul3A_2778 = arith.mulf %gather3A_2711, %gather3A_2762 : vector<16xf32>
        %add3A_2779 = arith.addf %mul3A_2777, %mul3A_2778 : vector<16xf32>
        %mul3A_2780 = arith.mulf %gather3A_2716, %gather3A_2769 : vector<16xf32>
        %add3A_2781 = arith.addf %add3A_2779, %mul3A_2780 : vector<16xf32>
        %mul3A_2782 = arith.mulf %gather3A_2721, %gather3A_2776 : vector<16xf32>
        %add3A_2783 = arith.addf %add3A_2781, %mul3A_2782 : vector<16xf32>
        %add3A_2784 = arith.constant 0 : i32
        %add3A_2785 = arith.addi %mul3A_2743, %add3A_2784 : i32
        %add3A_2786 = arith.constant 0 : i32
        %add3A_2787 = arith.addi %add3A_2785, %add3A_2786 : i32
        %swap3A_2788 = arith.constant 1 : i32
        %swap3A_2789 = arith.index_cast %swap3A_2788 : i32 to index
        %swap3A_2790 = arith.index_cast %add3A_2787 : i32 to index
        %swap3A_2791 = tpu.vector_load %arg19[%swap3A_2789, %swap3A_2790] {strides = array<i32>} : memref<2x12288xf32, #tpu.memory_space<vmem>>, vector<16xf32>,
        tpu.vector_store %arg19[%swap3A_2789, %swap3A_2790], %add3A_2783 {strides = array<i32>} : memref<2x12288xf32, #tpu.memory_space<vmem>>, vector<16xf32>,
        %add3A_2792 = arith.constant 16 : i32
        %add3A_2793 = vector.broadcast %add3A_2792 : i32 to vector<16xi32>
        %add3A_2794 = arith.addi %iota3A, %add3A_2793 : vector<16xi32>
        %gather3A_2795 = arith.constant 1 : i32
        %gather3A_2796 = arith.constant 0 : i32
        %gather3A_2797 = arith.constant 0 : i32
        %gather3A_2798 = arith.constant 0 : i32
        %gather3A_2799 = tpu.memref_slice %arg18[%gather3A_2795, %gather3A_2796, %gather3A_2797, %gather3A_2798] : memref<2x256x2x96xf32, #tpu.memory_space<vmem>> -> memref<1x256x2x96xf32, #tpu.memory_space<vmem>>
        %gather3A_2800 = tpu.memref_squeeze %gather3A_2799 : memref<1x256x2x96xf32, #tpu.memory_space<vmem>> -> memref<256x2x96xf32, #tpu.memory_space<vmem>>
        %gather3A_2801 = tpu.vector_load_idx %gather3A_2800[%gather3A_2726, %broadcast_in_dim3A_2745, %add3A_2794] : memref<256x2x96xf32, #tpu.memory_space<vmem>>[vector<16xi32>, vector<16xi32>, vector<16xi32>], vector<16xf32>,
        %gather3A_2802 = arith.constant 1 : i32
        %gather3A_2803 = arith.constant 0 : i32
        %gather3A_2804 = arith.constant 0 : i32
        %gather3A_2805 = arith.constant 0 : i32
        %gather3A_2806 = tpu.memref_slice %arg18[%gather3A_2802, %gather3A_2803, %gather3A_2804, %gather3A_2805] : memref<2x256x2x96xf32, #tpu.memory_space<vmem>> -> memref<1x256x2x96xf32, #tpu.memory_space<vmem>>
        %gather3A_2807 = tpu.memref_squeeze %gather3A_2806 : memref<1x256x2x96xf32, #tpu.memory_space<vmem>> -> memref<256x2x96xf32, #tpu.memory_space<vmem>>
        %gather3A_2808 = tpu.vector_load_idx %gather3A_2807[%gather3A_2731, %broadcast_in_dim3A_2745, %add3A_2794] : memref<256x2x96xf32, #tpu.memory_space<vmem>>[vector<16xi32>, vector<16xi32>, vector<16xi32>], vector<16xf32>,
        %gather3A_2809 = arith.constant 1 : i32
        %gather3A_2810 = arith.constant 0 : i32
        %gather3A_2811 = arith.constant 0 : i32
        %gather3A_2812 = arith.constant 0 : i32
        %gather3A_2813 = tpu.memref_slice %arg18[%gather3A_2809, %gather3A_2810, %gather3A_2811, %gather3A_2812] : memref<2x256x2x96xf32, #tpu.memory_space<vmem>> -> memref<1x256x2x96xf32, #tpu.memory_space<vmem>>
        %gather3A_2814 = tpu.memref_squeeze %gather3A_2813 : memref<1x256x2x96xf32, #tpu.memory_space<vmem>> -> memref<256x2x96xf32, #tpu.memory_space<vmem>>
        %gather3A_2815 = tpu.vector_load_idx %gather3A_2814[%gather3A_2736, %broadcast_in_dim3A_2745, %add3A_2794] : memref<256x2x96xf32, #tpu.memory_space<vmem>>[vector<16xi32>, vector<16xi32>, vector<16xi32>], vector<16xf32>,
        %gather3A_2816 = arith.constant 1 : i32
        %gather3A_2817 = arith.constant 0 : i32
        %gather3A_2818 = arith.constant 0 : i32
        %gather3A_2819 = arith.constant 0 : i32
        %gather3A_2820 = tpu.memref_slice %arg18[%gather3A_2816, %gather3A_2817, %gather3A_2818, %gather3A_2819] : memref<2x256x2x96xf32, #tpu.memory_space<vmem>> -> memref<1x256x2x96xf32, #tpu.memory_space<vmem>>
        %gather3A_2821 = tpu.memref_squeeze %gather3A_2820 : memref<1x256x2x96xf32, #tpu.memory_space<vmem>> -> memref<256x2x96xf32, #tpu.memory_space<vmem>>
        %gather3A_2822 = tpu.vector_load_idx %gather3A_2821[%gather3A_2741, %broadcast_in_dim3A_2745, %add3A_2794] : memref<256x2x96xf32, #tpu.memory_space<vmem>>[vector<16xi32>, vector<16xi32>, vector<16xi32>], vector<16xf32>,
        %mul3A_2823 = arith.mulf %gather3A_2706, %gather3A_2801 : vector<16xf32>
        %mul3A_2824 = arith.mulf %gather3A_2711, %gather3A_2808 : vector<16xf32>
        %add3A_2825 = arith.addf %mul3A_2823, %mul3A_2824 : vector<16xf32>
        %mul3A_2826 = arith.mulf %gather3A_2716, %gather3A_2815 : vector<16xf32>
        %add3A_2827 = arith.addf %add3A_2825, %mul3A_2826 : vector<16xf32>
        %mul3A_2828 = arith.mulf %gather3A_2721, %gather3A_2822 : vector<16xf32>
        %add3A_2829 = arith.addf %add3A_2827, %mul3A_2828 : vector<16xf32>
        %add3A_2830 = arith.constant 0 : i32
        %add3A_2831 = arith.addi %mul3A_2743, %add3A_2830 : i32
        %add3A_2832 = arith.constant 16 : i32
        %add3A_2833 = arith.addi %add3A_2831, %add3A_2832 : i32
        %swap3A_2834 = arith.constant 1 : i32
        %swap3A_2835 = arith.index_cast %swap3A_2834 : i32 to index
        %swap3A_2836 = arith.index_cast %add3A_2833 : i32 to index
        %swap3A_2837 = tpu.vector_load %arg19[%swap3A_2835, %swap3A_2836] {strides = array<i32>} : memref<2x12288xf32, #tpu.memory_space<vmem>>, vector<16xf32>,
        tpu.vector_store %arg19[%swap3A_2835, %swap3A_2836], %add3A_2829 {strides = array<i32>} : memref<2x12288xf32, #tpu.memory_space<vmem>>, vector<16xf32>,
        %add3A_2838 = arith.constant 32 : i32
        %add3A_2839 = vector.broadcast %add3A_2838 : i32 to vector<16xi32>
        %add3A_2840 = arith.addi %iota3A, %add3A_2839 : vector<16xi32>
        %gather3A_2841 = arith.constant 1 : i32
        %gather3A_2842 = arith.constant 0 : i32
        %gather3A_2843 = arith.constant 0 : i32
        %gather3A_2844 = arith.constant 0 : i32
        %gather3A_2845 = tpu.memref_slice %arg18[%gather3A_2841, %gather3A_2842, %gather3A_2843, %gather3A_2844] : memref<2x256x2x96xf32, #tpu.memory_space<vmem>> -> memref<1x256x2x96xf32, #tpu.memory_space<vmem>>
        %gather3A_2846 = tpu.memref_squeeze %gather3A_2845 : memref<1x256x2x96xf32, #tpu.memory_space<vmem>> -> memref<256x2x96xf32, #tpu.memory_space<vmem>>
        %gather3A_2847 = tpu.vector_load_idx %gather3A_2846[%gather3A_2726, %broadcast_in_dim3A_2745, %add3A_2840] : memref<256x2x96xf32, #tpu.memory_space<vmem>>[vector<16xi32>, vector<16xi32>, vector<16xi32>], vector<16xf32>,
        %gather3A_2848 = arith.constant 1 : i32
        %gather3A_2849 = arith.constant 0 : i32
        %gather3A_2850 = arith.constant 0 : i32
        %gather3A_2851 = arith.constant 0 : i32
        %gather3A_2852 = tpu.memref_slice %arg18[%gather3A_2848, %gather3A_2849, %gather3A_2850, %gather3A_2851] : memref<2x256x2x96xf32, #tpu.memory_space<vmem>> -> memref<1x256x2x96xf32, #tpu.memory_space<vmem>>
        %gather3A_2853 = tpu.memref_squeeze %gather3A_2852 : memref<1x256x2x96xf32, #tpu.memory_space<vmem>> -> memref<256x2x96xf32, #tpu.memory_space<vmem>>
        %gather3A_2854 = tpu.vector_load_idx %gather3A_2853[%gather3A_2731, %broadcast_in_dim3A_2745, %add3A_2840] : memref<256x2x96xf32, #tpu.memory_space<vmem>>[vector<16xi32>, vector<16xi32>, vector<16xi32>], vector<16xf32>,
        %gather3A_2855 = arith.constant 1 : i32
        %gather3A_2856 = arith.constant 0 : i32
        %gather3A_2857 = arith.constant 0 : i32
        %gather3A_2858 = arith.constant 0 : i32
        %gather3A_2859 = tpu.memref_slice %arg18[%gather3A_2855, %gather3A_2856, %gather3A_2857, %gather3A_2858] : memref<2x256x2x96xf32, #tpu.memory_space<vmem>> -> memref<1x256x2x96xf32, #tpu.memory_space<vmem>>
        %gather3A_2860 = tpu.memref_squeeze %gather3A_2859 : memref<1x256x2x96xf32, #tpu.memory_space<vmem>> -> memref<256x2x96xf32, #tpu.memory_space<vmem>>
        %gather3A_2861 = tpu.vector_load_idx %gather3A_2860[%gather3A_2736, %broadcast_in_dim3A_2745, %add3A_2840] : memref<256x2x96xf32, #tpu.memory_space<vmem>>[vector<16xi32>, vector<16xi32>, vector<16xi32>], vector<16xf32>,
        %gather3A_2862 = arith.constant 1 : i32
        %gather3A_2863 = arith.constant 0 : i32
        %gather3A_2864 = arith.constant 0 : i32
        %gather3A_2865 = arith.constant 0 : i32
        %gather3A_2866 = tpu.memref_slice %arg18[%gather3A_2862, %gather3A_2863, %gather3A_2864, %gather3A_2865] : memref<2x256x2x96xf32, #tpu.memory_space<vmem>> -> memref<1x256x2x96xf32, #tpu.memory_space<vmem>>
        %gather3A_2867 = tpu.memref_squeeze %gather3A_2866 : memref<1x256x2x96xf32, #tpu.memory_space<vmem>> -> memref<256x2x96xf32, #tpu.memory_space<vmem>>
        %gather3A_2868 = tpu.vector_load_idx %gather3A_2867[%gather3A_2741, %broadcast_in_dim3A_2745, %add3A_2840] : memref<256x2x96xf32, #tpu.memory_space<vmem>>[vector<16xi32>, vector<16xi32>, vector<16xi32>], vector<16xf32>,
        %mul3A_2869 = arith.mulf %gather3A_2706, %gather3A_2847 : vector<16xf32>
        %mul3A_2870 = arith.mulf %gather3A_2711, %gather3A_2854 : vector<16xf32>
        %add3A_2871 = arith.addf %mul3A_2869, %mul3A_2870 : vector<16xf32>
        %mul3A_2872 = arith.mulf %gather3A_2716, %gather3A_2861 : vector<16xf32>
        %add3A_2873 = arith.addf %add3A_2871, %mul3A_2872 : vector<16xf32>
        %mul3A_2874 = arith.mulf %gather3A_2721, %gather3A_2868 : vector<16xf32>
        %add3A_2875 = arith.addf %add3A_2873, %mul3A_2874 : vector<16xf32>
        %add3A_2876 = arith.constant 0 : i32
        %add3A_2877 = arith.addi %mul3A_2743, %add3A_2876 : i32
        %add3A_2878 = arith.constant 32 : i32
        %add3A_2879 = arith.addi %add3A_2877, %add3A_2878 : i32
        %swap3A_2880 = arith.constant 1 : i32
        %swap3A_2881 = arith.index_cast %swap3A_2880 : i32 to index
        %swap3A_2882 = arith.index_cast %add3A_2879 : i32 to index
        %swap3A_2883 = tpu.vector_load %arg19[%swap3A_2881, %swap3A_2882] {strides = array<i32>} : memref<2x12288xf32, #tpu.memory_space<vmem>>, vector<16xf32>,
        tpu.vector_store %arg19[%swap3A_2881, %swap3A_2882], %add3A_2875 {strides = array<i32>} : memref<2x12288xf32, #tpu.memory_space<vmem>>, vector<16xf32>,
        %add3A_2884 = arith.constant 48 : i32
        %add3A_2885 = vector.broadcast %add3A_2884 : i32 to vector<16xi32>
        %add3A_2886 = arith.addi %iota3A, %add3A_2885 : vector<16xi32>
        %gather3A_2887 = arith.constant 1 : i32
        %gather3A_2888 = arith.constant 0 : i32
        %gather3A_2889 = arith.constant 0 : i32
        %gather3A_2890 = arith.constant 0 : i32
        %gather3A_2891 = tpu.memref_slice %arg18[%gather3A_2887, %gather3A_2888, %gather3A_2889, %gather3A_2890] : memref<2x256x2x96xf32, #tpu.memory_space<vmem>> -> memref<1x256x2x96xf32, #tpu.memory_space<vmem>>
        %gather3A_2892 = tpu.memref_squeeze %gather3A_2891 : memref<1x256x2x96xf32, #tpu.memory_space<vmem>> -> memref<256x2x96xf32, #tpu.memory_space<vmem>>
        %gather3A_2893 = tpu.vector_load_idx %gather3A_2892[%gather3A_2726, %broadcast_in_dim3A_2745, %add3A_2886] : memref<256x2x96xf32, #tpu.memory_space<vmem>>[vector<16xi32>, vector<16xi32>, vector<16xi32>], vector<16xf32>,
        %gather3A_2894 = arith.constant 1 : i32
        %gather3A_2895 = arith.constant 0 : i32
        %gather3A_2896 = arith.constant 0 : i32
        %gather3A_2897 = arith.constant 0 : i32
        %gather3A_2898 = tpu.memref_slice %arg18[%gather3A_2894, %gather3A_2895, %gather3A_2896, %gather3A_2897] : memref<2x256x2x96xf32, #tpu.memory_space<vmem>> -> memref<1x256x2x96xf32, #tpu.memory_space<vmem>>
        %gather3A_2899 = tpu.memref_squeeze %gather3A_2898 : memref<1x256x2x96xf32, #tpu.memory_space<vmem>> -> memref<256x2x96xf32, #tpu.memory_space<vmem>>
        %gather3A_2900 = tpu.vector_load_idx %gather3A_2899[%gather3A_2731, %broadcast_in_dim3A_2745, %add3A_2886] : memref<256x2x96xf32, #tpu.memory_space<vmem>>[vector<16xi32>, vector<16xi32>, vector<16xi32>], vector<16xf32>,
        %gather3A_2901 = arith.constant 1 : i32
        %gather3A_2902 = arith.constant 0 : i32
        %gather3A_2903 = arith.constant 0 : i32
        %gather3A_2904 = arith.constant 0 : i32
        %gather3A_2905 = tpu.memref_slice %arg18[%gather3A_2901, %gather3A_2902, %gather3A_2903, %gather3A_2904] : memref<2x256x2x96xf32, #tpu.memory_space<vmem>> -> memref<1x256x2x96xf32, #tpu.memory_space<vmem>>
        %gather3A_2906 = tpu.memref_squeeze %gather3A_2905 : memref<1x256x2x96xf32, #tpu.memory_space<vmem>> -> memref<256x2x96xf32, #tpu.memory_space<vmem>>
        %gather3A_2907 = tpu.vector_load_idx %gather3A_2906[%gather3A_2736, %broadcast_in_dim3A_2745, %add3A_2886] : memref<256x2x96xf32, #tpu.memory_space<vmem>>[vector<16xi32>, vector<16xi32>, vector<16xi32>], vector<16xf32>,
        %gather3A_2908 = arith.constant 1 : i32
        %gather3A_2909 = arith.constant 0 : i32
        %gather3A_2910 = arith.constant 0 : i32
        %gather3A_2911 = arith.constant 0 : i32
        %gather3A_2912 = tpu.memref_slice %arg18[%gather3A_2908, %gather3A_2909, %gather3A_2910, %gather3A_2911] : memref<2x256x2x96xf32, #tpu.memory_space<vmem>> -> memref<1x256x2x96xf32, #tpu.memory_space<vmem>>
        %gather3A_2913 = tpu.memref_squeeze %gather3A_2912 : memref<1x256x2x96xf32, #tpu.memory_space<vmem>> -> memref<256x2x96xf32, #tpu.memory_space<vmem>>
        %gather3A_2914 = tpu.vector_load_idx %gather3A_2913[%gather3A_2741, %broadcast_in_dim3A_2745, %add3A_2886] : memref<256x2x96xf32, #tpu.memory_space<vmem>>[vector<16xi32>, vector<16xi32>, vector<16xi32>], vector<16xf32>,
        %mul3A_2915 = arith.mulf %gather3A_2706, %gather3A_2893 : vector<16xf32>
        %mul3A_2916 = arith.mulf %gather3A_2711, %gather3A_2900 : vector<16xf32>
        %add3A_2917 = arith.addf %mul3A_2915, %mul3A_2916 : vector<16xf32>
        %mul3A_2918 = arith.mulf %gather3A_2716, %gather3A_2907 : vector<16xf32>
        %add3A_2919 = arith.addf %add3A_2917, %mul3A_2918 : vector<16xf32>
        %mul3A_2920 = arith.mulf %gather3A_2721, %gather3A_2914 : vector<16xf32>
        %add3A_2921 = arith.addf %add3A_2919, %mul3A_2920 : vector<16xf32>
        %add3A_2922 = arith.constant 0 : i32
        %add3A_2923 = arith.addi %mul3A_2743, %add3A_2922 : i32
        %add3A_2924 = arith.constant 48 : i32
        %add3A_2925 = arith.addi %add3A_2923, %add3A_2924 : i32
        %swap3A_2926 = arith.constant 1 : i32
        %swap3A_2927 = arith.index_cast %swap3A_2926 : i32 to index
        %swap3A_2928 = arith.index_cast %add3A_2925 : i32 to index
        %swap3A_2929 = tpu.vector_load %arg19[%swap3A_2927, %swap3A_2928] {strides = array<i32>} : memref<2x12288xf32, #tpu.memory_space<vmem>>, vector<16xf32>,
        tpu.vector_store %arg19[%swap3A_2927, %swap3A_2928], %add3A_2921 {strides = array<i32>} : memref<2x12288xf32, #tpu.memory_space<vmem>>, vector<16xf32>,
        %add3A_2930 = arith.constant 64 : i32
        %add3A_2931 = vector.broadcast %add3A_2930 : i32 to vector<16xi32>
        %add3A_2932 = arith.addi %iota3A, %add3A_2931 : vector<16xi32>
        %gather3A_2933 = arith.constant 1 : i32
        %gather3A_2934 = arith.constant 0 : i32
        %gather3A_2935 = arith.constant 0 : i32
        %gather3A_2936 = arith.constant 0 : i32
        %gather3A_2937 = tpu.memref_slice %arg18[%gather3A_2933, %gather3A_2934, %gather3A_2935, %gather3A_2936] : memref<2x256x2x96xf32, #tpu.memory_space<vmem>> -> memref<1x256x2x96xf32, #tpu.memory_space<vmem>>
        %gather3A_2938 = tpu.memref_squeeze %gather3A_2937 : memref<1x256x2x96xf32, #tpu.memory_space<vmem>> -> memref<256x2x96xf32, #tpu.memory_space<vmem>>
        %gather3A_2939 = tpu.vector_load_idx %gather3A_2938[%gather3A_2726, %broadcast_in_dim3A_2745, %add3A_2932] : memref<256x2x96xf32, #tpu.memory_space<vmem>>[vector<16xi32>, vector<16xi32>, vector<16xi32>], vector<16xf32>,
        %gather3A_2940 = arith.constant 1 : i32
        %gather3A_2941 = arith.constant 0 : i32
        %gather3A_2942 = arith.constant 0 : i32
        %gather3A_2943 = arith.constant 0 : i32
        %gather3A_2944 = tpu.memref_slice %arg18[%gather3A_2940, %gather3A_2941, %gather3A_2942, %gather3A_2943] : memref<2x256x2x96xf32, #tpu.memory_space<vmem>> -> memref<1x256x2x96xf32, #tpu.memory_space<vmem>>
        %gather3A_2945 = tpu.memref_squeeze %gather3A_2944 : memref<1x256x2x96xf32, #tpu.memory_space<vmem>> -> memref<256x2x96xf32, #tpu.memory_space<vmem>>
        %gather3A_2946 = tpu.vector_load_idx %gather3A_2945[%gather3A_2731, %broadcast_in_dim3A_2745, %add3A_2932] : memref<256x2x96xf32, #tpu.memory_space<vmem>>[vector<16xi32>, vector<16xi32>, vector<16xi32>], vector<16xf32>,
        %gather3A_2947 = arith.constant 1 : i32
        %gather3A_2948 = arith.constant 0 : i32
        %gather3A_2949 = arith.constant 0 : i32
        %gather3A_2950 = arith.constant 0 : i32
        %gather3A_2951 = tpu.memref_slice %arg18[%gather3A_2947, %gather3A_2948, %gather3A_2949, %gather3A_2950] : memref<2x256x2x96xf32, #tpu.memory_space<vmem>> -> memref<1x256x2x96xf32, #tpu.memory_space<vmem>>
        %gather3A_2952 = tpu.memref_squeeze %gather3A_2951 : memref<1x256x2x96xf32, #tpu.memory_space<vmem>> -> memref<256x2x96xf32, #tpu.memory_space<vmem>>
        %gather3A_2953 = tpu.vector_load_idx %gather3A_2952[%gather3A_2736, %broadcast_in_dim3A_2745, %add3A_2932] : memref<256x2x96xf32, #tpu.memory_space<vmem>>[vector<16xi32>, vector<16xi32>, vector<16xi32>], vector<16xf32>,
        %gather3A_2954 = arith.constant 1 : i32
        %gather3A_2955 = arith.constant 0 : i32
        %gather3A_2956 = arith.constant 0 : i32
        %gather3A_2957 = arith.constant 0 : i32
        %gather3A_2958 = tpu.memref_slice %arg18[%gather3A_2954, %gather3A_2955, %gather3A_2956, %gather3A_2957] : memref<2x256x2x96xf32, #tpu.memory_space<vmem>> -> memref<1x256x2x96xf32, #tpu.memory_space<vmem>>
        %gather3A_2959 = tpu.memref_squeeze %gather3A_2958 : memref<1x256x2x96xf32, #tpu.memory_space<vmem>> -> memref<256x2x96xf32, #tpu.memory_space<vmem>>
        %gather3A_2960 = tpu.vector_load_idx %gather3A_2959[%gather3A_2741, %broadcast_in_dim3A_2745, %add3A_2932] : memref<256x2x96xf32, #tpu.memory_space<vmem>>[vector<16xi32>, vector<16xi32>, vector<16xi32>], vector<16xf32>,
        %mul3A_2961 = arith.mulf %gather3A_2706, %gather3A_2939 : vector<16xf32>
        %mul3A_2962 = arith.mulf %gather3A_2711, %gather3A_2946 : vector<16xf32>
        %add3A_2963 = arith.addf %mul3A_2961, %mul3A_2962 : vector<16xf32>
        %mul3A_2964 = arith.mulf %gather3A_2716, %gather3A_2953 : vector<16xf32>
        %add3A_2965 = arith.addf %add3A_2963, %mul3A_2964 : vector<16xf32>
        %mul3A_2966 = arith.mulf %gather3A_2721, %gather3A_2960 : vector<16xf32>
        %add3A_2967 = arith.addf %add3A_2965, %mul3A_2966 : vector<16xf32>
        %add3A_2968 = arith.constant 0 : i32
        %add3A_2969 = arith.addi %mul3A_2743, %add3A_2968 : i32
        %add3A_2970 = arith.constant 64 : i32
        %add3A_2971 = arith.addi %add3A_2969, %add3A_2970 : i32
        %swap3A_2972 = arith.constant 1 : i32
        %swap3A_2973 = arith.index_cast %swap3A_2972 : i32 to index
        %swap3A_2974 = arith.index_cast %add3A_2971 : i32 to index
        %swap3A_2975 = tpu.vector_load %arg19[%swap3A_2973, %swap3A_2974] {strides = array<i32>} : memref<2x12288xf32, #tpu.memory_space<vmem>>, vector<16xf32>,
        tpu.vector_store %arg19[%swap3A_2973, %swap3A_2974], %add3A_2967 {strides = array<i32>} : memref<2x12288xf32, #tpu.memory_space<vmem>>, vector<16xf32>,
        %add3A_2976 = arith.constant 80 : i32
        %add3A_2977 = vector.broadcast %add3A_2976 : i32 to vector<16xi32>
        %add3A_2978 = arith.addi %iota3A, %add3A_2977 : vector<16xi32>
        %gather3A_2979 = arith.constant 1 : i32
        %gather3A_2980 = arith.constant 0 : i32
        %gather3A_2981 = arith.constant 0 : i32
        %gather3A_2982 = arith.constant 0 : i32
        %gather3A_2983 = tpu.memref_slice %arg18[%gather3A_2979, %gather3A_2980, %gather3A_2981, %gather3A_2982] : memref<2x256x2x96xf32, #tpu.memory_space<vmem>> -> memref<1x256x2x96xf32, #tpu.memory_space<vmem>>
        %gather3A_2984 = tpu.memref_squeeze %gather3A_2983 : memref<1x256x2x96xf32, #tpu.memory_space<vmem>> -> memref<256x2x96xf32, #tpu.memory_space<vmem>>
        %gather3A_2985 = tpu.vector_load_idx %gather3A_2984[%gather3A_2726, %broadcast_in_dim3A_2745, %add3A_2978] : memref<256x2x96xf32, #tpu.memory_space<vmem>>[vector<16xi32>, vector<16xi32>, vector<16xi32>], vector<16xf32>,
        %gather3A_2986 = arith.constant 1 : i32
        %gather3A_2987 = arith.constant 0 : i32
        %gather3A_2988 = arith.constant 0 : i32
        %gather3A_2989 = arith.constant 0 : i32
        %gather3A_2990 = tpu.memref_slice %arg18[%gather3A_2986, %gather3A_2987, %gather3A_2988, %gather3A_2989] : memref<2x256x2x96xf32, #tpu.memory_space<vmem>> -> memref<1x256x2x96xf32, #tpu.memory_space<vmem>>
        %gather3A_2991 = tpu.memref_squeeze %gather3A_2990 : memref<1x256x2x96xf32, #tpu.memory_space<vmem>> -> memref<256x2x96xf32, #tpu.memory_space<vmem>>
        %gather3A_2992 = tpu.vector_load_idx %gather3A_2991[%gather3A_2731, %broadcast_in_dim3A_2745, %add3A_2978] : memref<256x2x96xf32, #tpu.memory_space<vmem>>[vector<16xi32>, vector<16xi32>, vector<16xi32>], vector<16xf32>,
        %gather3A_2993 = arith.constant 1 : i32
        %gather3A_2994 = arith.constant 0 : i32
        %gather3A_2995 = arith.constant 0 : i32
        %gather3A_2996 = arith.constant 0 : i32
        %gather3A_2997 = tpu.memref_slice %arg18[%gather3A_2993, %gather3A_2994, %gather3A_2995, %gather3A_2996] : memref<2x256x2x96xf32, #tpu.memory_space<vmem>> -> memref<1x256x2x96xf32, #tpu.memory_space<vmem>>
        %gather3A_2998 = tpu.memref_squeeze %gather3A_2997 : memref<1x256x2x96xf32, #tpu.memory_space<vmem>> -> memref<256x2x96xf32, #tpu.memory_space<vmem>>
        %gather3A_2999 = tpu.vector_load_idx %gather3A_2998[%gather3A_2736, %broadcast_in_dim3A_2745, %add3A_2978] : memref<256x2x96xf32, #tpu.memory_space<vmem>>[vector<16xi32>, vector<16xi32>, vector<16xi32>], vector<16xf32>,
        %gather3A_3000 = arith.constant 1 : i32
        %gather3A_3001 = arith.constant 0 : i32
        %gather3A_3002 = arith.constant 0 : i32
        %gather3A_3003 = arith.constant 0 : i32
        %gather3A_3004 = tpu.memref_slice %arg18[%gather3A_3000, %gather3A_3001, %gather3A_3002, %gather3A_3003] : memref<2x256x2x96xf32, #tpu.memory_space<vmem>> -> memref<1x256x2x96xf32, #tpu.memory_space<vmem>>
        %gather3A_3005 = tpu.memref_squeeze %gather3A_3004 : memref<1x256x2x96xf32, #tpu.memory_space<vmem>> -> memref<256x2x96xf32, #tpu.memory_space<vmem>>
        %gather3A_3006 = tpu.vector_load_idx %gather3A_3005[%gather3A_2741, %broadcast_in_dim3A_2745, %add3A_2978] : memref<256x2x96xf32, #tpu.memory_space<vmem>>[vector<16xi32>, vector<16xi32>, vector<16xi32>], vector<16xf32>,
        %mul3A_3007 = arith.mulf %gather3A_2706, %gather3A_2985 : vector<16xf32>
        %mul3A_3008 = arith.mulf %gather3A_2711, %gather3A_2992 : vector<16xf32>
        %add3A_3009 = arith.addf %mul3A_3007, %mul3A_3008 : vector<16xf32>
        %mul3A_3010 = arith.mulf %gather3A_2716, %gather3A_2999 : vector<16xf32>
        %add3A_3011 = arith.addf %add3A_3009, %mul3A_3010 : vector<16xf32>
        %mul3A_3012 = arith.mulf %gather3A_2721, %gather3A_3006 : vector<16xf32>
        %add3A_3013 = arith.addf %add3A_3011, %mul3A_3012 : vector<16xf32>
        %add3A_3014 = arith.constant 0 : i32
        %add3A_3015 = arith.addi %mul3A_2743, %add3A_3014 : i32
        %add3A_3016 = arith.constant 80 : i32
        %add3A_3017 = arith.addi %add3A_3015, %add3A_3016 : i32
        %swap3A_3018 = arith.constant 1 : i32
        %swap3A_3019 = arith.index_cast %swap3A_3018 : i32 to index
        %swap3A_3020 = arith.index_cast %add3A_3017 : i32 to index
        %swap3A_3021 = tpu.vector_load %arg19[%swap3A_3019, %swap3A_3020] {strides = array<i32>} : memref<2x12288xf32, #tpu.memory_space<vmem>>, vector<16xf32>,
        tpu.vector_store %arg19[%swap3A_3019, %swap3A_3020], %add3A_3013 {strides = array<i32>} : memref<2x12288xf32, #tpu.memory_space<vmem>>, vector<16xf32>,
        %broadcast_in_dim3A_3022 = arith.constant 1 : i32
        %broadcast_in_dim3A_3023 = vector.broadcast %broadcast_in_dim3A_3022 : i32 to vector<16xi32>
        %add3A_3024 = arith.constant 0 : i32
        %add3A_3025 = vector.broadcast %add3A_3024 : i32 to vector<16xi32>
        %add3A_3026 = arith.addi %iota3A, %add3A_3025 : vector<16xi32>
        %gather3A_3027 = arith.constant 1 : i32
        %gather3A_3028 = arith.constant 0 : i32
        %gather3A_3029 = arith.constant 0 : i32
        %gather3A_3030 = arith.constant 0 : i32
        %gather3A_3031 = tpu.memref_slice %arg18[%gather3A_3027, %gather3A_3028, %gather3A_3029, %gather3A_3030] : memref<2x256x2x96xf32, #tpu.memory_space<vmem>> -> memref<1x256x2x96xf32, #tpu.memory_space<vmem>>
        %gather3A_3032 = tpu.memref_squeeze %gather3A_3031 : memref<1x256x2x96xf32, #tpu.memory_space<vmem>> -> memref<256x2x96xf32, #tpu.memory_space<vmem>>
        %gather3A_3033 = tpu.vector_load_idx %gather3A_3032[%gather3A_2726, %broadcast_in_dim3A_3023, %add3A_3026] : memref<256x2x96xf32, #tpu.memory_space<vmem>>[vector<16xi32>, vector<16xi32>, vector<16xi32>], vector<16xf32>,
        %gather3A_3034 = arith.constant 1 : i32
        %gather3A_3035 = arith.constant 0 : i32
        %gather3A_3036 = arith.constant 0 : i32
        %gather3A_3037 = arith.constant 0 : i32
        %gather3A_3038 = tpu.memref_slice %arg18[%gather3A_3034, %gather3A_3035, %gather3A_3036, %gather3A_3037] : memref<2x256x2x96xf32, #tpu.memory_space<vmem>> -> memref<1x256x2x96xf32, #tpu.memory_space<vmem>>
        %gather3A_3039 = tpu.memref_squeeze %gather3A_3038 : memref<1x256x2x96xf32, #tpu.memory_space<vmem>> -> memref<256x2x96xf32, #tpu.memory_space<vmem>>
        %gather3A_3040 = tpu.vector_load_idx %gather3A_3039[%gather3A_2731, %broadcast_in_dim3A_3023, %add3A_3026] : memref<256x2x96xf32, #tpu.memory_space<vmem>>[vector<16xi32>, vector<16xi32>, vector<16xi32>], vector<16xf32>,
        %gather3A_3041 = arith.constant 1 : i32
        %gather3A_3042 = arith.constant 0 : i32
        %gather3A_3043 = arith.constant 0 : i32
        %gather3A_3044 = arith.constant 0 : i32
        %gather3A_3045 = tpu.memref_slice %arg18[%gather3A_3041, %gather3A_3042, %gather3A_3043, %gather3A_3044] : memref<2x256x2x96xf32, #tpu.memory_space<vmem>> -> memref<1x256x2x96xf32, #tpu.memory_space<vmem>>
        %gather3A_3046 = tpu.memref_squeeze %gather3A_3045 : memref<1x256x2x96xf32, #tpu.memory_space<vmem>> -> memref<256x2x96xf32, #tpu.memory_space<vmem>>
        %gather3A_3047 = tpu.vector_load_idx %gather3A_3046[%gather3A_2736, %broadcast_in_dim3A_3023, %add3A_3026] : memref<256x2x96xf32, #tpu.memory_space<vmem>>[vector<16xi32>, vector<16xi32>, vector<16xi32>], vector<16xf32>,
        %gather3A_3048 = arith.constant 1 : i32
        %gather3A_3049 = arith.constant 0 : i32
        %gather3A_3050 = arith.constant 0 : i32
        %gather3A_3051 = arith.constant 0 : i32
        %gather3A_3052 = tpu.memref_slice %arg18[%gather3A_3048, %gather3A_3049, %gather3A_3050, %gather3A_3051] : memref<2x256x2x96xf32, #tpu.memory_space<vmem>> -> memref<1x256x2x96xf32, #tpu.memory_space<vmem>>
        %gather3A_3053 = tpu.memref_squeeze %gather3A_3052 : memref<1x256x2x96xf32, #tpu.memory_space<vmem>> -> memref<256x2x96xf32, #tpu.memory_space<vmem>>
        %gather3A_3054 = tpu.vector_load_idx %gather3A_3053[%gather3A_2741, %broadcast_in_dim3A_3023, %add3A_3026] : memref<256x2x96xf32, #tpu.memory_space<vmem>>[vector<16xi32>, vector<16xi32>, vector<16xi32>], vector<16xf32>,
        %mul3A_3055 = arith.mulf %gather3A_2706, %gather3A_3033 : vector<16xf32>
        %mul3A_3056 = arith.mulf %gather3A_2711, %gather3A_3040 : vector<16xf32>
        %add3A_3057 = arith.addf %mul3A_3055, %mul3A_3056 : vector<16xf32>
        %mul3A_3058 = arith.mulf %gather3A_2716, %gather3A_3047 : vector<16xf32>
        %add3A_3059 = arith.addf %add3A_3057, %mul3A_3058 : vector<16xf32>
        %mul3A_3060 = arith.mulf %gather3A_2721, %gather3A_3054 : vector<16xf32>
        %add3A_3061 = arith.addf %add3A_3059, %mul3A_3060 : vector<16xf32>
        %add3A_3062 = arith.constant 96 : i32
        %add3A_3063 = arith.addi %mul3A_2743, %add3A_3062 : i32
        %add3A_3064 = arith.constant 0 : i32
        %add3A_3065 = arith.addi %add3A_3063, %add3A_3064 : i32
        %swap3A_3066 = arith.constant 1 : i32
        %swap3A_3067 = arith.index_cast %swap3A_3066 : i32 to index
        %swap3A_3068 = arith.index_cast %add3A_3065 : i32 to index
        %swap3A_3069 = tpu.vector_load %arg19[%swap3A_3067, %swap3A_3068] {strides = array<i32>} : memref<2x12288xf32, #tpu.memory_space<vmem>>, vector<16xf32>,
        tpu.vector_store %arg19[%swap3A_3067, %swap3A_3068], %add3A_3061 {strides = array<i32>} : memref<2x12288xf32, #tpu.memory_space<vmem>>, vector<16xf32>,
        %add3A_3070 = arith.constant 16 : i32
        %add3A_3071 = vector.broadcast %add3A_3070 : i32 to vector<16xi32>
        %add3A_3072 = arith.addi %iota3A, %add3A_3071 : vector<16xi32>
        %gather3A_3073 = arith.constant 1 : i32
        %gather3A_3074 = arith.constant 0 : i32
        %gather3A_3075 = arith.constant 0 : i32
        %gather3A_3076 = arith.constant 0 : i32
        %gather3A_3077 = tpu.memref_slice %arg18[%gather3A_3073, %gather3A_3074, %gather3A_3075, %gather3A_3076] : memref<2x256x2x96xf32, #tpu.memory_space<vmem>> -> memref<1x256x2x96xf32, #tpu.memory_space<vmem>>
        %gather3A_3078 = tpu.memref_squeeze %gather3A_3077 : memref<1x256x2x96xf32, #tpu.memory_space<vmem>> -> memref<256x2x96xf32, #tpu.memory_space<vmem>>
        %gather3A_3079 = tpu.vector_load_idx %gather3A_3078[%gather3A_2726, %broadcast_in_dim3A_3023, %add3A_3072] : memref<256x2x96xf32, #tpu.memory_space<vmem>>[vector<16xi32>, vector<16xi32>, vector<16xi32>], vector<16xf32>,
        %gather3A_3080 = arith.constant 1 : i32
        %gather3A_3081 = arith.constant 0 : i32
        %gather3A_3082 = arith.constant 0 : i32
        %gather3A_3083 = arith.constant 0 : i32
        %gather3A_3084 = tpu.memref_slice %arg18[%gather3A_3080, %gather3A_3081, %gather3A_3082, %gather3A_3083] : memref<2x256x2x96xf32, #tpu.memory_space<vmem>> -> memref<1x256x2x96xf32, #tpu.memory_space<vmem>>
        %gather3A_3085 = tpu.memref_squeeze %gather3A_3084 : memref<1x256x2x96xf32, #tpu.memory_space<vmem>> -> memref<256x2x96xf32, #tpu.memory_space<vmem>>
        %gather3A_3086 = tpu.vector_load_idx %gather3A_3085[%gather3A_2731, %broadcast_in_dim3A_3023, %add3A_3072] : memref<256x2x96xf32, #tpu.memory_space<vmem>>[vector<16xi32>, vector<16xi32>, vector<16xi32>], vector<16xf32>,
        %gather3A_3087 = arith.constant 1 : i32
        %gather3A_3088 = arith.constant 0 : i32
        %gather3A_3089 = arith.constant 0 : i32
        %gather3A_3090 = arith.constant 0 : i32
        %gather3A_3091 = tpu.memref_slice %arg18[%gather3A_3087, %gather3A_3088, %gather3A_3089, %gather3A_3090] : memref<2x256x2x96xf32, #tpu.memory_space<vmem>> -> memref<1x256x2x96xf32, #tpu.memory_space<vmem>>
        %gather3A_3092 = tpu.memref_squeeze %gather3A_3091 : memref<1x256x2x96xf32, #tpu.memory_space<vmem>> -> memref<256x2x96xf32, #tpu.memory_space<vmem>>
        %gather3A_3093 = tpu.vector_load_idx %gather3A_3092[%gather3A_2736, %broadcast_in_dim3A_3023, %add3A_3072] : memref<256x2x96xf32, #tpu.memory_space<vmem>>[vector<16xi32>, vector<16xi32>, vector<16xi32>], vector<16xf32>,
        %gather3A_3094 = arith.constant 1 : i32
        %gather3A_3095 = arith.constant 0 : i32
        %gather3A_3096 = arith.constant 0 : i32
        %gather3A_3097 = arith.constant 0 : i32
        %gather3A_3098 = tpu.memref_slice %arg18[%gather3A_3094, %gather3A_3095, %gather3A_3096, %gather3A_3097] : memref<2x256x2x96xf32, #tpu.memory_space<vmem>> -> memref<1x256x2x96xf32, #tpu.memory_space<vmem>>
        %gather3A_3099 = tpu.memref_squeeze %gather3A_3098 : memref<1x256x2x96xf32, #tpu.memory_space<vmem>> -> memref<256x2x96xf32, #tpu.memory_space<vmem>>
        %gather3A_3100 = tpu.vector_load_idx %gather3A_3099[%gather3A_2741, %broadcast_in_dim3A_3023, %add3A_3072] : memref<256x2x96xf32, #tpu.memory_space<vmem>>[vector<16xi32>, vector<16xi32>, vector<16xi32>], vector<16xf32>,
        %mul3A_3101 = arith.mulf %gather3A_2706, %gather3A_3079 : vector<16xf32>
        %mul3A_3102 = arith.mulf %gather3A_2711, %gather3A_3086 : vector<16xf32>
        %add3A_3103 = arith.addf %mul3A_3101, %mul3A_3102 : vector<16xf32>
        %mul3A_3104 = arith.mulf %gather3A_2716, %gather3A_3093 : vector<16xf32>
        %add3A_3105 = arith.addf %add3A_3103, %mul3A_3104 : vector<16xf32>
        %mul3A_3106 = arith.mulf %gather3A_2721, %gather3A_3100 : vector<16xf32>
        %add3A_3107 = arith.addf %add3A_3105, %mul3A_3106 : vector<16xf32>
        %add3A_3108 = arith.constant 96 : i32
        %add3A_3109 = arith.addi %mul3A_2743, %add3A_3108 : i32
        %add3A_3110 = arith.constant 16 : i32
        %add3A_3111 = arith.addi %add3A_3109, %add3A_3110 : i32
        %swap3A_3112 = arith.constant 1 : i32
        %swap3A_3113 = arith.index_cast %swap3A_3112 : i32 to index
        %swap3A_3114 = arith.index_cast %add3A_3111 : i32 to index
        %swap3A_3115 = tpu.vector_load %arg19[%swap3A_3113, %swap3A_3114] {strides = array<i32>} : memref<2x12288xf32, #tpu.memory_space<vmem>>, vector<16xf32>,
        tpu.vector_store %arg19[%swap3A_3113, %swap3A_3114], %add3A_3107 {strides = array<i32>} : memref<2x12288xf32, #tpu.memory_space<vmem>>, vector<16xf32>,
        %add3A_3116 = arith.constant 32 : i32
        %add3A_3117 = vector.broadcast %add3A_3116 : i32 to vector<16xi32>
        %add3A_3118 = arith.addi %iota3A, %add3A_3117 : vector<16xi32>
        %gather3A_3119 = arith.constant 1 : i32
        %gather3A_3120 = arith.constant 0 : i32
        %gather3A_3121 = arith.constant 0 : i32
        %gather3A_3122 = arith.constant 0 : i32
        %gather3A_3123 = tpu.memref_slice %arg18[%gather3A_3119, %gather3A_3120, %gather3A_3121, %gather3A_3122] : memref<2x256x2x96xf32, #tpu.memory_space<vmem>> -> memref<1x256x2x96xf32, #tpu.memory_space<vmem>>
        %gather3A_3124 = tpu.memref_squeeze %gather3A_3123 : memref<1x256x2x96xf32, #tpu.memory_space<vmem>> -> memref<256x2x96xf32, #tpu.memory_space<vmem>>
        %gather3A_3125 = tpu.vector_load_idx %gather3A_3124[%gather3A_2726, %broadcast_in_dim3A_3023, %add3A_3118] : memref<256x2x96xf32, #tpu.memory_space<vmem>>[vector<16xi32>, vector<16xi32>, vector<16xi32>], vector<16xf32>,
        %gather3A_3126 = arith.constant 1 : i32
        %gather3A_3127 = arith.constant 0 : i32
        %gather3A_3128 = arith.constant 0 : i32
        %gather3A_3129 = arith.constant 0 : i32
        %gather3A_3130 = tpu.memref_slice %arg18[%gather3A_3126, %gather3A_3127, %gather3A_3128, %gather3A_3129] : memref<2x256x2x96xf32, #tpu.memory_space<vmem>> -> memref<1x256x2x96xf32, #tpu.memory_space<vmem>>
        %gather3A_3131 = tpu.memref_squeeze %gather3A_3130 : memref<1x256x2x96xf32, #tpu.memory_space<vmem>> -> memref<256x2x96xf32, #tpu.memory_space<vmem>>
        %gather3A_3132 = tpu.vector_load_idx %gather3A_3131[%gather3A_2731, %broadcast_in_dim3A_3023, %add3A_3118] : memref<256x2x96xf32, #tpu.memory_space<vmem>>[vector<16xi32>, vector<16xi32>, vector<16xi32>], vector<16xf32>,
        %gather3A_3133 = arith.constant 1 : i32
        %gather3A_3134 = arith.constant 0 : i32
        %gather3A_3135 = arith.constant 0 : i32
        %gather3A_3136 = arith.constant 0 : i32
        %gather3A_3137 = tpu.memref_slice %arg18[%gather3A_3133, %gather3A_3134, %gather3A_3135, %gather3A_3136] : memref<2x256x2x96xf32, #tpu.memory_space<vmem>> -> memref<1x256x2x96xf32, #tpu.memory_space<vmem>>
        %gather3A_3138 = tpu.memref_squeeze %gather3A_3137 : memref<1x256x2x96xf32, #tpu.memory_space<vmem>> -> memref<256x2x96xf32, #tpu.memory_space<vmem>>
        %gather3A_3139 = tpu.vector_load_idx %gather3A_3138[%gather3A_2736, %broadcast_in_dim3A_3023, %add3A_3118] : memref<256x2x96xf32, #tpu.memory_space<vmem>>[vector<16xi32>, vector<16xi32>, vector<16xi32>], vector<16xf32>,
        %gather3A_3140 = arith.constant 1 : i32
        %gather3A_3141 = arith.constant 0 : i32
        %gather3A_3142 = arith.constant 0 : i32
        %gather3A_3143 = arith.constant 0 : i32
        %gather3A_3144 = tpu.memref_slice %arg18[%gather3A_3140, %gather3A_3141, %gather3A_3142, %gather3A_3143] : memref<2x256x2x96xf32, #tpu.memory_space<vmem>> -> memref<1x256x2x96xf32, #tpu.memory_space<vmem>>
        %gather3A_3145 = tpu.memref_squeeze %gather3A_3144 : memref<1x256x2x96xf32, #tpu.memory_space<vmem>> -> memref<256x2x96xf32, #tpu.memory_space<vmem>>
        %gather3A_3146 = tpu.vector_load_idx %gather3A_3145[%gather3A_2741, %broadcast_in_dim3A_3023, %add3A_3118] : memref<256x2x96xf32, #tpu.memory_space<vmem>>[vector<16xi32>, vector<16xi32>, vector<16xi32>], vector<16xf32>,
        %mul3A_3147 = arith.mulf %gather3A_2706, %gather3A_3125 : vector<16xf32>
        %mul3A_3148 = arith.mulf %gather3A_2711, %gather3A_3132 : vector<16xf32>
        %add3A_3149 = arith.addf %mul3A_3147, %mul3A_3148 : vector<16xf32>
        %mul3A_3150 = arith.mulf %gather3A_2716, %gather3A_3139 : vector<16xf32>
        %add3A_3151 = arith.addf %add3A_3149, %mul3A_3150 : vector<16xf32>
        %mul3A_3152 = arith.mulf %gather3A_2721, %gather3A_3146 : vector<16xf32>
        %add3A_3153 = arith.addf %add3A_3151, %mul3A_3152 : vector<16xf32>
        %add3A_3154 = arith.constant 96 : i32
        %add3A_3155 = arith.addi %mul3A_2743, %add3A_3154 : i32
        %add3A_3156 = arith.constant 32 : i32
        %add3A_3157 = arith.addi %add3A_3155, %add3A_3156 : i32
        %swap3A_3158 = arith.constant 1 : i32
        %swap3A_3159 = arith.index_cast %swap3A_3158 : i32 to index
        %swap3A_3160 = arith.index_cast %add3A_3157 : i32 to index
        %swap3A_3161 = tpu.vector_load %arg19[%swap3A_3159, %swap3A_3160] {strides = array<i32>} : memref<2x12288xf32, #tpu.memory_space<vmem>>, vector<16xf32>,
        tpu.vector_store %arg19[%swap3A_3159, %swap3A_3160], %add3A_3153 {strides = array<i32>} : memref<2x12288xf32, #tpu.memory_space<vmem>>, vector<16xf32>,
        %add3A_3162 = arith.constant 48 : i32
        %add3A_3163 = vector.broadcast %add3A_3162 : i32 to vector<16xi32>
        %add3A_3164 = arith.addi %iota3A, %add3A_3163 : vector<16xi32>
        %gather3A_3165 = arith.constant 1 : i32
        %gather3A_3166 = arith.constant 0 : i32
        %gather3A_3167 = arith.constant 0 : i32
        %gather3A_3168 = arith.constant 0 : i32
        %gather3A_3169 = tpu.memref_slice %arg18[%gather3A_3165, %gather3A_3166, %gather3A_3167, %gather3A_3168] : memref<2x256x2x96xf32, #tpu.memory_space<vmem>> -> memref<1x256x2x96xf32, #tpu.memory_space<vmem>>
        %gather3A_3170 = tpu.memref_squeeze %gather3A_3169 : memref<1x256x2x96xf32, #tpu.memory_space<vmem>> -> memref<256x2x96xf32, #tpu.memory_space<vmem>>
        %gather3A_3171 = tpu.vector_load_idx %gather3A_3170[%gather3A_2726, %broadcast_in_dim3A_3023, %add3A_3164] : memref<256x2x96xf32, #tpu.memory_space<vmem>>[vector<16xi32>, vector<16xi32>, vector<16xi32>], vector<16xf32>,
        %gather3A_3172 = arith.constant 1 : i32
        %gather3A_3173 = arith.constant 0 : i32
        %gather3A_3174 = arith.constant 0 : i32
        %gather3A_3175 = arith.constant 0 : i32
        %gather3A_3176 = tpu.memref_slice %arg18[%gather3A_3172, %gather3A_3173, %gather3A_3174, %gather3A_3175] : memref<2x256x2x96xf32, #tpu.memory_space<vmem>> -> memref<1x256x2x96xf32, #tpu.memory_space<vmem>>
        %gather3A_3177 = tpu.memref_squeeze %gather3A_3176 : memref<1x256x2x96xf32, #tpu.memory_space<vmem>> -> memref<256x2x96xf32, #tpu.memory_space<vmem>>
        %gather3A_3178 = tpu.vector_load_idx %gather3A_3177[%gather3A_2731, %broadcast_in_dim3A_3023, %add3A_3164] : memref<256x2x96xf32, #tpu.memory_space<vmem>>[vector<16xi32>, vector<16xi32>, vector<16xi32>], vector<16xf32>,
        %gather3A_3179 = arith.constant 1 : i32
        %gather3A_3180 = arith.constant 0 : i32
        %gather3A_3181 = arith.constant 0 : i32
        %gather3A_3182 = arith.constant 0 : i32
        %gather3A_3183 = tpu.memref_slice %arg18[%gather3A_3179, %gather3A_3180, %gather3A_3181, %gather3A_3182] : memref<2x256x2x96xf32, #tpu.memory_space<vmem>> -> memref<1x256x2x96xf32, #tpu.memory_space<vmem>>
        %gather3A_3184 = tpu.memref_squeeze %gather3A_3183 : memref<1x256x2x96xf32, #tpu.memory_space<vmem>> -> memref<256x2x96xf32, #tpu.memory_space<vmem>>
        %gather3A_3185 = tpu.vector_load_idx %gather3A_3184[%gather3A_2736, %broadcast_in_dim3A_3023, %add3A_3164] : memref<256x2x96xf32, #tpu.memory_space<vmem>>[vector<16xi32>, vector<16xi32>, vector<16xi32>], vector<16xf32>,
        %gather3A_3186 = arith.constant 1 : i32
        %gather3A_3187 = arith.constant 0 : i32
        %gather3A_3188 = arith.constant 0 : i32
        %gather3A_3189 = arith.constant 0 : i32
        %gather3A_3190 = tpu.memref_slice %arg18[%gather3A_3186, %gather3A_3187, %gather3A_3188, %gather3A_3189] : memref<2x256x2x96xf32, #tpu.memory_space<vmem>> -> memref<1x256x2x96xf32, #tpu.memory_space<vmem>>
        %gather3A_3191 = tpu.memref_squeeze %gather3A_3190 : memref<1x256x2x96xf32, #tpu.memory_space<vmem>> -> memref<256x2x96xf32, #tpu.memory_space<vmem>>
        %gather3A_3192 = tpu.vector_load_idx %gather3A_3191[%gather3A_2741, %broadcast_in_dim3A_3023, %add3A_3164] : memref<256x2x96xf32, #tpu.memory_space<vmem>>[vector<16xi32>, vector<16xi32>, vector<16xi32>], vector<16xf32>,
        %mul3A_3193 = arith.mulf %gather3A_2706, %gather3A_3171 : vector<16xf32>
        %mul3A_3194 = arith.mulf %gather3A_2711, %gather3A_3178 : vector<16xf32>
        %add3A_3195 = arith.addf %mul3A_3193, %mul3A_3194 : vector<16xf32>
        %mul3A_3196 = arith.mulf %gather3A_2716, %gather3A_3185 : vector<16xf32>
        %add3A_3197 = arith.addf %add3A_3195, %mul3A_3196 : vector<16xf32>
        %mul3A_3198 = arith.mulf %gather3A_2721, %gather3A_3192 : vector<16xf32>
        %add3A_3199 = arith.addf %add3A_3197, %mul3A_3198 : vector<16xf32>
        %add3A_3200 = arith.constant 96 : i32
        %add3A_3201 = arith.addi %mul3A_2743, %add3A_3200 : i32
        %add3A_3202 = arith.constant 48 : i32
        %add3A_3203 = arith.addi %add3A_3201, %add3A_3202 : i32
        %swap3A_3204 = arith.constant 1 : i32
        %swap3A_3205 = arith.index_cast %swap3A_3204 : i32 to index
        %swap3A_3206 = arith.index_cast %add3A_3203 : i32 to index
        %swap3A_3207 = tpu.vector_load %arg19[%swap3A_3205, %swap3A_3206] {strides = array<i32>} : memref<2x12288xf32, #tpu.memory_space<vmem>>, vector<16xf32>,
        tpu.vector_store %arg19[%swap3A_3205, %swap3A_3206], %add3A_3199 {strides = array<i32>} : memref<2x12288xf32, #tpu.memory_space<vmem>>, vector<16xf32>,
        %add3A_3208 = arith.constant 64 : i32
        %add3A_3209 = vector.broadcast %add3A_3208 : i32 to vector<16xi32>
        %add3A_3210 = arith.addi %iota3A, %add3A_3209 : vector<16xi32>
        %gather3A_3211 = arith.constant 1 : i32
        %gather3A_3212 = arith.constant 0 : i32
        %gather3A_3213 = arith.constant 0 : i32
        %gather3A_3214 = arith.constant 0 : i32
        %gather3A_3215 = tpu.memref_slice %arg18[%gather3A_3211, %gather3A_3212, %gather3A_3213, %gather3A_3214] : memref<2x256x2x96xf32, #tpu.memory_space<vmem>> -> memref<1x256x2x96xf32, #tpu.memory_space<vmem>>
        %gather3A_3216 = tpu.memref_squeeze %gather3A_3215 : memref<1x256x2x96xf32, #tpu.memory_space<vmem>> -> memref<256x2x96xf32, #tpu.memory_space<vmem>>
        %gather3A_3217 = tpu.vector_load_idx %gather3A_3216[%gather3A_2726, %broadcast_in_dim3A_3023, %add3A_3210] : memref<256x2x96xf32, #tpu.memory_space<vmem>>[vector<16xi32>, vector<16xi32>, vector<16xi32>], vector<16xf32>,
        %gather3A_3218 = arith.constant 1 : i32
        %gather3A_3219 = arith.constant 0 : i32
        %gather3A_3220 = arith.constant 0 : i32
        %gather3A_3221 = arith.constant 0 : i32
        %gather3A_3222 = tpu.memref_slice %arg18[%gather3A_3218, %gather3A_3219, %gather3A_3220, %gather3A_3221] : memref<2x256x2x96xf32, #tpu.memory_space<vmem>> -> memref<1x256x2x96xf32, #tpu.memory_space<vmem>>
        %gather3A_3223 = tpu.memref_squeeze %gather3A_3222 : memref<1x256x2x96xf32, #tpu.memory_space<vmem>> -> memref<256x2x96xf32, #tpu.memory_space<vmem>>
        %gather3A_3224 = tpu.vector_load_idx %gather3A_3223[%gather3A_2731, %broadcast_in_dim3A_3023, %add3A_3210] : memref<256x2x96xf32, #tpu.memory_space<vmem>>[vector<16xi32>, vector<16xi32>, vector<16xi32>], vector<16xf32>,
        %gather3A_3225 = arith.constant 1 : i32
        %gather3A_3226 = arith.constant 0 : i32
        %gather3A_3227 = arith.constant 0 : i32
        %gather3A_3228 = arith.constant 0 : i32
        %gather3A_3229 = tpu.memref_slice %arg18[%gather3A_3225, %gather3A_3226, %gather3A_3227, %gather3A_3228] : memref<2x256x2x96xf32, #tpu.memory_space<vmem>> -> memref<1x256x2x96xf32, #tpu.memory_space<vmem>>
        %gather3A_3230 = tpu.memref_squeeze %gather3A_3229 : memref<1x256x2x96xf32, #tpu.memory_space<vmem>> -> memref<256x2x96xf32, #tpu.memory_space<vmem>>
        %gather3A_3231 = tpu.vector_load_idx %gather3A_3230[%gather3A_2736, %broadcast_in_dim3A_3023, %add3A_3210] : memref<256x2x96xf32, #tpu.memory_space<vmem>>[vector<16xi32>, vector<16xi32>, vector<16xi32>], vector<16xf32>,
        %gather3A_3232 = arith.constant 1 : i32
        %gather3A_3233 = arith.constant 0 : i32
        %gather3A_3234 = arith.constant 0 : i32
        %gather3A_3235 = arith.constant 0 : i32
        %gather3A_3236 = tpu.memref_slice %arg18[%gather3A_3232, %gather3A_3233, %gather3A_3234, %gather3A_3235] : memref<2x256x2x96xf32, #tpu.memory_space<vmem>> -> memref<1x256x2x96xf32, #tpu.memory_space<vmem>>
        %gather3A_3237 = tpu.memref_squeeze %gather3A_3236 : memref<1x256x2x96xf32, #tpu.memory_space<vmem>> -> memref<256x2x96xf32, #tpu.memory_space<vmem>>
        %gather3A_3238 = tpu.vector_load_idx %gather3A_3237[%gather3A_2741, %broadcast_in_dim3A_3023, %add3A_3210] : memref<256x2x96xf32, #tpu.memory_space<vmem>>[vector<16xi32>, vector<16xi32>, vector<16xi32>], vector<16xf32>,
        %mul3A_3239 = arith.mulf %gather3A_2706, %gather3A_3217 : vector<16xf32>
        %mul3A_3240 = arith.mulf %gather3A_2711, %gather3A_3224 : vector<16xf32>
        %add3A_3241 = arith.addf %mul3A_3239, %mul3A_3240 : vector<16xf32>
        %mul3A_3242 = arith.mulf %gather3A_2716, %gather3A_3231 : vector<16xf32>
        %add3A_3243 = arith.addf %add3A_3241, %mul3A_3242 : vector<16xf32>
        %mul3A_3244 = arith.mulf %gather3A_2721, %gather3A_3238 : vector<16xf32>
        %add3A_3245 = arith.addf %add3A_3243, %mul3A_3244 : vector<16xf32>
        %add3A_3246 = arith.constant 96 : i32
        %add3A_3247 = arith.addi %mul3A_2743, %add3A_3246 : i32
        %add3A_3248 = arith.constant 64 : i32
        %add3A_3249 = arith.addi %add3A_3247, %add3A_3248 : i32
        %swap3A_3250 = arith.constant 1 : i32
        %swap3A_3251 = arith.index_cast %swap3A_3250 : i32 to index
        %swap3A_3252 = arith.index_cast %add3A_3249 : i32 to index
        %swap3A_3253 = tpu.vector_load %arg19[%swap3A_3251, %swap3A_3252] {strides = array<i32>} : memref<2x12288xf32, #tpu.memory_space<vmem>>, vector<16xf32>,
        tpu.vector_store %arg19[%swap3A_3251, %swap3A_3252], %add3A_3245 {strides = array<i32>} : memref<2x12288xf32, #tpu.memory_space<vmem>>, vector<16xf32>,
        %add3A_3254 = arith.constant 80 : i32
        %add3A_3255 = vector.broadcast %add3A_3254 : i32 to vector<16xi32>
        %add3A_3256 = arith.addi %iota3A, %add3A_3255 : vector<16xi32>
        %gather3A_3257 = arith.constant 1 : i32
        %gather3A_3258 = arith.constant 0 : i32
        %gather3A_3259 = arith.constant 0 : i32
        %gather3A_3260 = arith.constant 0 : i32
        %gather3A_3261 = tpu.memref_slice %arg18[%gather3A_3257, %gather3A_3258, %gather3A_3259, %gather3A_3260] : memref<2x256x2x96xf32, #tpu.memory_space<vmem>> -> memref<1x256x2x96xf32, #tpu.memory_space<vmem>>
        %gather3A_3262 = tpu.memref_squeeze %gather3A_3261 : memref<1x256x2x96xf32, #tpu.memory_space<vmem>> -> memref<256x2x96xf32, #tpu.memory_space<vmem>>
        %gather3A_3263 = tpu.vector_load_idx %gather3A_3262[%gather3A_2726, %broadcast_in_dim3A_3023, %add3A_3256] : memref<256x2x96xf32, #tpu.memory_space<vmem>>[vector<16xi32>, vector<16xi32>, vector<16xi32>], vector<16xf32>,
        %gather3A_3264 = arith.constant 1 : i32
        %gather3A_3265 = arith.constant 0 : i32
        %gather3A_3266 = arith.constant 0 : i32
        %gather3A_3267 = arith.constant 0 : i32
        %gather3A_3268 = tpu.memref_slice %arg18[%gather3A_3264, %gather3A_3265, %gather3A_3266, %gather3A_3267] : memref<2x256x2x96xf32, #tpu.memory_space<vmem>> -> memref<1x256x2x96xf32, #tpu.memory_space<vmem>>
        %gather3A_3269 = tpu.memref_squeeze %gather3A_3268 : memref<1x256x2x96xf32, #tpu.memory_space<vmem>> -> memref<256x2x96xf32, #tpu.memory_space<vmem>>
        %gather3A_3270 = tpu.vector_load_idx %gather3A_3269[%gather3A_2731, %broadcast_in_dim3A_3023, %add3A_3256] : memref<256x2x96xf32, #tpu.memory_space<vmem>>[vector<16xi32>, vector<16xi32>, vector<16xi32>], vector<16xf32>,
        %gather3A_3271 = arith.constant 1 : i32
        %gather3A_3272 = arith.constant 0 : i32
        %gather3A_3273 = arith.constant 0 : i32
        %gather3A_3274 = arith.constant 0 : i32
        %gather3A_3275 = tpu.memref_slice %arg18[%gather3A_3271, %gather3A_3272, %gather3A_3273, %gather3A_3274] : memref<2x256x2x96xf32, #tpu.memory_space<vmem>> -> memref<1x256x2x96xf32, #tpu.memory_space<vmem>>
        %gather3A_3276 = tpu.memref_squeeze %gather3A_3275 : memref<1x256x2x96xf32, #tpu.memory_space<vmem>> -> memref<256x2x96xf32, #tpu.memory_space<vmem>>
        %gather3A_3277 = tpu.vector_load_idx %gather3A_3276[%gather3A_2736, %broadcast_in_dim3A_3023, %add3A_3256] : memref<256x2x96xf32, #tpu.memory_space<vmem>>[vector<16xi32>, vector<16xi32>, vector<16xi32>], vector<16xf32>,
        %gather3A_3278 = arith.constant 1 : i32
        %gather3A_3279 = arith.constant 0 : i32
        %gather3A_3280 = arith.constant 0 : i32
        %gather3A_3281 = arith.constant 0 : i32
        %gather3A_3282 = tpu.memref_slice %arg18[%gather3A_3278, %gather3A_3279, %gather3A_3280, %gather3A_3281] : memref<2x256x2x96xf32, #tpu.memory_space<vmem>> -> memref<1x256x2x96xf32, #tpu.memory_space<vmem>>
        %gather3A_3283 = tpu.memref_squeeze %gather3A_3282 : memref<1x256x2x96xf32, #tpu.memory_space<vmem>> -> memref<256x2x96xf32, #tpu.memory_space<vmem>>
        %gather3A_3284 = tpu.vector_load_idx %gather3A_3283[%gather3A_2741, %broadcast_in_dim3A_3023, %add3A_3256] : memref<256x2x96xf32, #tpu.memory_space<vmem>>[vector<16xi32>, vector<16xi32>, vector<16xi32>], vector<16xf32>,
        %mul3A_3285 = arith.mulf %gather3A_2706, %gather3A_3263 : vector<16xf32>
        %mul3A_3286 = arith.mulf %gather3A_2711, %gather3A_3270 : vector<16xf32>
        %add3A_3287 = arith.addf %mul3A_3285, %mul3A_3286 : vector<16xf32>
        %mul3A_3288 = arith.mulf %gather3A_2716, %gather3A_3277 : vector<16xf32>
        %add3A_3289 = arith.addf %add3A_3287, %mul3A_3288 : vector<16xf32>
        %mul3A_3290 = arith.mulf %gather3A_2721, %gather3A_3284 : vector<16xf32>
        %add3A_3291 = arith.addf %add3A_3289, %mul3A_3290 : vector<16xf32>
        %add3A_3292 = arith.constant 96 : i32
        %add3A_3293 = arith.addi %mul3A_2743, %add3A_3292 : i32
        %add3A_3294 = arith.constant 80 : i32
        %add3A_3295 = arith.addi %add3A_3293, %add3A_3294 : i32
        %swap3A_3296 = arith.constant 1 : i32
        %swap3A_3297 = arith.index_cast %swap3A_3296 : i32 to index
        %swap3A_3298 = arith.index_cast %add3A_3295 : i32 to index
        %swap3A_3299 = tpu.vector_load %arg19[%swap3A_3297, %swap3A_3298] {strides = array<i32>} : memref<2x12288xf32, #tpu.memory_space<vmem>>, vector<16xf32>,
        tpu.vector_store %arg19[%swap3A_3297, %swap3A_3298], %add3A_3291 {strides = array<i32>} : memref<2x12288xf32, #tpu.memory_space<vmem>>, vector<16xf32>,
      }
      %scan3A_2688 = arith.constant 64 : i32
      %mul3A_2689 = arith.constant 192 : i32
      %mul3A_2690 = arith.muli %add3A_2677, %mul3A_2689 : i32
      %dma_start3A_2691 = arith.constant 1 : i32
      %dma_start3A_2692 = arith.constant 0 : i32
      %dma_start3A_2693 = tpu.memref_slice %arg19[%dma_start3A_2691, %dma_start3A_2692] : memref<2x12288xf32, #tpu.memory_space<vmem>> -> memref<1x12288xf32, #tpu.memory_space<vmem>>
      %dma_start3A_2694 = tpu.memref_squeeze %dma_start3A_2693 : memref<1x12288xf32, #tpu.memory_space<vmem>> -> memref<12288xf32, #tpu.memory_space<vmem>>
      %dma_start3A_2695 = tpu.memref_slice %arg5[%mul3A_2690] : memref<77070336xf32, #tpu.memory_space<hbm>> -> memref<12288xf32, #tpu.memory_space<hbm>>
      %dma_start3A_2696 = tpu.memref_slice %arg5[%mul3A_2690] : memref<77070336xf32, #tpu.memory_space<hbm>> -> memref<12288xf32, #tpu.memory_space<hbm>>
      %dma_start3A_2697 = arith.constant 0 : i32
      %dma_start3A_2698 = tpu.memref_slice %arg19[%dma_start3A_2691, %dma_start3A_2697] : memref<2x12288xf32, #tpu.memory_space<vmem>> -> memref<1x12288xf32, #tpu.memory_space<vmem>>
      %dma_start3A_2699 = tpu.memref_squeeze %dma_start3A_2698 : memref<1x12288xf32, #tpu.memory_space<vmem>> -> memref<12288xf32, #tpu.memory_space<vmem>>
      tpu.enqueue_dma source(%dma_start3A_2699 : memref<12288xf32, #tpu.memory_space<vmem>>) target(%dma_start3A_2696 : memref<12288xf32, #tpu.memory_space<hbm>>) target_semaphore(%arg23 : memref<!tpu.dma_semaphore, #tpu.memory_space<semaphore_mem>>)
      scf.yield %select_n3A_2652 : i32
    }
    %scan3A_997 = arith.constant 98 : i32
    %while3A_998 = arith.constant 0 : i32
    %while3A_999 = arith.constant 0 : i32
    %while3A_1000 = arith.subi %scan3A_996, %while3A_999 : i32
    %while3A_1001 = arith.addi %while3A_999, %while3A_1000 : i32
    %while3A_1002 = arith.constant 1 : i32
    %while3A_1003 = arith.divsi %while3A_1000, %while3A_1002 : i32
    %while3A_1004 = arith.muli %while3A_1003, %while3A_1002 : i32
    %while3A_1005 = arith.addi %while3A_999, %while3A_1004 : i32
    %while3A_1006 = arith.constant 1 : i32
    scf.for %while3A_1033 = %while3A_999 to %while3A_1005 step %while3A_1006  : i32 {
      %mul3A_1034 = arith.constant 32 : i32
      %mul3A_1035 = arith.muli %while3A_1033, %mul3A_1034 : i32
      %mul3A_1036 = arith.constant 32 : i32
      %mul3A_1037 = arith.muli %while3A_1033, %mul3A_1036 : i32
      %dma_wait3A_1038 = arith.constant 0 : i32
      %dma_wait3A_1039 = arith.constant 0 : i32
      %dma_wait3A_1040 = arith.constant 0 : i32
      %dma_wait3A_1041 = arith.constant 0 : i32
      %dma_wait3A_1042 = tpu.memref_slice %arg18[%dma_wait3A_1039, %mul3A_1037, %dma_wait3A_1040, %dma_wait3A_1041] : memref<2x256x2x96xf32, #tpu.memory_space<vmem>> -> memref<1x32x2x96xf32, #tpu.memory_space<vmem>>
      %dma_wait3A_1043 = tpu.memref_squeeze %dma_wait3A_1042 : memref<1x32x2x96xf32, #tpu.memory_space<vmem>> -> memref<32x2x96xf32, #tpu.memory_space<vmem>>
      %dma_wait3A_1044 = tpu.memref_slice %arg17[%dma_wait3A_1038, %mul3A_1035] : memref<2x256xi32, #tpu.memory_space<vmem>> -> memref<1x32xi32, #tpu.memory_space<vmem>>
      %dma_wait3A_1045 = tpu.memref_squeeze %dma_wait3A_1044 : memref<1x32xi32, #tpu.memory_space<vmem>> -> memref<32xi32, #tpu.memory_space<vmem>>
      %dma_wait3A_1046 = arith.constant 0 : i32
      %dma_wait3A_1047 = arith.constant 0 : i32
      %dma_wait3A_1048 = arith.constant 0 : i32
      %dma_wait3A_1049 = tpu.memref_slice %arg4[%dma_wait3A_1046, %dma_wait3A_1047, %dma_wait3A_1048] : memref<401408x2x96xf32, #tpu.memory_space<hbm>> -> memref<401408x2x96xf32, #tpu.memory_space<hbm>>
      tpu.wait_indirect_dma semaphore(%arg20 : memref<!tpu.dma_semaphore, #tpu.memory_space<semaphore_mem>>) src(%dma_wait3A_1049 : memref<401408x2x96xf32, #tpu.memory_space<hbm>>) dst(%dma_wait3A_1043 : memref<32x2x96xf32, #tpu.memory_space<vmem>>)
    }
    %while3A_1007 = arith.constant 1 : i32
    scf.for %while3A_1033 = %while3A_1005 to %while3A_1001 step %while3A_1007  : i32 {
      %mul3A_1034 = arith.constant 32 : i32
      %mul3A_1035 = arith.muli %while3A_1033, %mul3A_1034 : i32
      %mul3A_1036 = arith.constant 32 : i32
      %mul3A_1037 = arith.muli %while3A_1033, %mul3A_1036 : i32
      %dma_wait3A_1038 = arith.constant 0 : i32
      %dma_wait3A_1039 = arith.constant 0 : i32
      %dma_wait3A_1040 = arith.constant 0 : i32
      %dma_wait3A_1041 = arith.constant 0 : i32
      %dma_wait3A_1042 = tpu.memref_slice %arg18[%dma_wait3A_1039, %mul3A_1037, %dma_wait3A_1040, %dma_wait3A_1041] : memref<2x256x2x96xf32, #tpu.memory_space<vmem>> -> memref<1x32x2x96xf32, #tpu.memory_space<vmem>>
      %dma_wait3A_1043 = tpu.memref_squeeze %dma_wait3A_1042 : memref<1x32x2x96xf32, #tpu.memory_space<vmem>> -> memref<32x2x96xf32, #tpu.memory_space<vmem>>
      %dma_wait3A_1044 = tpu.memref_slice %arg17[%dma_wait3A_1038, %mul3A_1035] : memref<2x256xi32, #tpu.memory_space<vmem>> -> memref<1x32xi32, #tpu.memory_space<vmem>>
      %dma_wait3A_1045 = tpu.memref_squeeze %dma_wait3A_1044 : memref<1x32xi32, #tpu.memory_space<vmem>> -> memref<32xi32, #tpu.memory_space<vmem>>
      %dma_wait3A_1046 = arith.constant 0 : i32
      %dma_wait3A_1047 = arith.constant 0 : i32
      %dma_wait3A_1048 = arith.constant 0 : i32
      %dma_wait3A_1049 = tpu.memref_slice %arg4[%dma_wait3A_1046, %dma_wait3A_1047, %dma_wait3A_1048] : memref<401408x2x96xf32, #tpu.memory_space<hbm>> -> memref<401408x2x96xf32, #tpu.memory_space<hbm>>
      tpu.wait_indirect_dma semaphore(%arg20 : memref<!tpu.dma_semaphore, #tpu.memory_space<semaphore_mem>>) src(%dma_wait3A_1049 : memref<401408x2x96xf32, #tpu.memory_space<hbm>>) dst(%dma_wait3A_1043 : memref<32x2x96xf32, #tpu.memory_space<vmem>>)
    }
    %add3A_1008 = arith.constant 12416 : i32
    %add3A_1009 = arith.addi %mul3A_2, %add3A_1008 : i32
    %mul3A_1010 = arith.constant 192 : i32
    %mul3A_1011 = arith.muli %add3A_1009, %mul3A_1010 : i32
    %dma_wait3A = arith.constant 0 : i32
    %dma_wait3A_1012 = arith.constant 0 : i32
    %dma_wait3A_1013 = tpu.memref_slice %arg19[%dma_wait3A, %dma_wait3A_1012] : memref<2x12288xf32, #tpu.memory_space<vmem>> -> memref<1x12288xf32, #tpu.memory_space<vmem>>
    %dma_wait3A_1014 = tpu.memref_squeeze %dma_wait3A_1013 : memref<1x12288xf32, #tpu.memory_space<vmem>> -> memref<12288xf32, #tpu.memory_space<vmem>>
    %dma_wait3A_1015 = tpu.memref_slice %arg5[%mul3A_1011] : memref<77070336xf32, #tpu.memory_space<hbm>> -> memref<12288xf32, #tpu.memory_space<hbm>>
    %dma_wait3A_1016 = tpu.memref_slice %arg5[%mul3A_1011] : memref<77070336xf32, #tpu.memory_space<hbm>> -> memref<12288xf32, #tpu.memory_space<hbm>>
    %dma_wait3A_1017 = arith.constant 0 : i32
    %dma_wait3A_1018 = tpu.memref_slice %arg19[%dma_wait3A, %dma_wait3A_1017] : memref<2x12288xf32, #tpu.memory_space<vmem>> -> memref<1x12288xf32, #tpu.memory_space<vmem>>
    %dma_wait3A_1019 = tpu.memref_squeeze %dma_wait3A_1018 : memref<1x12288xf32, #tpu.memory_space<vmem>> -> memref<12288xf32, #tpu.memory_space<vmem>>
    tpu.wait_dma2 semaphore(%arg22 : memref<!tpu.dma_semaphore, #tpu.memory_space<semaphore_mem>>) src(%dma_wait3A_1019 : memref<12288xf32, #tpu.memory_space<vmem>>) dst(%dma_wait3A_1016 : memref<12288xf32, #tpu.memory_space<hbm>>)
    %add3A_1020 = arith.constant 64 : i32
    %add3A_1021 = arith.addi %add3A_1009, %add3A_1020 : i32
    %mul3A_1022 = arith.constant 192 : i32
    %mul3A_1023 = arith.muli %add3A_1021, %mul3A_1022 : i32
    %dma_wait3A_1024 = arith.constant 1 : i32
    %dma_wait3A_1025 = arith.constant 0 : i32
    %dma_wait3A_1026 = tpu.memref_slice %arg19[%dma_wait3A_1024, %dma_wait3A_1025] : memref<2x12288xf32, #tpu.memory_space<vmem>> -> memref<1x12288xf32, #tpu.memory_space<vmem>>
    %dma_wait3A_1027 = tpu.memref_squeeze %dma_wait3A_1026 : memref<1x12288xf32, #tpu.memory_space<vmem>> -> memref<12288xf32, #tpu.memory_space<vmem>>
    %dma_wait3A_1028 = tpu.memref_slice %arg5[%mul3A_1023] : memref<77070336xf32, #tpu.memory_space<hbm>> -> memref<12288xf32, #tpu.memory_space<hbm>>
    %dma_wait3A_1029 = tpu.memref_slice %arg5[%mul3A_1023] : memref<77070336xf32, #tpu.memory_space<hbm>> -> memref<12288xf32, #tpu.memory_space<hbm>>
    %dma_wait3A_1030 = arith.constant 0 : i32
    %dma_wait3A_1031 = tpu.memref_slice %arg19[%dma_wait3A_1024, %dma_wait3A_1030] : memref<2x12288xf32, #tpu.memory_space<vmem>> -> memref<1x12288xf32, #tpu.memory_space<vmem>>
    %dma_wait3A_1032 = tpu.memref_squeeze %dma_wait3A_1031 : memref<1x12288xf32, #tpu.memory_space<vmem>> -> memref<12288xf32, #tpu.memory_space<vmem>>
    tpu.wait_dma2 semaphore(%arg23 : memref<!tpu.dma_semaphore, #tpu.memory_space<semaphore_mem>>) src(%dma_wait3A_1032 : memref<12288xf32, #tpu.memory_space<vmem>>) dst(%dma_wait3A_1029 : memref<12288xf32, #tpu.memory_space<hbm>>)
    return
  }
}

</mosaic_0001>

<sc_bundles>
// kernel: _sc_sample.3.cloned.1.call-start
scs
__scs_entry_jumppad:
0x0: {  	(pc) =	sbr.rel $0x88, $3  }
0x1: {  	(tag) =	ssettag $0x0;
	lr =	simm.s32 $0x1  }
0x2: {  	[smem:$0x3F9E] =	sst lr;
	_ =	strace $0xD0000000  }
0x3: {  	_ = 	snop  }
0x4: {  	_ = 	snop  }
0x5: {  	_ = 	snop  }
0x6: {  	_ = 	snop  }
0x7: {  	_ = 	snop  }
__scs_overlays_trampoline_lowered:
0x8: {  	[smem:$0x3FAD] =	sst s0  }
0x9: {  	[smem:$0x3FAE] =	sst s1  }
0xa: {  	[smem:$0x3FAF] =	sst s2  }
0xb: {  	[smem:$0x3FB0] =	sst s3  }
0xc: {  	[smem:$0x3FB1] =	sst s4  }
0xd: {  	[smem:$0x3FB2] =	sst s5  }
0xe: {  	[smem:$0x3FB3] =	sst s6  }
0xf: {  	[smem:$0x3FB4] =	sst s7  }
0x10: {  	[smem:$0x3FB5] =	sst s8  }
0x11: {  	[smem:$0x3FB6] =	sst s9;
	s0 =	simm.s32 @!p0 $0x0  }
0x12: {  	s1 =	sld [smem:$0x3F9C];
	s0 =	simm.s32 @p0 $0x1  }
0x13: {  	[smem:$0x3FB7] =	sst s0;
	s0 =	simm.s32 @!p1 $0x0  }
0x14: {  	s2 =	sld [smem:$0x3F9B];
	s0 =	simm.s32 @p1 $0x1  }
0x15: {  	[smem:$0x3FB8] =	sst s0;
	s0 =	simm.s32 @!p2 $0x0  }
0x16: {  	s3 =	sld [smem:$0x3FDB];
	s0 =	simm.s32 @p2 $0x1  }
0x17: {  	s4 =	simm.s32 $0x1BF5;
	[smem:$0x3FBA] =	sst s0  }
0x18: {  	s0 =	sld [smem:$0x3F9D];
	_ =	swait.ge [sflag:s4], $0x0  }
0x19: {  	s7 =	sld [smem:$0x3F9E]  }
0x1a: {  	s8 =	sadd.s32 $0xFFFFE003, lr  }
0x1b: {  	s9 =	sadd.s32 $0xFFFFFEF7, lr;
	s5 =	simm.s32 $0xFFFFFFFF;
	p2 =	slt.u32 s8, $0xFFFFF086  }
0x1c: {  	p1 =	slt.u32 s9, $0xF7A;
	s5 =	simm.s32 @!p2 $0x0  }
0x1d: {  	s5 =	simm.s32 @p1 $0x1;
	p0 =	seq.s32 s7, s2  }
0x1e: {  	s7 =	smul.u32 @!p0 $0xF7A, s2;
	p2 =	seq.s32 @!p0 s5, $0x0  }
0x1f: {  	s9 =	smul.u32 $0xF7A, s1;
	s8 =	simm.s32 @!p0 $0x1BF5;
	p2 =	por !p2, p0  }
0x20: {  	[sflag:s8] =	ssyncset.s32 @!p0 $0xFFFFF086;
	s6 =	sadd.s32 @!p0 s3, s7;
	s7 =	simm.s32 @!p0 $0x108  }
0x21: {  	s3 =	sadd.s32 s3, s9;
	s6 =	sadd.s32 @!p0 $0x88, s6;
	s7 =	simm.s32 @p2 $0x1082  }
0x22: {  	[simem:s7], [sflag:s8] =	dma.local @!p0 [hbm:s6], $0xF7A  }
0x23: {  	s9 =	sor.u32 $0xD0000000, s2;
	s6 =	simm.s32 $0x108;
	_ =	swait.ge @!p0 [sflag:s8], $0x0  }
0x24: {  	s3 =	sadd.s32 $0x88, s3;
	s6 =	simm.s32 @!p1 $0x1082;
	[sflag:s4] =	ssyncset.s32 $0xFFFFF086  }
0x25: {  	[simem:s6], [sflag:s4] =	dma.local [hbm:s3], $0xF7A  }
0x26: {  	[smem:$0x3F9E] =	sst s1;
	(tag) =	ssettag s2;
	_ =	strace s9  }
0x27: {  	s1 =	sld [smem:$0x3FAE]  }
0x28: {  	s2 =	sld [smem:$0x3FAF]  }
0x29: {  	s4 =	sld [smem:$0x3FB1]  }
0x2a: {  	p0 =	seq.s32 s5, $0x0;
	s5 =	sld [smem:$0x3FB2]  }
0x2b: {  	s6 =	sld [smem:$0x3FB3]  }
0x2c: {  	s7 =	sld [smem:$0x3FB4]  }
0x2d: {  	s3 =	simm.s32 $0x108;
	s8 =	sld [smem:$0x3FB5]  }
0x2e: {  	s3 =	simm.s32 @!p0 $0x1082;
	s9 =	sld [smem:$0x3FB6]  }
0x2f: {  	lr =	sadd.s32 s0, s3;
	s0 =	sld [smem:$0x3FAD]  }
0x30: {  	s3 =	sld [smem:$0x3FB0]  }
0x31: {  	[smem:$0x3FB9] =	sst s10  }
0x32: {  	s10 =	sld [smem:$0x3FB7];
	_ =	sdelay $0x3  }
0x33: {  	p0 =	seq.s32 s10, $0x1;
	s10 =	sld [smem:$0x3FB9];
	_ =	sdelay $0x3  }
0x34: {  	[smem:$0x3FB9] =	sst s10  }
0x35: {  	s10 =	sld [smem:$0x3FB8];
	_ =	sdelay $0x3  }
0x36: {  	p1 =	seq.s32 s10, $0x1;
	s10 =	sld [smem:$0x3FB9];
	_ =	sdelay $0x3  }
0x37: {  	[smem:$0x3FB9] =	sst s10  }
0x38: {  	s10 =	sld [smem:$0x3FBA]  }
0x39: {  	_ = 	snop;
	(pc) =	sbr.ind lr, $3  }
0x3a: {  	_ = 	snop  }
0x3b: {  	_ = 	snop  }
0x3c: {  	p2 =	seq.s32 s10, $0x1;
	s10 =	sld [smem:$0x3FB9]  }
0x3d: {  	_ =	shalt  }
0x3e: {  	_ =	shalt  }
0x3f: {  	_ =	shalt  }
0x40: {  	_ =	shalt  }
0x41: {  	_ =	shalt  }
0x42: {  	_ =	shalt  }
0x43: {  	_ =	shalt  }
0x44: {  	_ =	shalt  }
0x45: {  	_ =	shalt  }
0x46: {  	_ =	shalt  }
0x47: {  	_ =	shalt  }
0x48: {  	_ =	shalt  }
0x49: {  	_ =	shalt  }
0x4a: {  	_ =	shalt  }
0x4b: {  	_ =	shalt  }
0x4c: {  	_ =	shalt  }
0x4d: {  	_ =	shalt  }
0x4e: {  	_ =	shalt  }
0x4f: {  	_ =	shalt  }
0x50: {  	_ =	shalt  }
0x51: {  	_ =	shalt  }
0x52: {  	_ =	shalt  }
0x53: {  	_ =	shalt  }
0x54: {  	_ =	shalt  }
0x55: {  	_ =	shalt  }
0x56: {  	_ =	shalt  }
0x57: {  	_ =	shalt  }
0x58: {  	_ =	shalt  }
0x59: {  	_ =	shalt  }
0x5a: {  	_ =	shalt  }
0x5b: {  	_ =	shalt  }
0x5c: {  	_ =	shalt  }
0x5d: {  	_ =	shalt  }
0x5e: {  	_ =	shalt  }
0x5f: {  	_ =	shalt  }
0x60: {  	_ =	shalt  }
0x61: {  	_ =	shalt  }
0x62: {  	_ =	shalt  }
0x63: {  	_ =	shalt  }
0x64: {  	_ =	shalt  }
0x65: {  	_ =	shalt  }
0x66: {  	_ =	shalt  }
0x67: {  	_ =	shalt  }
0x68: {  	_ =	shalt  }
0x69: {  	_ =	shalt  }
0x6a: {  	_ =	shalt  }
0x6b: {  	_ =	shalt  }
0x6c: {  	_ =	shalt  }
0x6d: {  	_ =	shalt  }
0x6e: {  	_ =	shalt  }
0x6f: {  	_ =	shalt  }
0x70: {  	_ =	shalt  }
0x71: {  	_ =	shalt  }
0x72: {  	_ =	shalt  }
0x73: {  	_ =	shalt  }
0x74: {  	_ =	shalt  }
0x75: {  	_ =	shalt  }
0x76: {  	_ =	shalt  }
0x77: {  	_ =	shalt  }
0x78: {  	_ =	shalt  }
0x79: {  	_ =	shalt  }
0x7a: {  	_ =	shalt  }
0x7b: {  	_ =	shalt  }
0x7c: {  	_ =	shalt  }
0x7d: {  	_ =	shalt  }
0x7e: {  	_ =	shalt  }
0x7f: {  	_ =	shalt  }
0x80: {  	_ =	shalt  }
0x81: {  	_ =	shalt  }
0x82: {  	_ =	shalt  }
0x83: {  	_ =	shalt  }
0x84: {  	_ =	shalt  }
0x85: {  	_ =	shalt  }
0x86: {  	_ =	shalt  }
0x87: {  	_ =	shalt  }
.Lfunc_end0:
.L_simem_size_0:
called_computation_lowered:
.L_overlay_start_0:
0x88: {  	s2 =	sld [smem:$0x3FD9]  }
0x89: {  	s3 =	sld [smem:$0x3FFE];
	_ =	sdelay $0x1  }
0x8a: {  	s1 =	srdreg.scid  }
0x8b: {  	s0 =	sand.u32 $0x1, s1  }
0x8c: {  	s17 =	sshll.u32 s0, $0xA;
	s2 =	sadd.s32 s3, s2  }
0x8d: {  	s2 =	sadd.s32 s2, s17  }
0x8e: {  	[smem:$0x3FC5] =	sst s2  }
0x8f: {  	_ = 	snop  }
0x90: {  	s2 =	sld [smem:$0x3FC9]  }
0x91: {  	s18 =	sld [smem:$0x3FC8]  }
0x92: {  	s4 =	sld [smem:$0x3FD0];
	(tm) =	ssettm $0x1  }
0x93: {  	s5 =	sld [smem:$0x3FFB];
	_ =	sdelay $0x3  }
0x94: {  	_ =	strace s5  }
0x95: {  	s5 =	sld [smem:$0x3FFC];
	_ =	sdelay $0x3  }
0x96: {  	_ =	strace s5  }
0x97: {  	s5 =	sld [smem:$0x3FFD];
	_ =	sdelay $0x3  }
0x98: {  	_ =	strace s5  }
0x99: {  	_ =	strace $0x8FFFFFFF  }
0x9a: {  	s19 =	sld [smem:$0x3FDB];
	_ =	sdelay $0x1  }
0x9b: {  	s6 =	simm.s32 $_scs_section_size  }
0x9c: {  	s7 =	simm.s32 $_size__tile_overlayer_lowered;
	s8 =	simm.s32 $_tile_overlayer_lowered  }
0x9d: {  	s22 =	simm.s32 $0x1BFF;
	s21 =	sshll.u32 s8, $0x1;
	s5 =	sadd.s32 s6, s19  }
0x9e: {  	s9 =	simm.s32 $0x0;
	s20 =	sshll.u32 s7, $0x1;
	s7 =	sadd.s32 s21, s5  }
0x9f: {  	[timem:s9], [sflag:s22] =	dma.local [hbm:s7], s20  }
0xa0: {  	_ =	swait.ge [sflag:s22], s20  }
0xa1: {  	s6 =	ssub.s32 $0x0, s20;
	[sflag:s22] =	ssyncset.done $0x0  }
0xa2: {  	[sflag:s22] =	ssyncadd.s32 s6;
	_ =	sdelay $0x1  }
0xa3: {  	s23 =	simm.s32 $0x1B8B  }
0xa4: {  	_ =	swait.ge [sflag:s23], $0x1  }
0xa5: {  	[sflag:s23] =	ssyncset.done $0x0  }
0xa6: {  	s25 =	simm.s32 $0x1B8E;
	s24 =	sld [smem:$0x3FFE];
	[sflag:s23] =	ssyncadd.s32 $0xFFFFFFFF  }
0xa7: {  	s26 =	simm.s32 $execute0_lowered;
	[smem:$0x3FD2] =	sst s25  }
0xa8: {  	s7 =	sshll.u32 s26, $0x1;
	_ =	strace $0x80000046;
	[dreg:$0x1] =	wrdreg $0xFFFFFFFF  }
0xa9: {  	s28 =	simm.s32 $_size_execute0_lowered;
	s5 =	sadd.s32 s5, s7;
	[dreg:$0x0] =	wrdreg $0x0  }
0xaa: {  	s7 =	sshll.u32 s28, $0x1;
	[dreg:$0x2] =	wrdreg s5  }
0xab: {  	[dreg:$0x3] =	wrdreg s7  }
0xac: {  	[dreg:$0x4] =	wrdreg $0xC0  }
0xad: {  	_ =	task [dreg:s9], $0x5FFFF  }
0xae: {  	[dreg:$0x1] =	wrdreg $0xFFFFFFFF  }
0xaf: {  	[dreg:$0x0] =	wrdreg $0x60  }
0xb0: {  	[dreg:$0x2] =	wrdreg s2  }
0xb1: {  	[dreg:$0x3] =	wrdreg s18  }
0xb2: {  	[dreg:$0x4] =	wrdreg s24  }
0xb3: {  	[dreg:$0x5] =	wrdreg s4  }
0xb4: {  	[dreg:$0x6] =	wrdreg $0x9  }
0xb5: {  	_ =	task.clear_ibuf [dreg:s9], $0x7FFFF;
	_ =	strace $0x90000046  }
0xb6: {  	s29 =	simm.s32 $0x9;
	_ =	strace $0x80000048  }
0xb7: {  	_ =	swait.ge [sflag:s29], $0x1  }
0xb8: {  	[sflag:s29] =	ssyncadd.s32 $0xFFFFFFFF  }
0xb9: {  	_ =	strace $0x90000048  }
0xba: {  	_ =	sfence  }
0xbb: {  	s30 =	sld [smem:$0x0];
	_ =	sdelay $0x2  }
0xbc: {  	s31 =	sshll.u32 s1, $0xD;
	s1 =	sshrl.u32 s1, $0x2  }
0xbd: {  	s3 =	sand.u32 $0x4000, s31;
	s1 =	sadd.s32 s1, s30  }
0xbe: {  	s0 =	sor.u32 s3, s0;
	s1 =	sshll.u32 s1, $0x11  }
0xbf: {  	s0 =	sor.u32 s1, s0  }
0xc0: {  	s0 =	sadd.s32 $0x8F2B, s0  }
0xc1: {  	[sflag:s0] =	ssyncadd.remote.s32 $0x1  }
0xc2: {  	_ =	sfence.sel $0xFFFF  }
0xc3: {  	[dreg:$0x0] =	wrdreg $0xFFFFFFFF;
	(pc) =	sbr.abs _section_cstart, $3  }
0xc4: {  	[dreg:$0x1] =	wrdreg $0xFFFFFFFF  }
0xc5: {  	_ =	task.clear_ibuf [dreg:s9], $0x2FFFF;
	_ =	strace $0x9FFFFFFF  }
0xc6: {  	(tm) =	ssettm $0x7FFFFFFF  }
0xc7: {  	_ =	shalt  }
tec
execute0_lowered:
.L_overlay_start_1:
0x0: {  	(tag) =	ssettag $0x1  }
0x1: {  	s3 =	rddreg [dreg:$0x0]  }
0x2: {  	s4 =	rddreg [dreg:$0x1]  }
0x3: {  	s0 =	rddreg [dreg:$0x2];
	s1 =	srdreg.scid  }
0x4: {  	s5 =	stileid.u32;
	s19 =	simm.s32 $0x0;
	s12 =	simm.s32 $0x5  }
0x5: {  	s15 =	simm.s32 $0x1;
	s20 =	simm.s32 $0x180;
	s21 =	simm.s32 $0x200  }
0x6: {  	s22 =	simm.s32 $0x280;
	s23 =	simm.s32 $0x300;
	s24 =	simm.s32 $0x380  }
0x7: {  	s28 =	simm.s32 $0x500;
	s29 =	simm.s32 $0x780;
	s31 =	simm.s32 $0x2  }
0x8: {  	s8 =	simm.s32 $0x2C0;
	s9 =	simm.s32 $0x340;
	s11 =	simm.s32 $0x3C0  }
0x9: {  	s30 =	simm.s32 $0x540;
	s13 =	simm.s32 $0xC780;
	s1 =	sand.u32 $0x1, s1  }
0xa: {  	s2 =	sshll.u32 s5, $0x1;
	[smem:$0x7FF] =	sst s19;
	s7 =	sadd.s32 $0xC40400, s0  }
0xb: {  	v0 =	vimm.s32 $0xEDCBA987;
	s17 =	sshrl.u32 s5, $0x1;
	s5 =	simm.s32 $0x0;
	s2 =	sor.u32 s1, s2  }
0xc: {  	v0 =	vunpack.c.l.s4.s8 v0;
	_ =	strace $0x80000047;
	s1 =	ssub.s32 $0x2, s1;
	s18 =	smul.u32 $0xC400, s17  }
0xd: {  	v1 =	vimm.s32 $0x65432100;
	s17 =	simm.s32 $0x440;
	s6 =	smul.u32 $0x3100, s2;
	s16 =	sshrl.u32 s1, $0x1  }
0xe: {  	v1 =	vunpack.c.l.s4.s8 v1;
	v2 =	vunpack.c.0.s8.s32 v0;
	s0 =	ssub.s32 s1, s16;
	s16 =	simm.s32 $0x20;
	v0 =	vmov s18;
	s18 =	simm.s32 $0x4C0  }
.Ltmp0:
0xf: {  	[dreg:$0x5] =	wrdreg s6;
	s26 =	sor.u32 $0x80, s6;
	(pc) =	sbr.rel .LBB2_1-.Ltmp0, $4  }
0x10: {  	v3 =	vunpack.c.0.s8.s32 v1;
	s25 =	sshrl.u32 s6, $0x3;
	s0 =	smax.u32 s0, $0x1;
	[dreg:$0x8] =	wrdreg s26  }
0x11: {  	vm0 =	vmmov $0x1;
	v2 =	vand.u32 $0xF, v2;
	s3 =	sadd.s32 s3, s25;
	s2 =	sadd.s32 s4, s25;
	[dreg:$0x9] =	wrdreg s0  }
0x12: {  	v1 =	vimm.s32 $0x0;
	s25 =	simm.s32 $0x400;
	s26 =	simm.s32 $0x480;
	v2 =	vcombine.low v3, v2;
	v3 =	vlaneseq.u32;
	[dreg:$0x6] =	wrdreg s3  }
0x13: {  	s0 =	simm.s32 $0x1C0;
	[dreg:$0x7] =	wrdreg s2;
	s3 =	simm.s32 $0x240;
	v4 =	vadd.s32 $0xF, v3;
	v5 =	vadd.s32 $0x1F, v3;
	v6 =	vadd.s32 $0x2F, v3  }
.LBB2_23:
0x14: {  	[sflag:s15] =	ssyncadd.s32 $0xFFFFE800;
	s5 =	rddreg [dreg:$0xa]  }
.LBB2_24:
0x15: {  	s1 =	simm.s32 $0x3  }
0x16: {  	_ =	swait.ge [sflag:s1], $0x3000  }
0x17: {  	[sflag:s1] =	ssyncset.done $0x0  }
0x18: {  	s2 =	simm.s32 $0x4;
	[sflag:s1] =	ssyncadd.s32 $0xFFFFD000  }
0x19: {  	_ =	swait.ge [sflag:s2], $0x3000  }
0x1a: {  	s5 =	sadd.s32 $0x1, s5;
	s14 =	rddreg [dreg:$0x9]  }
0x1b: {  	p0 =	sne.s32 s5, s14  }
.Ltmp1:
0x1c: {  	_ = 	snop;
	(pc) =	sbr.rel @!p0 .LBB2_25-.Ltmp1, $3  }
0x1d: {  	_ =	sdelay $0x1  }
0x1e: {  	[sflag:s2] =	ssyncset.done $0x0  }
0x1f: {  	[sflag:s2] =	ssyncadd.s32 $0xFFFFD000  }
.LBB2_1:
0x20: {  	[tilespmem:$0x580] =	vst v1  }
0x21: {  	[tilespmem:$0x590] =	vst v1  }
0x22: {  	[tilespmem:$0x5A0] =	vst v1  }
0x23: {  	[tilespmem:$0x5B0] =	vst v1  }
0x24: {  	[tilespmem:$0x5C0] =	vst v1  }
0x25: {  	[tilespmem:$0x5D0] =	vst v1  }
0x26: {  	[tilespmem:$0x5E0] =	vst v1  }
0x27: {  	[tilespmem:$0x5F0] =	vst v1  }
0x28: {  	[tilespmem:$0x600] =	vst v1  }
0x29: {  	[tilespmem:$0x610] =	vst v1  }
0x2a: {  	[tilespmem:$0x620] =	vst v1  }
0x2b: {  	[tilespmem:$0x630] =	vst v1  }
0x2c: {  	[tilespmem:$0x640] =	vst v1  }
0x2d: {  	[tilespmem:$0x650] =	vst v1  }
0x2e: {  	[tilespmem:$0x660] =	vst v1  }
0x2f: {  	[tilespmem:$0x670] =	vst v1  }
0x30: {  	[tilespmem:$0x680] =	vst v1  }
0x31: {  	[tilespmem:$0x690] =	vst v1  }
0x32: {  	[tilespmem:$0x6A0] =	vst v1  }
0x33: {  	[tilespmem:$0x6B0] =	vst v1  }
0x34: {  	[tilespmem:$0x6C0] =	vst v1  }
0x35: {  	[tilespmem:$0x6D0] =	vst v1  }
0x36: {  	[tilespmem:$0x6E0] =	vst v1  }
0x37: {  	[tilespmem:$0x6F0] =	vst v1  }
0x38: {  	[tilespmem:$0x700] =	vst v1  }
0x39: {  	[tilespmem:$0x710] =	vst v1  }
0x3a: {  	[tilespmem:$0x720] =	vst v1  }
0x3b: {  	[tilespmem:$0x730] =	vst v1  }
0x3c: {  	[tilespmem:$0x740] =	vst v1  }
0x3d: {  	[tilespmem:$0x750] =	vst v1  }
0x3e: {  	[dreg:$0xa] =	wrdreg s5;
	[tilespmem:$0x760] =	vst v1  }
0x3f: {  	[tilespmem:$0x770] =	vst v1;
	s1 =	rddreg [dreg:$0x6]  }
0x40: {  	[tilespmem:s19], [sflag:$0x5] =	stream.linear.gather [hbm4b:s1+s19], $0x40, $0x38;
	[tilespmem:$0x1E780] =	vst v63  }
0x41: {  	_ =	swait.ge [sflag:s12], $0x40  }
0x42: {  	[sflag:s12] =	ssyncset.done $0x0  }
0x43: {  	s2 =	simm.s32 $0x80;
	s10 =	rddreg [dreg:$0x7];
	[sflag:s12] =	ssyncadd.s32 $0xFFFFFFC0  }
0x44: {  	[tilespmem:s2], [sflag:$0x5] =	stream.linear.gather [hbm4b:s10+s19], $0x40, $0x38;
	[tilespmem:$0x1E780] =	vst v63  }
0x45: {  	_ =	swait.ge [sflag:s12], $0x40  }
0x46: {  	[sflag:s12] =	ssyncset.done $0x0  }
0x47: {  	[sflag:s12] =	ssyncadd.s32 $0xFFFFFFC0  }
0x48: {  	v7 =	vld [tilespmem:$0x0]  }
0x49: {  	v8 =	vld [tilespmem:$0x80];
	_ =	sdelay $0x4  }
0x4a: {  	v7 =	vadd.f32 $1.000000000e+00, v7;
	v8 =	vadd.f32 $1.000000000e+00, v8;
	_ =	sdelay $0x1  }
0x4b: {  	v7 =	vmul.f32 $5.000000000e-01, v7;
	v8 =	vmul.f32 $5.000000000e-01, v8;
	_ =	sdelay $0x1  }
0x4c: {  	v7 =	vmul.f32 $2.240000000e+02, v7;
	v8 =	vmul.f32 $2.240000000e+02, v8;
	_ =	sdelay $0x1  }
0x4d: {  	v9 =	vtrunc.f32 v7;
	v10 =	vtrunc.f32 v8  }
0x4e: {  	v9 =	vcvt.f32.s32 v9;
	v10 =	vcvt.f32.s32 v10;
	_ =	sdelay $0x1  }
0x4f: {  	vm1 =	vgt.s32 v9, $0x0;
	v11 =	vadd.s32 $0x1, v9;
	v12 =	vadd.s32 $0x1, v10  }
0x50: {  	v9 =	vnsel vm1, $0x0, v9;
	vm1 =	vgt.s32 v11, $0x0;
	vm2 =	vgt.s32 v12, $0x0  }
0x51: {  	v11 =	vnsel vm1, $0x0, v11;
	vm1 =	vgt.s32 v10, $0x0;
	v12 =	vnsel vm2, $0x0, v12  }
0x52: {  	v9 =	vmin.u32 v9, $0xDF;
	v11 =	vmin.u32 v11, $0xDF;
	v12 =	vmin.u32 v12, $0xDF  }
0x53: {  	v10 =	vnsel vm1, $0x0, v10;
	v13 =	vcvt.s32.f32 v11;
	v14 =	vcvt.s32.f32 v12  }
0x54: {  	v16 =	vcvt.s32.f32 v9;
	v10 =	vmin.u32 v10, $0xDF  }
0x55: {  	v15 =	vcvt.s32.f32 v10;
	v13 =	vsub.f32 v13, v7;
	v14 =	vsub.f32 v14, v8  }
0x56: {  	v7 =	vsub.f32 v7, v16  }
0x57: {  	v8 =	vsub.f32 v8, v15;
	v26 =	vmul.f32 v14, v13  }
0x58: {  	v14 =	vmul.f32 v14, v7  }
0x59: {  	v27 =	vmul.u32 $0xE0, v12;
	v13 =	vmul.f32 v8, v13;
	[tilespmem:$0x180] =	vst v26  }
0x5a: {  	v7 =	vmul.f32 v8, v7;
	[tilespmem:$0x280] =	vst v14  }
0x5b: {  	v8 =	vadd.s32 v0, v27;
	[tilespmem:$0x200] =	vst v13  }
0x5c: {  	[tilespmem:$0x300] =	vst v7;
	v7 =	vadd.s32 v11, v8  }
0x5d: {  	s14 =	simm.s32 $0x100;
	[tilespmem:$0x100] =	vst v7  }
0x5e: {  	v13 =	vld.idx.msk [tilespmem:v2+s14+$0x0], $0xffff  }
0x5f: {  	v28 =	vmul.u32 $0xE0, v10;
	_ =	sdelay $0x1  }
0x60: {  	v14 =	vadd.s32 v0, v28  }
0x61: {  	vm2 =	vne.s32 v11, v9;
	vm1 =	vne.s32 v12, v10;
	v29 =	vadd.s32 v9, v14  }
0x62: {  	v30 =	vsel vm2, $0x1, v1;
	v12 =	vsel vm1, $0x1, v1;
	vm3 =	vne.s32 v29, v13  }
0x63: {  	v31 =	vnsel vm2, $0x0, v12;
	v32 =	vadd.s32 v30, v12;
	vm3 =	vmor vm3, vm0  }
0x64: {  	v16 =	vadd.s32 v31, v32;
	v17 =	vsel vm3, $0x1, v1  }
0x65: {  	v16 =	vadd.s32 v17, v16  }
0x66: {  	(xrf0) =	vadd.scan.msk.s32 $0xffff, v16;
	_ =	sdelay $0x3  }
0x67: {  	vm4 =	vmneg vm3  }
0x68: {  	v33 =	vsel vm4, $0xFFFFFFFF, v1  }
0x69: {  	v16 =	vsub.s32 v33, v16;
	v18, _, _ =	vpop (xrf0)  }
0x6a: {  	v16 =	vadd.s32 v18, v16  }
0x6b: {  	v10 =	vadd.s32 v30, v16  }
0x6c: {  	vm9 =	vmand vm2, vm1;
	v12 =	vadd.s32 v12, v10  }
0x6d: {  	v13 =	vadd.s32 v31, v12  }
0x6e: {  	s1 =	simm.s32 $0x580  }
0x6f: {  	v11 =	vadd.s32 v11, v14;
	[tilespmem:v16+s1+$0x0] =	vst.idx.msk vm3, v29  }
0x70: {  	v8 =	vadd.s32 v9, v8;
	[tilespmem:v10+s1+$0x0] =	vst.idx.msk vm2, v11  }
0x71: {  	[tilespmem:v12+s1+$0x0] =	vst.idx.msk vm1, v8  }
0x72: {  	[tilespmem:v13+s1+$0x0] =	vst.idx.msk vm9, v7  }
0x73: {  	v7 =	vld [tilespmem:$0x10]  }
0x74: {  	v8 =	vld [tilespmem:$0x90];
	_ =	sdelay $0x4  }
0x75: {  	v7 =	vadd.f32 $1.000000000e+00, v7;
	v8 =	vadd.f32 $1.000000000e+00, v8;
	_ =	sdelay $0x1  }
0x76: {  	v7 =	vmul.f32 $5.000000000e-01, v7;
	v8 =	vmul.f32 $5.000000000e-01, v8;
	_ =	sdelay $0x1  }
0x77: {  	v7 =	vmul.f32 $2.240000000e+02, v7;
	v8 =	vmul.f32 $2.240000000e+02, v8;
	_ =	sdelay $0x1  }
0x78: {  	v34 =	vtrunc.f32 v7;
	v35 =	vtrunc.f32 v8  }
0x79: {  	v9 =	vcvt.f32.s32 v34;
	v11 =	vcvt.f32.s32 v35  }
0x7a: {  	v36 =	vxor.u32 $0x80000000, v18  }
0x7b: {  	(xrf0) =	vmax.scan.msk.u32 $0xffff, v36;
	vm3 =	vgt.s32 v9, $0x0;
	v37 =	vadd.s32 $0x1, v9;
	v38 =	vadd.s32 $0x1, v11  }
0x7c: {  	v9 =	vnsel vm3, $0x0, v9;
	vm3 =	vgt.s32 v37, $0x0;
	vm10 =	vgt.s32 v38, $0x0  }
0x7d: {  	v39 =	vnsel vm3, $0x0, v37;
	vm3 =	vgt.s32 v11, $0x0;
	v40 =	vnsel vm10, $0x0, v38  }
0x7e: {  	v9 =	vmin.u32 v9, $0xDF;
	v14 =	vmin.u32 v39, $0xDF;
	v15 =	vmin.u32 v40, $0xDF  }
0x7f: {  	v11 =	vnsel vm3, $0x0, v11;
	v41 =	vcvt.s32.f32 v14;
	v42 =	vcvt.s32.f32 v15  }
0x80: {  	v13 =	vsel vm2, v13, v12;
	v20 =	vcvt.s32.f32 v9;
	v11 =	vmin.u32 v11, $0xDF  }
0x81: {  	v43, _, _ =	vpop (xrf0);
	[tilespmem:$0x380] =	vst v16;
	v19 =	vcvt.s32.f32 v11;
	v17 =	vsub.f32 v41, v7;
	v18 =	vsub.f32 v42, v8  }
0x82: {  	v12 =	vsel vm1, v12, v16;
	(v2sf) =	vpush v43, $0xF;
	[tilespmem:$0x480] =	vst v10;
	v7 =	vsub.f32 v7, v20  }
0x83: {  	v10 =	vsel vm1, v13, v10;
	[tilespmem:$0x400] =	vst v12;
	v8 =	vsub.f32 v8, v19;
	v44 =	vmul.f32 v18, v17  }
0x84: {  	[tilespmem:$0x500] =	vst v10;
	v46 =	vmul.f32 v18, v7  }
0x85: {  	v47 =	vmul.u32 $0xE0, v15;
	v45 =	vmul.f32 v8, v17;
	[tilespmem:$0x190] =	vst v44  }
0x86: {  	v7 =	vmul.f32 v8, v7;
	[tilespmem:$0x290] =	vst v46  }
0x87: {  	v8 =	vadd.s32 v0, v47;
	[tilespmem:$0x210] =	vst v45  }
0x88: {  	[tilespmem:$0x310] =	vst v7;
	v7 =	vadd.s32 v14, v8  }
0x89: {  	[tilespmem:$0x110] =	vst v7  }
0x8a: {  	v10 =	vld.idx.msk [tilespmem:v4+s14+$0x0], $0xffff  }
0x8b: {  	v48 =	vmul.u32 $0xE0, v11;
	_ =	sdelay $0x1  }
0x8c: {  	vm2 =	vne.s32 v14, v9;
	vm1 =	vne.s32 v15, v11;
	v12 =	vadd.s32 v0, v48  }
0x8d: {  	v50 =	vsel vm2, $0x1, v1;
	v15 =	vsel vm1, $0x1, v1;
	v49 =	vadd.s32 v9, v12  }
0x8e: {  	v51 =	vnsel vm2, $0x0, v15;
	v52 =	vadd.s32 v50, v15;
	vm3 =	vne.s32 v49, v10  }
0x8f: {  	v16 =	vadd.s32 v51, v52;
	v53 =	vsel vm3, $0x1, v1  }
0x90: {  	v17 =	vadd.s32 v53, v16  }
0x91: {  	s4 =	spop (v2sf);
	(xrf0) =	vadd.scan.msk.s32 $0xffff, v17  }
0x92: {  	s2 =	sxor.u32 $0x80000000, s4  }
0x93: {  	v54 =	vmov s2  }
0x94: {  	v17 =	vadd.s32 $0xFFFFFFFF, v54  }
0x95: {  	v17 =	vbroadcast v17, $0x0;
	_ =	sdelay $0x1  }
0x96: {  	v16 =	vsub.s32 v17, v16;
	v55, _, _ =	vpop (xrf0)  }
0x97: {  	v16 =	vadd.s32 v55, v16  }
0x98: {  	v13 =	vadd.s32 v50, v16  }
0x99: {  	vm11 =	vmand vm2, vm1;
	v15 =	vadd.s32 v15, v13  }
0x9a: {  	v10 =	vadd.s32 v51, v15;
	_ =	sdelay $0x1  }
0x9b: {  	v12 =	vadd.s32 v14, v12;
	[tilespmem:v16+s1+$0x0] =	vst.idx.msk vm3, v49  }
0x9c: {  	v8 =	vadd.s32 v9, v8;
	[tilespmem:v13+s1+$0x0] =	vst.idx.msk vm2, v12  }
0x9d: {  	[tilespmem:v15+s1+$0x0] =	vst.idx.msk vm1, v8  }
0x9e: {  	[tilespmem:v10+s1+$0x0] =	vst.idx.msk vm11, v7  }
0x9f: {  	v7 =	vld [tilespmem:$0x20]  }
0xa0: {  	v8 =	vld [tilespmem:$0xA0];
	_ =	sdelay $0x4  }
0xa1: {  	v7 =	vadd.f32 $1.000000000e+00, v7;
	v8 =	vadd.f32 $1.000000000e+00, v8;
	_ =	sdelay $0x1  }
0xa2: {  	v7 =	vmul.f32 $5.000000000e-01, v7;
	v8 =	vmul.f32 $5.000000000e-01, v8;
	_ =	sdelay $0x1  }
0xa3: {  	v7 =	vmul.f32 $2.240000000e+02, v7;
	v8 =	vmul.f32 $2.240000000e+02, v8;
	_ =	sdelay $0x1  }
0xa4: {  	v56 =	vtrunc.f32 v7;
	v57 =	vtrunc.f32 v8  }
0xa5: {  	v9 =	vcvt.f32.s32 v56;
	v11 =	vcvt.f32.s32 v57  }
0xa6: {  	v58 =	vxor.u32 $0x80000000, v55  }
0xa7: {  	(xrf0) =	vmax.scan.msk.u32 $0xffff, v58;
	vm3 =	vgt.s32 v9, $0x0;
	v59 =	vadd.s32 $0x1, v9;
	v60 =	vadd.s32 $0x1, v11  }
0xa8: {  	v9 =	vnsel vm3, $0x0, v9;
	vm3 =	vgt.s32 v59, $0x0;
	vm12 =	vgt.s32 v60, $0x0  }
0xa9: {  	v12 =	vnsel vm3, $0x0, v59;
	vm3 =	vgt.s32 v11, $0x0;
	v14 =	vnsel vm12, $0x0, v60  }
0xaa: {  	v9 =	vmin.u32 v9, $0xDF;
	v12 =	vmin.u32 v12, $0xDF;
	v14 =	vmin.u32 v14, $0xDF  }
0xab: {  	v11 =	vnsel vm3, $0x0, v11;
	v61 =	vcvt.s32.f32 v12;
	v62 =	vcvt.s32.f32 v14  }
0xac: {  	v63 =	vsel vm1, v15, v16;
	v21 =	vcvt.s32.f32 v9;
	v11 =	vmin.u32 v11, $0xDF  }
0xad: {  	v25, _, _ =	vpop (xrf0);
	[tilespmem:$0x390] =	vst v16;
	v24 =	vcvt.s32.f32 v11;
	v17 =	vsub.f32 v61, v7;
	v18 =	vsub.f32 v62, v8  }
0xae: {  	v10 =	vsel vm2, v10, v15;
	(v2sf) =	vpush v25, $0xF;
	[tilespmem:$0x490] =	vst v13;
	v7 =	vsub.f32 v7, v21  }
0xaf: {  	[tilespmem:$0x410] =	vst v63;
	v10 =	vsel vm1, v10, v13;
	v8 =	vsub.f32 v8, v24;
	v26 =	vmul.f32 v18, v17  }
0xb0: {  	[tilespmem:$0x510] =	vst v10;
	v28 =	vmul.f32 v18, v7  }
0xb1: {  	v29 =	vmul.u32 $0xE0, v14;
	v27 =	vmul.f32 v8, v17;
	[tilespmem:$0x1A0] =	vst v26  }
0xb2: {  	v7 =	vmul.f32 v8, v7;
	[tilespmem:$0x2A0] =	vst v28  }
0xb3: {  	v8 =	vadd.s32 v0, v29;
	[tilespmem:$0x220] =	vst v27  }
0xb4: {  	[tilespmem:$0x320] =	vst v7;
	v7 =	vadd.s32 v12, v8  }
0xb5: {  	[tilespmem:$0x120] =	vst v7  }
0xb6: {  	v10 =	vld.idx.msk [tilespmem:v5+s14+$0x0], $0xffff  }
0xb7: {  	v30 =	vmul.u32 $0xE0, v11;
	_ =	sdelay $0x1  }
0xb8: {  	vm2 =	vne.s32 v12, v9;
	vm1 =	vne.s32 v14, v11;
	v13 =	vadd.s32 v0, v30  }
0xb9: {  	v32 =	vsel vm2, $0x1, v1;
	v33 =	vsel vm1, $0x1, v1;
	v31 =	vadd.s32 v9, v13  }
0xba: {  	v34 =	vnsel vm2, $0x0, v33;
	v35 =	vadd.s32 v32, v33;
	vm3 =	vne.s32 v31, v10  }
0xbb: {  	v16 =	vadd.s32 v34, v35;
	v36 =	vsel vm3, $0x1, v1  }
0xbc: {  	s4 =	spop (v2sf);
	v17 =	vadd.s32 v36, v16  }
0xbd: {  	s2 =	sadd.s32 s4, s2;
	(xrf0) =	vadd.scan.msk.s32 $0xffff, v17  }
0xbe: {  	s2 =	sadd.s32 $0x80000000, s2  }
0xbf: {  	v37 =	vmov s2  }
0xc0: {  	v17 =	vadd.s32 $0xFFFFFFFF, v37  }
0xc1: {  	v17 =	vbroadcast v17, $0x0;
	_ =	sdelay $0x1  }
0xc2: {  	v16 =	vsub.s32 v17, v16;
	v38, _, _ =	vpop (xrf0)  }
0xc3: {  	v16 =	vadd.s32 v38, v16  }
0xc4: {  	v14 =	vadd.s32 v32, v16  }
0xc5: {  	vm13 =	vmand vm2, vm1;
	v15 =	vadd.s32 v33, v14  }
0xc6: {  	v10 =	vadd.s32 v34, v15;
	_ =	sdelay $0x1  }
0xc7: {  	v12 =	vadd.s32 v12, v13;
	[tilespmem:v16+s1+$0x0] =	vst.idx.msk vm3, v31  }
0xc8: {  	v8 =	vadd.s32 v9, v8;
	[tilespmem:v14+s1+$0x0] =	vst.idx.msk vm2, v12  }
0xc9: {  	[tilespmem:v15+s1+$0x0] =	vst.idx.msk vm1, v8  }
0xca: {  	[tilespmem:v10+s1+$0x0] =	vst.idx.msk vm13, v7  }
0xcb: {  	v7 =	vld [tilespmem:$0x30]  }
0xcc: {  	v8 =	vld [tilespmem:$0xB0];
	_ =	sdelay $0x4  }
0xcd: {  	v7 =	vadd.f32 $1.000000000e+00, v7;
	v8 =	vadd.f32 $1.000000000e+00, v8;
	_ =	sdelay $0x1  }
0xce: {  	v7 =	vmul.f32 $5.000000000e-01, v7;
	v8 =	vmul.f32 $5.000000000e-01, v8;
	_ =	sdelay $0x1  }
0xcf: {  	v7 =	vmul.f32 $2.240000000e+02, v7;
	v8 =	vmul.f32 $2.240000000e+02, v8;
	_ =	sdelay $0x1  }
0xd0: {  	v39 =	vtrunc.f32 v7;
	v40 =	vtrunc.f32 v8  }
0xd1: {  	v9 =	vcvt.f32.s32 v39;
	v11 =	vcvt.f32.s32 v40;
	_ =	sdelay $0x1  }
0xd2: {  	vm3 =	vgt.s32 v9, $0x0;
	v41 =	vadd.s32 $0x1, v9;
	v42 =	vadd.s32 $0x1, v11  }
0xd3: {  	v9 =	vnsel vm3, $0x0, v9;
	vm3 =	vgt.s32 v41, $0x0;
	vm14 =	vgt.s32 v42, $0x0  }
0xd4: {  	v12 =	vnsel vm3, $0x0, v41;
	vm3 =	vgt.s32 v11, $0x0;
	v13 =	vnsel vm14, $0x0, v42  }
0xd5: {  	v9 =	vmin.u32 v9, $0xDF;
	v12 =	vmin.u32 v12, $0xDF;
	v13 =	vmin.u32 v13, $0xDF  }
0xd6: {  	v11 =	vnsel vm3, $0x0, v11;
	v43 =	vcvt.s32.f32 v12;
	v44 =	vcvt.s32.f32 v13  }
0xd7: {  	v45 =	vsel vm1, v15, v16;
	v47 =	vcvt.s32.f32 v9;
	v11 =	vmin.u32 v11, $0xDF  }
0xd8: {  	[tilespmem:$0x3A0] =	vst v16;
	v46 =	vcvt.s32.f32 v11;
	v17 =	vsub.f32 v43, v7;
	v19 =	vsub.f32 v44, v8  }
0xd9: {  	v10 =	vsel vm2, v10, v15;
	[tilespmem:$0x420] =	vst v45;
	v7 =	vsub.f32 v7, v47  }
0xda: {  	[tilespmem:$0x4A0] =	vst v14;
	v10 =	vsel vm1, v10, v14;
	v8 =	vsub.f32 v8, v46;
	v48 =	vmul.f32 v19, v17  }
0xdb: {  	[tilespmem:$0x520] =	vst v10;
	v50 =	vmul.f32 v19, v7  }
0xdc: {  	v51 =	vmul.u32 $0xE0, v13;
	v49 =	vmul.f32 v8, v17;
	[tilespmem:$0x1B0] =	vst v48  }
0xdd: {  	v7 =	vmul.f32 v8, v7;
	[tilespmem:$0x2B0] =	vst v50  }
0xde: {  	v8 =	vadd.s32 v0, v51;
	[tilespmem:$0x230] =	vst v49  }
0xdf: {  	[tilespmem:$0x330] =	vst v7;
	v7 =	vadd.s32 v12, v8  }
0xe0: {  	[tilespmem:$0x130] =	vst v7  }
0xe1: {  	v10 =	vld.idx.msk [tilespmem:v6+s14+$0x0], $0xffff  }
0xe2: {  	v52 =	vmul.u32 $0xE0, v11;
	_ =	sdelay $0x1  }
0xe3: {  	vm2 =	vne.s32 v12, v9;
	vm1 =	vne.s32 v13, v11;
	v14 =	vadd.s32 v0, v52  }
0xe4: {  	v55 =	vsel vm2, $0x1, v1;
	v56 =	vsel vm1, $0x1, v1;
	v54 =	vadd.s32 v9, v14  }
0xe5: {  	v57 =	vnsel vm2, $0x0, v56;
	v58 =	vadd.s32 v55, v56;
	vm3 =	vne.s32 v54, v10  }
0xe6: {  	v53 =	vxor.u32 $0x80000000, v38;
	v17 =	vadd.s32 v57, v58;
	v59 =	vsel vm3, $0x1, v1  }
0xe7: {  	(xrf0) =	vmax.scan.msk.u32 $0xffff, v53;
	v15 =	vadd.s32 v59, v17  }
0xe8: {  	(xrf0) =	vadd.scan.msk.s32 $0xffff, v15;
	_ =	sdelay $0x4  }
0xe9: {  	v60, _, _ =	vpop (xrf0)  }
0xea: {  	v61, _, _ =	vpop (xrf0)  }
0xeb: {  	v62 =	vxor.u32 $0x80000000, v61  }
0xec: {  	(xrf0) =	vmax.scan.msk.u32 $0xffff, v62  }
0xed: {  	(v2sf) =	vpush v60, $0xF;
	_ =	sdelay $0x4  }
0xee: {  	v18, _, _ =	vpop (xrf0)  }
0xef: {  	(v2sf) =	vpush v18, $0xF;
	_ =	sdelay $0x8  }
0xf0: {  	s5 =	spop (v2sf)  }
0xf1: {  	s2 =	sadd.s32 s5, s2  }
0xf2: {  	s2 =	sadd.s32 $0x80000000, s2  }
0xf3: {  	v63 =	vmov s2  }
0xf4: {  	v18 =	vadd.s32 $0xFFFFFFFF, v63  }
0xf5: {  	v18 =	vbroadcast v18, $0x0  }
0xf6: {  	s6 =	spop (v2sf)  }
0xf7: {  	v17 =	vsub.s32 v18, v17;
	s2 =	sadd.s32 s6, s2  }
0xf8: {  	v15 =	vadd.s32 v61, v17;
	s2 =	sadd.s32 $0x8000001F, s2  }
0xf9: {  	v13 =	vadd.s32 v55, v15;
	s10 =	sand.u32 $0x1F, s2  }
0xfa: {  	vm15 =	vmand vm2, vm1;
	v16 =	vadd.s32 v56, v13;
	s14 =	sshra.s32 s2, $0x1F;
	p1 =	slt.s32 s2, $0x1;
	p0 =	sne.s32 s10, $0x0  }
0xfb: {  	v10 =	vadd.s32 v57, v16;
	s4 =	sshrl.u32 s14, $0x1B;
	p0 =	por !p1, !p0  }
0xfc: {  	s2 =	sadd.s32 s4, s2;
	s4 =	simm.s32 $0x1;
	p0 =	por !p0, !p0  }
0xfd: {  	v12 =	vadd.s32 v12, v14;
	[tilespmem:v15+s1+$0x0] =	vst.idx.msk vm3, v54;
	s2 =	sshra.s32 s2, $0x5;
	s4 =	simm.s32 @!p0 $0x0  }
0xfe: {  	v8 =	vadd.s32 v9, v8;
	[tilespmem:v13+s1+$0x0] =	vst.idx.msk vm2, v12;
	s4 =	ssub.s32 s2, s4  }
0xff: {  	[tilespmem:v16+s1+$0x0] =	vst.idx.msk vm1, v8;
	p0 =	sgt.s32 s4, $0x0  }
.Ltmp2:
0x100: {  	[tilespmem:v10+s1+$0x0] =	vst.idx.msk vm15, v7;
	(pc) =	sbr.rel @!p0 .LBB2_2-.Ltmp2, $4  }
0x101: {  	[tilespmem:$0x3B0] =	vst v15  }
0x102: {  	v8 =	vsel vm2, v10, v16;
	v7 =	vsel vm1, v16, v15;
	[tilespmem:$0x4B0] =	vst v13  }
0x103: {  	[tilespmem:$0x430] =	vst v7;
	v7 =	vsel vm1, v8, v13  }
0x104: {  	[tilespmem:$0x530] =	vst v7  }
0x105: {  	p0 =	seq.s32 s4, $0x1  }
.Ltmp3:
0x106: {  	_ = 	snop;
	(pc) =	sbr.rel @p0 .LBB2_2-.Ltmp3, $3  }
0x107: {  	_ =	sdelay $0x1  }
0x108: {  	[tilespmem:s29], [sflag:$0x1] =	stream.indirect.gather [hbm4b:s7+s16], $0xC0, s1, s16, $0xb8;
	[tilespmem:$0x1E780] =	vst v63  }
0x109: {  	s2 =	sadd.s32 $0xFFFFFFFF, s4;
	s5 =	simm.s32 $0x780  }
.LBB2_27:
0x10a: {  	p0 =	seq.s32 s2, $0x1  }
.Ltmp4:
0x10b: {  	_ = 	snop;
	(pc) =	sbr.rel @!p0 .LBB2_27-.Ltmp4, $4  }
0x10c: {  	_ = 	snop  }
0x10d: {  	s1 =	sadd.s32 $0x20, s1;
	s5 =	sadd.s32 $0x1800, s5  }
0x10e: {  	s2 =	sadd.s32 $0xFFFFFFFF, s2  }
0x10f: {  	[tilespmem:s5], [sflag:$0x1] =	stream.indirect.gather [hbm4b:s7+s16], $0xC0, s1, s16, $0xb8;
	[tilespmem:$0x1E780] =	vst v63  }
.LBB2_2:
0x110: {  	s1 =	simm.s32 $0x0  }
.LBB2_3:
0x111: {  	s6 =	sshll.u32 s1, $0x7;
	s2 =	rddreg [dreg:$0x5]  }
0x112: {  	s2 =	sadd.s32 s6, s2  }
0x113: {  	s2 =	sadd.s32 $0x40, s2  }
0x114: {  	s10 =	rddreg [dreg:$0x0];
	s5 =	sshrl.u32 s2, $0x3  }
0x115: {  	s14 =	simm.s32 $0x40;
	[dreg:$0xb] =	wrdreg s2;
	s10 =	sadd.s32 s10, s5  }
0x116: {  	[tilespmem:s14], [sflag:$0x5] =	stream.linear.gather [hbm4b:s10+s19], $0x40, $0x38;
	[tilespmem:$0x1E780] =	vst v63  }
0x117: {  	_ =	swait.ge [sflag:s12], $0x40  }
0x118: {  	[sflag:s12] =	ssyncset.done $0x0  }
0x119: {  	[sflag:s12] =	ssyncadd.s32 $0xFFFFFFC0  }
0x11a: {  	s10 =	rddreg [dreg:$0x1]  }
0x11b: {  	s14 =	simm.s32 $0xC0;
	s5 =	sadd.s32 s10, s5  }
0x11c: {  	[tilespmem:s14], [sflag:$0x5] =	stream.linear.gather [hbm4b:s5+s19], $0x40, $0x38;
	[tilespmem:$0x1E780] =	vst v63  }
0x11d: {  	_ =	swait.ge [sflag:s12], $0x40  }
0x11e: {  	[sflag:s12] =	ssyncset.done $0x0  }
0x11f: {  	[sflag:s12] =	ssyncadd.s32 $0xFFFFFFC0  }
0x120: {  	v7 =	vld [tilespmem:$0x40]  }
0x121: {  	v8 =	vld [tilespmem:$0xC0];
	_ =	sdelay $0x4  }
0x122: {  	v7 =	vadd.f32 $1.000000000e+00, v7;
	v8 =	vadd.f32 $1.000000000e+00, v8;
	_ =	sdelay $0x1  }
0x123: {  	v7 =	vmul.f32 $5.000000000e-01, v7;
	v8 =	vmul.f32 $5.000000000e-01, v8;
	_ =	sdelay $0x1  }
0x124: {  	v7 =	vmul.f32 $2.240000000e+02, v7;
	v8 =	vmul.f32 $2.240000000e+02, v8;
	_ =	sdelay $0x1  }
0x125: {  	v9 =	vtrunc.f32 v7;
	v10 =	vtrunc.f32 v8  }
0x126: {  	v9 =	vcvt.f32.s32 v9;
	v10 =	vcvt.f32.s32 v10;
	_ =	sdelay $0x1  }
0x127: {  	vm1 =	vgt.s32 v9, $0x0;
	v11 =	vadd.s32 $0x1, v9;
	v12 =	vadd.s32 $0x1, v10  }
0x128: {  	v9 =	vnsel vm1, $0x0, v9;
	vm1 =	vgt.s32 v11, $0x0;
	vm2 =	vgt.s32 v12, $0x0  }
0x129: {  	v11 =	vnsel vm1, $0x0, v11;
	vm1 =	vgt.s32 v10, $0x0;
	v12 =	vnsel vm2, $0x0, v12  }
0x12a: {  	v9 =	vmin.u32 v9, $0xDF;
	v11 =	vmin.u32 v11, $0xDF;
	v12 =	vmin.u32 v12, $0xDF  }
0x12b: {  	v10 =	vnsel vm1, $0x0, v10;
	v13 =	vcvt.s32.f32 v11;
	v14 =	vcvt.s32.f32 v12  }
0x12c: {  	v16 =	vcvt.s32.f32 v9;
	v10 =	vmin.u32 v10, $0xDF  }
0x12d: {  	v15 =	vcvt.s32.f32 v10;
	v13 =	vsub.f32 v13, v7;
	v14 =	vsub.f32 v14, v8  }
0x12e: {  	v7 =	vsub.f32 v7, v16  }
0x12f: {  	v8 =	vsub.f32 v8, v15;
	v26 =	vmul.f32 v14, v13  }
0x130: {  	v14 =	vmul.f32 v14, v7  }
0x131: {  	v27 =	vmul.u32 $0xE0, v12;
	v13 =	vmul.f32 v8, v13;
	[tilespmem:$0x1C0] =	vst v26  }
0x132: {  	v7 =	vmul.f32 v8, v7;
	[tilespmem:$0x2C0] =	vst v14  }
0x133: {  	v8 =	vadd.s32 v0, v27;
	[tilespmem:$0x240] =	vst v13  }
0x134: {  	[tilespmem:$0x340] =	vst v7;
	v7 =	vadd.s32 v11, v8  }
0x135: {  	s2 =	simm.s32 $0x140;
	[tilespmem:$0x140] =	vst v7  }
0x136: {  	v13 =	vld.idx.msk [tilespmem:v2+s2+$0x0], $0xffff  }
0x137: {  	v28 =	vmul.u32 $0xE0, v10;
	_ =	sdelay $0x1  }
0x138: {  	v14 =	vadd.s32 v0, v28  }
0x139: {  	vm2 =	vne.s32 v11, v9;
	vm1 =	vne.s32 v12, v10;
	v29 =	vadd.s32 v9, v14  }
0x13a: {  	v30 =	vsel vm2, $0x1, v1;
	v12 =	vsel vm1, $0x1, v1;
	vm3 =	vne.s32 v29, v13  }
0x13b: {  	v31 =	vnsel vm2, $0x0, v12;
	v32 =	vadd.s32 v30, v12;
	vm3 =	vmor vm3, vm0  }
0x13c: {  	v16 =	vadd.s32 v31, v32;
	v17 =	vsel vm3, $0x1, v1  }
0x13d: {  	v16 =	vadd.s32 v17, v16  }
0x13e: {  	(xrf0) =	vadd.scan.msk.s32 $0xffff, v16;
	_ =	sdelay $0x3  }
0x13f: {  	vm4 =	vmneg vm3  }
0x140: {  	v33 =	vsel vm4, $0xFFFFFFFF, v1  }
0x141: {  	v16 =	vsub.s32 v33, v16;
	v18, _, _ =	vpop (xrf0)  }
0x142: {  	v16 =	vadd.s32 v18, v16  }
0x143: {  	v10 =	vadd.s32 v30, v16  }
0x144: {  	vm9 =	vmand vm2, vm1;
	v12 =	vadd.s32 v12, v10  }
0x145: {  	v13 =	vadd.s32 v31, v12  }
0x146: {  	s5 =	simm.s32 $0x680  }
0x147: {  	v11 =	vadd.s32 v11, v14;
	[tilespmem:v16+s5+$0x0] =	vst.idx.msk vm3, v29  }
0x148: {  	v8 =	vadd.s32 v9, v8;
	[tilespmem:v10+s5+$0x0] =	vst.idx.msk vm2, v11  }
0x149: {  	[tilespmem:v12+s5+$0x0] =	vst.idx.msk vm1, v8  }
0x14a: {  	[tilespmem:v13+s5+$0x0] =	vst.idx.msk vm9, v7  }
0x14b: {  	v7 =	vld [tilespmem:$0x50]  }
0x14c: {  	v8 =	vld [tilespmem:$0xD0];
	_ =	sdelay $0x4  }
0x14d: {  	v7 =	vadd.f32 $1.000000000e+00, v7;
	v8 =	vadd.f32 $1.000000000e+00, v8;
	_ =	sdelay $0x1  }
0x14e: {  	v7 =	vmul.f32 $5.000000000e-01, v7;
	v8 =	vmul.f32 $5.000000000e-01, v8;
	_ =	sdelay $0x1  }
0x14f: {  	v7 =	vmul.f32 $2.240000000e+02, v7;
	v8 =	vmul.f32 $2.240000000e+02, v8;
	_ =	sdelay $0x1  }
0x150: {  	v34 =	vtrunc.f32 v7;
	v35 =	vtrunc.f32 v8  }
0x151: {  	v9 =	vcvt.f32.s32 v34;
	v11 =	vcvt.f32.s32 v35  }
0x152: {  	v36 =	vxor.u32 $0x80000000, v18  }
0x153: {  	(xrf0) =	vmax.scan.msk.u32 $0xffff, v36;
	vm3 =	vgt.s32 v9, $0x0;
	v37 =	vadd.s32 $0x1, v9;
	v38 =	vadd.s32 $0x1, v11  }
0x154: {  	v9 =	vnsel vm3, $0x0, v9;
	vm3 =	vgt.s32 v37, $0x0;
	vm10 =	vgt.s32 v38, $0x0  }
0x155: {  	v39 =	vnsel vm3, $0x0, v37;
	vm3 =	vgt.s32 v11, $0x0;
	v40 =	vnsel vm10, $0x0, v38  }
0x156: {  	v9 =	vmin.u32 v9, $0xDF;
	v14 =	vmin.u32 v39, $0xDF;
	v15 =	vmin.u32 v40, $0xDF  }
0x157: {  	v11 =	vnsel vm3, $0x0, v11;
	v41 =	vcvt.s32.f32 v14;
	v42 =	vcvt.s32.f32 v15  }
0x158: {  	v13 =	vsel vm2, v13, v12;
	v20 =	vcvt.s32.f32 v9;
	v11 =	vmin.u32 v11, $0xDF  }
0x159: {  	v43, _, _ =	vpop (xrf0);
	[tilespmem:$0x3C0] =	vst v16;
	v19 =	vcvt.s32.f32 v11;
	v17 =	vsub.f32 v41, v7;
	v18 =	vsub.f32 v42, v8  }
0x15a: {  	v12 =	vsel vm1, v12, v16;
	(v2sf) =	vpush v43, $0xF;
	[tilespmem:$0x4C0] =	vst v10;
	v7 =	vsub.f32 v7, v20  }
0x15b: {  	v10 =	vsel vm1, v13, v10;
	[tilespmem:$0x440] =	vst v12;
	v8 =	vsub.f32 v8, v19;
	v44 =	vmul.f32 v18, v17  }
0x15c: {  	[tilespmem:$0x540] =	vst v10;
	v46 =	vmul.f32 v18, v7  }
0x15d: {  	v47 =	vmul.u32 $0xE0, v15;
	v45 =	vmul.f32 v8, v17;
	[tilespmem:$0x1D0] =	vst v44  }
0x15e: {  	v7 =	vmul.f32 v8, v7;
	[tilespmem:$0x2D0] =	vst v46  }
0x15f: {  	v8 =	vadd.s32 v0, v47;
	[tilespmem:$0x250] =	vst v45  }
0x160: {  	[tilespmem:$0x350] =	vst v7;
	v7 =	vadd.s32 v14, v8  }
0x161: {  	[tilespmem:$0x150] =	vst v7  }
0x162: {  	v10 =	vld.idx.msk [tilespmem:v4+s2+$0x0], $0xffff  }
0x163: {  	v48 =	vmul.u32 $0xE0, v11;
	_ =	sdelay $0x1  }
0x164: {  	vm2 =	vne.s32 v14, v9;
	vm1 =	vne.s32 v15, v11;
	v12 =	vadd.s32 v0, v48  }
0x165: {  	v50 =	vsel vm2, $0x1, v1;
	v15 =	vsel vm1, $0x1, v1;
	v49 =	vadd.s32 v9, v12  }
0x166: {  	v51 =	vnsel vm2, $0x0, v15;
	v52 =	vadd.s32 v50, v15;
	vm3 =	vne.s32 v49, v10  }
0x167: {  	v16 =	vadd.s32 v51, v52;
	v53 =	vsel vm3, $0x1, v1  }
0x168: {  	v17 =	vadd.s32 v53, v16  }
0x169: {  	s19 =	spop (v2sf);
	(xrf0) =	vadd.scan.msk.s32 $0xffff, v17  }
0x16a: {  	s10 =	sxor.u32 $0x80000000, s19  }
0x16b: {  	v54 =	vmov s10  }
0x16c: {  	v17 =	vadd.s32 $0xFFFFFFFF, v54  }
0x16d: {  	v17 =	vbroadcast v17, $0x0;
	_ =	sdelay $0x1  }
0x16e: {  	v16 =	vsub.s32 v17, v16;
	v55, _, _ =	vpop (xrf0)  }
0x16f: {  	v16 =	vadd.s32 v55, v16  }
0x170: {  	v13 =	vadd.s32 v50, v16  }
0x171: {  	vm11 =	vmand vm2, vm1;
	v15 =	vadd.s32 v15, v13  }
0x172: {  	v10 =	vadd.s32 v51, v15;
	_ =	sdelay $0x1  }
0x173: {  	v12 =	vadd.s32 v14, v12;
	[tilespmem:v16+s5+$0x0] =	vst.idx.msk vm3, v49  }
0x174: {  	v8 =	vadd.s32 v9, v8;
	[tilespmem:v13+s5+$0x0] =	vst.idx.msk vm2, v12  }
0x175: {  	[tilespmem:v15+s5+$0x0] =	vst.idx.msk vm1, v8  }
0x176: {  	[tilespmem:v10+s5+$0x0] =	vst.idx.msk vm11, v7  }
0x177: {  	v7 =	vld [tilespmem:$0x60]  }
0x178: {  	v8 =	vld [tilespmem:$0xE0];
	_ =	sdelay $0x4  }
0x179: {  	v7 =	vadd.f32 $1.000000000e+00, v7;
	v8 =	vadd.f32 $1.000000000e+00, v8;
	_ =	sdelay $0x1  }
0x17a: {  	v7 =	vmul.f32 $5.000000000e-01, v7;
	v8 =	vmul.f32 $5.000000000e-01, v8;
	_ =	sdelay $0x1  }
0x17b: {  	v7 =	vmul.f32 $2.240000000e+02, v7;
	v8 =	vmul.f32 $2.240000000e+02, v8;
	_ =	sdelay $0x1  }
0x17c: {  	v56 =	vtrunc.f32 v7;
	v57 =	vtrunc.f32 v8  }
0x17d: {  	v9 =	vcvt.f32.s32 v56;
	v11 =	vcvt.f32.s32 v57  }
0x17e: {  	v58 =	vxor.u32 $0x80000000, v55  }
0x17f: {  	(xrf0) =	vmax.scan.msk.u32 $0xffff, v58;
	vm3 =	vgt.s32 v9, $0x0;
	v59 =	vadd.s32 $0x1, v9;
	v60 =	vadd.s32 $0x1, v11  }
0x180: {  	v9 =	vnsel vm3, $0x0, v9;
	vm3 =	vgt.s32 v59, $0x0;
	vm12 =	vgt.s32 v60, $0x0  }
0x181: {  	v12 =	vnsel vm3, $0x0, v59;
	vm3 =	vgt.s32 v11, $0x0;
	v14 =	vnsel vm12, $0x0, v60  }
0x182: {  	v9 =	vmin.u32 v9, $0xDF;
	v12 =	vmin.u32 v12, $0xDF;
	v14 =	vmin.u32 v14, $0xDF  }
0x183: {  	v11 =	vnsel vm3, $0x0, v11;
	v61 =	vcvt.s32.f32 v12;
	v62 =	vcvt.s32.f32 v14  }
0x184: {  	v63 =	vsel vm1, v15, v16;
	v21 =	vcvt.s32.f32 v9;
	v11 =	vmin.u32 v11, $0xDF  }
0x185: {  	v25, _, _ =	vpop (xrf0);
	[tilespmem:$0x3D0] =	vst v16;
	v24 =	vcvt.s32.f32 v11;
	v17 =	vsub.f32 v61, v7;
	v18 =	vsub.f32 v62, v8  }
0x186: {  	v10 =	vsel vm2, v10, v15;
	(v2sf) =	vpush v25, $0xF;
	[tilespmem:$0x4D0] =	vst v13;
	v7 =	vsub.f32 v7, v21  }
0x187: {  	[tilespmem:$0x450] =	vst v63;
	v10 =	vsel vm1, v10, v13;
	v8 =	vsub.f32 v8, v24;
	v26 =	vmul.f32 v18, v17  }
0x188: {  	[tilespmem:$0x550] =	vst v10;
	v28 =	vmul.f32 v18, v7  }
0x189: {  	v29 =	vmul.u32 $0xE0, v14;
	v27 =	vmul.f32 v8, v17;
	[tilespmem:$0x1E0] =	vst v26  }
0x18a: {  	v7 =	vmul.f32 v8, v7;
	[tilespmem:$0x2E0] =	vst v28  }
0x18b: {  	v8 =	vadd.s32 v0, v29;
	[tilespmem:$0x260] =	vst v27  }
0x18c: {  	[tilespmem:$0x360] =	vst v7;
	v7 =	vadd.s32 v12, v8  }
0x18d: {  	[tilespmem:$0x160] =	vst v7  }
0x18e: {  	v10 =	vld.idx.msk [tilespmem:v5+s2+$0x0], $0xffff  }
0x18f: {  	v30 =	vmul.u32 $0xE0, v11;
	_ =	sdelay $0x1  }
0x190: {  	vm2 =	vne.s32 v12, v9;
	vm1 =	vne.s32 v14, v11;
	v13 =	vadd.s32 v0, v30  }
0x191: {  	v32 =	vsel vm2, $0x1, v1;
	v33 =	vsel vm1, $0x1, v1;
	v31 =	vadd.s32 v9, v13  }
0x192: {  	v34 =	vnsel vm2, $0x0, v33;
	v35 =	vadd.s32 v32, v33;
	vm3 =	vne.s32 v31, v10  }
0x193: {  	v16 =	vadd.s32 v34, v35;
	v36 =	vsel vm3, $0x1, v1  }
0x194: {  	s14 =	spop (v2sf);
	v17 =	vadd.s32 v36, v16  }
0x195: {  	s10 =	sadd.s32 s14, s10;
	(xrf0) =	vadd.scan.msk.s32 $0xffff, v17  }
0x196: {  	s10 =	sadd.s32 $0x80000000, s10  }
0x197: {  	v37 =	vmov s10  }
0x198: {  	v17 =	vadd.s32 $0xFFFFFFFF, v37  }
0x199: {  	v17 =	vbroadcast v17, $0x0;
	_ =	sdelay $0x1  }
0x19a: {  	v16 =	vsub.s32 v17, v16;
	v38, _, _ =	vpop (xrf0)  }
0x19b: {  	v16 =	vadd.s32 v38, v16  }
0x19c: {  	v14 =	vadd.s32 v32, v16  }
0x19d: {  	vm13 =	vmand vm2, vm1;
	v15 =	vadd.s32 v33, v14  }
0x19e: {  	v10 =	vadd.s32 v34, v15;
	_ =	sdelay $0x1  }
0x19f: {  	v12 =	vadd.s32 v12, v13;
	[tilespmem:v16+s5+$0x0] =	vst.idx.msk vm3, v31  }
0x1a0: {  	v8 =	vadd.s32 v9, v8;
	[tilespmem:v14+s5+$0x0] =	vst.idx.msk vm2, v12  }
0x1a1: {  	[tilespmem:v15+s5+$0x0] =	vst.idx.msk vm1, v8  }
0x1a2: {  	[tilespmem:v10+s5+$0x0] =	vst.idx.msk vm13, v7  }
0x1a3: {  	v7 =	vld [tilespmem:$0x70]  }
0x1a4: {  	v8 =	vld [tilespmem:$0xF0];
	_ =	sdelay $0x4  }
0x1a5: {  	v7 =	vadd.f32 $1.000000000e+00, v7;
	v8 =	vadd.f32 $1.000000000e+00, v8;
	_ =	sdelay $0x1  }
0x1a6: {  	v7 =	vmul.f32 $5.000000000e-01, v7;
	v8 =	vmul.f32 $5.000000000e-01, v8;
	_ =	sdelay $0x1  }
0x1a7: {  	v7 =	vmul.f32 $2.240000000e+02, v7;
	v8 =	vmul.f32 $2.240000000e+02, v8;
	_ =	sdelay $0x1  }
0x1a8: {  	v39 =	vtrunc.f32 v7;
	v40 =	vtrunc.f32 v8  }
0x1a9: {  	v9 =	vcvt.f32.s32 v39;
	v11 =	vcvt.f32.s32 v40;
	_ =	sdelay $0x1  }
0x1aa: {  	vm3 =	vgt.s32 v9, $0x0;
	v41 =	vadd.s32 $0x1, v9;
	v42 =	vadd.s32 $0x1, v11  }
0x1ab: {  	v9 =	vnsel vm3, $0x0, v9;
	vm3 =	vgt.s32 v41, $0x0;
	vm14 =	vgt.s32 v42, $0x0  }
0x1ac: {  	v12 =	vnsel vm3, $0x0, v41;
	vm3 =	vgt.s32 v11, $0x0;
	v13 =	vnsel vm14, $0x0, v42  }
0x1ad: {  	v9 =	vmin.u32 v9, $0xDF;
	v12 =	vmin.u32 v12, $0xDF;
	v13 =	vmin.u32 v13, $0xDF  }
0x1ae: {  	v11 =	vnsel vm3, $0x0, v11;
	v43 =	vcvt.s32.f32 v12;
	v44 =	vcvt.s32.f32 v13  }
0x1af: {  	v45 =	vsel vm1, v15, v16;
	v47 =	vcvt.s32.f32 v9;
	v11 =	vmin.u32 v11, $0xDF  }
0x1b0: {  	[tilespmem:$0x3E0] =	vst v16;
	v46 =	vcvt.s32.f32 v11;
	v17 =	vsub.f32 v43, v7;
	v19 =	vsub.f32 v44, v8  }
0x1b1: {  	v10 =	vsel vm2, v10, v15;
	[tilespmem:$0x460] =	vst v45;
	v7 =	vsub.f32 v7, v47  }
0x1b2: {  	[tilespmem:$0x4E0] =	vst v14;
	v10 =	vsel vm1, v10, v14;
	v8 =	vsub.f32 v8, v46;
	v48 =	vmul.f32 v19, v17  }
0x1b3: {  	[tilespmem:$0x560] =	vst v10;
	v50 =	vmul.f32 v19, v7  }
0x1b4: {  	v51 =	vmul.u32 $0xE0, v13;
	v49 =	vmul.f32 v8, v17;
	[tilespmem:$0x1F0] =	vst v48  }
0x1b5: {  	v7 =	vmul.f32 v8, v7;
	[tilespmem:$0x2F0] =	vst v50  }
0x1b6: {  	v8 =	vadd.s32 v0, v51;
	[tilespmem:$0x270] =	vst v49  }
0x1b7: {  	[tilespmem:$0x370] =	vst v7;
	v7 =	vadd.s32 v12, v8  }
0x1b8: {  	[tilespmem:$0x170] =	vst v7  }
0x1b9: {  	v10 =	vld.idx.msk [tilespmem:v6+s2+$0x0], $0xffff  }
0x1ba: {  	v52 =	vmul.u32 $0xE0, v11;
	_ =	sdelay $0x1  }
0x1bb: {  	vm2 =	vne.s32 v12, v9;
	vm1 =	vne.s32 v13, v11;
	v14 =	vadd.s32 v0, v52  }
0x1bc: {  	v55 =	vsel vm2, $0x1, v1;
	v56 =	vsel vm1, $0x1, v1;
	v54 =	vadd.s32 v9, v14  }
0x1bd: {  	v57 =	vnsel vm2, $0x0, v56;
	v58 =	vadd.s32 v55, v56;
	vm3 =	vne.s32 v54, v10  }
0x1be: {  	v53 =	vxor.u32 $0x80000000, v38;
	v17 =	vadd.s32 v57, v58;
	v59 =	vsel vm3, $0x1, v1  }
0x1bf: {  	(xrf0) =	vmax.scan.msk.u32 $0xffff, v53;
	v15 =	vadd.s32 v59, v17  }
0x1c0: {  	(xrf0) =	vadd.scan.msk.s32 $0xffff, v15;
	_ =	sdelay $0x4  }
0x1c1: {  	v60, _, _ =	vpop (xrf0)  }
0x1c2: {  	v61, _, _ =	vpop (xrf0)  }
0x1c3: {  	v62 =	vxor.u32 $0x80000000, v61  }
0x1c4: {  	(xrf0) =	vmax.scan.msk.u32 $0xffff, v62  }
0x1c5: {  	(v2sf) =	vpush v60, $0xF;
	_ =	sdelay $0x4  }
0x1c6: {  	v18, _, _ =	vpop (xrf0)  }
0x1c7: {  	(v2sf) =	vpush v18, $0xF;
	_ =	sdelay $0x8  }
0x1c8: {  	s2 =	spop (v2sf)  }
0x1c9: {  	s10 =	sadd.s32 s2, s10  }
0x1ca: {  	s10 =	sadd.s32 $0x80000000, s10  }
0x1cb: {  	v63 =	vmov s10  }
0x1cc: {  	v18 =	vadd.s32 $0xFFFFFFFF, v63  }
0x1cd: {  	v18 =	vbroadcast v18, $0x0  }
0x1ce: {  	s19 =	spop (v2sf)  }
0x1cf: {  	v17 =	vsub.s32 v18, v17;
	s10 =	sadd.s32 s19, s10  }
0x1d0: {  	v15 =	vadd.s32 v61, v17;
	s10 =	sadd.s32 $0x8000001F, s10  }
0x1d1: {  	v13 =	vadd.s32 v55, v15;
	s2 =	sand.u32 $0x1F, s10  }
0x1d2: {  	vm15 =	vmand vm2, vm1;
	v16 =	vadd.s32 v56, v13;
	s19 =	sshra.s32 s10, $0x1F;
	p1 =	slt.s32 s10, $0x1;
	p0 =	sne.s32 s2, $0x0  }
0x1d3: {  	v10 =	vadd.s32 v57, v16;
	s14 =	sshrl.u32 s19, $0x1B;
	p0 =	por !p1, !p0  }
0x1d4: {  	s10 =	sadd.s32 s14, s10;
	s14 =	simm.s32 $0x1;
	p0 =	por !p0, !p0  }
0x1d5: {  	v12 =	vadd.s32 v12, v14;
	[tilespmem:v15+s5+$0x0] =	vst.idx.msk vm3, v54;
	s10 =	sshra.s32 s10, $0x5;
	s14 =	simm.s32 @!p0 $0x0  }
0x1d6: {  	v8 =	vadd.s32 v9, v8;
	[tilespmem:v13+s5+$0x0] =	vst.idx.msk vm2, v12;
	s10 =	ssub.s32 s10, s14  }
0x1d7: {  	[tilespmem:v16+s5+$0x0] =	vst.idx.msk vm1, v8;
	p0 =	sgt.s32 s10, $0x0  }
.Ltmp5:
0x1d8: {  	[tilespmem:v10+s5+$0x0] =	vst.idx.msk vm15, v7;
	(pc) =	sbr.rel @!p0 .LBB2_4-.Ltmp5, $4  }
0x1d9: {  	[tilespmem:$0x3F0] =	vst v15  }
0x1da: {  	v8 =	vsel vm2, v10, v16;
	v7 =	vsel vm1, v16, v15;
	[tilespmem:$0x4F0] =	vst v13  }
0x1db: {  	[tilespmem:$0x470] =	vst v7;
	v7 =	vsel vm1, v8, v13  }
0x1dc: {  	[tilespmem:$0x570] =	vst v7;
	s14 =	simm.s32 $0xC780  }
0x1dd: {  	p1 =	seq.s32 s10, $0x1  }
.Ltmp6:
0x1de: {  	_ = 	snop;
	(pc) =	sbr.rel @p1 .LBB2_4-.Ltmp6, $3  }
0x1df: {  	_ =	sdelay $0x1  }
0x1e0: {  	[tilespmem:s14], [sflag:$0x2] =	stream.indirect.gather [hbm4b:s7+s16], $0xC0, s5, s16, $0xb8;
	[tilespmem:$0x1E780] =	vst v63  }
0x1e1: {  	s19 =	sadd.s32 $0xFFFFFFFF, s10  }
.LBB2_29:
0x1e2: {  	p1 =	seq.s32 s19, $0x1  }
.Ltmp7:
0x1e3: {  	_ = 	snop;
	(pc) =	sbr.rel @!p1 .LBB2_29-.Ltmp7, $4  }
0x1e4: {  	_ = 	snop  }
0x1e5: {  	s5 =	sadd.s32 $0x20, s5;
	s14 =	sadd.s32 $0x1800, s14  }
0x1e6: {  	s19 =	sadd.s32 $0xFFFFFFFF, s19  }
0x1e7: {  	[tilespmem:s14], [sflag:$0x2] =	stream.indirect.gather [hbm4b:s7+s16], $0xC0, s5, s16, $0xb8;
	[tilespmem:$0x1E780] =	vst v63  }
.LBB2_4:
0x1e8: {  	p1 =	sgt.s32 s4, $0x0  }
.Ltmp8:
0x1e9: {  	_ = 	snop;
	(pc) =	sbr.rel @!p1 .LBB2_8-.Ltmp8, $1  }
0x1ea: {  	_ =	sdelay $0x3  }
0x1eb: {  	p1 =	sne.s32 s4, $0x1  }
.Ltmp9:
0x1ec: {  	_ = 	snop;
	(pc) =	sbr.rel @!p1 .LBB2_7-.Ltmp9, $3  }
0x1ed: {  	_ =	sdelay $0x1  }
0x1ee: {  	_ =	swait.ge [sflag:s15], $0x1800  }
0x1ef: {  	s4 =	sadd.s32 $0xFFFFFFFF, s4;
	[sflag:s15] =	ssyncset.done $0x0  }
.LBB2_6:
0x1f0: {  	p1 =	sne.s32 s4, $0x1;
	s4 =	sadd.s32 $0xFFFFFFFF, s4;
	[sflag:s15] =	ssyncadd.s32 $0xFFFFE800  }
.Ltmp10:
0x1f1: {  	(pc) =	sbr.rel @p1 .LBB2_6-.Ltmp10, $3  }
0x1f2: {  	_ =	sdelay $0x1  }
0x1f3: {  	_ =	swait.ge [sflag:s15], $0x1800  }
0x1f4: {  	[sflag:s15] =	ssyncset.done $0x0  }
.LBB2_7:
0x1f5: {  	[sflag:s15] =	ssyncadd.s32 $0xFFFFE800  }
.LBB2_8:
0x1f6: {  	s4 =	simm.s32 $0x0  }
0x1f7: {  	p1 =	seq.s32 s1, $0x0;
	v7 =	vmov s4  }
0x1f8: {  	s4 =	simm.s32 @!p1 $0x3  }
0x1f9: {  	_ =	swait.ge @!p1 [sflag:s4], $0x3000  }
0x1fa: {  	[sflag:s4] =	ssyncset.done @!p1 $0x0  }
0x1fb: {  	[sflag:s4] =	ssyncadd.s32 @!p1 $0xFFFFD000  }
0x1fc: {  	v8 =	vld.idx.msk [tilespmem:v7+s24+$0x0], $0xffff  }
0x1fd: {  	v9 =	vld.idx.msk [tilespmem:v7+s25+$0x0], $0xffff;
	_ =	sdelay $0x1  }
0x1fe: {  	v10 =	vld.idx.msk [tilespmem:v7+s26+$0x0], $0xffff;
	_ =	sdelay $0x1  }
0x1ff: {  	v11 =	vld.idx.msk [tilespmem:v7+s28+$0x0], $0xffff;
	v24 =	vmul.u32 $0xC0, v8  }
0x200: {  	v23 =	vmul.u32 $0xC0, v9  }
0x201: {  	v8 =	vor.u32 v3, v24  }
0x202: {  	v22 =	vmul.u32 $0xC0, v10;
	v9 =	vor.u32 v3, v23;
	_ =	sdelay $0x1  }
0x203: {  	v18 =	vld.idx.msk [tilespmem:v7+s21+$0x0], $0xffff;
	v25 =	vmul.u32 $0xC0, v11;
	v10 =	vor.u32 v3, v22  }
0x204: {  	v19 =	vld.idx.msk [tilespmem:v7+s20+$0x0], $0xffff  }
0x205: {  	v11 =	vor.u32 v3, v25;
	v8 =	vld.idx.msk [tilespmem:v8+s29+$0x0], $0xffff  }
0x206: {  	v9 =	vld.idx.msk [tilespmem:v9+s29+$0x0], $0xffff  }
0x207: {  	v20 =	vld.idx.msk [tilespmem:v7+s22+$0x0], $0xffff  }
0x208: {  	v10 =	vld.idx.msk [tilespmem:v10+s29+$0x0], $0xffff  }
0x209: {  	v21 =	vld.idx.msk [tilespmem:v7+s23+$0x0], $0xffff  }
0x20a: {  	v11 =	vld.idx.msk [tilespmem:v11+s29+$0x0], $0xffff  }
0x20b: {  	v7 =	vmul.f32 v8, v19;
	v8 =	vmul.f32 v9, v18;
	_ =	sdelay $0x1  }
0x20c: {  	v9 =	vmul.f32 v10, v20;
	v8 =	vadd.f32 v8, v7  }
0x20d: {  	v7 =	vor.u32 $0x10, v3  }
0x20e: {  	v10 =	vor.u32 v7, v24;
	v8 =	vadd.f32 v9, v8;
	v9 =	vmul.f32 v11, v21  }
0x20f: {  	v11 =	vor.u32 v7, v23  }
0x210: {  	v8 =	vadd.f32 v9, v8  }
0x211: {  	s4 =	simm.s32 $0x187E0;
	v9 =	vor.u32 v7, v22  }
0x212: {  	[tilespmem:s4+$0xFFFFFFA0] =	vst v8  }
0x213: {  	v8 =	vld.idx.msk [tilespmem:v10+s29+$0x0], $0xffff;
	v10 =	vor.u32 v7, v25  }
0x214: {  	v11 =	vld.idx.msk [tilespmem:v11+s29+$0x0], $0xffff;
	_ =	sdelay $0x1  }
0x215: {  	v9 =	vld.idx.msk [tilespmem:v9+s29+$0x0], $0xffff;
	_ =	sdelay $0x1  }
0x216: {  	v10 =	vld.idx.msk [tilespmem:v10+s29+$0x0], $0xffff  }
0x217: {  	v8 =	vmul.f32 v8, v19;
	v11 =	vmul.f32 v11, v18;
	_ =	sdelay $0x1  }
0x218: {  	v11 =	vadd.f32 v11, v8;
	v9 =	vmul.f32 v9, v20  }
0x219: {  	v8 =	vor.u32 $0x20, v3  }
0x21a: {  	v9 =	vadd.f32 v9, v11;
	v11 =	vor.u32 v8, v24;
	v10 =	vmul.f32 v10, v21  }
0x21b: {  	v12 =	vor.u32 v8, v23  }
0x21c: {  	v9 =	vadd.f32 v10, v9  }
0x21d: {  	v10 =	vor.u32 v8, v22  }
0x21e: {  	[tilespmem:s4+$0xFFFFFFB0] =	vst v9  }
0x21f: {  	v9 =	vld.idx.msk [tilespmem:v11+s29+$0x0], $0xffff;
	v11 =	vor.u32 v8, v25  }
0x220: {  	v12 =	vld.idx.msk [tilespmem:v12+s29+$0x0], $0xffff;
	_ =	sdelay $0x1  }
0x221: {  	v10 =	vld.idx.msk [tilespmem:v10+s29+$0x0], $0xffff;
	_ =	sdelay $0x1  }
0x222: {  	v11 =	vld.idx.msk [tilespmem:v11+s29+$0x0], $0xffff  }
0x223: {  	v9 =	vmul.f32 v9, v19;
	v12 =	vmul.f32 v12, v18;
	_ =	sdelay $0x1  }
0x224: {  	v12 =	vadd.f32 v12, v9;
	v10 =	vmul.f32 v10, v20  }
0x225: {  	v9 =	vor.u32 $0x30, v3  }
0x226: {  	v10 =	vadd.f32 v10, v12;
	v12 =	vor.u32 v9, v24;
	v11 =	vmul.f32 v11, v21  }
0x227: {  	v13 =	vor.u32 v9, v23  }
0x228: {  	v10 =	vadd.f32 v11, v10  }
0x229: {  	v11 =	vor.u32 v9, v22  }
0x22a: {  	[tilespmem:s4+$0xFFFFFFC0] =	vst v10  }
0x22b: {  	v10 =	vld.idx.msk [tilespmem:v12+s29+$0x0], $0xffff;
	v12 =	vor.u32 v9, v25  }
0x22c: {  	v13 =	vld.idx.msk [tilespmem:v13+s29+$0x0], $0xffff;
	_ =	sdelay $0x1  }
0x22d: {  	v11 =	vld.idx.msk [tilespmem:v11+s29+$0x0], $0xffff;
	_ =	sdelay $0x1  }
0x22e: {  	v12 =	vld.idx.msk [tilespmem:v12+s29+$0x0], $0xffff  }
0x22f: {  	v10 =	vmul.f32 v10, v19;
	v13 =	vmul.f32 v13, v18;
	_ =	sdelay $0x1  }
0x230: {  	v13 =	vadd.f32 v13, v10;
	v11 =	vmul.f32 v11, v20  }
0x231: {  	v10 =	vor.u32 $0x40, v3  }
0x232: {  	v11 =	vadd.f32 v11, v13;
	v13 =	vadd.s32 v10, v24;
	v12 =	vmul.f32 v12, v21  }
0x233: {  	v14 =	vadd.s32 v10, v23  }
0x234: {  	v11 =	vadd.f32 v12, v11  }
0x235: {  	v12 =	vadd.s32 v10, v22  }
0x236: {  	[tilespmem:s4+$0xFFFFFFD0] =	vst v11  }
0x237: {  	v11 =	vld.idx.msk [tilespmem:v13+s29+$0x0], $0xffff;
	v13 =	vadd.s32 v10, v25  }
0x238: {  	v14 =	vld.idx.msk [tilespmem:v14+s29+$0x0], $0xffff;
	_ =	sdelay $0x1  }
0x239: {  	v12 =	vld.idx.msk [tilespmem:v12+s29+$0x0], $0xffff;
	_ =	sdelay $0x1  }
0x23a: {  	v13 =	vld.idx.msk [tilespmem:v13+s29+$0x0], $0xffff  }
0x23b: {  	v11 =	vmul.f32 v11, v19;
	v14 =	vmul.f32 v14, v18;
	_ =	sdelay $0x1  }
0x23c: {  	v14 =	vadd.f32 v14, v11;
	v12 =	vmul.f32 v12, v20  }
0x23d: {  	v11 =	vor.u32 $0x50, v3  }
0x23e: {  	v12 =	vadd.f32 v12, v14;
	v14 =	vadd.s32 v11, v24;
	v13 =	vmul.f32 v13, v21  }
0x23f: {  	v15 =	vadd.s32 v11, v23  }
0x240: {  	v12 =	vadd.f32 v13, v12  }
0x241: {  	v13 =	vadd.s32 v11, v22  }
0x242: {  	[tilespmem:s4+$0xFFFFFFE0] =	vst v12  }
0x243: {  	v12 =	vld.idx.msk [tilespmem:v14+s29+$0x0], $0xffff;
	v14 =	vadd.s32 v11, v25  }
0x244: {  	v15 =	vld.idx.msk [tilespmem:v15+s29+$0x0], $0xffff;
	_ =	sdelay $0x1  }
0x245: {  	v13 =	vld.idx.msk [tilespmem:v13+s29+$0x0], $0xffff;
	_ =	sdelay $0x1  }
0x246: {  	v14 =	vld.idx.msk [tilespmem:v14+s29+$0x0], $0xffff  }
0x247: {  	v12 =	vmul.f32 v12, v19;
	v15 =	vmul.f32 v15, v18;
	_ =	sdelay $0x1  }
0x248: {  	v15 =	vadd.f32 v15, v12;
	v13 =	vmul.f32 v13, v20  }
0x249: {  	v12 =	vor.u32 $0x60, v3  }
0x24a: {  	v13 =	vadd.f32 v13, v15;
	v15 =	vadd.s32 v12, v24;
	v14 =	vmul.f32 v14, v21  }
0x24b: {  	v16 =	vadd.s32 v12, v23  }
0x24c: {  	v13 =	vadd.f32 v14, v13  }
0x24d: {  	v14 =	vadd.s32 v12, v22  }
0x24e: {  	[tilespmem:s4+$0xFFFFFFF0] =	vst v13  }
0x24f: {  	v13 =	vld.idx.msk [tilespmem:v15+s29+$0x0], $0xffff;
	v15 =	vadd.s32 v12, v25  }
0x250: {  	v16 =	vld.idx.msk [tilespmem:v16+s29+$0x0], $0xffff;
	_ =	sdelay $0x1  }
0x251: {  	v14 =	vld.idx.msk [tilespmem:v14+s29+$0x0], $0xffff;
	_ =	sdelay $0x1  }
0x252: {  	v15 =	vld.idx.msk [tilespmem:v15+s29+$0x0], $0xffff  }
0x253: {  	v13 =	vmul.f32 v13, v19;
	v16 =	vmul.f32 v16, v18;
	_ =	sdelay $0x1  }
0x254: {  	v16 =	vadd.f32 v16, v13;
	v14 =	vmul.f32 v14, v20  }
0x255: {  	v13 =	vor.u32 $0x70, v3  }
0x256: {  	v14 =	vadd.f32 v14, v16;
	v16 =	vadd.s32 v13, v24;
	v15 =	vmul.f32 v15, v21  }
0x257: {  	v17 =	vadd.s32 v13, v23  }
0x258: {  	v14 =	vadd.f32 v15, v14  }
0x259: {  	v15 =	vadd.s32 v13, v22  }
0x25a: {  	[tilespmem:s4+$0x0] =	vst v14  }
0x25b: {  	v14 =	vadd.s32 v13, v25;
	v16 =	vld.idx.msk [tilespmem:v16+s29+$0x0], $0xffff  }
0x25c: {  	v17 =	vld.idx.msk [tilespmem:v17+s29+$0x0], $0xffff;
	_ =	sdelay $0x1  }
0x25d: {  	v15 =	vld.idx.msk [tilespmem:v15+s29+$0x0], $0xffff;
	_ =	sdelay $0x1  }
0x25e: {  	v26 =	vld.idx.msk [tilespmem:v14+s29+$0x0], $0xffff  }
0x25f: {  	v14 =	vmul.f32 v16, v19;
	v16 =	vmul.f32 v17, v18;
	_ =	sdelay $0x1  }
0x260: {  	v16 =	vadd.f32 v16, v14;
	v15 =	vmul.f32 v15, v20  }
0x261: {  	v14 =	vor.u32 $0x80, v3  }
0x262: {  	v17 =	vadd.s32 v14, v24;
	v15 =	vadd.f32 v15, v16;
	v16 =	vmul.f32 v26, v21  }
0x263: {  	v26 =	vadd.s32 v14, v23  }
0x264: {  	v15 =	vadd.f32 v16, v15  }
0x265: {  	v16 =	vadd.s32 v14, v22  }
0x266: {  	[tilespmem:s4+$0x10] =	vst v15  }
0x267: {  	v15 =	vadd.s32 v14, v25;
	v17 =	vld.idx.msk [tilespmem:v17+s29+$0x0], $0xffff  }
0x268: {  	v26 =	vld.idx.msk [tilespmem:v26+s29+$0x0], $0xffff;
	_ =	sdelay $0x1  }
0x269: {  	v16 =	vld.idx.msk [tilespmem:v16+s29+$0x0], $0xffff;
	_ =	sdelay $0x1  }
0x26a: {  	v27 =	vld.idx.msk [tilespmem:v15+s29+$0x0], $0xffff  }
0x26b: {  	v15 =	vmul.f32 v17, v19;
	v17 =	vmul.f32 v26, v18;
	_ =	sdelay $0x1  }
0x26c: {  	v17 =	vadd.f32 v17, v15;
	v16 =	vmul.f32 v16, v20  }
0x26d: {  	v15 =	vor.u32 $0x90, v3  }
0x26e: {  	v26 =	vadd.s32 v15, v24;
	v16 =	vadd.f32 v16, v17;
	v17 =	vmul.f32 v27, v21  }
0x26f: {  	v27 =	vadd.s32 v15, v23  }
0x270: {  	v16 =	vadd.f32 v17, v16  }
0x271: {  	v17 =	vadd.s32 v15, v22  }
0x272: {  	[tilespmem:s4+$0x20] =	vst v16  }
0x273: {  	v16 =	vadd.s32 v15, v25;
	v26 =	vld.idx.msk [tilespmem:v26+s29+$0x0], $0xffff  }
0x274: {  	v27 =	vld.idx.msk [tilespmem:v27+s29+$0x0], $0xffff;
	_ =	sdelay $0x1  }
0x275: {  	v17 =	vld.idx.msk [tilespmem:v17+s29+$0x0], $0xffff;
	_ =	sdelay $0x1  }
0x276: {  	v28 =	vld.idx.msk [tilespmem:v16+s29+$0x0], $0xffff  }
0x277: {  	v16 =	vmul.f32 v26, v19;
	v26 =	vmul.f32 v27, v18;
	_ =	sdelay $0x1  }
0x278: {  	v26 =	vadd.f32 v26, v16;
	v17 =	vmul.f32 v17, v20  }
0x279: {  	v16 =	vor.u32 $0xA0, v3  }
0x27a: {  	v27 =	vadd.s32 v16, v24;
	v17 =	vadd.f32 v17, v26;
	v26 =	vmul.f32 v28, v21  }
0x27b: {  	v29 =	vadd.s32 v16, v23  }
0x27c: {  	v17 =	vadd.f32 v26, v17;
	v26 =	vadd.s32 v16, v22  }
0x27d: {  	v30 =	vadd.s32 v16, v25  }
0x27e: {  	[tilespmem:s4+$0x30] =	vst v17  }
0x27f: {  	v28 =	vld.idx.msk [tilespmem:v27+s29+$0x0], $0xffff  }
0x280: {  	v29 =	vld.idx.msk [tilespmem:v29+s29+$0x0], $0xffff  }
0x281: {  	s2 =	rddreg [dreg:$0x5];
	v27 =	vld.idx.msk [tilespmem:v26+s29+$0x0], $0xffff  }
0x282: {  	s5 =	simm.s32 $0x1;
	s14 =	simm.s32 $0x187E0;
	s19 =	sadd.s32 s2, s6;
	v26 =	vld.idx.msk [tilespmem:v30+s29+$0x0], $0xffff  }
.LBB2_9:
0x283: {  	p2 =	sne.s32 s5, $0x3F  }
0x284: {  	s4 =	sadd.s32 $0xC0, s4;
	s2 =	smov.u32 s5;
	s5 =	sadd.s32 $0x1, s5  }
0x285: {  	_ = 	snop  }
0x286: {  	v17 =	vmul.f32 v28, v19  }
0x287: {  	v28 =	vmul.f32 v29, v18;
	_ =	sdelay $0x1  }
0x288: {  	v27 =	vmul.f32 v27, v20;
	v28 =	vadd.f32 v28, v17;
	v17 =	vor.u32 $0xB0, v3  }
0x289: {  	v24 =	vadd.s32 v17, v24  }
0x28a: {  	v26 =	vmul.f32 v26, v21;
	v23 =	vadd.s32 v17, v23;
	v27 =	vadd.f32 v27, v28  }
0x28b: {  	v28 =	vmov s2  }
0x28c: {  	v22 =	vadd.s32 v17, v22;
	v26 =	vadd.f32 v26, v27  }
0x28d: {  	v25 =	vadd.s32 v17, v25  }
0x28e: {  	[tilespmem:s14+$0x40] =	vst v26  }
0x28f: {  	v24 =	vld.idx.msk [tilespmem:v24+s29+$0x0], $0xffff  }
0x290: {  	v23 =	vld.idx.msk [tilespmem:v23+s29+$0x0], $0xffff  }
0x291: {  	v22 =	vld.idx.msk [tilespmem:v22+s29+$0x0], $0xffff  }
0x292: {  	v25 =	vld.idx.msk [tilespmem:v25+s29+$0x0], $0xffff;
	_ =	sdelay $0x2  }
0x293: {  	v19 =	vmul.f32 v24, v19  }
0x294: {  	v18 =	vmul.f32 v23, v18  }
0x295: {  	v20 =	vmul.f32 v22, v20  }
0x296: {  	v18 =	vadd.f32 v18, v19  }
0x297: {  	v19 =	vmul.f32 v25, v21  }
0x298: {  	v18 =	vadd.f32 v20, v18;
	_ =	sdelay $0x1  }
0x299: {  	v18 =	vadd.f32 v19, v18;
	_ =	sdelay $0x1  }
0x29a: {  	[tilespmem:s14+$0x50] =	vst v18;
	s14 =	smov.u32 s4  }
0x29b: {  	v18 =	vld.idx.msk [tilespmem:v28+s24+$0x0], $0xffff  }
0x29c: {  	v19 =	vld.idx.msk [tilespmem:v28+s25+$0x0], $0xffff  }
0x29d: {  	v20 =	vld.idx.msk [tilespmem:v28+s26+$0x0], $0xffff;
	_ =	sdelay $0x2  }
0x29e: {  	v21 =	vld.idx.msk [tilespmem:v28+s28+$0x0], $0xffff  }
0x29f: {  	v24 =	vmul.u32 $0xC0, v18  }
0x2a0: {  	v23 =	vmul.u32 $0xC0, v19  }
0x2a1: {  	v26 =	vor.u32 v3, v24;
	v22 =	vmul.u32 $0xC0, v20  }
0x2a2: {  	v20 =	vor.u32 v3, v23  }
0x2a3: {  	v27 =	vor.u32 v3, v22  }
0x2a4: {  	v25 =	vmul.u32 $0xC0, v21;
	v18 =	vld.idx.msk [tilespmem:v28+s21+$0x0], $0xffff  }
0x2a5: {  	v19 =	vld.idx.msk [tilespmem:v28+s20+$0x0], $0xffff  }
0x2a6: {  	v29 =	vor.u32 v3, v25;
	v26 =	vld.idx.msk [tilespmem:v26+s29+$0x0], $0xffff  }
0x2a7: {  	v30 =	vld.idx.msk [tilespmem:v20+s29+$0x0], $0xffff  }
0x2a8: {  	v20 =	vld.idx.msk [tilespmem:v28+s22+$0x0], $0xffff  }
0x2a9: {  	v27 =	vld.idx.msk [tilespmem:v27+s29+$0x0], $0xffff  }
0x2aa: {  	v21 =	vld.idx.msk [tilespmem:v28+s23+$0x0], $0xffff  }
0x2ab: {  	v28 =	vld.idx.msk [tilespmem:v29+s29+$0x0], $0xffff;
	_ =	sdelay $0x1  }
0x2ac: {  	v26 =	vmul.f32 v26, v19;
	v29 =	vmul.f32 v30, v18;
	_ =	sdelay $0x1  }
0x2ad: {  	v26 =	vadd.f32 v29, v26;
	v27 =	vmul.f32 v27, v20;
	_ =	sdelay $0x1  }
0x2ae: {  	v26 =	vadd.f32 v27, v26;
	v27 =	vmul.f32 v28, v21;
	v28 =	vor.u32 v7, v24  }
0x2af: {  	v29 =	vor.u32 v7, v23  }
0x2b0: {  	v26 =	vadd.f32 v27, v26  }
0x2b1: {  	v27 =	vor.u32 v7, v22  }
0x2b2: {  	[tilespmem:s4+$0xFFFFFFA0] =	vst v26  }
0x2b3: {  	v26 =	vld.idx.msk [tilespmem:v28+s29+$0x0], $0xffff;
	v28 =	vor.u32 v7, v25  }
0x2b4: {  	v29 =	vld.idx.msk [tilespmem:v29+s29+$0x0], $0xffff;
	_ =	sdelay $0x1  }
0x2b5: {  	v27 =	vld.idx.msk [tilespmem:v27+s29+$0x0], $0xffff;
	_ =	sdelay $0x1  }
0x2b6: {  	v28 =	vld.idx.msk [tilespmem:v28+s29+$0x0], $0xffff  }
0x2b7: {  	v26 =	vmul.f32 v26, v19  }
0x2b8: {  	v29 =	vmul.f32 v29, v18;
	_ =	sdelay $0x1  }
0x2b9: {  	v26 =	vadd.f32 v29, v26;
	v27 =	vmul.f32 v27, v20;
	_ =	sdelay $0x1  }
0x2ba: {  	v26 =	vadd.f32 v27, v26;
	v27 =	vmul.f32 v28, v21;
	v28 =	vor.u32 v8, v24  }
0x2bb: {  	v29 =	vor.u32 v8, v23  }
0x2bc: {  	v26 =	vadd.f32 v27, v26  }
0x2bd: {  	v27 =	vor.u32 v8, v22  }
0x2be: {  	[tilespmem:s4+$0xFFFFFFB0] =	vst v26  }
0x2bf: {  	v26 =	vld.idx.msk [tilespmem:v28+s29+$0x0], $0xffff;
	v28 =	vor.u32 v8, v25  }
0x2c0: {  	v29 =	vld.idx.msk [tilespmem:v29+s29+$0x0], $0xffff;
	_ =	sdelay $0x1  }
0x2c1: {  	v27 =	vld.idx.msk [tilespmem:v27+s29+$0x0], $0xffff;
	_ =	sdelay $0x1  }
0x2c2: {  	v28 =	vld.idx.msk [tilespmem:v28+s29+$0x0], $0xffff  }
0x2c3: {  	v26 =	vmul.f32 v26, v19  }
0x2c4: {  	v29 =	vmul.f32 v29, v18;
	_ =	sdelay $0x1  }
0x2c5: {  	v26 =	vadd.f32 v29, v26;
	v27 =	vmul.f32 v27, v20;
	_ =	sdelay $0x1  }
0x2c6: {  	v26 =	vadd.f32 v27, v26;
	v27 =	vmul.f32 v28, v21;
	v28 =	vor.u32 v9, v24  }
0x2c7: {  	v29 =	vor.u32 v9, v23  }
0x2c8: {  	v26 =	vadd.f32 v27, v26  }
0x2c9: {  	v27 =	vor.u32 v9, v22  }
0x2ca: {  	[tilespmem:s4+$0xFFFFFFC0] =	vst v26  }
0x2cb: {  	v26 =	vld.idx.msk [tilespmem:v28+s29+$0x0], $0xffff;
	v28 =	vor.u32 v9, v25  }
0x2cc: {  	v29 =	vld.idx.msk [tilespmem:v29+s29+$0x0], $0xffff;
	_ =	sdelay $0x1  }
0x2cd: {  	v27 =	vld.idx.msk [tilespmem:v27+s29+$0x0], $0xffff;
	_ =	sdelay $0x1  }
0x2ce: {  	v28 =	vld.idx.msk [tilespmem:v28+s29+$0x0], $0xffff;
	_ =	sdelay $0x1  }
0x2cf: {  	v26 =	vmul.f32 v26, v19;
	v29 =	vmul.f32 v29, v18;
	_ =	sdelay $0x1  }
0x2d0: {  	v26 =	vadd.f32 v29, v26;
	v27 =	vmul.f32 v27, v20;
	_ =	sdelay $0x1  }
0x2d1: {  	v26 =	vadd.f32 v27, v26;
	v27 =	vmul.f32 v28, v21;
	v28 =	vadd.s32 v10, v24  }
0x2d2: {  	v29 =	vadd.s32 v10, v23  }
0x2d3: {  	v26 =	vadd.f32 v27, v26  }
0x2d4: {  	v27 =	vadd.s32 v10, v22  }
0x2d5: {  	[tilespmem:s4+$0xFFFFFFD0] =	vst v26  }
0x2d6: {  	v26 =	vld.idx.msk [tilespmem:v28+s29+$0x0], $0xffff;
	v28 =	vadd.s32 v10, v25  }
0x2d7: {  	v29 =	vld.idx.msk [tilespmem:v29+s29+$0x0], $0xffff;
	_ =	sdelay $0x1  }
0x2d8: {  	v27 =	vld.idx.msk [tilespmem:v27+s29+$0x0], $0xffff;
	_ =	sdelay $0x1  }
0x2d9: {  	v28 =	vld.idx.msk [tilespmem:v28+s29+$0x0], $0xffff  }
0x2da: {  	v26 =	vmul.f32 v26, v19  }
0x2db: {  	v29 =	vmul.f32 v29, v18;
	_ =	sdelay $0x1  }
0x2dc: {  	v26 =	vadd.f32 v29, v26;
	v27 =	vmul.f32 v27, v20;
	_ =	sdelay $0x1  }
0x2dd: {  	v26 =	vadd.f32 v27, v26;
	v27 =	vmul.f32 v28, v21;
	v28 =	vadd.s32 v11, v24  }
0x2de: {  	v29 =	vadd.s32 v11, v23  }
0x2df: {  	v26 =	vadd.f32 v27, v26  }
0x2e0: {  	v27 =	vadd.s32 v11, v22  }
0x2e1: {  	[tilespmem:s4+$0xFFFFFFE0] =	vst v26  }
0x2e2: {  	v26 =	vld.idx.msk [tilespmem:v28+s29+$0x0], $0xffff;
	v28 =	vadd.s32 v11, v25  }
0x2e3: {  	v29 =	vld.idx.msk [tilespmem:v29+s29+$0x0], $0xffff;
	_ =	sdelay $0x1  }
0x2e4: {  	v27 =	vld.idx.msk [tilespmem:v27+s29+$0x0], $0xffff;
	_ =	sdelay $0x1  }
0x2e5: {  	v28 =	vld.idx.msk [tilespmem:v28+s29+$0x0], $0xffff  }
0x2e6: {  	v26 =	vmul.f32 v26, v19  }
0x2e7: {  	v29 =	vmul.f32 v29, v18;
	_ =	sdelay $0x1  }
0x2e8: {  	v26 =	vadd.f32 v29, v26;
	v27 =	vmul.f32 v27, v20;
	_ =	sdelay $0x1  }
0x2e9: {  	v26 =	vadd.f32 v27, v26;
	v27 =	vmul.f32 v28, v21;
	v28 =	vadd.s32 v12, v24  }
0x2ea: {  	v29 =	vadd.s32 v12, v23  }
0x2eb: {  	v26 =	vadd.f32 v27, v26  }
0x2ec: {  	v27 =	vadd.s32 v12, v22  }
0x2ed: {  	[tilespmem:s4+$0xFFFFFFF0] =	vst v26  }
0x2ee: {  	v26 =	vld.idx.msk [tilespmem:v28+s29+$0x0], $0xffff;
	v28 =	vadd.s32 v12, v25  }
0x2ef: {  	v29 =	vld.idx.msk [tilespmem:v29+s29+$0x0], $0xffff;
	_ =	sdelay $0x1  }
0x2f0: {  	v27 =	vld.idx.msk [tilespmem:v27+s29+$0x0], $0xffff;
	_ =	sdelay $0x1  }
0x2f1: {  	v28 =	vld.idx.msk [tilespmem:v28+s29+$0x0], $0xffff  }
0x2f2: {  	v26 =	vmul.f32 v26, v19  }
0x2f3: {  	v29 =	vmul.f32 v29, v18;
	_ =	sdelay $0x1  }
0x2f4: {  	v26 =	vadd.f32 v29, v26;
	v27 =	vmul.f32 v27, v20;
	_ =	sdelay $0x1  }
0x2f5: {  	v26 =	vadd.f32 v27, v26;
	v27 =	vmul.f32 v28, v21;
	v28 =	vadd.s32 v13, v24  }
0x2f6: {  	v29 =	vadd.s32 v13, v23  }
0x2f7: {  	v26 =	vadd.f32 v27, v26;
	v27 =	vadd.s32 v13, v22  }
0x2f8: {  	v30 =	vadd.s32 v13, v25  }
0x2f9: {  	[tilespmem:s4+$0x0] =	vst v26  }
0x2fa: {  	v26 =	vld.idx.msk [tilespmem:v28+s29+$0x0], $0xffff  }
0x2fb: {  	v28 =	vld.idx.msk [tilespmem:v29+s29+$0x0], $0xffff  }
0x2fc: {  	v27 =	vld.idx.msk [tilespmem:v27+s29+$0x0], $0xffff  }
0x2fd: {  	v29 =	vld.idx.msk [tilespmem:v30+s29+$0x0], $0xffff;
	_ =	sdelay $0x2  }
0x2fe: {  	v26 =	vmul.f32 v26, v19  }
0x2ff: {  	v28 =	vmul.f32 v28, v18;
	_ =	sdelay $0x1  }
0x300: {  	v27 =	vmul.f32 v27, v20;
	v26 =	vadd.f32 v28, v26;
	_ =	sdelay $0x1  }
0x301: {  	v28 =	vadd.s32 v14, v24;
	v26 =	vadd.f32 v27, v26;
	v27 =	vmul.f32 v29, v21  }
0x302: {  	v29 =	vadd.s32 v14, v23  }
0x303: {  	v26 =	vadd.f32 v27, v26;
	v27 =	vadd.s32 v14, v22  }
0x304: {  	v30 =	vadd.s32 v14, v25  }
0x305: {  	[tilespmem:s4+$0x10] =	vst v26  }
0x306: {  	v26 =	vld.idx.msk [tilespmem:v28+s29+$0x0], $0xffff  }
0x307: {  	v28 =	vld.idx.msk [tilespmem:v29+s29+$0x0], $0xffff  }
0x308: {  	v27 =	vld.idx.msk [tilespmem:v27+s29+$0x0], $0xffff  }
0x309: {  	v29 =	vld.idx.msk [tilespmem:v30+s29+$0x0], $0xffff;
	_ =	sdelay $0x2  }
0x30a: {  	v26 =	vmul.f32 v26, v19  }
0x30b: {  	v28 =	vmul.f32 v28, v18;
	_ =	sdelay $0x1  }
0x30c: {  	v27 =	vmul.f32 v27, v20;
	v26 =	vadd.f32 v28, v26;
	_ =	sdelay $0x1  }
0x30d: {  	v28 =	vadd.s32 v15, v24;
	v26 =	vadd.f32 v27, v26;
	v27 =	vmul.f32 v29, v21  }
0x30e: {  	v29 =	vadd.s32 v15, v23  }
0x30f: {  	v26 =	vadd.f32 v27, v26;
	v27 =	vadd.s32 v15, v22  }
0x310: {  	v30 =	vadd.s32 v15, v25  }
0x311: {  	[tilespmem:s4+$0x20] =	vst v26  }
0x312: {  	v26 =	vld.idx.msk [tilespmem:v28+s29+$0x0], $0xffff  }
0x313: {  	v28 =	vld.idx.msk [tilespmem:v29+s29+$0x0], $0xffff  }
0x314: {  	v27 =	vld.idx.msk [tilespmem:v27+s29+$0x0], $0xffff  }
0x315: {  	v29 =	vld.idx.msk [tilespmem:v30+s29+$0x0], $0xffff;
	_ =	sdelay $0x3  }
0x316: {  	v26 =	vmul.f32 v26, v19;
	v28 =	vmul.f32 v28, v18;
	_ =	sdelay $0x1  }
0x317: {  	v27 =	vmul.f32 v27, v20;
	v26 =	vadd.f32 v28, v26;
	_ =	sdelay $0x1  }
0x318: {  	v28 =	vadd.s32 v16, v24;
	v26 =	vadd.f32 v27, v26;
	v27 =	vmul.f32 v29, v21  }
0x319: {  	v29 =	vadd.s32 v16, v23  }
0x31a: {  	v26 =	vadd.f32 v27, v26;
	v27 =	vadd.s32 v16, v22  }
0x31b: {  	v30 =	vadd.s32 v16, v25  }
.Ltmp11:
0x31c: {  	[tilespmem:s4+$0x30] =	vst v26;
	(pc) =	sbr.rel @p2 .LBB2_9-.Ltmp11, $4  }
0x31d: {  	v28 =	vld.idx.msk [tilespmem:v28+s29+$0x0], $0xffff  }
0x31e: {  	v29 =	vld.idx.msk [tilespmem:v29+s29+$0x0], $0xffff  }
0x31f: {  	v27 =	vld.idx.msk [tilespmem:v27+s29+$0x0], $0xffff  }
0x320: {  	v26 =	vld.idx.msk [tilespmem:v30+s29+$0x0], $0xffff  }
0x321: {  	_ =	sdelay $0x1  }
0x322: {  	v28 =	vmul.f32 v28, v19;
	v29 =	vmul.f32 v29, v18;
	_ =	sdelay $0x1  }
0x323: {  	v27 =	vmul.f32 v27, v20;
	v28 =	vadd.f32 v29, v28;
	_ =	sdelay $0x1  }
0x324: {  	v24 =	vadd.s32 v17, v24;
	v26 =	vmul.f32 v26, v21;
	v27 =	vadd.f32 v27, v28  }
0x325: {  	v23 =	vadd.s32 v17, v23  }
0x326: {  	v26 =	vadd.f32 v26, v27  }
0x327: {  	v22 =	vadd.s32 v17, v22  }
0x328: {  	[tilespmem:s14+$0x40] =	vst v26  }
0x329: {  	v25 =	vadd.s32 v17, v25;
	v24 =	vld.idx.msk [tilespmem:v24+s29+$0x0], $0xffff  }
0x32a: {  	v23 =	vld.idx.msk [tilespmem:v23+s29+$0x0], $0xffff;
	_ =	sdelay $0x1  }
0x32b: {  	v22 =	vld.idx.msk [tilespmem:v22+s29+$0x0], $0xffff;
	_ =	sdelay $0x1  }
0x32c: {  	v25 =	vld.idx.msk [tilespmem:v25+s29+$0x0], $0xffff  }
0x32d: {  	v19 =	vmul.f32 v24, v19;
	v18 =	vmul.f32 v23, v18;
	_ =	sdelay $0x1  }
0x32e: {  	v40 =	vmul.f32 v22, v20;
	v18 =	vadd.f32 v18, v19;
	_ =	sdelay $0x1  }
0x32f: {  	v19 =	vmul.f32 v25, v21;
	v18 =	vadd.f32 v40, v18;
	_ =	sdelay $0x1  }
0x330: {  	s2 =	smul.u32 $0x18, s19;
	v18 =	vadd.f32 v19, v18  }
0x331: {  	s4 =	rddreg [dreg:$0x3];
	s19 =	simm.s32 $0x0  }
0x332: {  	s5 =	rddreg [dreg:$0x8];
	s2 =	sadd.s32 s4, s2;
	[tilespmem:s14+$0x50] =	vst v18;
	s14 =	simm.s32 $0x18780  }
0x333: {  	[hbm4b:s2+s19] =	stream.linear.scatter [tilespmem:s14], [sflag:$0x3], $0x3000, $0x38;
	[tilespmem:$0x1E780] =	vst v63  }
0x334: {  	s2 =	sadd.s32 s6, s5  }
0x335: {  	s14 =	rddreg [dreg:$0x0];
	s2 =	sshrl.u32 s2, $0x3  }
0x336: {  	s4 =	sadd.s32 s14, s2  }
0x337: {  	[tilespmem:s19], [sflag:$0x5] =	stream.linear.gather [hbm4b:s4+s19], $0x40, $0x38;
	[tilespmem:$0x1E780] =	vst v63  }
0x338: {  	_ =	swait.ge [sflag:s12], $0x40  }
0x339: {  	[sflag:s12] =	ssyncset.done $0x0  }
0x33a: {  	[sflag:s12] =	ssyncadd.s32 $0xFFFFFFC0  }
0x33b: {  	s5 =	rddreg [dreg:$0x1]  }
0x33c: {  	s6 =	simm.s32 $0x80;
	s2 =	sadd.s32 s5, s2  }
0x33d: {  	[tilespmem:s6], [sflag:$0x5] =	stream.linear.gather [hbm4b:s2+s19], $0x40, $0x38;
	[tilespmem:$0x1E780] =	vst v63  }
0x33e: {  	_ =	swait.ge [sflag:s12], $0x40  }
0x33f: {  	[sflag:s12] =	ssyncset.done $0x0  }
0x340: {  	[sflag:s12] =	ssyncadd.s32 $0xFFFFFFC0  }
0x341: {  	v18 =	vld [tilespmem:$0x0]  }
0x342: {  	v19 =	vld [tilespmem:$0x80];
	_ =	sdelay $0x4  }
0x343: {  	v18 =	vadd.f32 $1.000000000e+00, v18;
	v19 =	vadd.f32 $1.000000000e+00, v19;
	_ =	sdelay $0x1  }
0x344: {  	v18 =	vmul.f32 $5.000000000e-01, v18;
	v19 =	vmul.f32 $5.000000000e-01, v19;
	_ =	sdelay $0x1  }
0x345: {  	v18 =	vmul.f32 $2.240000000e+02, v18;
	v19 =	vmul.f32 $2.240000000e+02, v19;
	_ =	sdelay $0x1  }
0x346: {  	v41 =	vtrunc.f32 v18;
	v42 =	vtrunc.f32 v19  }
0x347: {  	v20 =	vcvt.f32.s32 v41;
	v21 =	vcvt.f32.s32 v42;
	_ =	sdelay $0x1  }
0x348: {  	vm1 =	vgt.s32 v20, $0x0;
	v43 =	vadd.s32 $0x1, v20;
	v44 =	vadd.s32 $0x1, v21  }
0x349: {  	v20 =	vnsel vm1, $0x0, v20;
	vm1 =	vgt.s32 v43, $0x0;
	vm2 =	vgt.s32 v44, $0x0  }
0x34a: {  	v22 =	vnsel vm1, $0x0, v43;
	vm1 =	vgt.s32 v21, $0x0;
	v23 =	vnsel vm2, $0x0, v44  }
0x34b: {  	v20 =	vmin.u32 v20, $0xDF;
	v22 =	vmin.u32 v22, $0xDF;
	v23 =	vmin.u32 v23, $0xDF  }
0x34c: {  	v21 =	vnsel vm1, $0x0, v21;
	v45 =	vcvt.s32.f32 v22;
	v46 =	vcvt.s32.f32 v23  }
0x34d: {  	v48 =	vcvt.s32.f32 v20;
	v21 =	vmin.u32 v21, $0xDF  }
0x34e: {  	v47 =	vcvt.s32.f32 v21;
	v24 =	vsub.f32 v45, v18;
	v25 =	vsub.f32 v46, v19  }
0x34f: {  	v18 =	vsub.f32 v18, v48  }
0x350: {  	v19 =	vsub.f32 v19, v47;
	v49 =	vmul.f32 v25, v24  }
0x351: {  	v25 =	vmul.f32 v25, v18  }
0x352: {  	v50 =	vmul.u32 $0xE0, v23;
	v24 =	vmul.f32 v19, v24;
	[tilespmem:$0x180] =	vst v49  }
0x353: {  	v18 =	vmul.f32 v19, v18;
	[tilespmem:$0x280] =	vst v25  }
0x354: {  	v19 =	vadd.s32 v0, v50;
	[tilespmem:$0x200] =	vst v24  }
0x355: {  	[tilespmem:$0x300] =	vst v18;
	v18 =	vadd.s32 v22, v19  }
0x356: {  	s6 =	simm.s32 $0x100;
	[tilespmem:$0x100] =	vst v18  }
0x357: {  	v24 =	vld.idx.msk [tilespmem:v2+s6+$0x0], $0xffff  }
0x358: {  	v51 =	vmul.u32 $0xE0, v21;
	_ =	sdelay $0x1  }
0x359: {  	v25 =	vadd.s32 v0, v51  }
0x35a: {  	vm2 =	vne.s32 v22, v20;
	vm1 =	vne.s32 v23, v21;
	v52 =	vadd.s32 v20, v25  }
0x35b: {  	v53 =	vsel vm2, $0x1, v1;
	v23 =	vsel vm1, $0x1, v1;
	vm3 =	vne.s32 v52, v24  }
0x35c: {  	v54 =	vnsel vm2, $0x0, v23;
	v55 =	vadd.s32 v53, v23;
	vm3 =	vmor vm3, vm0  }
0x35d: {  	v27 =	vadd.s32 v54, v55;
	v56 =	vsel vm3, $0x1, v1  }
0x35e: {  	v27 =	vadd.s32 v56, v27  }
0x35f: {  	(xrf0) =	vadd.scan.msk.s32 $0xffff, v27;
	_ =	sdelay $0x3  }
0x360: {  	vm4 =	vmneg vm3  }
0x361: {  	v57 =	vsel vm4, $0xFFFFFFFF, v1  }
0x362: {  	v27 =	vsub.s32 v57, v27;
	v58, _, _ =	vpop (xrf0)  }
0x363: {  	v27 =	vadd.s32 v58, v27  }
0x364: {  	v21 =	vadd.s32 v53, v27  }
0x365: {  	vm9 =	vmand vm2, vm1;
	v23 =	vadd.s32 v23, v21  }
0x366: {  	v24 =	vadd.s32 v54, v23  }
0x367: {  	s5 =	simm.s32 $0x580  }
0x368: {  	v22 =	vadd.s32 v22, v25;
	[tilespmem:v27+s5+$0x0] =	vst.idx.msk vm3, v52  }
0x369: {  	v19 =	vadd.s32 v20, v19;
	[tilespmem:v21+s5+$0x0] =	vst.idx.msk vm2, v22  }
0x36a: {  	[tilespmem:v23+s5+$0x0] =	vst.idx.msk vm1, v19  }
0x36b: {  	[tilespmem:v24+s5+$0x0] =	vst.idx.msk vm9, v18  }
0x36c: {  	v18 =	vld [tilespmem:$0x10]  }
0x36d: {  	v19 =	vld [tilespmem:$0x90];
	_ =	sdelay $0x4  }
0x36e: {  	v18 =	vadd.f32 $1.000000000e+00, v18;
	v19 =	vadd.f32 $1.000000000e+00, v19;
	_ =	sdelay $0x1  }
0x36f: {  	v18 =	vmul.f32 $5.000000000e-01, v18;
	v19 =	vmul.f32 $5.000000000e-01, v19;
	_ =	sdelay $0x1  }
0x370: {  	v18 =	vmul.f32 $2.240000000e+02, v18;
	v19 =	vmul.f32 $2.240000000e+02, v19;
	_ =	sdelay $0x1  }
0x371: {  	v59 =	vtrunc.f32 v18;
	v60 =	vtrunc.f32 v19  }
0x372: {  	v20 =	vcvt.f32.s32 v59;
	v22 =	vcvt.f32.s32 v60  }
0x373: {  	v61 =	vxor.u32 $0x80000000, v58  }
0x374: {  	(xrf0) =	vmax.scan.msk.u32 $0xffff, v61;
	vm3 =	vgt.s32 v20, $0x0;
	v62 =	vadd.s32 $0x1, v20;
	v63 =	vadd.s32 $0x1, v22  }
0x375: {  	v20 =	vnsel vm3, $0x0, v20;
	vm3 =	vgt.s32 v62, $0x0;
	vm10 =	vgt.s32 v63, $0x0  }
0x376: {  	v31 =	vnsel vm3, $0x0, v62;
	vm3 =	vgt.s32 v22, $0x0;
	v32 =	vnsel vm10, $0x0, v63  }
0x377: {  	v20 =	vmin.u32 v20, $0xDF;
	v25 =	vmin.u32 v31, $0xDF;
	v26 =	vmin.u32 v32, $0xDF  }
0x378: {  	v22 =	vnsel vm3, $0x0, v22;
	v33 =	vcvt.s32.f32 v25;
	v34 =	vcvt.s32.f32 v26  }
0x379: {  	v24 =	vsel vm2, v24, v23;
	v31 =	vcvt.s32.f32 v20;
	v22 =	vmin.u32 v22, $0xDF  }
0x37a: {  	v35, _, _ =	vpop (xrf0);
	[tilespmem:$0x380] =	vst v27;
	v30 =	vcvt.s32.f32 v22;
	v28 =	vsub.f32 v33, v18;
	v29 =	vsub.f32 v34, v19  }
0x37b: {  	v23 =	vsel vm1, v23, v27;
	(v2sf) =	vpush v35, $0xF;
	[tilespmem:$0x480] =	vst v21;
	v18 =	vsub.f32 v18, v31  }
0x37c: {  	v21 =	vsel vm1, v24, v21;
	[tilespmem:$0x400] =	vst v23;
	v19 =	vsub.f32 v19, v30;
	v36 =	vmul.f32 v29, v28  }
0x37d: {  	[tilespmem:$0x500] =	vst v21;
	v38 =	vmul.f32 v29, v18  }
0x37e: {  	v39 =	vmul.u32 $0xE0, v26;
	v37 =	vmul.f32 v19, v28;
	[tilespmem:$0x190] =	vst v36  }
0x37f: {  	v18 =	vmul.f32 v19, v18;
	[tilespmem:$0x290] =	vst v38  }
0x380: {  	v19 =	vadd.s32 v0, v39;
	[tilespmem:$0x210] =	vst v37  }
0x381: {  	[tilespmem:$0x310] =	vst v18;
	v18 =	vadd.s32 v25, v19  }
0x382: {  	[tilespmem:$0x110] =	vst v18  }
0x383: {  	v21 =	vld.idx.msk [tilespmem:v4+s6+$0x0], $0xffff  }
0x384: {  	v40 =	vmul.u32 $0xE0, v22;
	_ =	sdelay $0x1  }
0x385: {  	vm2 =	vne.s32 v25, v20;
	vm1 =	vne.s32 v26, v22;
	v23 =	vadd.s32 v0, v40  }
0x386: {  	v42 =	vsel vm2, $0x1, v1;
	v26 =	vsel vm1, $0x1, v1;
	v41 =	vadd.s32 v20, v23  }
0x387: {  	v43 =	vnsel vm2, $0x0, v26;
	v44 =	vadd.s32 v42, v26;
	vm3 =	vne.s32 v41, v21  }
0x388: {  	v27 =	vadd.s32 v43, v44;
	v45 =	vsel vm3, $0x1, v1  }
0x389: {  	v28 =	vadd.s32 v45, v27  }
0x38a: {  	s14 =	spop (v2sf);
	(xrf0) =	vadd.scan.msk.s32 $0xffff, v28  }
0x38b: {  	s2 =	sxor.u32 $0x80000000, s14  }
0x38c: {  	v46 =	vmov s2  }
0x38d: {  	v28 =	vadd.s32 $0xFFFFFFFF, v46  }
0x38e: {  	v28 =	vbroadcast v28, $0x0;
	_ =	sdelay $0x1  }
0x38f: {  	v27 =	vsub.s32 v28, v27;
	v47, _, _ =	vpop (xrf0)  }
0x390: {  	v27 =	vadd.s32 v47, v27  }
0x391: {  	v24 =	vadd.s32 v42, v27  }
0x392: {  	vm11 =	vmand vm2, vm1;
	v26 =	vadd.s32 v26, v24  }
0x393: {  	v21 =	vadd.s32 v43, v26;
	_ =	sdelay $0x1  }
0x394: {  	v23 =	vadd.s32 v25, v23;
	[tilespmem:v27+s5+$0x0] =	vst.idx.msk vm3, v41  }
0x395: {  	v19 =	vadd.s32 v20, v19;
	[tilespmem:v24+s5+$0x0] =	vst.idx.msk vm2, v23  }
0x396: {  	[tilespmem:v26+s5+$0x0] =	vst.idx.msk vm1, v19  }
0x397: {  	[tilespmem:v21+s5+$0x0] =	vst.idx.msk vm11, v18  }
0x398: {  	v18 =	vld [tilespmem:$0x20]  }
0x399: {  	v19 =	vld [tilespmem:$0xA0];
	_ =	sdelay $0x4  }
0x39a: {  	v18 =	vadd.f32 $1.000000000e+00, v18;
	v19 =	vadd.f32 $1.000000000e+00, v19;
	_ =	sdelay $0x1  }
0x39b: {  	v18 =	vmul.f32 $5.000000000e-01, v18;
	v19 =	vmul.f32 $5.000000000e-01, v19;
	_ =	sdelay $0x1  }
0x39c: {  	v18 =	vmul.f32 $2.240000000e+02, v18;
	v19 =	vmul.f32 $2.240000000e+02, v19;
	_ =	sdelay $0x1  }
0x39d: {  	v48 =	vtrunc.f32 v18;
	v49 =	vtrunc.f32 v19  }
0x39e: {  	v20 =	vcvt.f32.s32 v48;
	v22 =	vcvt.f32.s32 v49  }
0x39f: {  	v50 =	vxor.u32 $0x80000000, v47  }
0x3a0: {  	(xrf0) =	vmax.scan.msk.u32 $0xffff, v50;
	vm3 =	vgt.s32 v20, $0x0;
	v51 =	vadd.s32 $0x1, v20;
	v52 =	vadd.s32 $0x1, v22  }
0x3a1: {  	v20 =	vnsel vm3, $0x0, v20;
	vm3 =	vgt.s32 v51, $0x0;
	vm12 =	vgt.s32 v52, $0x0  }
0x3a2: {  	v23 =	vnsel vm3, $0x0, v51;
	vm3 =	vgt.s32 v22, $0x0;
	v25 =	vnsel vm12, $0x0, v52  }
0x3a3: {  	v20 =	vmin.u32 v20, $0xDF;
	v23 =	vmin.u32 v23, $0xDF;
	v25 =	vmin.u32 v25, $0xDF  }
0x3a4: {  	v22 =	vnsel vm3, $0x0, v22;
	v53 =	vcvt.s32.f32 v23;
	v54 =	vcvt.s32.f32 v25  }
0x3a5: {  	v55 =	vsel vm1, v26, v27;
	v32 =	vcvt.s32.f32 v20;
	v22 =	vmin.u32 v22, $0xDF  }
0x3a6: {  	v57, _, _ =	vpop (xrf0);
	[tilespmem:$0x390] =	vst v27;
	v56 =	vcvt.s32.f32 v22;
	v28 =	vsub.f32 v53, v18;
	v29 =	vsub.f32 v54, v19  }
0x3a7: {  	v21 =	vsel vm2, v21, v26;
	(v2sf) =	vpush v57, $0xF;
	[tilespmem:$0x490] =	vst v24;
	v18 =	vsub.f32 v18, v32  }
0x3a8: {  	[tilespmem:$0x410] =	vst v55;
	v21 =	vsel vm1, v21, v24;
	v19 =	vsub.f32 v19, v56;
	v58 =	vmul.f32 v29, v28  }
0x3a9: {  	[tilespmem:$0x510] =	vst v21;
	v60 =	vmul.f32 v29, v18  }
0x3aa: {  	v61 =	vmul.u32 $0xE0, v25;
	v59 =	vmul.f32 v19, v28;
	[tilespmem:$0x1A0] =	vst v58  }
0x3ab: {  	v18 =	vmul.f32 v19, v18;
	[tilespmem:$0x2A0] =	vst v60  }
0x3ac: {  	v19 =	vadd.s32 v0, v61;
	[tilespmem:$0x220] =	vst v59  }
0x3ad: {  	[tilespmem:$0x320] =	vst v18;
	v18 =	vadd.s32 v23, v19  }
0x3ae: {  	[tilespmem:$0x120] =	vst v18  }
0x3af: {  	v21 =	vld.idx.msk [tilespmem:v5+s6+$0x0], $0xffff  }
0x3b0: {  	v62 =	vmul.u32 $0xE0, v22;
	_ =	sdelay $0x1  }
0x3b1: {  	vm2 =	vne.s32 v23, v20;
	vm1 =	vne.s32 v25, v22;
	v24 =	vadd.s32 v0, v62  }
0x3b2: {  	v32 =	vsel vm2, $0x1, v1;
	v33 =	vsel vm1, $0x1, v1;
	v63 =	vadd.s32 v20, v24  }
0x3b3: {  	v34 =	vnsel vm2, $0x0, v33;
	v35 =	vadd.s32 v32, v33;
	vm3 =	vne.s32 v63, v21  }
0x3b4: {  	v27 =	vadd.s32 v34, v35;
	v36 =	vsel vm3, $0x1, v1  }
0x3b5: {  	s14 =	spop (v2sf);
	v28 =	vadd.s32 v36, v27  }
0x3b6: {  	s2 =	sadd.s32 s14, s2;
	(xrf0) =	vadd.scan.msk.s32 $0xffff, v28  }
0x3b7: {  	s4 =	sadd.s32 $0x80000000, s2  }
0x3b8: {  	v37 =	vmov s4  }
0x3b9: {  	v28 =	vadd.s32 $0xFFFFFFFF, v37  }
0x3ba: {  	v28 =	vbroadcast v28, $0x0;
	_ =	sdelay $0x1  }
0x3bb: {  	v27 =	vsub.s32 v28, v27;
	v38, _, _ =	vpop (xrf0)  }
0x3bc: {  	v27 =	vadd.s32 v38, v27  }
0x3bd: {  	v25 =	vadd.s32 v32, v27  }
0x3be: {  	vm13 =	vmand vm2, vm1;
	v26 =	vadd.s32 v33, v25  }
0x3bf: {  	v21 =	vadd.s32 v34, v26;
	_ =	sdelay $0x1  }
0x3c0: {  	v23 =	vadd.s32 v23, v24;
	[tilespmem:v27+s5+$0x0] =	vst.idx.msk vm3, v63  }
0x3c1: {  	v19 =	vadd.s32 v20, v19;
	[tilespmem:v25+s5+$0x0] =	vst.idx.msk vm2, v23  }
0x3c2: {  	[tilespmem:v26+s5+$0x0] =	vst.idx.msk vm1, v19  }
0x3c3: {  	[tilespmem:v21+s5+$0x0] =	vst.idx.msk vm13, v18  }
0x3c4: {  	v18 =	vld [tilespmem:$0x30]  }
0x3c5: {  	v19 =	vld [tilespmem:$0xB0];
	_ =	sdelay $0x4  }
0x3c6: {  	v18 =	vadd.f32 $1.000000000e+00, v18;
	v19 =	vadd.f32 $1.000000000e+00, v19;
	_ =	sdelay $0x1  }
0x3c7: {  	v18 =	vmul.f32 $5.000000000e-01, v18;
	v19 =	vmul.f32 $5.000000000e-01, v19;
	_ =	sdelay $0x1  }
0x3c8: {  	v18 =	vmul.f32 $2.240000000e+02, v18;
	v19 =	vmul.f32 $2.240000000e+02, v19;
	_ =	sdelay $0x1  }
0x3c9: {  	v39 =	vtrunc.f32 v18;
	v40 =	vtrunc.f32 v19  }
0x3ca: {  	v20 =	vcvt.f32.s32 v39;
	v22 =	vcvt.f32.s32 v40;
	_ =	sdelay $0x1  }
0x3cb: {  	vm3 =	vgt.s32 v20, $0x0;
	v41 =	vadd.s32 $0x1, v20;
	v42 =	vadd.s32 $0x1, v22  }
0x3cc: {  	v20 =	vnsel vm3, $0x0, v20;
	vm3 =	vgt.s32 v41, $0x0;
	vm14 =	vgt.s32 v42, $0x0  }
0x3cd: {  	v23 =	vnsel vm3, $0x0, v41;
	vm3 =	vgt.s32 v22, $0x0;
	v24 =	vnsel vm14, $0x0, v42  }
0x3ce: {  	v20 =	vmin.u32 v20, $0xDF;
	v23 =	vmin.u32 v23, $0xDF;
	v24 =	vmin.u32 v24, $0xDF  }
0x3cf: {  	v22 =	vnsel vm3, $0x0, v22;
	v43 =	vcvt.s32.f32 v23;
	v44 =	vcvt.s32.f32 v24  }
0x3d0: {  	v45 =	vsel vm1, v26, v27;
	v47 =	vcvt.s32.f32 v20;
	v22 =	vmin.u32 v22, $0xDF  }
0x3d1: {  	[tilespmem:$0x3A0] =	vst v27;
	v46 =	vcvt.s32.f32 v22;
	v28 =	vsub.f32 v43, v18;
	v30 =	vsub.f32 v44, v19  }
0x3d2: {  	v21 =	vsel vm2, v21, v26;
	[tilespmem:$0x420] =	vst v45;
	v18 =	vsub.f32 v18, v47  }
0x3d3: {  	[tilespmem:$0x4A0] =	vst v25;
	v21 =	vsel vm1, v21, v25;
	v19 =	vsub.f32 v19, v46;
	v48 =	vmul.f32 v30, v28  }
0x3d4: {  	[tilespmem:$0x520] =	vst v21;
	v50 =	vmul.f32 v30, v18  }
0x3d5: {  	v51 =	vmul.u32 $0xE0, v24;
	v49 =	vmul.f32 v19, v28;
	[tilespmem:$0x1B0] =	vst v48  }
0x3d6: {  	v18 =	vmul.f32 v19, v18;
	[tilespmem:$0x2B0] =	vst v50  }
0x3d7: {  	v19 =	vadd.s32 v0, v51;
	[tilespmem:$0x230] =	vst v49  }
0x3d8: {  	[tilespmem:$0x330] =	vst v18;
	v18 =	vadd.s32 v23, v19  }
0x3d9: {  	[tilespmem:$0x130] =	vst v18  }
0x3da: {  	v21 =	vld.idx.msk [tilespmem:v6+s6+$0x0], $0xffff  }
0x3db: {  	v52 =	vmul.u32 $0xE0, v22;
	_ =	sdelay $0x1  }
0x3dc: {  	vm2 =	vne.s32 v23, v20;
	vm1 =	vne.s32 v24, v22;
	v25 =	vadd.s32 v0, v52  }
0x3dd: {  	v55 =	vsel vm2, $0x1, v1;
	v56 =	vsel vm1, $0x1, v1;
	v54 =	vadd.s32 v20, v25  }
0x3de: {  	v57 =	vnsel vm2, $0x0, v56;
	v58 =	vadd.s32 v55, v56;
	vm3 =	vne.s32 v54, v21  }
0x3df: {  	v53 =	vxor.u32 $0x80000000, v38;
	v28 =	vadd.s32 v57, v58;
	v59 =	vsel vm3, $0x1, v1  }
0x3e0: {  	(xrf0) =	vmax.scan.msk.u32 $0xffff, v53;
	v26 =	vadd.s32 v59, v28  }
0x3e1: {  	(xrf0) =	vadd.scan.msk.s32 $0xffff, v26;
	_ =	sdelay $0x4  }
0x3e2: {  	v60, _, _ =	vpop (xrf0)  }
0x3e3: {  	v61, _, _ =	vpop (xrf0)  }
0x3e4: {  	v62 =	vxor.u32 $0x80000000, v61  }
0x3e5: {  	(xrf0) =	vmax.scan.msk.u32 $0xffff, v62  }
0x3e6: {  	(v2sf) =	vpush v60, $0xF;
	_ =	sdelay $0x4  }
0x3e7: {  	v29, _, _ =	vpop (xrf0)  }
0x3e8: {  	(v2sf) =	vpush v29, $0xF;
	_ =	sdelay $0x8  }
0x3e9: {  	s6 =	spop (v2sf)  }
0x3ea: {  	s2 =	sadd.s32 s6, s4  }
0x3eb: {  	s2 =	sadd.s32 $0x80000000, s2  }
0x3ec: {  	v63 =	vmov s2  }
0x3ed: {  	v29 =	vadd.s32 $0xFFFFFFFF, v63  }
0x3ee: {  	v29 =	vbroadcast v29, $0x0  }
0x3ef: {  	s14 =	spop (v2sf)  }
0x3f0: {  	v28 =	vsub.s32 v29, v28;
	s2 =	sadd.s32 s14, s2  }
0x3f1: {  	v26 =	vadd.s32 v61, v28;
	s2 =	sadd.s32 $0x8000001F, s2  }
0x3f2: {  	v24 =	vadd.s32 v55, v26;
	s6 =	sand.u32 $0x1F, s2  }
0x3f3: {  	vm15 =	vmand vm2, vm1;
	v27 =	vadd.s32 v56, v24;
	s14 =	sshra.s32 s2, $0x1F;
	p3 =	slt.s32 s2, $0x1;
	p2 =	sne.s32 s6, $0x0  }
0x3f4: {  	v21 =	vadd.s32 v57, v27;
	s4 =	sshrl.u32 s14, $0x1B;
	p2 =	por !p3, !p2  }
0x3f5: {  	s2 =	sadd.s32 s4, s2;
	s4 =	simm.s32 $0x1;
	p2 =	por !p2, !p2  }
0x3f6: {  	v23 =	vadd.s32 v23, v25;
	[tilespmem:v26+s5+$0x0] =	vst.idx.msk vm3, v54;
	s2 =	sshra.s32 s2, $0x5;
	s4 =	simm.s32 @!p2 $0x0  }
0x3f7: {  	v19 =	vadd.s32 v20, v19;
	[tilespmem:v24+s5+$0x0] =	vst.idx.msk vm2, v23;
	s4 =	ssub.s32 s2, s4  }
0x3f8: {  	[tilespmem:v27+s5+$0x0] =	vst.idx.msk vm1, v19;
	p2 =	sgt.s32 s4, $0x0  }
.Ltmp12:
0x3f9: {  	[tilespmem:v21+s5+$0x0] =	vst.idx.msk vm15, v18;
	(pc) =	sbr.rel @!p2 .LBB2_13-.Ltmp12, $4  }
0x3fa: {  	[tilespmem:$0x3B0] =	vst v26  }
0x3fb: {  	v19 =	vsel vm2, v21, v27;
	v18 =	vsel vm1, v27, v26;
	[tilespmem:$0x4B0] =	vst v24  }
0x3fc: {  	[tilespmem:$0x430] =	vst v18;
	v18 =	vsel vm1, v19, v24  }
0x3fd: {  	[tilespmem:$0x530] =	vst v18;
	s6 =	simm.s32 $0x780  }
0x3fe: {  	p3 =	seq.s32 s4, $0x1  }
.Ltmp13:
0x3ff: {  	_ = 	snop;
	(pc) =	sbr.rel @p3 .LBB2_13-.Ltmp13, $3  }
0x400: {  	_ =	sdelay $0x1  }
0x401: {  	[tilespmem:s6], [sflag:$0x1] =	stream.indirect.gather [hbm4b:s7+s16], $0xC0, s5, s16, $0xb8;
	[tilespmem:$0x1E780] =	vst v63  }
0x402: {  	s14 =	sadd.s32 $0xFFFFFFFF, s4  }
.LBB2_12:
0x403: {  	p3 =	seq.s32 s14, $0x1  }
.Ltmp14:
0x404: {  	_ = 	snop;
	(pc) =	sbr.rel @!p3 .LBB2_12-.Ltmp14, $4  }
0x405: {  	_ = 	snop  }
0x406: {  	s5 =	sadd.s32 $0x20, s5;
	s6 =	sadd.s32 $0x1800, s6  }
0x407: {  	s14 =	sadd.s32 $0xFFFFFFFF, s14  }
0x408: {  	[tilespmem:s6], [sflag:$0x1] =	stream.indirect.gather [hbm4b:s7+s16], $0xC0, s5, s16, $0xb8;
	[tilespmem:$0x1E780] =	vst v63  }
.LBB2_13:
.Ltmp15:
0x409: {  	(pc) =	sbr.rel @!p0 .LBB2_17-.Ltmp15, $1  }
0x40a: {  	_ =	sdelay $0x3  }
0x40b: {  	p0 =	sne.s32 s10, $0x1  }
.Ltmp16:
0x40c: {  	_ = 	snop;
	(pc) =	sbr.rel @!p0 .LBB2_16-.Ltmp16, $3  }
0x40d: {  	_ =	sdelay $0x1  }
0x40e: {  	_ =	swait.ge [sflag:s31], $0x1800  }
0x40f: {  	s5 =	sadd.s32 $0xFFFFFFFF, s10;
	[sflag:s31] =	ssyncset.done $0x0  }
.LBB2_15:
0x410: {  	p0 =	sne.s32 s5, $0x1;
	s5 =	sadd.s32 $0xFFFFFFFF, s5;
	[sflag:s31] =	ssyncadd.s32 $0xFFFFE800  }
.Ltmp17:
0x411: {  	(pc) =	sbr.rel @p0 .LBB2_15-.Ltmp17, $3  }
0x412: {  	_ =	sdelay $0x1  }
0x413: {  	_ =	swait.ge [sflag:s31], $0x1800  }
0x414: {  	[sflag:s31] =	ssyncset.done $0x0  }
.LBB2_16:
0x415: {  	[sflag:s31] =	ssyncadd.s32 $0xFFFFE800  }
.LBB2_17:
0x416: {  	s2 =	simm.s32 $0x0  }
0x417: {  	v20 =	vmov s2  }
0x418: {  	s2 =	simm.s32 @!p1 $0x4  }
0x419: {  	_ =	swait.ge @!p1 [sflag:s2], $0x3000  }
0x41a: {  	[sflag:s2] =	ssyncset.done @!p1 $0x0  }
0x41b: {  	[sflag:s2] =	ssyncadd.s32 @!p1 $0xFFFFD000  }
0x41c: {  	v18 =	vld.idx.msk [tilespmem:v20+s11+$0x0], $0xffff  }
0x41d: {  	v19 =	vld.idx.msk [tilespmem:v20+s17+$0x0], $0xffff;
	_ =	sdelay $0x1  }
0x41e: {  	v21 =	vld.idx.msk [tilespmem:v20+s18+$0x0], $0xffff;
	_ =	sdelay $0x1  }
0x41f: {  	v25 =	vld.idx.msk [tilespmem:v20+s30+$0x0], $0xffff;
	v22 =	vmul.u32 $0xC0, v18  }
0x420: {  	v23 =	vmul.u32 $0xC0, v19  }
0x421: {  	v26 =	vor.u32 v3, v22  }
0x422: {  	v24 =	vmul.u32 $0xC0, v21;
	v21 =	vor.u32 v3, v23;
	_ =	sdelay $0x1  }
0x423: {  	v25 =	vmul.u32 $0xC0, v25;
	v18 =	vld.idx.msk [tilespmem:v20+s3+$0x0], $0xffff;
	v27 =	vor.u32 v3, v24  }
0x424: {  	v19 =	vld.idx.msk [tilespmem:v20+s0+$0x0], $0xffff  }
0x425: {  	v28 =	vor.u32 v3, v25;
	v26 =	vld.idx.msk [tilespmem:v26+s13+$0x0], $0xffff  }
0x426: {  	v29 =	vld.idx.msk [tilespmem:v21+s13+$0x0], $0xffff  }
0x427: {  	v21 =	vld.idx.msk [tilespmem:v20+s8+$0x0], $0xffff  }
0x428: {  	v27 =	vld.idx.msk [tilespmem:v27+s13+$0x0], $0xffff  }
0x429: {  	v20 =	vld.idx.msk [tilespmem:v20+s9+$0x0], $0xffff  }
0x42a: {  	v28 =	vld.idx.msk [tilespmem:v28+s13+$0x0], $0xffff  }
0x42b: {  	v26 =	vmul.f32 v26, v19;
	v29 =	vmul.f32 v29, v18;
	_ =	sdelay $0x1  }
0x42c: {  	v27 =	vmul.f32 v27, v21;
	v26 =	vadd.f32 v29, v26;
	_ =	sdelay $0x1  }
0x42d: {  	v26 =	vadd.f32 v27, v26;
	v27 =	vmul.f32 v28, v20;
	v28 =	vor.u32 v7, v22  }
0x42e: {  	v29 =	vor.u32 v7, v23  }
0x42f: {  	v26 =	vadd.f32 v27, v26  }
0x430: {  	s6 =	simm.s32 $0x1B830;
	v27 =	vor.u32 v7, v24  }
0x431: {  	[tilespmem:s6+$0xFFFFFF50] =	vst v26  }
0x432: {  	v26 =	vld.idx.msk [tilespmem:v28+s13+$0x0], $0xffff;
	v28 =	vor.u32 v7, v25  }
0x433: {  	v29 =	vld.idx.msk [tilespmem:v29+s13+$0x0], $0xffff;
	_ =	sdelay $0x1  }
0x434: {  	v27 =	vld.idx.msk [tilespmem:v27+s13+$0x0], $0xffff;
	_ =	sdelay $0x1  }
0x435: {  	v28 =	vld.idx.msk [tilespmem:v28+s13+$0x0], $0xffff  }
0x436: {  	v26 =	vmul.f32 v26, v19;
	v29 =	vmul.f32 v29, v18;
	_ =	sdelay $0x1  }
0x437: {  	v26 =	vadd.f32 v29, v26;
	v27 =	vmul.f32 v27, v21;
	_ =	sdelay $0x1  }
0x438: {  	v26 =	vadd.f32 v27, v26;
	v27 =	vmul.f32 v28, v20;
	v28 =	vor.u32 v8, v22  }
0x439: {  	v29 =	vor.u32 v8, v23  }
0x43a: {  	v26 =	vadd.f32 v27, v26  }
0x43b: {  	v27 =	vor.u32 v8, v24  }
0x43c: {  	[tilespmem:s6+$0xFFFFFF60] =	vst v26  }
0x43d: {  	v26 =	vld.idx.msk [tilespmem:v28+s13+$0x0], $0xffff;
	v28 =	vor.u32 v8, v25  }
0x43e: {  	v29 =	vld.idx.msk [tilespmem:v29+s13+$0x0], $0xffff;
	_ =	sdelay $0x1  }
0x43f: {  	v27 =	vld.idx.msk [tilespmem:v27+s13+$0x0], $0xffff;
	_ =	sdelay $0x1  }
0x440: {  	v28 =	vld.idx.msk [tilespmem:v28+s13+$0x0], $0xffff  }
0x441: {  	v26 =	vmul.f32 v26, v19;
	v29 =	vmul.f32 v29, v18;
	_ =	sdelay $0x1  }
0x442: {  	v26 =	vadd.f32 v29, v26;
	v27 =	vmul.f32 v27, v21;
	_ =	sdelay $0x1  }
0x443: {  	v26 =	vadd.f32 v27, v26;
	v27 =	vmul.f32 v28, v20;
	v28 =	vor.u32 v9, v23  }
0x444: {  	v29 =	vor.u32 v9, v22  }
0x445: {  	v26 =	vadd.f32 v27, v26  }
0x446: {  	v27 =	vor.u32 v9, v24  }
0x447: {  	[tilespmem:s6+$0xFFFFFF70] =	vst v26  }
0x448: {  	v26 =	vor.u32 v9, v25;
	v28 =	vld.idx.msk [tilespmem:v28+s13+$0x0], $0xffff  }
0x449: {  	v29 =	vld.idx.msk [tilespmem:v29+s13+$0x0], $0xffff;
	_ =	sdelay $0x1  }
0x44a: {  	v27 =	vld.idx.msk [tilespmem:v27+s13+$0x0], $0xffff;
	_ =	sdelay $0x1  }
0x44b: {  	v26 =	vld.idx.msk [tilespmem:v26+s13+$0x0], $0xffff  }
0x44c: {  	v29 =	vmul.f32 v29, v19;
	v28 =	vmul.f32 v28, v18;
	_ =	sdelay $0x1  }
0x44d: {  	v28 =	vadd.f32 v28, v29;
	v27 =	vmul.f32 v27, v21;
	_ =	sdelay $0x1  }
0x44e: {  	v27 =	vadd.f32 v27, v28;
	v26 =	vmul.f32 v26, v20;
	v28 =	vadd.s32 v10, v22  }
0x44f: {  	v29 =	vadd.s32 v10, v23  }
0x450: {  	v26 =	vadd.f32 v26, v27  }
0x451: {  	v27 =	vadd.s32 v10, v24  }
0x452: {  	[tilespmem:s6+$0xFFFFFF80] =	vst v26  }
0x453: {  	v26 =	vadd.s32 v10, v25;
	v28 =	vld.idx.msk [tilespmem:v28+s13+$0x0], $0xffff  }
0x454: {  	v29 =	vld.idx.msk [tilespmem:v29+s13+$0x0], $0xffff;
	_ =	sdelay $0x1  }
0x455: {  	v27 =	vld.idx.msk [tilespmem:v27+s13+$0x0], $0xffff;
	_ =	sdelay $0x1  }
0x456: {  	v26 =	vld.idx.msk [tilespmem:v26+s13+$0x0], $0xffff  }
0x457: {  	v28 =	vmul.f32 v28, v19;
	v29 =	vmul.f32 v29, v18;
	_ =	sdelay $0x1  }
0x458: {  	v28 =	vadd.f32 v29, v28;
	v27 =	vmul.f32 v27, v21;
	_ =	sdelay $0x1  }
0x459: {  	v27 =	vadd.f32 v27, v28;
	v26 =	vmul.f32 v26, v20;
	v28 =	vadd.s32 v11, v22  }
0x45a: {  	v29 =	vadd.s32 v11, v23  }
0x45b: {  	v26 =	vadd.f32 v26, v27  }
0x45c: {  	v27 =	vadd.s32 v11, v24  }
0x45d: {  	[tilespmem:s6+$0xFFFFFF90] =	vst v26  }
0x45e: {  	v26 =	vld.idx.msk [tilespmem:v28+s13+$0x0], $0xffff;
	v28 =	vadd.s32 v11, v25  }
0x45f: {  	v29 =	vld.idx.msk [tilespmem:v29+s13+$0x0], $0xffff;
	_ =	sdelay $0x1  }
0x460: {  	v27 =	vld.idx.msk [tilespmem:v27+s13+$0x0], $0xffff;
	_ =	sdelay $0x1  }
0x461: {  	v28 =	vld.idx.msk [tilespmem:v28+s13+$0x0], $0xffff  }
0x462: {  	v26 =	vmul.f32 v26, v19;
	v29 =	vmul.f32 v29, v18;
	_ =	sdelay $0x1  }
0x463: {  	v26 =	vadd.f32 v29, v26;
	v27 =	vmul.f32 v27, v21;
	_ =	sdelay $0x1  }
0x464: {  	v26 =	vadd.f32 v27, v26;
	v27 =	vmul.f32 v28, v20;
	v28 =	vadd.s32 v12, v22  }
0x465: {  	v29 =	vadd.s32 v12, v23  }
0x466: {  	v26 =	vadd.f32 v27, v26  }
0x467: {  	v27 =	vadd.s32 v12, v24  }
0x468: {  	[tilespmem:s6+$0xFFFFFFA0] =	vst v26  }
0x469: {  	v26 =	vld.idx.msk [tilespmem:v28+s13+$0x0], $0xffff;
	v28 =	vadd.s32 v12, v25  }
0x46a: {  	v29 =	vld.idx.msk [tilespmem:v29+s13+$0x0], $0xffff;
	_ =	sdelay $0x1  }
0x46b: {  	v27 =	vld.idx.msk [tilespmem:v27+s13+$0x0], $0xffff;
	_ =	sdelay $0x1  }
0x46c: {  	v28 =	vld.idx.msk [tilespmem:v28+s13+$0x0], $0xffff  }
0x46d: {  	v26 =	vmul.f32 v26, v19;
	v29 =	vmul.f32 v29, v18;
	_ =	sdelay $0x1  }
0x46e: {  	v26 =	vadd.f32 v29, v26;
	v27 =	vmul.f32 v27, v21;
	_ =	sdelay $0x1  }
0x46f: {  	v26 =	vadd.f32 v27, v26;
	v27 =	vmul.f32 v28, v20;
	v28 =	vadd.s32 v13, v22  }
0x470: {  	v29 =	vadd.s32 v13, v23  }
0x471: {  	v26 =	vadd.f32 v27, v26  }
0x472: {  	v27 =	vadd.s32 v13, v24  }
0x473: {  	[tilespmem:s6+$0xFFFFFFB0] =	vst v26  }
0x474: {  	v26 =	vadd.s32 v13, v25;
	v28 =	vld.idx.msk [tilespmem:v28+s13+$0x0], $0xffff  }
0x475: {  	v29 =	vld.idx.msk [tilespmem:v29+s13+$0x0], $0xffff;
	_ =	sdelay $0x1  }
0x476: {  	v27 =	vld.idx.msk [tilespmem:v27+s13+$0x0], $0xffff;
	_ =	sdelay $0x1  }
0x477: {  	v26 =	vld.idx.msk [tilespmem:v26+s13+$0x0], $0xffff  }
0x478: {  	v28 =	vmul.f32 v28, v19;
	v29 =	vmul.f32 v29, v18;
	_ =	sdelay $0x1  }
0x479: {  	v28 =	vadd.f32 v29, v28;
	v27 =	vmul.f32 v27, v21;
	_ =	sdelay $0x1  }
0x47a: {  	v27 =	vadd.f32 v27, v28;
	v26 =	vmul.f32 v26, v20;
	v28 =	vadd.s32 v14, v22  }
0x47b: {  	v29 =	vadd.s32 v14, v23  }
0x47c: {  	v26 =	vadd.f32 v26, v27  }
0x47d: {  	v27 =	vadd.s32 v14, v24  }
0x47e: {  	[tilespmem:s6+$0xFFFFFFC0] =	vst v26  }
0x47f: {  	v26 =	vld.idx.msk [tilespmem:v28+s13+$0x0], $0xffff  }
0x480: {  	v28 =	vld.idx.msk [tilespmem:v29+s13+$0x0], $0xffff;
	v29 =	vadd.s32 v14, v25;
	_ =	sdelay $0x1  }
0x481: {  	v30 =	vld.idx.msk [tilespmem:v27+s13+$0x0], $0xffff;
	_ =	sdelay $0x2  }
0x482: {  	v27 =	vmul.f32 v26, v19;
	v28 =	vmul.f32 v28, v18;
	v26 =	vld.idx.msk [tilespmem:v29+s13+$0x0], $0xffff;
	_ =	sdelay $0x1  }
0x483: {  	s14 =	simm.s32 $0x1;
	s10 =	simm.s32 $0x1B830;
	v27 =	vadd.f32 v28, v27;
	v28 =	vmul.f32 v30, v21  }
.LBB2_18:
0x484: {  	p0 =	sne.s32 s14, $0x3F  }
0x485: {  	s6 =	sadd.s32 $0xC0, s6;
	s2 =	smov.u32 s14;
	s14 =	sadd.s32 $0x1, s14  }
0x486: {  	v26 =	vmul.f32 v26, v20;
	v27 =	vadd.f32 v28, v27;
	v28 =	vadd.s32 v15, v22  }
0x487: {  	v29 =	vadd.s32 v15, v23  }
0x488: {  	v26 =	vadd.f32 v26, v27;
	v27 =	vadd.s32 v15, v24  }
0x489: {  	v30 =	vadd.s32 v15, v25  }
0x48a: {  	[tilespmem:s10+$0xFFFFFFD0] =	vst v26  }
0x48b: {  	v26 =	vld.idx.msk [tilespmem:v28+s13+$0x0], $0xffff  }
0x48c: {  	v28 =	vld.idx.msk [tilespmem:v29+s13+$0x0], $0xffff  }
0x48d: {  	v29 =	vmov s2;
	v27 =	vld.idx.msk [tilespmem:v27+s13+$0x0], $0xffff  }
0x48e: {  	v30 =	vld.idx.msk [tilespmem:v30+s13+$0x0], $0xffff;
	_ =	sdelay $0x2  }
0x48f: {  	v26 =	vmul.f32 v26, v19  }
0x490: {  	v28 =	vmul.f32 v28, v18;
	_ =	sdelay $0x1  }
0x491: {  	v27 =	vmul.f32 v27, v21;
	v26 =	vadd.f32 v28, v26;
	_ =	sdelay $0x1  }
0x492: {  	v28 =	vadd.s32 v16, v22;
	v26 =	vadd.f32 v27, v26;
	v27 =	vmul.f32 v30, v20  }
0x493: {  	v30 =	vadd.s32 v16, v23  }
0x494: {  	v26 =	vadd.f32 v27, v26;
	v27 =	vadd.s32 v16, v24  }
0x495: {  	v31 =	vadd.s32 v16, v25  }
0x496: {  	[tilespmem:s10+$0xFFFFFFE0] =	vst v26  }
0x497: {  	v26 =	vld.idx.msk [tilespmem:v28+s13+$0x0], $0xffff  }
0x498: {  	v28 =	vld.idx.msk [tilespmem:v30+s13+$0x0], $0xffff  }
0x499: {  	v27 =	vld.idx.msk [tilespmem:v27+s13+$0x0], $0xffff  }
0x49a: {  	v30 =	vld.idx.msk [tilespmem:v31+s13+$0x0], $0xffff;
	_ =	sdelay $0x3  }
0x49b: {  	v26 =	vmul.f32 v26, v19;
	v28 =	vmul.f32 v28, v18;
	_ =	sdelay $0x1  }
0x49c: {  	v27 =	vmul.f32 v27, v21;
	v26 =	vadd.f32 v28, v26;
	_ =	sdelay $0x1  }
0x49d: {  	v22 =	vadd.s32 v17, v22;
	v26 =	vadd.f32 v27, v26;
	v27 =	vmul.f32 v30, v20  }
0x49e: {  	v23 =	vadd.s32 v17, v23  }
0x49f: {  	v24 =	vadd.s32 v17, v24;
	v26 =	vadd.f32 v27, v26  }
0x4a0: {  	v25 =	vadd.s32 v17, v25  }
0x4a1: {  	[tilespmem:s10+$0xFFFFFFF0] =	vst v26  }
0x4a2: {  	v22 =	vld.idx.msk [tilespmem:v22+s13+$0x0], $0xffff  }
0x4a3: {  	v23 =	vld.idx.msk [tilespmem:v23+s13+$0x0], $0xffff  }
0x4a4: {  	v24 =	vld.idx.msk [tilespmem:v24+s13+$0x0], $0xffff  }
0x4a5: {  	v25 =	vld.idx.msk [tilespmem:v25+s13+$0x0], $0xffff;
	_ =	sdelay $0x2  }
0x4a6: {  	v19 =	vmul.f32 v22, v19  }
0x4a7: {  	v18 =	vmul.f32 v23, v18;
	_ =	sdelay $0x1  }
0x4a8: {  	v18 =	vadd.f32 v18, v19;
	v19 =	vmul.f32 v24, v21;
	_ =	sdelay $0x1  }
0x4a9: {  	v18 =	vadd.f32 v19, v18;
	v19 =	vmul.f32 v25, v20;
	_ =	sdelay $0x1  }
0x4aa: {  	v18 =	vadd.f32 v19, v18;
	_ =	sdelay $0x1  }
0x4ab: {  	[tilespmem:s10+$0x0] =	vst v18;
	s10 =	smov.u32 s6  }
0x4ac: {  	v18 =	vld.idx.msk [tilespmem:v29+s11+$0x0], $0xffff  }
0x4ad: {  	v19 =	vld.idx.msk [tilespmem:v29+s17+$0x0], $0xffff  }
0x4ae: {  	v20 =	vld.idx.msk [tilespmem:v29+s18+$0x0], $0xffff  }
0x4af: {  	v21 =	vld.idx.msk [tilespmem:v29+s30+$0x0], $0xffff;
	_ =	sdelay $0x2  }
0x4b0: {  	v22 =	vmul.u32 $0xC0, v18  }
0x4b1: {  	v23 =	vmul.u32 $0xC0, v19  }
0x4b2: {  	v26 =	vor.u32 v3, v22;
	v24 =	vmul.u32 $0xC0, v20  }
0x4b3: {  	v20 =	vor.u32 v3, v23;
	v25 =	vmul.u32 $0xC0, v21  }
0x4b4: {  	v27 =	vor.u32 v3, v24  }
0x4b5: {  	v28 =	vor.u32 v3, v25;
	v18 =	vld.idx.msk [tilespmem:v29+s3+$0x0], $0xffff  }
0x4b6: {  	v19 =	vld.idx.msk [tilespmem:v29+s0+$0x0], $0xffff  }
0x4b7: {  	v26 =	vld.idx.msk [tilespmem:v26+s13+$0x0], $0xffff  }
0x4b8: {  	v30 =	vld.idx.msk [tilespmem:v20+s13+$0x0], $0xffff  }
0x4b9: {  	v21 =	vld.idx.msk [tilespmem:v29+s8+$0x0], $0xffff  }
0x4ba: {  	v27 =	vld.idx.msk [tilespmem:v27+s13+$0x0], $0xffff  }
0x4bb: {  	v20 =	vld.idx.msk [tilespmem:v29+s9+$0x0], $0xffff  }
0x4bc: {  	v28 =	vld.idx.msk [tilespmem:v28+s13+$0x0], $0xffff;
	_ =	sdelay $0x1  }
0x4bd: {  	v26 =	vmul.f32 v26, v19;
	v29 =	vmul.f32 v30, v18;
	_ =	sdelay $0x1  }
0x4be: {  	v26 =	vadd.f32 v29, v26;
	v27 =	vmul.f32 v27, v21;
	_ =	sdelay $0x1  }
0x4bf: {  	v26 =	vadd.f32 v27, v26;
	v27 =	vmul.f32 v28, v20;
	v28 =	vor.u32 v7, v22  }
0x4c0: {  	v29 =	vor.u32 v7, v23  }
0x4c1: {  	v26 =	vadd.f32 v27, v26  }
0x4c2: {  	v27 =	vor.u32 v7, v24  }
0x4c3: {  	[tilespmem:s6+$0xFFFFFF50] =	vst v26  }
0x4c4: {  	v26 =	vld.idx.msk [tilespmem:v28+s13+$0x0], $0xffff;
	v28 =	vor.u32 v7, v25  }
0x4c5: {  	v29 =	vld.idx.msk [tilespmem:v29+s13+$0x0], $0xffff;
	_ =	sdelay $0x1  }
0x4c6: {  	v27 =	vld.idx.msk [tilespmem:v27+s13+$0x0], $0xffff;
	_ =	sdelay $0x1  }
0x4c7: {  	v28 =	vld.idx.msk [tilespmem:v28+s13+$0x0], $0xffff;
	_ =	sdelay $0x1  }
0x4c8: {  	v26 =	vmul.f32 v26, v19;
	v29 =	vmul.f32 v29, v18;
	_ =	sdelay $0x1  }
0x4c9: {  	v26 =	vadd.f32 v29, v26;
	v27 =	vmul.f32 v27, v21;
	_ =	sdelay $0x1  }
0x4ca: {  	v26 =	vadd.f32 v27, v26;
	v27 =	vmul.f32 v28, v20;
	v28 =	vor.u32 v8, v22  }
0x4cb: {  	v29 =	vor.u32 v8, v23  }
0x4cc: {  	v26 =	vadd.f32 v27, v26  }
0x4cd: {  	v27 =	vor.u32 v8, v24  }
0x4ce: {  	[tilespmem:s6+$0xFFFFFF60] =	vst v26  }
0x4cf: {  	v26 =	vld.idx.msk [tilespmem:v28+s13+$0x0], $0xffff;
	v28 =	vor.u32 v8, v25  }
0x4d0: {  	v29 =	vld.idx.msk [tilespmem:v29+s13+$0x0], $0xffff;
	_ =	sdelay $0x1  }
0x4d1: {  	v27 =	vld.idx.msk [tilespmem:v27+s13+$0x0], $0xffff;
	_ =	sdelay $0x1  }
0x4d2: {  	v28 =	vld.idx.msk [tilespmem:v28+s13+$0x0], $0xffff  }
0x4d3: {  	v26 =	vmul.f32 v26, v19  }
0x4d4: {  	v29 =	vmul.f32 v29, v18;
	_ =	sdelay $0x1  }
0x4d5: {  	v26 =	vadd.f32 v29, v26;
	v27 =	vmul.f32 v27, v21;
	_ =	sdelay $0x1  }
0x4d6: {  	v26 =	vadd.f32 v27, v26;
	v27 =	vmul.f32 v28, v20;
	v28 =	vor.u32 v9, v23  }
0x4d7: {  	v29 =	vor.u32 v9, v22  }
0x4d8: {  	v26 =	vadd.f32 v27, v26;
	v27 =	vor.u32 v9, v24  }
0x4d9: {  	v30 =	vor.u32 v9, v25  }
0x4da: {  	[tilespmem:s6+$0xFFFFFF70] =	vst v26  }
0x4db: {  	v26 =	vld.idx.msk [tilespmem:v28+s13+$0x0], $0xffff  }
0x4dc: {  	v28 =	vld.idx.msk [tilespmem:v29+s13+$0x0], $0xffff  }
0x4dd: {  	v27 =	vld.idx.msk [tilespmem:v27+s13+$0x0], $0xffff  }
0x4de: {  	v29 =	vld.idx.msk [tilespmem:v30+s13+$0x0], $0xffff;
	_ =	sdelay $0x3  }
0x4df: {  	v26 =	vmul.f32 v26, v18;
	v28 =	vmul.f32 v28, v19;
	_ =	sdelay $0x1  }
0x4e0: {  	v27 =	vmul.f32 v27, v21;
	v26 =	vadd.f32 v26, v28;
	_ =	sdelay $0x1  }
0x4e1: {  	v28 =	vadd.s32 v10, v22;
	v26 =	vadd.f32 v27, v26;
	v27 =	vmul.f32 v29, v20  }
0x4e2: {  	v29 =	vadd.s32 v10, v23  }
0x4e3: {  	v26 =	vadd.f32 v27, v26;
	v27 =	vadd.s32 v10, v24  }
0x4e4: {  	v30 =	vadd.s32 v10, v25  }
0x4e5: {  	[tilespmem:s6+$0xFFFFFF80] =	vst v26  }
0x4e6: {  	v26 =	vld.idx.msk [tilespmem:v28+s13+$0x0], $0xffff  }
0x4e7: {  	v28 =	vld.idx.msk [tilespmem:v29+s13+$0x0], $0xffff  }
0x4e8: {  	v27 =	vld.idx.msk [tilespmem:v27+s13+$0x0], $0xffff  }
0x4e9: {  	v29 =	vld.idx.msk [tilespmem:v30+s13+$0x0], $0xffff;
	_ =	sdelay $0x2  }
0x4ea: {  	v26 =	vmul.f32 v26, v19  }
0x4eb: {  	v28 =	vmul.f32 v28, v18;
	_ =	sdelay $0x1  }
0x4ec: {  	v27 =	vmul.f32 v27, v21;
	v26 =	vadd.f32 v28, v26;
	_ =	sdelay $0x1  }
0x4ed: {  	v28 =	vadd.s32 v11, v22;
	v26 =	vadd.f32 v27, v26;
	v27 =	vmul.f32 v29, v20  }
0x4ee: {  	v29 =	vadd.s32 v11, v23  }
0x4ef: {  	v26 =	vadd.f32 v27, v26;
	v27 =	vadd.s32 v11, v24;
	_ =	sdelay $0x1  }
0x4f0: {  	[tilespmem:s6+$0xFFFFFF90] =	vst v26  }
0x4f1: {  	v26 =	vld.idx.msk [tilespmem:v28+s13+$0x0], $0xffff;
	v28 =	vadd.s32 v11, v25  }
0x4f2: {  	v29 =	vld.idx.msk [tilespmem:v29+s13+$0x0], $0xffff  }
0x4f3: {  	v27 =	vld.idx.msk [tilespmem:v27+s13+$0x0], $0xffff;
	_ =	sdelay $0x2  }
0x4f4: {  	v28 =	vld.idx.msk [tilespmem:v28+s13+$0x0], $0xffff;
	_ =	sdelay $0x1  }
0x4f5: {  	v26 =	vmul.f32 v26, v19;
	v29 =	vmul.f32 v29, v18;
	_ =	sdelay $0x1  }
0x4f6: {  	v27 =	vmul.f32 v27, v21;
	v26 =	vadd.f32 v29, v26;
	_ =	sdelay $0x1  }
0x4f7: {  	v26 =	vadd.f32 v27, v26;
	v27 =	vmul.f32 v28, v20;
	v28 =	vadd.s32 v12, v22  }
0x4f8: {  	v29 =	vadd.s32 v12, v23  }
0x4f9: {  	v26 =	vadd.f32 v27, v26;
	v27 =	vadd.s32 v12, v24;
	_ =	sdelay $0x1  }
0x4fa: {  	[tilespmem:s6+$0xFFFFFFA0] =	vst v26  }
0x4fb: {  	v26 =	vld.idx.msk [tilespmem:v28+s13+$0x0], $0xffff;
	v28 =	vadd.s32 v12, v25  }
0x4fc: {  	v29 =	vld.idx.msk [tilespmem:v29+s13+$0x0], $0xffff  }
0x4fd: {  	v27 =	vld.idx.msk [tilespmem:v27+s13+$0x0], $0xffff;
	_ =	sdelay $0x2  }
0x4fe: {  	v28 =	vld.idx.msk [tilespmem:v28+s13+$0x0], $0xffff  }
0x4ff: {  	v26 =	vmul.f32 v26, v19  }
0x500: {  	v29 =	vmul.f32 v29, v18;
	_ =	sdelay $0x1  }
0x501: {  	v27 =	vmul.f32 v27, v21;
	v26 =	vadd.f32 v29, v26;
	_ =	sdelay $0x1  }
0x502: {  	v26 =	vadd.f32 v27, v26;
	v27 =	vmul.f32 v28, v20;
	v28 =	vadd.s32 v13, v22  }
0x503: {  	v29 =	vadd.s32 v13, v23  }
0x504: {  	v26 =	vadd.f32 v27, v26;
	v27 =	vadd.s32 v13, v24  }
0x505: {  	v30 =	vadd.s32 v13, v25  }
0x506: {  	[tilespmem:s6+$0xFFFFFFB0] =	vst v26  }
0x507: {  	v26 =	vld.idx.msk [tilespmem:v28+s13+$0x0], $0xffff  }
0x508: {  	v28 =	vld.idx.msk [tilespmem:v29+s13+$0x0], $0xffff  }
0x509: {  	v27 =	vld.idx.msk [tilespmem:v27+s13+$0x0], $0xffff  }
0x50a: {  	v29 =	vld.idx.msk [tilespmem:v30+s13+$0x0], $0xffff;
	_ =	sdelay $0x2  }
0x50b: {  	v26 =	vmul.f32 v26, v19  }
0x50c: {  	v28 =	vmul.f32 v28, v18;
	_ =	sdelay $0x1  }
0x50d: {  	v27 =	vmul.f32 v27, v21;
	v26 =	vadd.f32 v28, v26;
	_ =	sdelay $0x1  }
0x50e: {  	v28 =	vadd.s32 v14, v22;
	v26 =	vadd.f32 v27, v26;
	v27 =	vmul.f32 v29, v20  }
0x50f: {  	v29 =	vadd.s32 v14, v23  }
0x510: {  	v26 =	vadd.f32 v27, v26;
	v27 =	vadd.s32 v14, v24  }
0x511: {  	v30 =	vadd.s32 v14, v25  }
0x512: {  	[tilespmem:s6+$0xFFFFFFC0] =	vst v26  }
0x513: {  	v28 =	vld.idx.msk [tilespmem:v28+s13+$0x0], $0xffff  }
0x514: {  	v29 =	vld.idx.msk [tilespmem:v29+s13+$0x0], $0xffff  }
0x515: {  	v31 =	vld.idx.msk [tilespmem:v27+s13+$0x0], $0xffff  }
0x516: {  	v26 =	vld.idx.msk [tilespmem:v30+s13+$0x0], $0xffff;
	_ =	sdelay $0x1  }
.Ltmp18:
0x517: {  	(pc) =	sbr.rel @p0 .LBB2_18-.Ltmp18, $3  }
0x518: {  	_ = 	snop  }
0x519: {  	v27 =	vmul.f32 v28, v19;
	v28 =	vmul.f32 v29, v18;
	_ =	sdelay $0x1  }
0x51a: {  	v27 =	vadd.f32 v28, v27;
	v28 =	vmul.f32 v31, v21  }
0x51b: {  	_ = 	snop  }
0x51c: {  	v8 =	vmul.f32 v26, v20;
	v9 =	vadd.s32 v15, v22;
	v7 =	vadd.f32 v28, v27  }
0x51d: {  	v10 =	vadd.s32 v15, v23  }
0x51e: {  	v7 =	vadd.f32 v8, v7  }
0x51f: {  	v8 =	vadd.s32 v15, v24  }
0x520: {  	[tilespmem:s10+$0xFFFFFFD0] =	vst v7  }
0x521: {  	v7 =	vadd.s32 v15, v25;
	v9 =	vld.idx.msk [tilespmem:v9+s13+$0x0], $0xffff  }
0x522: {  	v10 =	vld.idx.msk [tilespmem:v10+s13+$0x0], $0xffff;
	_ =	sdelay $0x1  }
0x523: {  	v8 =	vld.idx.msk [tilespmem:v8+s13+$0x0], $0xffff;
	_ =	sdelay $0x1  }
0x524: {  	v7 =	vld.idx.msk [tilespmem:v7+s13+$0x0], $0xffff  }
0x525: {  	v9 =	vmul.f32 v9, v19;
	v10 =	vmul.f32 v10, v18;
	_ =	sdelay $0x1  }
0x526: {  	v9 =	vadd.f32 v10, v9;
	v8 =	vmul.f32 v8, v21;
	_ =	sdelay $0x1  }
0x527: {  	v60 =	vadd.s32 v16, v22;
	v8 =	vadd.f32 v8, v9;
	v7 =	vmul.f32 v7, v20  }
0x528: {  	v61 =	vadd.s32 v16, v23  }
0x529: {  	v7 =	vadd.f32 v7, v8  }
0x52a: {  	v8 =	vadd.s32 v16, v24  }
0x52b: {  	[tilespmem:s10+$0xFFFFFFE0] =	vst v7  }
0x52c: {  	v7 =	vadd.s32 v16, v25;
	v9 =	vld.idx.msk [tilespmem:v60+s13+$0x0], $0xffff  }
0x52d: {  	v10 =	vld.idx.msk [tilespmem:v61+s13+$0x0], $0xffff;
	_ =	sdelay $0x1  }
0x52e: {  	v8 =	vld.idx.msk [tilespmem:v8+s13+$0x0], $0xffff;
	_ =	sdelay $0x1  }
0x52f: {  	v7 =	vld.idx.msk [tilespmem:v7+s13+$0x0], $0xffff  }
0x530: {  	v9 =	vmul.f32 v9, v19;
	v10 =	vmul.f32 v10, v18;
	_ =	sdelay $0x1  }
0x531: {  	v9 =	vadd.f32 v10, v9;
	v8 =	vmul.f32 v8, v21;
	_ =	sdelay $0x1  }
0x532: {  	v62 =	vadd.s32 v17, v22;
	v8 =	vadd.f32 v8, v9;
	v7 =	vmul.f32 v7, v20  }
0x533: {  	v63 =	vadd.s32 v17, v23  }
0x534: {  	v7 =	vadd.f32 v7, v8  }
0x535: {  	v8 =	vadd.s32 v17, v24  }
0x536: {  	[tilespmem:s10+$0xFFFFFFF0] =	vst v7  }
0x537: {  	v7 =	vadd.s32 v17, v25;
	v9 =	vld.idx.msk [tilespmem:v62+s13+$0x0], $0xffff  }
0x538: {  	v10 =	vld.idx.msk [tilespmem:v63+s13+$0x0], $0xffff;
	_ =	sdelay $0x1  }
0x539: {  	v8 =	vld.idx.msk [tilespmem:v8+s13+$0x0], $0xffff;
	_ =	sdelay $0x1  }
0x53a: {  	v7 =	vld.idx.msk [tilespmem:v7+s13+$0x0], $0xffff  }
0x53b: {  	v9 =	vmul.f32 v9, v19;
	v10 =	vmul.f32 v10, v18;
	_ =	sdelay $0x1  }
0x53c: {  	v9 =	vadd.f32 v10, v9;
	v8 =	vmul.f32 v8, v21  }
0x53d: {  	s1 =	sadd.s32 $0x1, s1  }
0x53e: {  	p0 =	seq.s32 s1, $0x62;
	v8 =	vadd.f32 v8, v9;
	v7 =	vmul.f32 v7, v20  }
.Ltmp19:
0x53f: {  	s2 =	rddreg [dreg:$0xb];
	(pc) =	sbr.rel @!p0 .LBB2_3-.Ltmp19, $4  }
0x540: {  	s2 =	smul.u32 $0x18, s2;
	v7 =	vadd.f32 v7, v8  }
0x541: {  	s5 =	rddreg [dreg:$0x3]  }
0x542: {  	s14 =	simm.s32 $0x1B780;
	s2 =	sadd.s32 s5, s2;
	[tilespmem:s10+$0x0] =	vst v7  }
0x543: {  	[hbm4b:s2+s19] =	stream.linear.scatter [tilespmem:s14], [sflag:$0x4], $0x3000, $0x38;
	[tilespmem:$0x1E780] =	vst v63  }
.Ltmp20:
0x544: {  	(pc) =	sbr.rel @!p2 .LBB2_24-.Ltmp20, $2  }
0x545: {  	_ =	sdelay $0x2  }
0x546: {  	s1 =	simm.s32 $0x0;
	s5 =	rddreg [dreg:$0xa]  }
0x547: {  	s1 =	sadd.s32 $0x1, s1  }
0x548: {  	p0 =	slt.s32 s1, s4  }
.Ltmp21:
0x549: {  	_ = 	snop;
	(pc) =	sbr.rel @!p0 .LBB2_23-.Ltmp21, $3  }
0x54a: {  	_ =	sdelay $0x1  }
0x54b: {  	_ =	swait.ge [sflag:s15], $0x1800  }
0x54c: {  	[sflag:s15] =	ssyncset.done $0x0  }
.LBB2_22:
0x54d: {  	s1 =	sadd.s32 $0x1, s1  }
0x54e: {  	[sflag:s15] =	ssyncadd.s32 $0xFFFFE800;
	p0 =	slt.s32 s1, s4  }
.Ltmp22:
0x54f: {  	(pc) =	sbr.rel @p0 .LBB2_22-.Ltmp22, $3  }
0x550: {  	_ =	sdelay $0x1  }
0x551: {  	_ =	swait.ge [sflag:s15], $0x1800  }
0x552: {  	[sflag:s15] =	ssyncset.done $0x0  }
.Ltmp23:
0x553: {  	_ = 	snop;
	(pc) =	sbr.rel .LBB2_23-.Ltmp23, $1  }
0x554: {  	_ =	sdelay $0x3  }
.LBB2_25:
0x555: {  	_ =	sfence.sel $0x180000  }
0x556: {  	[bflag:$0x0] =	sbarrier.arrive $0xFFFF  }
0x557: {  	_ =	strace $0x90000047  }
0x558: {  	s0 =	stileid.u32;
	[bflag:$0x2] =	sbarrier.arrive $0xFFFF  }
0x559: {  	p0 =	sne.s32 s0, $0x0;
	s0 =	rddreg [dreg:$0x4]  }
0x55a: {  	s0 =	sadd.s32 @!p0 $0x100000, s0  }
0x55b: {  	[sflag:s0] =	ssyncadd.tile.s32 @!p0 $0x1;
	_ =	shalt  }
.Lfunc_end2:
_tile_overlayer_lowered:
.L_overlay_start_2:
0x55c: {  	(tag) =	ssettag $0x2  }
0x55d: {  	s0 =	rddreg [dreg:$0x0];
	s2 =	stileid.u32  }
0x55e: {  	s1 =	rddreg [dreg:$0x1];
	p0 =	sne.s32 s2, $0x0  }
0x55f: {  	s3 =	rddreg [dreg:$0x2];
	[bflag:$0x3] =	sbarrier.arrive $0xFFFF;
	s2 =	simm.s32 @!p0 $0x1C05  }
0x560: {  	[timem:s3], [sflag:s2] =	dma.local @!p0 [hbm:s0], s1  }
0x561: {  	s0 =	simm.s32 @!p0 $0x5  }
0x562: {  	_ =	swait.ge @!p0 [sflag:s0], s1  }
0x563: {  	s1 =	ssub.s32 @!p0 $0x0, s1;
	[sflag:s0] =	ssyncset.done @!p0 $0x0  }
0x564: {  	[sflag:s0] =	ssyncadd.s32 @!p0 s1  }
0x565: {  	[bflag:$0x3] =	sbarrier.arrive $0xFFFF  }
0x566: {  	_ =	shalt  }

</sc_bundles>
